<compile_context>
chip_gen: v7x
topology: tpu7x:2x2x1
jax: 0.10.2.dev20260603
libtpu: 0.0.44.dev20260713+nightly
codegen_flags: <defaults>
</compile_context>

<pallas_src>
import functools

import jax
import jax.numpy as jnp
from jax import lax
from jax.experimental import pallas as pl
from jax.experimental.pallas import tpu as pltpu
from jax.experimental.pallas import tpu_sc as plsc

N = 10000
E = 320000
DF = 128
NB = 1000
GRID = N // NB
NC, NS = 2, 16
NW = NC * NS
EPT = E // NW
C = 40
NCHUNK = EPT // C
ACCW = 144
NPAD = 10240
RPT = NPAD // NS
ZR = 8


def _pack_al(al, ar):
    H, D = al.shape
    eye = jnp.eye(H, dtype=al.dtype)
    A = (al[:, :, None] * eye[:, None, :]).reshape(H * D, H)
    B = (ar[:, :, None] * eye[:, None, :]).reshape(H * D, H)
    A = jnp.pad(A, ((0, 0), (0, 8 - H)))
    B = jnp.pad(B, ((0, 0), (0, 8 - H)))
    return jnp.concatenate([A, B], axis=1)


def _lrelu(x):
    return jnp.where(x >= 0, x, 0.2 * x)



def _a0_body(h_ref, emb_ref, W_ref, b_ref, Al_ref, x_ref, g_ref,
             er_ref, c_ref):
    i = pl.program_id(0)
    hb = h_ref[0, 0, :]
    oh = (hb[:, None] == lax.broadcasted_iota(jnp.int32, (NB, 128), 1)
          ).astype(jnp.float32)
    x = jnp.dot(oh, emb_ref[...], preferred_element_type=jnp.float32,
                precision=lax.Precision.HIGHEST)
    x_ref[...] = x
    feat = jnp.dot(x, W_ref[...], preferred_element_type=jnp.float32) + b_ref[...]
    eler = jnp.dot(feat, Al_ref[...], preferred_element_type=jnp.float32,
                   precision=lax.Precision.HIGHEST)
    g_ref[...] = jnp.concatenate([feat, eler], axis=1)
    er_ref[...] = jnp.concatenate(
        [eler[:, 8:16], jnp.zeros((NB, 8), jnp.float32)], axis=1)
    bm = jnp.max(eler, axis=0, keepdims=True)

    @pl.when(i == 0)
    def _():
        c_ref[...] = bm

    @pl.when(i > 0)
    def _():
        c_ref[...] = jnp.maximum(c_ref[...], bm)


def _al_body(acc_ref, xprev_ref, W_ref, b_ref, Al_ref, x_ref, g_ref,
             er_ref, c_ref):
    i = pl.program_id(0)
    s = acc_ref[0] + acc_ref[1]
    parts = []
    for h in range(8):
        dnm = s[:, 128 + h:129 + h]
        part = jnp.where(dnm > 0, s[:, h * 16:(h + 1) * 16] / dnm, 0.0)
        parts.append(jnp.maximum(xprev_ref[:, h * 16:(h + 1) * 16] + part, 0.0))
    x = jnp.concatenate(parts, axis=1)
    x_ref[...] = x
    feat = jnp.dot(x, W_ref[...], preferred_element_type=jnp.float32) + b_ref[...]
    eler = jnp.dot(feat, Al_ref[...], preferred_element_type=jnp.float32,
                   precision=lax.Precision.HIGHEST)
    g_ref[...] = jnp.concatenate([feat, eler], axis=1)
    er_ref[...] = jnp.concatenate(
        [eler[:, 8:16], jnp.zeros((NB, 8), jnp.float32)], axis=1)
    bm = jnp.max(eler, axis=0, keepdims=True)

    @pl.when(i == 0)
    def _():
        c_ref[...] = bm

    @pl.when(i > 0)
    def _():
        c_ref[...] = jnp.maximum(c_ref[...], bm)


def _final_body(acc_ref, xprev_ref, x4_ref):
    s = acc_ref[0] + acc_ref[1]
    dnm = s[:, 128:129]
    part = jnp.where(dnm > 0, s[:, :128] / dnm, 0.0)
    x4_ref[...] = jnp.maximum(xprev_ref[...] + part, 0.0)


_WSPEC = [
    pl.BlockSpec((128, 128), lambda i: (0, 0)),
    pl.BlockSpec((1, 128), lambda i: (0, 0)),
    pl.BlockSpec((128, 16), lambda i: (0, 0)),
]
_LAYER_OUT = [
    jax.ShapeDtypeStruct((N, DF), jnp.float32),
    jax.ShapeDtypeStruct((N, ACCW), jnp.float32),
    jax.ShapeDtypeStruct((N, 16), jnp.float32),
    jax.ShapeDtypeStruct((1, 16), jnp.float32),
]
_LAYER_OUT_SPEC = [
    pl.BlockSpec((NB, DF), lambda i: (i, 0)),
    pl.BlockSpec((NB, ACCW), lambda i: (i, 0)),
    pl.BlockSpec((NB, 16), lambda i: (i, 0)),
    pl.BlockSpec((1, 16), lambda i: (0, 0)),
]

_a0_call = pl.pallas_call(
    _a0_body,
    grid=(GRID,),
    in_specs=[
        pl.BlockSpec((1, 1, NB), lambda i: (i, 0, 0)),
        pl.BlockSpec((128, 128), lambda i: (0, 0)),
    ] + _WSPEC,
    out_specs=_LAYER_OUT_SPEC,
    out_shape=_LAYER_OUT,
)

_al_call = pl.pallas_call(
    _al_body,
    grid=(GRID,),
    in_specs=[
        pl.BlockSpec((2, NB, ACCW), lambda i: (0, i, 0)),
        pl.BlockSpec((NB, DF), lambda i: (i, 0)),
    ] + _WSPEC,
    out_specs=_LAYER_OUT_SPEC,
    out_shape=_LAYER_OUT,
)

_final_call = pl.pallas_call(
    _final_body,
    grid=(GRID,),
    in_specs=[
        pl.BlockSpec((2, NB, ACCW), lambda i: (0, i, 0)),
        pl.BlockSpec((NB, DF), lambda i: (i, 0)),
    ],
    out_specs=pl.BlockSpec((NB, DF), lambda i: (i, 0)),
    out_shape=jax.ShapeDtypeStruct((N, DF), jnp.float32),
)



def _edge_body(multi_head, src_h, dst_h, g_h, er_h, c_h, out_h,
               srcv3, dstv3, gsv, erdv, wv, accv, cvm, acc_sp,
               gsem, isem, ssem):
    ci_ax = lax.axis_index("c")
    si_ax = lax.axis_index("s")
    wid = si_ax * NC + ci_ax
    k16 = lax.iota(jnp.int32, 16)
    h7 = k16 & 7

    def _zb(t, carry):
        accv[t // 9, pl.ds((t % 9) * 16, 16)] = jnp.zeros((16,), jnp.float32)
        return carry
    lax.fori_loop(0, 2 * C * 9, _zb, 0)

    def _za(i, carry):
        pltpu.sync_copy(accv.at[pl.ds(0, C)],
                        acc_sp.at[pl.ds(si_ax * RPT + i * C, C)])
        return carry
    lax.fori_loop(0, RPT // C, _za, 0)
    plsc.subcore_barrier()

    pltpu.sync_copy(c_h, cvm)
    cel = plsc.load_gather(cvm, [h7])
    cer = plsc.load_gather(cvm, [h7 + 8])
    K = _lrelu(cel + cer)

    base = wid * EPT

    def _ids(k, slot):
        off = pl.multiple_of(base + k * C, 8)
        return (pltpu.make_async_copy(src_h.at[pl.ds(off, C)],
                                      srcv3.at[slot], isem),
                pltpu.make_async_copy(dst_h.at[pl.ds(off, C)],
                                      dstv3.at[slot], isem))

    def _gath(par, slot):
        po = pl.multiple_of(par * C, 8)
        return (pltpu.make_async_copy(g_h.at[srcv3.at[slot]],
                                      gsv.at[pl.ds(po, C)], gsem),
                pltpu.make_async_copy(er_h.at[dstv3.at[slot]],
                                      erdv.at[pl.ds(po, C)], gsem))

    for d in _ids(0, 0):
        d.start()
    for d in _ids(0, 0):
        d.wait()
    for d in _gath(0, 0):
        d.start()
    for d in _ids(1, 1):
        d.start()

    def _chunk(i, carry):
        cur = lax.rem(i, 2)
        slot = lax.rem(i, 3)
        po = pl.multiple_of(cur * C, 8)
        rb = cur * C

        for d in _gath(cur, slot):
            d.wait()

        @pl.when(i + 1 < NCHUNK)
        def _():
            nslot = lax.rem(i + 1, 3)
            for d in _ids(i + 1, nslot):
                d.wait()
            for d in _gath(1 - cur, nslot):
                d.start()

        @pl.when(i + 2 < NCHUNK)
        def _():
            for d in _ids(i + 2, lax.rem(i + 2, 3)):
                d.start()

        @pl.when(i >= 2)
        def _():
            pltpu.make_async_copy(accv.at[pl.ds(po, C)],
                                  acc_sp.at[dstv3.at[slot]], ssem).wait()

        def _w(t, cc):
            row = rb + 2 * t + (k16 >> 3)
            a = plsc.load_gather(gsv, [row, h7 + 128])
            b = plsc.load_gather(erdv, [row, h7])
            es = _lrelu(a + b) - K
            wv[pl.ds(t * 16, 16)] = jnp.exp(es)
            return cc
        lax.fori_loop(0, C // 2, _w, 0)

        def _a(j, cc):
            for h in range(8):
                widx = jnp.zeros((16,), jnp.int32) + (
                    j * 8 + h if multi_head else j * 8)
                ws = plsc.load_gather(wv, [widx])
                accv[rb + j, pl.ds(h * 16, 16)] = ws * gsv[rb + j,
                                                           pl.ds(h * 16, 16)]
            wt = plsc.load_gather(wv, [j * 8 + h7])
            wt = jnp.where(k16 < 8, wt, 0.0)
            accv[rb + j, pl.ds(128, 16)] = wt
            return cc
        lax.fori_loop(0, C, _a, 0)

        pltpu.async_copy(accv.at[pl.ds(po, C)], acc_sp.at[dstv3.at[slot]],
                         ssem, add=True)
        return carry
    lax.fori_loop(0, NCHUNK, _chunk, 0)

    for t in (NCHUNK - 2, NCHUNK - 1):
        po = pl.multiple_of((t % 2) * C, 8)
        pltpu.make_async_copy(accv.at[pl.ds(po, C)],
                              acc_sp.at[dstv3.at[t % 3]], ssem).wait()

    plsc.subcore_barrier()
    pltpu.sync_copy(acc_sp.at[pl.ds(si_ax * RPT, RPT)],
                    out_h.at[ci_ax, pl.ds(si_ax * RPT, RPT)])


def _make_edge_call(multi_head):
    mesh = plsc.VectorSubcoreMesh(core_axis_name="c", subcore_axis_name="s",
                                  num_cores=NC, num_subcores=NS)
    return pl.kernel(
        functools.partial(_edge_body, multi_head),
        out_type=jax.ShapeDtypeStruct((NC, NPAD, ACCW), jnp.float32),
        mesh=mesh,
        compiler_params=pltpu.CompilerParams(needs_layout_passes=False,
                                             use_tc_tiling_on_sc=False),
        scratch_types=[
            pltpu.VMEM((3, C), jnp.int32),
            pltpu.VMEM((3, C), jnp.int32),
            pltpu.VMEM((2 * C, ACCW), jnp.float32),
            pltpu.VMEM((2 * C, 16), jnp.float32),
            pltpu.VMEM((C * 8,), jnp.float32),
            pltpu.VMEM((2 * C, ACCW), jnp.float32),
            pltpu.VMEM((16,), jnp.float32),
            pltpu.VMEM_SHARED((NPAD, ACCW), jnp.float32),
            pltpu.SemaphoreType.DMA,
            pltpu.SemaphoreType.DMA,
            pltpu.SemaphoreType.DMA,
        ],
    )


_edge_multi = _make_edge_call(True)
_edge_single = _make_edge_call(False)


def kernel(h, edge_index, e, node_emb, W0, b0, al0, ar0, W1, b1, al1, ar1,
           W2, b2, al2, ar2, W3, b3, al3, ar3, Wr1, br1, Wr2, br2, Wr3, br3):
    del e
    src = edge_index[0]
    dst = edge_index[1]
    h3 = h.astype(jnp.int32).reshape(GRID, 1, NB)

    layers = [(W0, b0, al0, ar0), (W1, b1, al1, ar1),
              (W2, b2, al2, ar2), (W3, b3, al3, ar3)]

    x = acc = None
    for l, (W, b, al, ar) in enumerate(layers):
        Al = _pack_al(al, ar)
        brow = b.reshape(1, -1)
        if l == 0:
            x, g, ertab, craw = _a0_call(h3, node_emb, W, brow, Al)
        else:
            x, g, ertab, craw = _al_call(acc, x, W, brow, Al)
        c16 = craw.reshape(16)
        edge = _edge_multi if al.shape[0] > 1 else _edge_single
        acc = edge(src, dst, g, ertab, c16)

    x4 = _final_call(acc, x)
    hg = jnp.mean(x4, axis=0, keepdims=True)
    y = jax.nn.relu(hg @ Wr1 + br1)
    y = jax.nn.relu(y @ Wr2 + br2)
    return y @ Wr3 + br3

# --- scband reference (transcript-rebuilt; emitter-appended) ---
"""Pipeline reference for scband-gatnet-90993177133100 (READ-ONLY COPY).

The authoritative reference and input builder live on the scoring server;
editing this copy changes nothing except your own understanding.
"""

import jax, jax.numpy as jnp
import numpy as np

N = 10000
E = 320000
NUM_ATOM = 128
HID = 16
HEADS = 8
OUT = 128
L = 4
D_IN = HID * HEADS  # 128


def setup_inputs(seed: int = 0) -> dict:
    key = jax.random.key(seed)
    ks = jax.random.split(key, 32)
    inp = {}
    inp["h"] = jax.random.randint(ks[0], (N,), 0, NUM_ATOM, dtype=jnp.int64) if jax.config.jax_enable_x64 else jax.random.randint(ks[0], (N,), 0, NUM_ATOM, dtype=jnp.int32)
    inp["edge_index"] = jax.random.randint(ks[1], (2, E), 0, N, dtype=jnp.int32)
    inp["e"] = jax.random.normal(ks[2], (E, 16), dtype=jnp.float32)
    inp["node_emb"] = jax.random.normal(ks[3], (NUM_ATOM, D_IN), dtype=jnp.float32) * 0.02
    i = 4
    for l in range(L):
        H = HEADS if l < L - 1 else 1
        D = HID if l < L - 1 else OUT
        inp[f"W{l}"] = jax.random.normal(ks[i], (D_IN, H * D), dtype=jnp.float32) * (1.0 / np.sqrt(D_IN)); i += 1
        inp[f"b{l}"] = jnp.zeros((H * D,), dtype=jnp.float32)
        inp[f"al{l}"] = jax.random.normal(ks[i], (H, D), dtype=jnp.float32) * 0.1; i += 1
        inp[f"ar{l}"] = jax.random.normal(ks[i], (H, D), dtype=jnp.float32) * 0.1; i += 1
    inp["Wr1"] = jax.random.normal(ks[i], (OUT, OUT // 2), dtype=jnp.float32) * (1.0 / np.sqrt(OUT)); i += 1
    inp["br1"] = jnp.zeros((OUT // 2,), dtype=jnp.float32)
    inp["Wr2"] = jax.random.normal(ks[i], (OUT // 2, OUT // 4), dtype=jnp.float32) * (1.0 / np.sqrt(OUT // 2)); i += 1
    inp["br2"] = jnp.zeros((OUT // 4,), dtype=jnp.float32)
    inp["Wr3"] = jax.random.normal(ks[i], (OUT // 4, 1), dtype=jnp.float32) * (1.0 / np.sqrt(OUT // 4)); i += 1
    inp["br3"] = jnp.zeros((1,), dtype=jnp.float32)
    return inp


def _gat_layer(x, src, dst, W, b, al, ar):
    n = x.shape[0]
    Hh, D = al.shape
    feat = (x @ W + b).reshape(n, Hh, D)
    el = jnp.sum(feat * al[None, :, :], axis=-1)  # [N, H]
    er = jnp.sum(feat * ar[None, :, :], axis=-1)  # [N, H]
    es = jax.nn.leaky_relu(el[src] + er[dst], negative_slope=0.2)  # [E, H]
    m = jax.ops.segment_max(es, dst, num_segments=n)
    m = jnp.where(jnp.isfinite(m), m, 0.0)
    ex = jnp.exp(es - m[dst])
    denom = jax.ops.segment_sum(ex, dst, num_segments=n)
    alpha = ex / (denom[dst] + 1e-16)  # edge softmax over incoming edges
    out = jax.ops.segment_sum(feat[src] * alpha[:, :, None], dst, num_segments=n)
    out = out.reshape(n, Hh * D)  # merge_type='cat'
    if out.shape == x.shape:  # residual
        out = out + x
    return jax.nn.relu(out)


def reference(h, edge_index, e, node_emb,
              W0, b0, al0, ar0, W1, b1, al1, ar1,
              W2, b2, al2, ar2, W3, b3, al3, ar3,
              Wr1, br1, Wr2, br2, Wr3, br3):
    src, dst = edge_index[0], edge_index[1]
    x = node_emb[h]  # node_encoder embedding lookup
    for (W, b, al, ar) in ((W0, b0, al0, ar0), (W1, b1, al1, ar1), (W2, b2, al2, ar2), (W3, b3, al3, ar3)):
        x = _gat_layer(x, src, dst, W, b, al, ar)
    hg = jnp.mean(x, axis=0, keepdims=True)  # graph_pool='mean'
    y = jax.nn.relu(hg @ Wr1 + br1)
    y = jax.nn.relu(y @ Wr2 + br2)
    return y @ Wr3 + br3

if __name__ == "__main__":
    import jax
    _d = setup_inputs()
    print(jax.jit(kernel)(*tuple(_d.values())))

</pallas_src>

<mosaic_0001>
#map = affine_map<(d0, d1) -> (0)>
#map1 = affine_map<(d0, d1) -> (0, 0)>
#map2 = affine_map<(d0, d1) -> (0, 0, 0)>
module attributes {stable_mosaic.version = 14 : i64} {
  func.func @_edge_body(%arg0: i32, %arg1: i32, %arg2: memref<320000xi32, #tpu.memory_space<hbm>>, %arg3: memref<320000xi32, #tpu.memory_space<hbm>>, %arg4: memref<10000x144xf32, #tpu.memory_space<hbm>>, %arg5: memref<10000x16xf32, #tpu.memory_space<hbm>>, %arg6: memref<16xf32, #tpu.memory_space<hbm>>, %arg7: memref<2x10240x144xf32, #tpu.memory_space<hbm>>, %arg8: memref<3x40xi32, #tpu.memory_space<vmem>>, %arg9: memref<3x40xi32, #tpu.memory_space<vmem>>, %arg10: memref<80x144xf32, #tpu.memory_space<vmem>>, %arg11: memref<80x16xf32, #tpu.memory_space<vmem>>, %arg12: memref<320xf32, #tpu.memory_space<vmem>>, %arg13: memref<80x144xf32, #tpu.memory_space<vmem>>, %arg14: memref<16xf32, #tpu.memory_space<vmem>>, %arg15: memref<10240x144xf32, #tpu.memory_space<vmem_shared>>, %arg16: memref<!tpu.dma_semaphore, #tpu.memory_space<semaphore_mem>>, %arg17: memref<!tpu.dma_semaphore, #tpu.memory_space<semaphore_mem>>, %arg18: memref<!tpu.dma_semaphore, #tpu.memory_space<semaphore_mem>>) attributes {dimension_semantics = [#tpu.dimension_semantics<core_parallel>, #tpu.dimension_semantics<subcore_parallel>], iteration_bounds = array<i64: 2, 16>, scalar_prefetch = 0 : i64, scratch_operands = 11 : i64, tpu.core_type = #tpu.core_type<sc_vector_subcore>, window_params = [{transform_indices = #map}, {transform_indices = #map}, {transform_indices = #map1}, {transform_indices = #map1}, {transform_indices = #map}, {transform_indices = #map2}]} {
    %mul3A = arith.constant 2 : i32
    %mul3A_0 = arith.muli %arg1, %mul3A : i32
    %add3A = arith.addi %mul3A_0, %arg0 : i32
    %iota3A = tpu.iota {dimensions = array<i32: 0>} : vector<16xi32>
    %and3A = arith.constant 7 : i32
    %and3A_1 = vector.broadcast %and3A : i32 to vector<16xi32>
    %and3A_2 = arith.andi %iota3A, %and3A_1 : vector<16xi32>
    %scan3A = arith.constant 0 : i32
    %scan3A_3 = arith.constant 0 : i32
    %scan3A_4 = arith.constant 720 : i32
    %scan3A_5 = arith.addi %scan3A_3, %scan3A_4 : i32
    %scan3A_6 = arith.constant 1 : i32
    scf.for %scan3A_139 = %scan3A_3 to %scan3A_5 step %scan3A_6  : i32 {
      %broadcast_in_dim3A = arith.constant 0.000000e+00 : f32
      %broadcast_in_dim3A_140 = vector.broadcast %broadcast_in_dim3A : f32 to vector<16xf32>
      %jit3A = arith.constant 9 : i32
      %div3A = arith.divsi %scan3A_139, %jit3A : i32
      %sign3A = arith.constant 0 : i32
      %sign3A_141 = arith.cmpi sgt, %scan3A_139, %sign3A : i32
      %sign3A_142 = arith.extui %sign3A_141 : i1 to i32
      %sign3A_143 = arith.constant 0 : i32
      %sign3A_144 = arith.cmpi slt, %scan3A_139, %sign3A_143 : i32
      %sign3A_145 = arith.extui %sign3A_144 : i1 to i32
      %sign3A_146 = arith.subi %sign3A_142, %sign3A_145 : i32
      %sign3A_147 = arith.constant 0 : i32
      %sign3A_148 = arith.cmpi sgt, %jit3A, %sign3A_147 : i32
      %sign3A_149 = arith.extui %sign3A_148 : i1 to i32
      %sign3A_150 = arith.constant 0 : i32
      %sign3A_151 = arith.cmpi slt, %jit3A, %sign3A_150 : i32
      %sign3A_152 = arith.extui %sign3A_151 : i1 to i32
      %sign3A_153 = arith.subi %sign3A_149, %sign3A_152 : i32
      %ne3A = arith.cmpi ne, %sign3A_146, %sign3A_153 : i32
      %rem3A = arith.remsi %scan3A_139, %jit3A : i32
      %ne3A_154 = arith.constant 0 : i32
      %ne3A_155 = arith.cmpi ne, %rem3A, %ne3A_154 : i32
      %and3A_156 = arith.andi %ne3A, %ne3A_155 : i1
      %sub3A = arith.constant 1 : i32
      %sub3A_157 = arith.subi %div3A, %sub3A : i32
      %select_n3A_158 = arith.select %and3A_156, %sub3A_157, %div3A : i32
      %jit3A_159 = arith.constant 9 : i32
      %eq3A = arith.constant 0 : i32
      %eq3A_160 = arith.cmpi eq, %jit3A_159, %eq3A : i32
      %jit3A_161 = arith.constant 1 : i32
      %select_n3A_162 = arith.select %eq3A_160, %jit3A_161, %jit3A_159 : i32
      %rem3A_163 = arith.remsi %scan3A_139, %select_n3A_162 : i32
      %ne3A_164 = arith.constant 0 : i32
      %ne3A_165 = arith.cmpi ne, %rem3A_163, %ne3A_164 : i32
      %lt3A = arith.constant 0 : i32
      %lt3A_166 = arith.cmpi slt, %rem3A_163, %lt3A : i32
      %lt3A_167 = arith.constant 0 : i32
      %lt3A_168 = arith.cmpi slt, %select_n3A_162, %lt3A_167 : i32
      %ne3A_169 = arith.xori %lt3A_166, %lt3A_168 : i1
      %and3A_170 = arith.andi %ne3A_169, %ne3A_165 : i1
      %add3A_171 = arith.addi %rem3A_163, %select_n3A_162 : i32
      %select_n3A_172 = arith.select %and3A_170, %add3A_171, %rem3A_163 : i32
      %mul3A_173 = arith.constant 16 : i32
      %mul3A_174 = arith.muli %select_n3A_172, %mul3A_173 : i32
      %swap3A = arith.index_cast %select_n3A_158 : i32 to index
      %swap3A_175 = arith.index_cast %mul3A_174 : i32 to index
      %swap3A_176 = tpu.vector_load %arg13[%swap3A, %swap3A_175] {strides = array<i32>} : memref<80x144xf32, #tpu.memory_space<vmem>>, vector<16xf32>,
      tpu.vector_store %arg13[%swap3A, %swap3A_175], %broadcast_in_dim3A_140 {strides = array<i32>} : memref<80x144xf32, #tpu.memory_space<vmem>>, vector<16xf32>,
    }
    %scan3A_7 = arith.constant 720 : i32
    %scan3A_8 = arith.constant 0 : i32
    %scan3A_9 = arith.constant 0 : i32
    %scan3A_10 = arith.constant 16 : i32
    %scan3A_11 = arith.addi %scan3A_9, %scan3A_10 : i32
    %scan3A_12 = arith.constant 1 : i32
    scf.for %scan3A_139 = %scan3A_9 to %scan3A_11 step %scan3A_12  : i32 {
      %mul3A_140 = arith.constant 640 : i32
      %mul3A_141 = arith.muli %arg1, %mul3A_140 : i32
      %mul3A_142 = arith.constant 40 : i32
      %mul3A_143 = arith.muli %scan3A_139, %mul3A_142 : i32
      %add3A_144 = arith.addi %mul3A_141, %mul3A_143 : i32
      "tpu.region"() ({
        %run_scoped3A = tpu.sem_alloc : memref<!tpu.dma_semaphore, #tpu.memory_space<semaphore_mem>>
        %dma_start3A_145 = arith.constant 0 : i32
        %dma_start3A_146 = arith.constant 0 : i32
        %dma_start3A_147 = tpu.memref_slice %arg13[%dma_start3A_145, %dma_start3A_146] : memref<80x144xf32, #tpu.memory_space<vmem>> -> memref<40x144xf32, #tpu.memory_space<vmem>>
        %dma_start3A_148 = arith.constant 0 : i32
        %dma_start3A_149 = tpu.memref_slice %arg15[%add3A_144, %dma_start3A_148] : memref<10240x144xf32, #tpu.memory_space<vmem_shared>> -> memref<40x144xf32, #tpu.memory_space<vmem_shared>>
        %dma_start3A_150 = arith.constant 0 : i32
        %dma_start3A_151 = tpu.memref_slice %arg15[%add3A_144, %dma_start3A_150] : memref<10240x144xf32, #tpu.memory_space<vmem_shared>> -> memref<40x144xf32, #tpu.memory_space<vmem_shared>>
        %dma_start3A_152 = arith.constant 0 : i32
        %dma_start3A_153 = arith.constant 0 : i32
        %dma_start3A_154 = tpu.memref_slice %arg13[%dma_start3A_152, %dma_start3A_153] : memref<80x144xf32, #tpu.memory_space<vmem>> -> memref<40x144xf32, #tpu.memory_space<vmem>>
        tpu.enqueue_dma source(%dma_start3A_154 : memref<40x144xf32, #tpu.memory_space<vmem>>) target(%dma_start3A_151 : memref<40x144xf32, #tpu.memory_space<vmem_shared>>) target_semaphore(%run_scoped3A : memref<!tpu.dma_semaphore, #tpu.memory_space<semaphore_mem>>)
        %dma_wait3A_155 = arith.constant 0 : i32
        %dma_wait3A_156 = arith.constant 0 : i32
        %dma_wait3A_157 = tpu.memref_slice %arg13[%dma_wait3A_155, %dma_wait3A_156] : memref<80x144xf32, #tpu.memory_space<vmem>> -> memref<40x144xf32, #tpu.memory_space<vmem>>
        %dma_wait3A_158 = arith.constant 0 : i32
        %dma_wait3A_159 = tpu.memref_slice %arg15[%add3A_144, %dma_wait3A_158] : memref<10240x144xf32, #tpu.memory_space<vmem_shared>> -> memref<40x144xf32, #tpu.memory_space<vmem_shared>>
        %dma_wait3A_160 = arith.constant 0 : i32
        %dma_wait3A_161 = tpu.memref_slice %arg15[%add3A_144, %dma_wait3A_160] : memref<10240x144xf32, #tpu.memory_space<vmem_shared>> -> memref<40x144xf32, #tpu.memory_space<vmem_shared>>
        %dma_wait3A_162 = arith.constant 0 : i32
        %dma_wait3A_163 = arith.constant 0 : i32
        %dma_wait3A_164 = tpu.memref_slice %arg13[%dma_wait3A_162, %dma_wait3A_163] : memref<80x144xf32, #tpu.memory_space<vmem>> -> memref<40x144xf32, #tpu.memory_space<vmem>>
        tpu.wait_dma2 semaphore(%run_scoped3A : memref<!tpu.dma_semaphore, #tpu.memory_space<semaphore_mem>>) src(%dma_wait3A_164 : memref<40x144xf32, #tpu.memory_space<vmem>>) dst(%dma_wait3A_161 : memref<40x144xf32, #tpu.memory_space<vmem_shared>>)
        tpu.yield
      }) : () -> ()
    }
    %scan3A_13 = arith.constant 16 : i32
    %barrier3A = arith.constant 0 : index
    tpu.barrier barrier_id(%barrier3A)
    "tpu.region"() ({
      %run_scoped3A = tpu.sem_alloc : memref<!tpu.dma_semaphore, #tpu.memory_space<semaphore_mem>>
      tpu.enqueue_dma source(%arg6 : memref<16xf32, #tpu.memory_space<hbm>>) target(%arg14 : memref<16xf32, #tpu.memory_space<vmem>>) target_semaphore(%run_scoped3A : memref<!tpu.dma_semaphore, #tpu.memory_space<semaphore_mem>>)
      tpu.wait_dma2 semaphore(%run_scoped3A : memref<!tpu.dma_semaphore, #tpu.memory_space<semaphore_mem>>) src(%arg6 : memref<16xf32, #tpu.memory_space<hbm>>) dst(%arg14 : memref<16xf32, #tpu.memory_space<vmem>>)
      tpu.yield
    }) : () -> ()
    %gather3A = tpu.vector_load_idx %arg14[%and3A_2] : memref<16xf32, #tpu.memory_space<vmem>>[vector<16xi32>], vector<16xf32>,
    %add3A_14 = arith.constant 8 : i32
    %add3A_15 = vector.broadcast %add3A_14 : i32 to vector<16xi32>
    %add3A_16 = arith.addi %and3A_2, %add3A_15 : vector<16xi32>
    %gather3A_17 = tpu.vector_load_idx %arg14[%add3A_16] : memref<16xf32, #tpu.memory_space<vmem>>[vector<16xi32>], vector<16xf32>,
    %add3A_18 = arith.addf %gather3A, %gather3A_17 : vector<16xf32>
    %ge3A = arith.constant 0.000000e+00 : f32
    %ge3A_19 = vector.broadcast %ge3A : f32 to vector<16xf32>
    %ge3A_20 = arith.cmpf oge, %add3A_18, %ge3A_19 : vector<16xf32>
    %mul3A_21 = arith.constant 2.000000e-01 : f32
    %mul3A_22 = vector.broadcast %mul3A_21 : f32 to vector<16xf32>
    %mul3A_23 = arith.mulf %mul3A_22, %add3A_18 : vector<16xf32>
    %select_n3A = arith.select %ge3A_20, %add3A_18, %mul3A_23 : vector<16xi1>, vector<16xf32>
    %mul3A_24 = arith.constant 10000 : i32
    %mul3A_25 = arith.muli %add3A, %mul3A_24 : i32
    %add3A_26 = arith.constant 0 : i32
    %add3A_27 = arith.addi %mul3A_25, %add3A_26 : i32
    %multiple_of3A = tpu.assume_multiple %add3A_27, 8 : i32
    %dma_start3A = arith.constant 0 : i32
    %dma_start3A_28 = arith.constant 0 : i32
    %dma_start3A_29 = tpu.memref_slice %arg8[%dma_start3A, %dma_start3A_28] : memref<3x40xi32, #tpu.memory_space<vmem>> -> memref<1x40xi32, #tpu.memory_space<vmem>>
    %dma_start3A_30 = tpu.memref_squeeze %dma_start3A_29 : memref<1x40xi32, #tpu.memory_space<vmem>> -> memref<40xi32, #tpu.memory_space<vmem>>
    %dma_start3A_31 = tpu.memref_slice %arg2[%multiple_of3A] : memref<320000xi32, #tpu.memory_space<hbm>> -> memref<40xi32, #tpu.memory_space<hbm>>
    %dma_start3A_32 = arith.constant 0 : i32
    %dma_start3A_33 = tpu.memref_slice %arg8[%dma_start3A, %dma_start3A_32] : memref<3x40xi32, #tpu.memory_space<vmem>> -> memref<1x40xi32, #tpu.memory_space<vmem>>
    %dma_start3A_34 = tpu.memref_squeeze %dma_start3A_33 : memref<1x40xi32, #tpu.memory_space<vmem>> -> memref<40xi32, #tpu.memory_space<vmem>>
    %dma_start3A_35 = tpu.memref_slice %arg2[%multiple_of3A] : memref<320000xi32, #tpu.memory_space<hbm>> -> memref<40xi32, #tpu.memory_space<hbm>>
    tpu.enqueue_dma source(%dma_start3A_35 : memref<40xi32, #tpu.memory_space<hbm>>) target(%dma_start3A_34 : memref<40xi32, #tpu.memory_space<vmem>>) target_semaphore(%arg17 : memref<!tpu.dma_semaphore, #tpu.memory_space<semaphore_mem>>)
    %dma_start3A_36 = arith.constant 0 : i32
    %dma_start3A_37 = arith.constant 0 : i32
    %dma_start3A_38 = tpu.memref_slice %arg9[%dma_start3A_36, %dma_start3A_37] : memref<3x40xi32, #tpu.memory_space<vmem>> -> memref<1x40xi32, #tpu.memory_space<vmem>>
    %dma_start3A_39 = tpu.memref_squeeze %dma_start3A_38 : memref<1x40xi32, #tpu.memory_space<vmem>> -> memref<40xi32, #tpu.memory_space<vmem>>
    %dma_start3A_40 = tpu.memref_slice %arg3[%multiple_of3A] : memref<320000xi32, #tpu.memory_space<hbm>> -> memref<40xi32, #tpu.memory_space<hbm>>
    %dma_start3A_41 = arith.constant 0 : i32
    %dma_start3A_42 = tpu.memref_slice %arg9[%dma_start3A_36, %dma_start3A_41] : memref<3x40xi32, #tpu.memory_space<vmem>> -> memref<1x40xi32, #tpu.memory_space<vmem>>
    %dma_start3A_43 = tpu.memref_squeeze %dma_start3A_42 : memref<1x40xi32, #tpu.memory_space<vmem>> -> memref<40xi32, #tpu.memory_space<vmem>>
    %dma_start3A_44 = tpu.memref_slice %arg3[%multiple_of3A] : memref<320000xi32, #tpu.memory_space<hbm>> -> memref<40xi32, #tpu.memory_space<hbm>>
    tpu.enqueue_dma source(%dma_start3A_44 : memref<40xi32, #tpu.memory_space<hbm>>) target(%dma_start3A_43 : memref<40xi32, #tpu.memory_space<vmem>>) target_semaphore(%arg17 : memref<!tpu.dma_semaphore, #tpu.memory_space<semaphore_mem>>)
    %add3A_45 = arith.constant 0 : i32
    %add3A_46 = arith.addi %mul3A_25, %add3A_45 : i32
    %multiple_of3A_47 = tpu.assume_multiple %add3A_46, 8 : i32
    %dma_wait3A = arith.constant 0 : i32
    %dma_wait3A_48 = arith.constant 0 : i32
    %dma_wait3A_49 = tpu.memref_slice %arg8[%dma_wait3A, %dma_wait3A_48] : memref<3x40xi32, #tpu.memory_space<vmem>> -> memref<1x40xi32, #tpu.memory_space<vmem>>
    %dma_wait3A_50 = tpu.memref_squeeze %dma_wait3A_49 : memref<1x40xi32, #tpu.memory_space<vmem>> -> memref<40xi32, #tpu.memory_space<vmem>>
    %dma_wait3A_51 = tpu.memref_slice %arg2[%multiple_of3A_47] : memref<320000xi32, #tpu.memory_space<hbm>> -> memref<40xi32, #tpu.memory_space<hbm>>
    %dma_wait3A_52 = arith.constant 0 : i32
    %dma_wait3A_53 = tpu.memref_slice %arg8[%dma_wait3A, %dma_wait3A_52] : memref<3x40xi32, #tpu.memory_space<vmem>> -> memref<1x40xi32, #tpu.memory_space<vmem>>
    %dma_wait3A_54 = tpu.memref_squeeze %dma_wait3A_53 : memref<1x40xi32, #tpu.memory_space<vmem>> -> memref<40xi32, #tpu.memory_space<vmem>>
    %dma_wait3A_55 = tpu.memref_slice %arg2[%multiple_of3A_47] : memref<320000xi32, #tpu.memory_space<hbm>> -> memref<40xi32, #tpu.memory_space<hbm>>
    tpu.wait_dma2 semaphore(%arg17 : memref<!tpu.dma_semaphore, #tpu.memory_space<semaphore_mem>>) src(%dma_wait3A_55 : memref<40xi32, #tpu.memory_space<hbm>>) dst(%dma_wait3A_54 : memref<40xi32, #tpu.memory_space<vmem>>)
    %dma_wait3A_56 = arith.constant 0 : i32
    %dma_wait3A_57 = arith.constant 0 : i32
    %dma_wait3A_58 = tpu.memref_slice %arg9[%dma_wait3A_56, %dma_wait3A_57] : memref<3x40xi32, #tpu.memory_space<vmem>> -> memref<1x40xi32, #tpu.memory_space<vmem>>
    %dma_wait3A_59 = tpu.memref_squeeze %dma_wait3A_58 : memref<1x40xi32, #tpu.memory_space<vmem>> -> memref<40xi32, #tpu.memory_space<vmem>>
    %dma_wait3A_60 = tpu.memref_slice %arg3[%multiple_of3A_47] : memref<320000xi32, #tpu.memory_space<hbm>> -> memref<40xi32, #tpu.memory_space<hbm>>
    %dma_wait3A_61 = arith.constant 0 : i32
    %dma_wait3A_62 = tpu.memref_slice %arg9[%dma_wait3A_56, %dma_wait3A_61] : memref<3x40xi32, #tpu.memory_space<vmem>> -> memref<1x40xi32, #tpu.memory_space<vmem>>
    %dma_wait3A_63 = tpu.memref_squeeze %dma_wait3A_62 : memref<1x40xi32, #tpu.memory_space<vmem>> -> memref<40xi32, #tpu.memory_space<vmem>>
    %dma_wait3A_64 = tpu.memref_slice %arg3[%multiple_of3A_47] : memref<320000xi32, #tpu.memory_space<hbm>> -> memref<40xi32, #tpu.memory_space<hbm>>
    tpu.wait_dma2 semaphore(%arg17 : memref<!tpu.dma_semaphore, #tpu.memory_space<semaphore_mem>>) src(%dma_wait3A_64 : memref<40xi32, #tpu.memory_space<hbm>>) dst(%dma_wait3A_63 : memref<40xi32, #tpu.memory_space<vmem>>)
    %multiple_of3A_65 = arith.constant 0 : i32
    %multiple_of3A_66 = tpu.assume_multiple %multiple_of3A_65, 8 : i32
    %dma_start3A_67 = arith.constant 0 : i32
    %dma_start3A_68 = arith.constant 0 : i32
    %dma_start3A_69 = tpu.memref_slice %arg10[%multiple_of3A_66, %dma_start3A_68] : memref<80x144xf32, #tpu.memory_space<vmem>> -> memref<40x144xf32, #tpu.memory_space<vmem>>
    %dma_start3A_70 = arith.constant 0 : i32
    %dma_start3A_71 = tpu.memref_slice %arg8[%dma_start3A_67, %dma_start3A_70] : memref<3x40xi32, #tpu.memory_space<vmem>> -> memref<1x40xi32, #tpu.memory_space<vmem>>
    %dma_start3A_72 = tpu.memref_squeeze %dma_start3A_71 : memref<1x40xi32, #tpu.memory_space<vmem>> -> memref<40xi32, #tpu.memory_space<vmem>>
    %dma_start3A_73 = arith.constant 0 : i32
    %dma_start3A_74 = arith.constant 0 : i32
    %dma_start3A_75 = tpu.memref_slice %arg4[%dma_start3A_73, %dma_start3A_74] : memref<10000x144xf32, #tpu.memory_space<hbm>> -> memref<10000x144xf32, #tpu.memory_space<hbm>>
    tpu.enqueue_indirect_dma source(%dma_start3A_75 : memref<10000x144xf32, #tpu.memory_space<hbm>>) target(%dma_start3A_69 : memref<40x144xf32, #tpu.memory_space<vmem>>) offsets(%dma_start3A_72 : memref<40xi32, #tpu.memory_space<vmem>>) semaphore(%arg16 : memref<!tpu.dma_semaphore, #tpu.memory_space<semaphore_mem>>)
    %dma_start3A_76 = arith.constant 0 : i32
    %dma_start3A_77 = arith.constant 0 : i32
    %dma_start3A_78 = tpu.memref_slice %arg11[%multiple_of3A_66, %dma_start3A_77] : memref<80x16xf32, #tpu.memory_space<vmem>> -> memref<40x16xf32, #tpu.memory_space<vmem>>
    %dma_start3A_79 = arith.constant 0 : i32
    %dma_start3A_80 = tpu.memref_slice %arg9[%dma_start3A_76, %dma_start3A_79] : memref<3x40xi32, #tpu.memory_space<vmem>> -> memref<1x40xi32, #tpu.memory_space<vmem>>
    %dma_start3A_81 = tpu.memref_squeeze %dma_start3A_80 : memref<1x40xi32, #tpu.memory_space<vmem>> -> memref<40xi32, #tpu.memory_space<vmem>>
    %dma_start3A_82 = arith.constant 0 : i32
    %dma_start3A_83 = arith.constant 0 : i32
    %dma_start3A_84 = tpu.memref_slice %arg5[%dma_start3A_82, %dma_start3A_83] : memref<10000x16xf32, #tpu.memory_space<hbm>> -> memref<10000x16xf32, #tpu.memory_space<hbm>>
    tpu.enqueue_indirect_dma source(%dma_start3A_84 : memref<10000x16xf32, #tpu.memory_space<hbm>>) target(%dma_start3A_78 : memref<40x16xf32, #tpu.memory_space<vmem>>) offsets(%dma_start3A_81 : memref<40xi32, #tpu.memory_space<vmem>>) semaphore(%arg16 : memref<!tpu.dma_semaphore, #tpu.memory_space<semaphore_mem>>)
    %add3A_85 = arith.constant 40 : i32
    %add3A_86 = arith.addi %mul3A_25, %add3A_85 : i32
    %multiple_of3A_87 = tpu.assume_multiple %add3A_86, 8 : i32
    %dma_start3A_88 = arith.constant 1 : i32
    %dma_start3A_89 = arith.constant 0 : i32
    %dma_start3A_90 = tpu.memref_slice %arg8[%dma_start3A_88, %dma_start3A_89] : memref<3x40xi32, #tpu.memory_space<vmem>> -> memref<1x40xi32, #tpu.memory_space<vmem>>
    %dma_start3A_91 = tpu.memref_squeeze %dma_start3A_90 : memref<1x40xi32, #tpu.memory_space<vmem>> -> memref<40xi32, #tpu.memory_space<vmem>>
    %dma_start3A_92 = tpu.memref_slice %arg2[%multiple_of3A_87] : memref<320000xi32, #tpu.memory_space<hbm>> -> memref<40xi32, #tpu.memory_space<hbm>>
    %dma_start3A_93 = arith.constant 0 : i32
    %dma_start3A_94 = tpu.memref_slice %arg8[%dma_start3A_88, %dma_start3A_93] : memref<3x40xi32, #tpu.memory_space<vmem>> -> memref<1x40xi32, #tpu.memory_space<vmem>>
    %dma_start3A_95 = tpu.memref_squeeze %dma_start3A_94 : memref<1x40xi32, #tpu.memory_space<vmem>> -> memref<40xi32, #tpu.memory_space<vmem>>
    %dma_start3A_96 = tpu.memref_slice %arg2[%multiple_of3A_87] : memref<320000xi32, #tpu.memory_space<hbm>> -> memref<40xi32, #tpu.memory_space<hbm>>
    tpu.enqueue_dma source(%dma_start3A_96 : memref<40xi32, #tpu.memory_space<hbm>>) target(%dma_start3A_95 : memref<40xi32, #tpu.memory_space<vmem>>) target_semaphore(%arg17 : memref<!tpu.dma_semaphore, #tpu.memory_space<semaphore_mem>>)
    %dma_start3A_97 = arith.constant 1 : i32
    %dma_start3A_98 = arith.constant 0 : i32
    %dma_start3A_99 = tpu.memref_slice %arg9[%dma_start3A_97, %dma_start3A_98] : memref<3x40xi32, #tpu.memory_space<vmem>> -> memref<1x40xi32, #tpu.memory_space<vmem>>
    %dma_start3A_100 = tpu.memref_squeeze %dma_start3A_99 : memref<1x40xi32, #tpu.memory_space<vmem>> -> memref<40xi32, #tpu.memory_space<vmem>>
    %dma_start3A_101 = tpu.memref_slice %arg3[%multiple_of3A_87] : memref<320000xi32, #tpu.memory_space<hbm>> -> memref<40xi32, #tpu.memory_space<hbm>>
    %dma_start3A_102 = arith.constant 0 : i32
    %dma_start3A_103 = tpu.memref_slice %arg9[%dma_start3A_97, %dma_start3A_102] : memref<3x40xi32, #tpu.memory_space<vmem>> -> memref<1x40xi32, #tpu.memory_space<vmem>>
    %dma_start3A_104 = tpu.memref_squeeze %dma_start3A_103 : memref<1x40xi32, #tpu.memory_space<vmem>> -> memref<40xi32, #tpu.memory_space<vmem>>
    %dma_start3A_105 = tpu.memref_slice %arg3[%multiple_of3A_87] : memref<320000xi32, #tpu.memory_space<hbm>> -> memref<40xi32, #tpu.memory_space<hbm>>
    tpu.enqueue_dma source(%dma_start3A_105 : memref<40xi32, #tpu.memory_space<hbm>>) target(%dma_start3A_104 : memref<40xi32, #tpu.memory_space<vmem>>) target_semaphore(%arg17 : memref<!tpu.dma_semaphore, #tpu.memory_space<semaphore_mem>>)
    %scan3A_106 = arith.constant 0 : i32
    %scan3A_107 = arith.constant 0 : i32
    %scan3A_108 = arith.constant 250 : i32
    %scan3A_109 = arith.addi %scan3A_107, %scan3A_108 : i32
    %scan3A_110 = arith.constant 1 : i32
    scf.for %scan3A_139 = %scan3A_107 to %scan3A_109 step %scan3A_110  : i32 {
      %rem3A = arith.constant 2 : i32
      %rem3A_140 = arith.remsi %scan3A_139, %rem3A : i32
      %rem3A_141 = arith.constant 3 : i32
      %rem3A_142 = arith.remsi %scan3A_139, %rem3A_141 : i32
      %mul3A_143 = arith.constant 40 : i32
      %mul3A_144 = arith.muli %rem3A_140, %mul3A_143 : i32
      %multiple_of3A_145 = tpu.assume_multiple %mul3A_144, 8 : i32
      %mul3A_146 = arith.constant 40 : i32
      %mul3A_147 = arith.muli %rem3A_140, %mul3A_146 : i32
      %mul3A_148 = arith.constant 40 : i32
      %mul3A_149 = arith.muli %rem3A_140, %mul3A_148 : i32
      %multiple_of3A_150 = tpu.assume_multiple %mul3A_149, 8 : i32
      %dma_wait3A_151 = arith.constant 0 : i32
      %dma_wait3A_152 = tpu.memref_slice %arg10[%multiple_of3A_150, %dma_wait3A_151] : memref<80x144xf32, #tpu.memory_space<vmem>> -> memref<40x144xf32, #tpu.memory_space<vmem>>
      %dma_wait3A_153 = arith.constant 0 : i32
      %dma_wait3A_154 = tpu.memref_slice %arg8[%rem3A_142, %dma_wait3A_153] : memref<3x40xi32, #tpu.memory_space<vmem>> -> memref<1x40xi32, #tpu.memory_space<vmem>>
      %dma_wait3A_155 = tpu.memref_squeeze %dma_wait3A_154 : memref<1x40xi32, #tpu.memory_space<vmem>> -> memref<40xi32, #tpu.memory_space<vmem>>
      %dma_wait3A_156 = arith.constant 0 : i32
      %dma_wait3A_157 = arith.constant 0 : i32
      %dma_wait3A_158 = tpu.memref_slice %arg4[%dma_wait3A_156, %dma_wait3A_157] : memref<10000x144xf32, #tpu.memory_space<hbm>> -> memref<10000x144xf32, #tpu.memory_space<hbm>>
      tpu.wait_indirect_dma semaphore(%arg16 : memref<!tpu.dma_semaphore, #tpu.memory_space<semaphore_mem>>) src(%dma_wait3A_158 : memref<10000x144xf32, #tpu.memory_space<hbm>>) dst(%dma_wait3A_152 : memref<40x144xf32, #tpu.memory_space<vmem>>)
      %dma_wait3A_159 = arith.constant 0 : i32
      %dma_wait3A_160 = tpu.memref_slice %arg11[%multiple_of3A_150, %dma_wait3A_159] : memref<80x16xf32, #tpu.memory_space<vmem>> -> memref<40x16xf32, #tpu.memory_space<vmem>>
      %dma_wait3A_161 = arith.constant 0 : i32
      %dma_wait3A_162 = tpu.memref_slice %arg9[%rem3A_142, %dma_wait3A_161] : memref<3x40xi32, #tpu.memory_space<vmem>> -> memref<1x40xi32, #tpu.memory_space<vmem>>
      %dma_wait3A_163 = tpu.memref_squeeze %dma_wait3A_162 : memref<1x40xi32, #tpu.memory_space<vmem>> -> memref<40xi32, #tpu.memory_space<vmem>>
      %dma_wait3A_164 = arith.constant 0 : i32
      %dma_wait3A_165 = arith.constant 0 : i32
      %dma_wait3A_166 = tpu.memref_slice %arg5[%dma_wait3A_164, %dma_wait3A_165] : memref<10000x16xf32, #tpu.memory_space<hbm>> -> memref<10000x16xf32, #tpu.memory_space<hbm>>
      tpu.wait_indirect_dma semaphore(%arg16 : memref<!tpu.dma_semaphore, #tpu.memory_space<semaphore_mem>>) src(%dma_wait3A_166 : memref<10000x16xf32, #tpu.memory_space<hbm>>) dst(%dma_wait3A_160 : memref<40x16xf32, #tpu.memory_space<vmem>>)
      %add3A_167 = arith.constant 1 : i32
      %add3A_168 = arith.addi %scan3A_139, %add3A_167 : i32
      %lt3A = arith.constant 250 : i32
      %lt3A_169 = arith.cmpi slt, %add3A_168, %lt3A : i32
      %convert_element_type3A = arith.extui %lt3A_169 : i1 to i32
      %cond3A = arith.constant 0 : i32
      %cond3A_170 = arith.cmpi ne, %convert_element_type3A, %cond3A : i32
      scf.if %cond3A_170 {
        %add3A_203 = arith.constant 1 : i32
        %add3A_204 = arith.addi %scan3A_139, %add3A_203 : i32
        %rem3A_205 = arith.constant 3 : i32
        %rem3A_206 = arith.remsi %add3A_204, %rem3A_205 : i32
        %add3A_207 = arith.constant 1 : i32
        %add3A_208 = arith.addi %scan3A_139, %add3A_207 : i32
        %mul3A_209 = arith.constant 40 : i32
        %mul3A_210 = arith.muli %add3A_208, %mul3A_209 : i32
        %add3A_211 = arith.addi %mul3A_25, %mul3A_210 : i32
        %multiple_of3A_212 = tpu.assume_multiple %add3A_211, 8 : i32
        %dma_wait3A_213 = arith.constant 0 : i32
        %dma_wait3A_214 = tpu.memref_slice %arg8[%rem3A_206, %dma_wait3A_213] : memref<3x40xi32, #tpu.memory_space<vmem>> -> memref<1x40xi32, #tpu.memory_space<vmem>>
        %dma_wait3A_215 = tpu.memref_squeeze %dma_wait3A_214 : memref<1x40xi32, #tpu.memory_space<vmem>> -> memref<40xi32, #tpu.memory_space<vmem>>
        %dma_wait3A_216 = tpu.memref_slice %arg2[%multiple_of3A_212] : memref<320000xi32, #tpu.memory_space<hbm>> -> memref<40xi32, #tpu.memory_space<hbm>>
        %dma_wait3A_217 = arith.constant 0 : i32
        %dma_wait3A_218 = tpu.memref_slice %arg8[%rem3A_206, %dma_wait3A_217] : memref<3x40xi32, #tpu.memory_space<vmem>> -> memref<1x40xi32, #tpu.memory_space<vmem>>
        %dma_wait3A_219 = tpu.memref_squeeze %dma_wait3A_218 : memref<1x40xi32, #tpu.memory_space<vmem>> -> memref<40xi32, #tpu.memory_space<vmem>>
        %dma_wait3A_220 = tpu.memref_slice %arg2[%multiple_of3A_212] : memref<320000xi32, #tpu.memory_space<hbm>> -> memref<40xi32, #tpu.memory_space<hbm>>
        tpu.wait_dma2 semaphore(%arg17 : memref<!tpu.dma_semaphore, #tpu.memory_space<semaphore_mem>>) src(%dma_wait3A_220 : memref<40xi32, #tpu.memory_space<hbm>>) dst(%dma_wait3A_219 : memref<40xi32, #tpu.memory_space<vmem>>)
        %dma_wait3A_221 = arith.constant 0 : i32
        %dma_wait3A_222 = tpu.memref_slice %arg9[%rem3A_206, %dma_wait3A_221] : memref<3x40xi32, #tpu.memory_space<vmem>> -> memref<1x40xi32, #tpu.memory_space<vmem>>
        %dma_wait3A_223 = tpu.memref_squeeze %dma_wait3A_222 : memref<1x40xi32, #tpu.memory_space<vmem>> -> memref<40xi32, #tpu.memory_space<vmem>>
        %dma_wait3A_224 = tpu.memref_slice %arg3[%multiple_of3A_212] : memref<320000xi32, #tpu.memory_space<hbm>> -> memref<40xi32, #tpu.memory_space<hbm>>
        %dma_wait3A_225 = arith.constant 0 : i32
        %dma_wait3A_226 = tpu.memref_slice %arg9[%rem3A_206, %dma_wait3A_225] : memref<3x40xi32, #tpu.memory_space<vmem>> -> memref<1x40xi32, #tpu.memory_space<vmem>>
        %dma_wait3A_227 = tpu.memref_squeeze %dma_wait3A_226 : memref<1x40xi32, #tpu.memory_space<vmem>> -> memref<40xi32, #tpu.memory_space<vmem>>
        %dma_wait3A_228 = tpu.memref_slice %arg3[%multiple_of3A_212] : memref<320000xi32, #tpu.memory_space<hbm>> -> memref<40xi32, #tpu.memory_space<hbm>>
        tpu.wait_dma2 semaphore(%arg17 : memref<!tpu.dma_semaphore, #tpu.memory_space<semaphore_mem>>) src(%dma_wait3A_228 : memref<40xi32, #tpu.memory_space<hbm>>) dst(%dma_wait3A_227 : memref<40xi32, #tpu.memory_space<vmem>>)
        %sub3A = arith.constant 1 : i32
        %sub3A_229 = arith.subi %sub3A, %rem3A_140 : i32
        %mul3A_230 = arith.constant 40 : i32
        %mul3A_231 = arith.muli %sub3A_229, %mul3A_230 : i32
        %multiple_of3A_232 = tpu.assume_multiple %mul3A_231, 8 : i32
        %dma_start3A_233 = arith.constant 0 : i32
        %dma_start3A_234 = tpu.memref_slice %arg10[%multiple_of3A_232, %dma_start3A_233] : memref<80x144xf32, #tpu.memory_space<vmem>> -> memref<40x144xf32, #tpu.memory_space<vmem>>
        %dma_start3A_235 = arith.constant 0 : i32
        %dma_start3A_236 = tpu.memref_slice %arg8[%rem3A_206, %dma_start3A_235] : memref<3x40xi32, #tpu.memory_space<vmem>> -> memref<1x40xi32, #tpu.memory_space<vmem>>
        %dma_start3A_237 = tpu.memref_squeeze %dma_start3A_236 : memref<1x40xi32, #tpu.memory_space<vmem>> -> memref<40xi32, #tpu.memory_space<vmem>>
        %dma_start3A_238 = arith.constant 0 : i32
        %dma_start3A_239 = arith.constant 0 : i32
        %dma_start3A_240 = tpu.memref_slice %arg4[%dma_start3A_238, %dma_start3A_239] : memref<10000x144xf32, #tpu.memory_space<hbm>> -> memref<10000x144xf32, #tpu.memory_space<hbm>>
        tpu.enqueue_indirect_dma source(%dma_start3A_240 : memref<10000x144xf32, #tpu.memory_space<hbm>>) target(%dma_start3A_234 : memref<40x144xf32, #tpu.memory_space<vmem>>) offsets(%dma_start3A_237 : memref<40xi32, #tpu.memory_space<vmem>>) semaphore(%arg16 : memref<!tpu.dma_semaphore, #tpu.memory_space<semaphore_mem>>)
        %dma_start3A_241 = arith.constant 0 : i32
        %dma_start3A_242 = tpu.memref_slice %arg11[%multiple_of3A_232, %dma_start3A_241] : memref<80x16xf32, #tpu.memory_space<vmem>> -> memref<40x16xf32, #tpu.memory_space<vmem>>
        %dma_start3A_243 = arith.constant 0 : i32
        %dma_start3A_244 = tpu.memref_slice %arg9[%rem3A_206, %dma_start3A_243] : memref<3x40xi32, #tpu.memory_space<vmem>> -> memref<1x40xi32, #tpu.memory_space<vmem>>
        %dma_start3A_245 = tpu.memref_squeeze %dma_start3A_244 : memref<1x40xi32, #tpu.memory_space<vmem>> -> memref<40xi32, #tpu.memory_space<vmem>>
        %dma_start3A_246 = arith.constant 0 : i32
        %dma_start3A_247 = arith.constant 0 : i32
        %dma_start3A_248 = tpu.memref_slice %arg5[%dma_start3A_246, %dma_start3A_247] : memref<10000x16xf32, #tpu.memory_space<hbm>> -> memref<10000x16xf32, #tpu.memory_space<hbm>>
        tpu.enqueue_indirect_dma source(%dma_start3A_248 : memref<10000x16xf32, #tpu.memory_space<hbm>>) target(%dma_start3A_242 : memref<40x16xf32, #tpu.memory_space<vmem>>) offsets(%dma_start3A_245 : memref<40xi32, #tpu.memory_space<vmem>>) semaphore(%arg16 : memref<!tpu.dma_semaphore, #tpu.memory_space<semaphore_mem>>)
      } else {
      }
      %add3A_171 = arith.constant 2 : i32
      %add3A_172 = arith.addi %scan3A_139, %add3A_171 : i32
      %lt3A_173 = arith.constant 250 : i32
      %lt3A_174 = arith.cmpi slt, %add3A_172, %lt3A_173 : i32
      %convert_element_type3A_175 = arith.extui %lt3A_174 : i1 to i32
      %cond3A_176 = arith.constant 0 : i32
      %cond3A_177 = arith.cmpi ne, %convert_element_type3A_175, %cond3A_176 : i32
      scf.if %cond3A_177 {
        %add3A_203 = arith.constant 2 : i32
        %add3A_204 = arith.addi %scan3A_139, %add3A_203 : i32
        %add3A_205 = arith.constant 2 : i32
        %add3A_206 = arith.addi %scan3A_139, %add3A_205 : i32
        %rem3A_207 = arith.constant 3 : i32
        %rem3A_208 = arith.remsi %add3A_206, %rem3A_207 : i32
        %mul3A_209 = arith.constant 40 : i32
        %mul3A_210 = arith.muli %add3A_204, %mul3A_209 : i32
        %add3A_211 = arith.addi %mul3A_25, %mul3A_210 : i32
        %multiple_of3A_212 = tpu.assume_multiple %add3A_211, 8 : i32
        %dma_start3A_213 = arith.constant 0 : i32
        %dma_start3A_214 = tpu.memref_slice %arg8[%rem3A_208, %dma_start3A_213] : memref<3x40xi32, #tpu.memory_space<vmem>> -> memref<1x40xi32, #tpu.memory_space<vmem>>
        %dma_start3A_215 = tpu.memref_squeeze %dma_start3A_214 : memref<1x40xi32, #tpu.memory_space<vmem>> -> memref<40xi32, #tpu.memory_space<vmem>>
        %dma_start3A_216 = tpu.memref_slice %arg2[%multiple_of3A_212] : memref<320000xi32, #tpu.memory_space<hbm>> -> memref<40xi32, #tpu.memory_space<hbm>>
        %dma_start3A_217 = arith.constant 0 : i32
        %dma_start3A_218 = tpu.memref_slice %arg8[%rem3A_208, %dma_start3A_217] : memref<3x40xi32, #tpu.memory_space<vmem>> -> memref<1x40xi32, #tpu.memory_space<vmem>>
        %dma_start3A_219 = tpu.memref_squeeze %dma_start3A_218 : memref<1x40xi32, #tpu.memory_space<vmem>> -> memref<40xi32, #tpu.memory_space<vmem>>
        %dma_start3A_220 = tpu.memref_slice %arg2[%multiple_of3A_212] : memref<320000xi32, #tpu.memory_space<hbm>> -> memref<40xi32, #tpu.memory_space<hbm>>
        tpu.enqueue_dma source(%dma_start3A_220 : memref<40xi32, #tpu.memory_space<hbm>>) target(%dma_start3A_219 : memref<40xi32, #tpu.memory_space<vmem>>) target_semaphore(%arg17 : memref<!tpu.dma_semaphore, #tpu.memory_space<semaphore_mem>>)
        %dma_start3A_221 = arith.constant 0 : i32
        %dma_start3A_222 = tpu.memref_slice %arg9[%rem3A_208, %dma_start3A_221] : memref<3x40xi32, #tpu.memory_space<vmem>> -> memref<1x40xi32, #tpu.memory_space<vmem>>
        %dma_start3A_223 = tpu.memref_squeeze %dma_start3A_222 : memref<1x40xi32, #tpu.memory_space<vmem>> -> memref<40xi32, #tpu.memory_space<vmem>>
        %dma_start3A_224 = tpu.memref_slice %arg3[%multiple_of3A_212] : memref<320000xi32, #tpu.memory_space<hbm>> -> memref<40xi32, #tpu.memory_space<hbm>>
        %dma_start3A_225 = arith.constant 0 : i32
        %dma_start3A_226 = tpu.memref_slice %arg9[%rem3A_208, %dma_start3A_225] : memref<3x40xi32, #tpu.memory_space<vmem>> -> memref<1x40xi32, #tpu.memory_space<vmem>>
        %dma_start3A_227 = tpu.memref_squeeze %dma_start3A_226 : memref<1x40xi32, #tpu.memory_space<vmem>> -> memref<40xi32, #tpu.memory_space<vmem>>
        %dma_start3A_228 = tpu.memref_slice %arg3[%multiple_of3A_212] : memref<320000xi32, #tpu.memory_space<hbm>> -> memref<40xi32, #tpu.memory_space<hbm>>
        tpu.enqueue_dma source(%dma_start3A_228 : memref<40xi32, #tpu.memory_space<hbm>>) target(%dma_start3A_227 : memref<40xi32, #tpu.memory_space<vmem>>) target_semaphore(%arg17 : memref<!tpu.dma_semaphore, #tpu.memory_space<semaphore_mem>>)
      } else {
      }
      %ge3A_178 = arith.constant 2 : i32
      %ge3A_179 = arith.cmpi sge, %scan3A_139, %ge3A_178 : i32
      %convert_element_type3A_180 = arith.extui %ge3A_179 : i1 to i32
      %cond3A_181 = arith.constant 0 : i32
      %cond3A_182 = arith.cmpi ne, %convert_element_type3A_180, %cond3A_181 : i32
      scf.if %cond3A_182 {
        %dma_wait3A_203 = arith.constant 0 : i32
        %dma_wait3A_204 = tpu.memref_slice %arg13[%multiple_of3A_145, %dma_wait3A_203] : memref<80x144xf32, #tpu.memory_space<vmem>> -> memref<40x144xf32, #tpu.memory_space<vmem>>
        %dma_wait3A_205 = arith.constant 0 : i32
        %dma_wait3A_206 = tpu.memref_slice %arg9[%rem3A_142, %dma_wait3A_205] : memref<3x40xi32, #tpu.memory_space<vmem>> -> memref<1x40xi32, #tpu.memory_space<vmem>>
        %dma_wait3A_207 = tpu.memref_squeeze %dma_wait3A_206 : memref<1x40xi32, #tpu.memory_space<vmem>> -> memref<40xi32, #tpu.memory_space<vmem>>
        %dma_wait3A_208 = arith.constant 0 : i32
        %dma_wait3A_209 = arith.constant 0 : i32
        %dma_wait3A_210 = tpu.memref_slice %arg15[%dma_wait3A_208, %dma_wait3A_209] : memref<10240x144xf32, #tpu.memory_space<vmem_shared>> -> memref<10240x144xf32, #tpu.memory_space<vmem_shared>>
        tpu.wait_indirect_dma semaphore(%arg18 : memref<!tpu.dma_semaphore, #tpu.memory_space<semaphore_mem>>) src(%dma_wait3A_204 : memref<40x144xf32, #tpu.memory_space<vmem>>) dst(%dma_wait3A_210 : memref<10240x144xf32, #tpu.memory_space<vmem_shared>>)
      } else {
      }
      %scan3A_183 = arith.constant 0 : i32
      %scan3A_184 = arith.constant 0 : i32
      %scan3A_185 = arith.constant 20 : i32
      %scan3A_186 = arith.addi %scan3A_184, %scan3A_185 : i32
      %scan3A_187 = arith.constant 1 : i32
      scf.for %scan3A_203 = %scan3A_184 to %scan3A_186 step %scan3A_187  : i32 {
        %mul3A_204 = arith.constant 2 : i32
        %mul3A_205 = arith.muli %mul3A_204, %scan3A_203 : i32
        %add3A_206 = arith.addi %mul3A_147, %mul3A_205 : i32
        %shift_right_arithmetic3A = arith.constant 3 : i32
        %shift_right_arithmetic3A_207 = vector.broadcast %shift_right_arithmetic3A : i32 to vector<16xi32>
        %shift_right_arithmetic3A_208 = arith.shrsi %iota3A, %shift_right_arithmetic3A_207 : vector<16xi32>
        %add3A_209 = vector.broadcast %add3A_206 : i32 to vector<16xi32>
        %add3A_210 = arith.addi %add3A_209, %shift_right_arithmetic3A_208 : vector<16xi32>
        %add3A_211 = arith.constant 128 : i32
        %add3A_212 = vector.broadcast %add3A_211 : i32 to vector<16xi32>
        %add3A_213 = arith.addi %and3A_2, %add3A_212 : vector<16xi32>
        %gather3A_214 = tpu.vector_load_idx %arg10[%add3A_210, %add3A_213] : memref<80x144xf32, #tpu.memory_space<vmem>>[vector<16xi32>, vector<16xi32>], vector<16xf32>,
        %gather3A_215 = tpu.vector_load_idx %arg11[%add3A_210, %and3A_2] : memref<80x16xf32, #tpu.memory_space<vmem>>[vector<16xi32>, vector<16xi32>], vector<16xf32>,
        %add3A_216 = arith.addf %gather3A_214, %gather3A_215 : vector<16xf32>
        %ge3A_217 = arith.constant 0.000000e+00 : f32
        %ge3A_218 = vector.broadcast %ge3A_217 : f32 to vector<16xf32>
        %ge3A_219 = arith.cmpf oge, %add3A_216, %ge3A_218 : vector<16xf32>
        %mul3A_220 = arith.constant 2.000000e-01 : f32
        %mul3A_221 = vector.broadcast %mul3A_220 : f32 to vector<16xf32>
        %mul3A_222 = arith.mulf %mul3A_221, %add3A_216 : vector<16xf32>
        %select_n3A_223 = arith.select %ge3A_219, %add3A_216, %mul3A_222 : vector<16xi1>, vector<16xf32>
        %sub3A = arith.subf %select_n3A_223, %select_n3A : vector<16xf32>
        %exp3A = math.exp %sub3A : vector<16xf32>
        %mul3A_224 = arith.constant 16 : i32
        %mul3A_225 = arith.muli %scan3A_203, %mul3A_224 : i32
        %swap3A = arith.index_cast %mul3A_225 : i32 to index
        %swap3A_226 = tpu.vector_load %arg12[%swap3A] {strides = array<i32>} : memref<320xf32, #tpu.memory_space<vmem>>, vector<16xf32>,
        tpu.vector_store %arg12[%swap3A], %exp3A {strides = array<i32>} : memref<320xf32, #tpu.memory_space<vmem>>, vector<16xf32>,
      }
      %scan3A_188 = arith.constant 20 : i32
      %scan3A_189 = arith.constant 0 : i32
      %scan3A_190 = arith.constant 0 : i32
      %scan3A_191 = arith.constant 40 : i32
      %scan3A_192 = arith.addi %scan3A_190, %scan3A_191 : i32
      %scan3A_193 = arith.constant 1 : i32
      scf.for %scan3A_203 = %scan3A_190 to %scan3A_192 step %scan3A_193  : i32 {
        %broadcast_in_dim3A = arith.constant 0 : i32
        %broadcast_in_dim3A_204 = vector.broadcast %broadcast_in_dim3A : i32 to vector<16xi32>
        %mul3A_205 = arith.constant 8 : i32
        %mul3A_206 = arith.muli %scan3A_203, %mul3A_205 : i32
        %add3A_207 = arith.constant 0 : i32
        %add3A_208 = arith.addi %mul3A_206, %add3A_207 : i32
        %add3A_209 = vector.broadcast %add3A_208 : i32 to vector<16xi32>
        %add3A_210 = arith.addi %broadcast_in_dim3A_204, %add3A_209 : vector<16xi32>
        %gather3A_211 = tpu.vector_load_idx %arg12[%add3A_210] : memref<320xf32, #tpu.memory_space<vmem>>[vector<16xi32>], vector<16xf32>,
        %add3A_212 = arith.addi %mul3A_147, %scan3A_203 : i32
        %get3A = arith.index_cast %add3A_212 : i32 to index
        %get3A_213 = arith.constant 0 : index
        %get3A_214 = tpu.vector_load %arg10[%get3A, %get3A_213] {strides = array<i32>} : memref<80x144xf32, #tpu.memory_space<vmem>>, vector<16xf32>,
        %mul3A_215 = arith.mulf %gather3A_211, %get3A_214 : vector<16xf32>
        %add3A_216 = arith.addi %mul3A_147, %scan3A_203 : i32
        %swap3A = arith.index_cast %add3A_216 : i32 to index
        %swap3A_217 = arith.constant 0 : index
        %swap3A_218 = tpu.vector_load %arg13[%swap3A, %swap3A_217] {strides = array<i32>} : memref<80x144xf32, #tpu.memory_space<vmem>>, vector<16xf32>,
        tpu.vector_store %arg13[%swap3A, %swap3A_217], %mul3A_215 {strides = array<i32>} : memref<80x144xf32, #tpu.memory_space<vmem>>, vector<16xf32>,
        %broadcast_in_dim3A_219 = arith.constant 0 : i32
        %broadcast_in_dim3A_220 = vector.broadcast %broadcast_in_dim3A_219 : i32 to vector<16xi32>
        %mul3A_221 = arith.constant 8 : i32
        %mul3A_222 = arith.muli %scan3A_203, %mul3A_221 : i32
        %add3A_223 = arith.constant 1 : i32
        %add3A_224 = arith.addi %mul3A_222, %add3A_223 : i32
        %add3A_225 = vector.broadcast %add3A_224 : i32 to vector<16xi32>
        %add3A_226 = arith.addi %broadcast_in_dim3A_220, %add3A_225 : vector<16xi32>
        %gather3A_227 = tpu.vector_load_idx %arg12[%add3A_226] : memref<320xf32, #tpu.memory_space<vmem>>[vector<16xi32>], vector<16xf32>,
        %add3A_228 = arith.addi %mul3A_147, %scan3A_203 : i32
        %get3A_229 = arith.index_cast %add3A_228 : i32 to index
        %get3A_230 = arith.constant 16 : index
        %get3A_231 = tpu.vector_load %arg10[%get3A_229, %get3A_230] {strides = array<i32>} : memref<80x144xf32, #tpu.memory_space<vmem>>, vector<16xf32>,
        %mul3A_232 = arith.mulf %gather3A_227, %get3A_231 : vector<16xf32>
        %add3A_233 = arith.addi %mul3A_147, %scan3A_203 : i32
        %swap3A_234 = arith.index_cast %add3A_233 : i32 to index
        %swap3A_235 = arith.constant 16 : index
        %swap3A_236 = tpu.vector_load %arg13[%swap3A_234, %swap3A_235] {strides = array<i32>} : memref<80x144xf32, #tpu.memory_space<vmem>>, vector<16xf32>,
        tpu.vector_store %arg13[%swap3A_234, %swap3A_235], %mul3A_232 {strides = array<i32>} : memref<80x144xf32, #tpu.memory_space<vmem>>, vector<16xf32>,
        %broadcast_in_dim3A_237 = arith.constant 0 : i32
        %broadcast_in_dim3A_238 = vector.broadcast %broadcast_in_dim3A_237 : i32 to vector<16xi32>
        %mul3A_239 = arith.constant 8 : i32
        %mul3A_240 = arith.muli %scan3A_203, %mul3A_239 : i32
        %add3A_241 = arith.constant 2 : i32
        %add3A_242 = arith.addi %mul3A_240, %add3A_241 : i32
        %add3A_243 = vector.broadcast %add3A_242 : i32 to vector<16xi32>
        %add3A_244 = arith.addi %broadcast_in_dim3A_238, %add3A_243 : vector<16xi32>
        %gather3A_245 = tpu.vector_load_idx %arg12[%add3A_244] : memref<320xf32, #tpu.memory_space<vmem>>[vector<16xi32>], vector<16xf32>,
        %add3A_246 = arith.addi %mul3A_147, %scan3A_203 : i32
        %get3A_247 = arith.index_cast %add3A_246 : i32 to index
        %get3A_248 = arith.constant 32 : index
        %get3A_249 = tpu.vector_load %arg10[%get3A_247, %get3A_248] {strides = array<i32>} : memref<80x144xf32, #tpu.memory_space<vmem>>, vector<16xf32>,
        %mul3A_250 = arith.mulf %gather3A_245, %get3A_249 : vector<16xf32>
        %add3A_251 = arith.addi %mul3A_147, %scan3A_203 : i32
        %swap3A_252 = arith.index_cast %add3A_251 : i32 to index
        %swap3A_253 = arith.constant 32 : index
        %swap3A_254 = tpu.vector_load %arg13[%swap3A_252, %swap3A_253] {strides = array<i32>} : memref<80x144xf32, #tpu.memory_space<vmem>>, vector<16xf32>,
        tpu.vector_store %arg13[%swap3A_252, %swap3A_253], %mul3A_250 {strides = array<i32>} : memref<80x144xf32, #tpu.memory_space<vmem>>, vector<16xf32>,
        %broadcast_in_dim3A_255 = arith.constant 0 : i32
        %broadcast_in_dim3A_256 = vector.broadcast %broadcast_in_dim3A_255 : i32 to vector<16xi32>
        %mul3A_257 = arith.constant 8 : i32
        %mul3A_258 = arith.muli %scan3A_203, %mul3A_257 : i32
        %add3A_259 = arith.constant 3 : i32
        %add3A_260 = arith.addi %mul3A_258, %add3A_259 : i32
        %add3A_261 = vector.broadcast %add3A_260 : i32 to vector<16xi32>
        %add3A_262 = arith.addi %broadcast_in_dim3A_256, %add3A_261 : vector<16xi32>
        %gather3A_263 = tpu.vector_load_idx %arg12[%add3A_262] : memref<320xf32, #tpu.memory_space<vmem>>[vector<16xi32>], vector<16xf32>,
        %add3A_264 = arith.addi %mul3A_147, %scan3A_203 : i32
        %get3A_265 = arith.index_cast %add3A_264 : i32 to index
        %get3A_266 = arith.constant 48 : index
        %get3A_267 = tpu.vector_load %arg10[%get3A_265, %get3A_266] {strides = array<i32>} : memref<80x144xf32, #tpu.memory_space<vmem>>, vector<16xf32>,
        %mul3A_268 = arith.mulf %gather3A_263, %get3A_267 : vector<16xf32>
        %add3A_269 = arith.addi %mul3A_147, %scan3A_203 : i32
        %swap3A_270 = arith.index_cast %add3A_269 : i32 to index
        %swap3A_271 = arith.constant 48 : index
        %swap3A_272 = tpu.vector_load %arg13[%swap3A_270, %swap3A_271] {strides = array<i32>} : memref<80x144xf32, #tpu.memory_space<vmem>>, vector<16xf32>,
        tpu.vector_store %arg13[%swap3A_270, %swap3A_271], %mul3A_268 {strides = array<i32>} : memref<80x144xf32, #tpu.memory_space<vmem>>, vector<16xf32>,
        %broadcast_in_dim3A_273 = arith.constant 0 : i32
        %broadcast_in_dim3A_274 = vector.broadcast %broadcast_in_dim3A_273 : i32 to vector<16xi32>
        %mul3A_275 = arith.constant 8 : i32
        %mul3A_276 = arith.muli %scan3A_203, %mul3A_275 : i32
        %add3A_277 = arith.constant 4 : i32
        %add3A_278 = arith.addi %mul3A_276, %add3A_277 : i32
        %add3A_279 = vector.broadcast %add3A_278 : i32 to vector<16xi32>
        %add3A_280 = arith.addi %broadcast_in_dim3A_274, %add3A_279 : vector<16xi32>
        %gather3A_281 = tpu.vector_load_idx %arg12[%add3A_280] : memref<320xf32, #tpu.memory_space<vmem>>[vector<16xi32>], vector<16xf32>,
        %add3A_282 = arith.addi %mul3A_147, %scan3A_203 : i32
        %get3A_283 = arith.index_cast %add3A_282 : i32 to index
        %get3A_284 = arith.constant 64 : index
        %get3A_285 = tpu.vector_load %arg10[%get3A_283, %get3A_284] {strides = array<i32>} : memref<80x144xf32, #tpu.memory_space<vmem>>, vector<16xf32>,
        %mul3A_286 = arith.mulf %gather3A_281, %get3A_285 : vector<16xf32>
        %add3A_287 = arith.addi %mul3A_147, %scan3A_203 : i32
        %swap3A_288 = arith.index_cast %add3A_287 : i32 to index
        %swap3A_289 = arith.constant 64 : index
        %swap3A_290 = tpu.vector_load %arg13[%swap3A_288, %swap3A_289] {strides = array<i32>} : memref<80x144xf32, #tpu.memory_space<vmem>>, vector<16xf32>,
        tpu.vector_store %arg13[%swap3A_288, %swap3A_289], %mul3A_286 {strides = array<i32>} : memref<80x144xf32, #tpu.memory_space<vmem>>, vector<16xf32>,
        %broadcast_in_dim3A_291 = arith.constant 0 : i32
        %broadcast_in_dim3A_292 = vector.broadcast %broadcast_in_dim3A_291 : i32 to vector<16xi32>
        %mul3A_293 = arith.constant 8 : i32
        %mul3A_294 = arith.muli %scan3A_203, %mul3A_293 : i32
        %add3A_295 = arith.constant 5 : i32
        %add3A_296 = arith.addi %mul3A_294, %add3A_295 : i32
        %add3A_297 = vector.broadcast %add3A_296 : i32 to vector<16xi32>
        %add3A_298 = arith.addi %broadcast_in_dim3A_292, %add3A_297 : vector<16xi32>
        %gather3A_299 = tpu.vector_load_idx %arg12[%add3A_298] : memref<320xf32, #tpu.memory_space<vmem>>[vector<16xi32>], vector<16xf32>,
        %add3A_300 = arith.addi %mul3A_147, %scan3A_203 : i32
        %get3A_301 = arith.index_cast %add3A_300 : i32 to index
        %get3A_302 = arith.constant 80 : index
        %get3A_303 = tpu.vector_load %arg10[%get3A_301, %get3A_302] {strides = array<i32>} : memref<80x144xf32, #tpu.memory_space<vmem>>, vector<16xf32>,
        %mul3A_304 = arith.mulf %gather3A_299, %get3A_303 : vector<16xf32>
        %add3A_305 = arith.addi %mul3A_147, %scan3A_203 : i32
        %swap3A_306 = arith.index_cast %add3A_305 : i32 to index
        %swap3A_307 = arith.constant 80 : index
        %swap3A_308 = tpu.vector_load %arg13[%swap3A_306, %swap3A_307] {strides = array<i32>} : memref<80x144xf32, #tpu.memory_space<vmem>>, vector<16xf32>,
        tpu.vector_store %arg13[%swap3A_306, %swap3A_307], %mul3A_304 {strides = array<i32>} : memref<80x144xf32, #tpu.memory_space<vmem>>, vector<16xf32>,
        %broadcast_in_dim3A_309 = arith.constant 0 : i32
        %broadcast_in_dim3A_310 = vector.broadcast %broadcast_in_dim3A_309 : i32 to vector<16xi32>
        %mul3A_311 = arith.constant 8 : i32
        %mul3A_312 = arith.muli %scan3A_203, %mul3A_311 : i32
        %add3A_313 = arith.constant 6 : i32
        %add3A_314 = arith.addi %mul3A_312, %add3A_313 : i32
        %add3A_315 = vector.broadcast %add3A_314 : i32 to vector<16xi32>
        %add3A_316 = arith.addi %broadcast_in_dim3A_310, %add3A_315 : vector<16xi32>
        %gather3A_317 = tpu.vector_load_idx %arg12[%add3A_316] : memref<320xf32, #tpu.memory_space<vmem>>[vector<16xi32>], vector<16xf32>,
        %add3A_318 = arith.addi %mul3A_147, %scan3A_203 : i32
        %get3A_319 = arith.index_cast %add3A_318 : i32 to index
        %get3A_320 = arith.constant 96 : index
        %get3A_321 = tpu.vector_load %arg10[%get3A_319, %get3A_320] {strides = array<i32>} : memref<80x144xf32, #tpu.memory_space<vmem>>, vector<16xf32>,
        %mul3A_322 = arith.mulf %gather3A_317, %get3A_321 : vector<16xf32>
        %add3A_323 = arith.addi %mul3A_147, %scan3A_203 : i32
        %swap3A_324 = arith.index_cast %add3A_323 : i32 to index
        %swap3A_325 = arith.constant 96 : index
        %swap3A_326 = tpu.vector_load %arg13[%swap3A_324, %swap3A_325] {strides = array<i32>} : memref<80x144xf32, #tpu.memory_space<vmem>>, vector<16xf32>,
        tpu.vector_store %arg13[%swap3A_324, %swap3A_325], %mul3A_322 {strides = array<i32>} : memref<80x144xf32, #tpu.memory_space<vmem>>, vector<16xf32>,
        %broadcast_in_dim3A_327 = arith.constant 0 : i32
        %broadcast_in_dim3A_328 = vector.broadcast %broadcast_in_dim3A_327 : i32 to vector<16xi32>
        %mul3A_329 = arith.constant 8 : i32
        %mul3A_330 = arith.muli %scan3A_203, %mul3A_329 : i32
        %add3A_331 = arith.constant 7 : i32
        %add3A_332 = arith.addi %mul3A_330, %add3A_331 : i32
        %add3A_333 = vector.broadcast %add3A_332 : i32 to vector<16xi32>
        %add3A_334 = arith.addi %broadcast_in_dim3A_328, %add3A_333 : vector<16xi32>
        %gather3A_335 = tpu.vector_load_idx %arg12[%add3A_334] : memref<320xf32, #tpu.memory_space<vmem>>[vector<16xi32>], vector<16xf32>,
        %add3A_336 = arith.addi %mul3A_147, %scan3A_203 : i32
        %get3A_337 = arith.index_cast %add3A_336 : i32 to index
        %get3A_338 = arith.constant 112 : index
        %get3A_339 = tpu.vector_load %arg10[%get3A_337, %get3A_338] {strides = array<i32>} : memref<80x144xf32, #tpu.memory_space<vmem>>, vector<16xf32>,
        %mul3A_340 = arith.mulf %gather3A_335, %get3A_339 : vector<16xf32>
        %add3A_341 = arith.addi %mul3A_147, %scan3A_203 : i32
        %swap3A_342 = arith.index_cast %add3A_341 : i32 to index
        %swap3A_343 = arith.constant 112 : index
        %swap3A_344 = tpu.vector_load %arg13[%swap3A_342, %swap3A_343] {strides = array<i32>} : memref<80x144xf32, #tpu.memory_space<vmem>>, vector<16xf32>,
        tpu.vector_store %arg13[%swap3A_342, %swap3A_343], %mul3A_340 {strides = array<i32>} : memref<80x144xf32, #tpu.memory_space<vmem>>, vector<16xf32>,
        %mul3A_345 = arith.constant 8 : i32
        %mul3A_346 = arith.muli %scan3A_203, %mul3A_345 : i32
        %add3A_347 = vector.broadcast %mul3A_346 : i32 to vector<16xi32>
        %add3A_348 = arith.addi %add3A_347, %and3A_2 : vector<16xi32>
        %gather3A_349 = tpu.vector_load_idx %arg12[%add3A_348] : memref<320xf32, #tpu.memory_space<vmem>>[vector<16xi32>], vector<16xf32>,
        %lt3A_350 = arith.constant 8 : i32
        %lt3A_351 = vector.broadcast %lt3A_350 : i32 to vector<16xi32>
        %lt3A_352 = arith.cmpi slt, %iota3A, %lt3A_351 : vector<16xi32>
        %jit3A = arith.constant 0.000000e+00 : f32
        %broadcast_in_dim3A_353 = vector.broadcast %jit3A : f32 to vector<16xf32>
        %select_n3A_354 = arith.select %lt3A_352, %gather3A_349, %broadcast_in_dim3A_353 : vector<16xi1>, vector<16xf32>
        %add3A_355 = arith.addi %mul3A_147, %scan3A_203 : i32
        %swap3A_356 = arith.index_cast %add3A_355 : i32 to index
        %swap3A_357 = arith.constant 128 : index
        %swap3A_358 = tpu.vector_load %arg13[%swap3A_356, %swap3A_357] {strides = array<i32>} : memref<80x144xf32, #tpu.memory_space<vmem>>, vector<16xf32>,
        tpu.vector_store %arg13[%swap3A_356, %swap3A_357], %select_n3A_354 {strides = array<i32>} : memref<80x144xf32, #tpu.memory_space<vmem>>, vector<16xf32>,
      }
      %scan3A_194 = arith.constant 40 : i32
      %dma_start3A_195 = arith.constant 0 : i32
      %dma_start3A_196 = tpu.memref_slice %arg13[%multiple_of3A_145, %dma_start3A_195] : memref<80x144xf32, #tpu.memory_space<vmem>> -> memref<40x144xf32, #tpu.memory_space<vmem>>
      %dma_start3A_197 = arith.constant 0 : i32
      %dma_start3A_198 = tpu.memref_slice %arg9[%rem3A_142, %dma_start3A_197] : memref<3x40xi32, #tpu.memory_space<vmem>> -> memref<1x40xi32, #tpu.memory_space<vmem>>
      %dma_start3A_199 = tpu.memref_squeeze %dma_start3A_198 : memref<1x40xi32, #tpu.memory_space<vmem>> -> memref<40xi32, #tpu.memory_space<vmem>>
      %dma_start3A_200 = arith.constant 0 : i32
      %dma_start3A_201 = arith.constant 0 : i32
      %dma_start3A_202 = tpu.memref_slice %arg15[%dma_start3A_200, %dma_start3A_201] : memref<10240x144xf32, #tpu.memory_space<vmem_shared>> -> memref<10240x144xf32, #tpu.memory_space<vmem_shared>>
      tpu.enqueue_indirect_dma source(%dma_start3A_196 : memref<40x144xf32, #tpu.memory_space<vmem>>) target(%dma_start3A_202 : memref<10240x144xf32, #tpu.memory_space<vmem_shared>>) offsets(%dma_start3A_199 : memref<40xi32, #tpu.memory_space<vmem>>) semaphore(%arg18 : memref<!tpu.dma_semaphore, #tpu.memory_space<semaphore_mem>>) {add = true}
    }
    %scan3A_111 = arith.constant 250 : i32
    %multiple_of3A_112 = arith.constant 0 : i32
    %multiple_of3A_113 = tpu.assume_multiple %multiple_of3A_112, 8 : i32
    %dma_wait3A_114 = arith.constant 2 : i32
    %dma_wait3A_115 = arith.constant 0 : i32
    %dma_wait3A_116 = tpu.memref_slice %arg13[%multiple_of3A_113, %dma_wait3A_115] : memref<80x144xf32, #tpu.memory_space<vmem>> -> memref<40x144xf32, #tpu.memory_space<vmem>>
    %dma_wait3A_117 = arith.constant 0 : i32
    %dma_wait3A_118 = tpu.memref_slice %arg9[%dma_wait3A_114, %dma_wait3A_117] : memref<3x40xi32, #tpu.memory_space<vmem>> -> memref<1x40xi32, #tpu.memory_space<vmem>>
    %dma_wait3A_119 = tpu.memref_squeeze %dma_wait3A_118 : memref<1x40xi32, #tpu.memory_space<vmem>> -> memref<40xi32, #tpu.memory_space<vmem>>
    %dma_wait3A_120 = arith.constant 0 : i32
    %dma_wait3A_121 = arith.constant 0 : i32
    %dma_wait3A_122 = tpu.memref_slice %arg15[%dma_wait3A_120, %dma_wait3A_121] : memref<10240x144xf32, #tpu.memory_space<vmem_shared>> -> memref<10240x144xf32, #tpu.memory_space<vmem_shared>>
    tpu.wait_indirect_dma semaphore(%arg18 : memref<!tpu.dma_semaphore, #tpu.memory_space<semaphore_mem>>) src(%dma_wait3A_116 : memref<40x144xf32, #tpu.memory_space<vmem>>) dst(%dma_wait3A_122 : memref<10240x144xf32, #tpu.memory_space<vmem_shared>>)
    %multiple_of3A_123 = arith.constant 40 : i32
    %multiple_of3A_124 = tpu.assume_multiple %multiple_of3A_123, 8 : i32
    %dma_wait3A_125 = arith.constant 0 : i32
    %dma_wait3A_126 = arith.constant 0 : i32
    %dma_wait3A_127 = tpu.memref_slice %arg13[%multiple_of3A_124, %dma_wait3A_126] : memref<80x144xf32, #tpu.memory_space<vmem>> -> memref<40x144xf32, #tpu.memory_space<vmem>>
    %dma_wait3A_128 = arith.constant 0 : i32
    %dma_wait3A_129 = tpu.memref_slice %arg9[%dma_wait3A_125, %dma_wait3A_128] : memref<3x40xi32, #tpu.memory_space<vmem>> -> memref<1x40xi32, #tpu.memory_space<vmem>>
    %dma_wait3A_130 = tpu.memref_squeeze %dma_wait3A_129 : memref<1x40xi32, #tpu.memory_space<vmem>> -> memref<40xi32, #tpu.memory_space<vmem>>
    %dma_wait3A_131 = arith.constant 0 : i32
    %dma_wait3A_132 = arith.constant 0 : i32
    %dma_wait3A_133 = tpu.memref_slice %arg15[%dma_wait3A_131, %dma_wait3A_132] : memref<10240x144xf32, #tpu.memory_space<vmem_shared>> -> memref<10240x144xf32, #tpu.memory_space<vmem_shared>>
    tpu.wait_indirect_dma semaphore(%arg18 : memref<!tpu.dma_semaphore, #tpu.memory_space<semaphore_mem>>) src(%dma_wait3A_127 : memref<40x144xf32, #tpu.memory_space<vmem>>) dst(%dma_wait3A_133 : memref<10240x144xf32, #tpu.memory_space<vmem_shared>>)
    %barrier3A_134 = arith.constant 0 : index
    tpu.barrier barrier_id(%barrier3A_134)
    %mul3A_135 = arith.constant 640 : i32
    %mul3A_136 = arith.muli %arg1, %mul3A_135 : i32
    %mul3A_137 = arith.constant 640 : i32
    %mul3A_138 = arith.muli %arg1, %mul3A_137 : i32
    "tpu.region"() ({
      %run_scoped3A = tpu.sem_alloc : memref<!tpu.dma_semaphore, #tpu.memory_space<semaphore_mem>>
      %dma_start3A_139 = arith.constant 0 : i32
      %dma_start3A_140 = tpu.memref_slice %arg7[%arg0, %mul3A_138, %dma_start3A_139] : memref<2x10240x144xf32, #tpu.memory_space<hbm>> -> memref<1x640x144xf32, #tpu.memory_space<hbm>>
      %dma_start3A_141 = tpu.memref_squeeze %dma_start3A_140 : memref<1x640x144xf32, #tpu.memory_space<hbm>> -> memref<640x144xf32, #tpu.memory_space<hbm>>
      %dma_start3A_142 = arith.constant 0 : i32
      %dma_start3A_143 = tpu.memref_slice %arg15[%mul3A_136, %dma_start3A_142] : memref<10240x144xf32, #tpu.memory_space<vmem_shared>> -> memref<640x144xf32, #tpu.memory_space<vmem_shared>>
      tpu.enqueue_dma source(%dma_start3A_143 : memref<640x144xf32, #tpu.memory_space<vmem_shared>>) target(%dma_start3A_141 : memref<640x144xf32, #tpu.memory_space<hbm>>) target_semaphore(%run_scoped3A : memref<!tpu.dma_semaphore, #tpu.memory_space<semaphore_mem>>)
      %dma_wait3A_144 = arith.constant 0 : i32
      %dma_wait3A_145 = tpu.memref_slice %arg7[%arg0, %mul3A_138, %dma_wait3A_144] : memref<2x10240x144xf32, #tpu.memory_space<hbm>> -> memref<1x640x144xf32, #tpu.memory_space<hbm>>
      %dma_wait3A_146 = tpu.memref_squeeze %dma_wait3A_145 : memref<1x640x144xf32, #tpu.memory_space<hbm>> -> memref<640x144xf32, #tpu.memory_space<hbm>>
      %dma_wait3A_147 = arith.constant 0 : i32
      %dma_wait3A_148 = tpu.memref_slice %arg15[%mul3A_136, %dma_wait3A_147] : memref<10240x144xf32, #tpu.memory_space<vmem_shared>> -> memref<640x144xf32, #tpu.memory_space<vmem_shared>>
      tpu.wait_dma2 semaphore(%run_scoped3A : memref<!tpu.dma_semaphore, #tpu.memory_space<semaphore_mem>>) src(%dma_wait3A_148 : memref<640x144xf32, #tpu.memory_space<vmem_shared>>) dst(%dma_wait3A_146 : memref<640x144xf32, #tpu.memory_space<hbm>>)
      tpu.yield
    }) : () -> ()
    return
  }
}

#map = affine_map<(d0, d1) -> (0)>
#map1 = affine_map<(d0, d1) -> (0, 0)>
#map2 = affine_map<(d0, d1) -> (0, 0, 0)>
module attributes {stable_mosaic.version = 14 : i64} {
  func.func @_edge_body(%arg0: i32, %arg1: i32, %arg2: memref<320000xi32, #tpu.memory_space<hbm>>, %arg3: memref<320000xi32, #tpu.memory_space<hbm>>, %arg4: memref<10000x144xf32, #tpu.memory_space<hbm>>, %arg5: memref<10000x16xf32, #tpu.memory_space<hbm>>, %arg6: memref<16xf32, #tpu.memory_space<hbm>>, %arg7: memref<2x10240x144xf32, #tpu.memory_space<hbm>>, %arg8: memref<3x40xi32, #tpu.memory_space<vmem>>, %arg9: memref<3x40xi32, #tpu.memory_space<vmem>>, %arg10: memref<80x144xf32, #tpu.memory_space<vmem>>, %arg11: memref<80x16xf32, #tpu.memory_space<vmem>>, %arg12: memref<320xf32, #tpu.memory_space<vmem>>, %arg13: memref<80x144xf32, #tpu.memory_space<vmem>>, %arg14: memref<16xf32, #tpu.memory_space<vmem>>, %arg15: memref<10240x144xf32, #tpu.memory_space<vmem_shared>>, %arg16: memref<!tpu.dma_semaphore, #tpu.memory_space<semaphore_mem>>, %arg17: memref<!tpu.dma_semaphore, #tpu.memory_space<semaphore_mem>>, %arg18: memref<!tpu.dma_semaphore, #tpu.memory_space<semaphore_mem>>) attributes {dimension_semantics = [#tpu.dimension_semantics<core_parallel>, #tpu.dimension_semantics<subcore_parallel>], iteration_bounds = array<i64: 2, 16>, scalar_prefetch = 0 : i64, scratch_operands = 11 : i64, tpu.core_type = #tpu.core_type<sc_vector_subcore>, window_params = [{transform_indices = #map}, {transform_indices = #map}, {transform_indices = #map1}, {transform_indices = #map1}, {transform_indices = #map}, {transform_indices = #map2}]} {
    %mul3A = arith.constant 2 : i32
    %mul3A_0 = arith.muli %arg1, %mul3A : i32
    %add3A = arith.addi %mul3A_0, %arg0 : i32
    %iota3A = tpu.iota {dimensions = array<i32: 0>} : vector<16xi32>
    %and3A = arith.constant 7 : i32
    %and3A_1 = vector.broadcast %and3A : i32 to vector<16xi32>
    %and3A_2 = arith.andi %iota3A, %and3A_1 : vector<16xi32>
    %scan3A = arith.constant 0 : i32
    %scan3A_3 = arith.constant 0 : i32
    %scan3A_4 = arith.constant 720 : i32
    %scan3A_5 = arith.addi %scan3A_3, %scan3A_4 : i32
    %scan3A_6 = arith.constant 1 : i32
    scf.for %scan3A_139 = %scan3A_3 to %scan3A_5 step %scan3A_6  : i32 {
      %broadcast_in_dim3A = arith.constant 0.000000e+00 : f32
      %broadcast_in_dim3A_140 = vector.broadcast %broadcast_in_dim3A : f32 to vector<16xf32>
      %jit3A = arith.constant 9 : i32
      %div3A = arith.divsi %scan3A_139, %jit3A : i32
      %sign3A = arith.constant 0 : i32
      %sign3A_141 = arith.cmpi sgt, %scan3A_139, %sign3A : i32
      %sign3A_142 = arith.extui %sign3A_141 : i1 to i32
      %sign3A_143 = arith.constant 0 : i32
      %sign3A_144 = arith.cmpi slt, %scan3A_139, %sign3A_143 : i32
      %sign3A_145 = arith.extui %sign3A_144 : i1 to i32
      %sign3A_146 = arith.subi %sign3A_142, %sign3A_145 : i32
      %sign3A_147 = arith.constant 0 : i32
      %sign3A_148 = arith.cmpi sgt, %jit3A, %sign3A_147 : i32
      %sign3A_149 = arith.extui %sign3A_148 : i1 to i32
      %sign3A_150 = arith.constant 0 : i32
      %sign3A_151 = arith.cmpi slt, %jit3A, %sign3A_150 : i32
      %sign3A_152 = arith.extui %sign3A_151 : i1 to i32
      %sign3A_153 = arith.subi %sign3A_149, %sign3A_152 : i32
      %ne3A = arith.cmpi ne, %sign3A_146, %sign3A_153 : i32
      %rem3A = arith.remsi %scan3A_139, %jit3A : i32
      %ne3A_154 = arith.constant 0 : i32
      %ne3A_155 = arith.cmpi ne, %rem3A, %ne3A_154 : i32
      %and3A_156 = arith.andi %ne3A, %ne3A_155 : i1
      %sub3A = arith.constant 1 : i32
      %sub3A_157 = arith.subi %div3A, %sub3A : i32
      %select_n3A_158 = arith.select %and3A_156, %sub3A_157, %div3A : i32
      %jit3A_159 = arith.constant 9 : i32
      %eq3A = arith.constant 0 : i32
      %eq3A_160 = arith.cmpi eq, %jit3A_159, %eq3A : i32
      %jit3A_161 = arith.constant 1 : i32
      %select_n3A_162 = arith.select %eq3A_160, %jit3A_161, %jit3A_159 : i32
      %rem3A_163 = arith.remsi %scan3A_139, %select_n3A_162 : i32
      %ne3A_164 = arith.constant 0 : i32
      %ne3A_165 = arith.cmpi ne, %rem3A_163, %ne3A_164 : i32
      %lt3A = arith.constant 0 : i32
      %lt3A_166 = arith.cmpi slt, %rem3A_163, %lt3A : i32
      %lt3A_167 = arith.constant 0 : i32
      %lt3A_168 = arith.cmpi slt, %select_n3A_162, %lt3A_167 : i32
      %ne3A_169 = arith.xori %lt3A_166, %lt3A_168 : i1
      %and3A_170 = arith.andi %ne3A_169, %ne3A_165 : i1
      %add3A_171 = arith.addi %rem3A_163, %select_n3A_162 : i32
      %select_n3A_172 = arith.select %and3A_170, %add3A_171, %rem3A_163 : i32
      %mul3A_173 = arith.constant 16 : i32
      %mul3A_174 = arith.muli %select_n3A_172, %mul3A_173 : i32
      %swap3A = arith.index_cast %select_n3A_158 : i32 to index
      %swap3A_175 = arith.index_cast %mul3A_174 : i32 to index
      %swap3A_176 = tpu.vector_load %arg13[%swap3A, %swap3A_175] {strides = array<i32>} : memref<80x144xf32, #tpu.memory_space<vmem>>, vector<16xf32>,
      tpu.vector_store %arg13[%swap3A, %swap3A_175], %broadcast_in_dim3A_140 {strides = array<i32>} : memref<80x144xf32, #tpu.memory_space<vmem>>, vector<16xf32>,
    }
    %scan3A_7 = arith.constant 720 : i32
    %scan3A_8 = arith.constant 0 : i32
    %scan3A_9 = arith.constant 0 : i32
    %scan3A_10 = arith.constant 16 : i32
    %scan3A_11 = arith.addi %scan3A_9, %scan3A_10 : i32
    %scan3A_12 = arith.constant 1 : i32
    scf.for %scan3A_139 = %scan3A_9 to %scan3A_11 step %scan3A_12  : i32 {
      %mul3A_140 = arith.constant 640 : i32
      %mul3A_141 = arith.muli %arg1, %mul3A_140 : i32
      %mul3A_142 = arith.constant 40 : i32
      %mul3A_143 = arith.muli %scan3A_139, %mul3A_142 : i32
      %add3A_144 = arith.addi %mul3A_141, %mul3A_143 : i32
      "tpu.region"() ({
        %run_scoped3A = tpu.sem_alloc : memref<!tpu.dma_semaphore, #tpu.memory_space<semaphore_mem>>
        %dma_start3A_145 = arith.constant 0 : i32
        %dma_start3A_146 = arith.constant 0 : i32
        %dma_start3A_147 = tpu.memref_slice %arg13[%dma_start3A_145, %dma_start3A_146] : memref<80x144xf32, #tpu.memory_space<vmem>> -> memref<40x144xf32, #tpu.memory_space<vmem>>
        %dma_start3A_148 = arith.constant 0 : i32
        %dma_start3A_149 = tpu.memref_slice %arg15[%add3A_144, %dma_start3A_148] : memref<10240x144xf32, #tpu.memory_space<vmem_shared>> -> memref<40x144xf32, #tpu.memory_space<vmem_shared>>
        %dma_start3A_150 = arith.constant 0 : i32
        %dma_start3A_151 = tpu.memref_slice %arg15[%add3A_144, %dma_start3A_150] : memref<10240x144xf32, #tpu.memory_space<vmem_shared>> -> memref<40x144xf32, #tpu.memory_space<vmem_shared>>
        %dma_start3A_152 = arith.constant 0 : i32
        %dma_start3A_153 = arith.constant 0 : i32
        %dma_start3A_154 = tpu.memref_slice %arg13[%dma_start3A_152, %dma_start3A_153] : memref<80x144xf32, #tpu.memory_space<vmem>> -> memref<40x144xf32, #tpu.memory_space<vmem>>
        tpu.enqueue_dma source(%dma_start3A_154 : memref<40x144xf32, #tpu.memory_space<vmem>>) target(%dma_start3A_151 : memref<40x144xf32, #tpu.memory_space<vmem_shared>>) target_semaphore(%run_scoped3A : memref<!tpu.dma_semaphore, #tpu.memory_space<semaphore_mem>>)
        %dma_wait3A_155 = arith.constant 0 : i32
        %dma_wait3A_156 = arith.constant 0 : i32
        %dma_wait3A_157 = tpu.memref_slice %arg13[%dma_wait3A_155, %dma_wait3A_156] : memref<80x144xf32, #tpu.memory_space<vmem>> -> memref<40x144xf32, #tpu.memory_space<vmem>>
        %dma_wait3A_158 = arith.constant 0 : i32
        %dma_wait3A_159 = tpu.memref_slice %arg15[%add3A_144, %dma_wait3A_158] : memref<10240x144xf32, #tpu.memory_space<vmem_shared>> -> memref<40x144xf32, #tpu.memory_space<vmem_shared>>
        %dma_wait3A_160 = arith.constant 0 : i32
        %dma_wait3A_161 = tpu.memref_slice %arg15[%add3A_144, %dma_wait3A_160] : memref<10240x144xf32, #tpu.memory_space<vmem_shared>> -> memref<40x144xf32, #tpu.memory_space<vmem_shared>>
        %dma_wait3A_162 = arith.constant 0 : i32
        %dma_wait3A_163 = arith.constant 0 : i32
        %dma_wait3A_164 = tpu.memref_slice %arg13[%dma_wait3A_162, %dma_wait3A_163] : memref<80x144xf32, #tpu.memory_space<vmem>> -> memref<40x144xf32, #tpu.memory_space<vmem>>
        tpu.wait_dma2 semaphore(%run_scoped3A : memref<!tpu.dma_semaphore, #tpu.memory_space<semaphore_mem>>) src(%dma_wait3A_164 : memref<40x144xf32, #tpu.memory_space<vmem>>) dst(%dma_wait3A_161 : memref<40x144xf32, #tpu.memory_space<vmem_shared>>)
        tpu.yield
      }) : () -> ()
    }
    %scan3A_13 = arith.constant 16 : i32
    %barrier3A = arith.constant 0 : index
    tpu.barrier barrier_id(%barrier3A)
    "tpu.region"() ({
      %run_scoped3A = tpu.sem_alloc : memref<!tpu.dma_semaphore, #tpu.memory_space<semaphore_mem>>
      tpu.enqueue_dma source(%arg6 : memref<16xf32, #tpu.memory_space<hbm>>) target(%arg14 : memref<16xf32, #tpu.memory_space<vmem>>) target_semaphore(%run_scoped3A : memref<!tpu.dma_semaphore, #tpu.memory_space<semaphore_mem>>)
      tpu.wait_dma2 semaphore(%run_scoped3A : memref<!tpu.dma_semaphore, #tpu.memory_space<semaphore_mem>>) src(%arg6 : memref<16xf32, #tpu.memory_space<hbm>>) dst(%arg14 : memref<16xf32, #tpu.memory_space<vmem>>)
      tpu.yield
    }) : () -> ()
    %gather3A = tpu.vector_load_idx %arg14[%and3A_2] : memref<16xf32, #tpu.memory_space<vmem>>[vector<16xi32>], vector<16xf32>,
    %add3A_14 = arith.constant 8 : i32
    %add3A_15 = vector.broadcast %add3A_14 : i32 to vector<16xi32>
    %add3A_16 = arith.addi %and3A_2, %add3A_15 : vector<16xi32>
    %gather3A_17 = tpu.vector_load_idx %arg14[%add3A_16] : memref<16xf32, #tpu.memory_space<vmem>>[vector<16xi32>], vector<16xf32>,
    %add3A_18 = arith.addf %gather3A, %gather3A_17 : vector<16xf32>
    %ge3A = arith.constant 0.000000e+00 : f32
    %ge3A_19 = vector.broadcast %ge3A : f32 to vector<16xf32>
    %ge3A_20 = arith.cmpf oge, %add3A_18, %ge3A_19 : vector<16xf32>
    %mul3A_21 = arith.constant 2.000000e-01 : f32
    %mul3A_22 = vector.broadcast %mul3A_21 : f32 to vector<16xf32>
    %mul3A_23 = arith.mulf %mul3A_22, %add3A_18 : vector<16xf32>
    %select_n3A = arith.select %ge3A_20, %add3A_18, %mul3A_23 : vector<16xi1>, vector<16xf32>
    %mul3A_24 = arith.constant 10000 : i32
    %mul3A_25 = arith.muli %add3A, %mul3A_24 : i32
    %add3A_26 = arith.constant 0 : i32
    %add3A_27 = arith.addi %mul3A_25, %add3A_26 : i32
    %multiple_of3A = tpu.assume_multiple %add3A_27, 8 : i32
    %dma_start3A = arith.constant 0 : i32
    %dma_start3A_28 = arith.constant 0 : i32
    %dma_start3A_29 = tpu.memref_slice %arg8[%dma_start3A, %dma_start3A_28] : memref<3x40xi32, #tpu.memory_space<vmem>> -> memref<1x40xi32, #tpu.memory_space<vmem>>
    %dma_start3A_30 = tpu.memref_squeeze %dma_start3A_29 : memref<1x40xi32, #tpu.memory_space<vmem>> -> memref<40xi32, #tpu.memory_space<vmem>>
    %dma_start3A_31 = tpu.memref_slice %arg2[%multiple_of3A] : memref<320000xi32, #tpu.memory_space<hbm>> -> memref<40xi32, #tpu.memory_space<hbm>>
    %dma_start3A_32 = arith.constant 0 : i32
    %dma_start3A_33 = tpu.memref_slice %arg8[%dma_start3A, %dma_start3A_32] : memref<3x40xi32, #tpu.memory_space<vmem>> -> memref<1x40xi32, #tpu.memory_space<vmem>>
    %dma_start3A_34 = tpu.memref_squeeze %dma_start3A_33 : memref<1x40xi32, #tpu.memory_space<vmem>> -> memref<40xi32, #tpu.memory_space<vmem>>
    %dma_start3A_35 = tpu.memref_slice %arg2[%multiple_of3A] : memref<320000xi32, #tpu.memory_space<hbm>> -> memref<40xi32, #tpu.memory_space<hbm>>
    tpu.enqueue_dma source(%dma_start3A_35 : memref<40xi32, #tpu.memory_space<hbm>>) target(%dma_start3A_34 : memref<40xi32, #tpu.memory_space<vmem>>) target_semaphore(%arg17 : memref<!tpu.dma_semaphore, #tpu.memory_space<semaphore_mem>>)
    %dma_start3A_36 = arith.constant 0 : i32
    %dma_start3A_37 = arith.constant 0 : i32
    %dma_start3A_38 = tpu.memref_slice %arg9[%dma_start3A_36, %dma_start3A_37] : memref<3x40xi32, #tpu.memory_space<vmem>> -> memref<1x40xi32, #tpu.memory_space<vmem>>
    %dma_start3A_39 = tpu.memref_squeeze %dma_start3A_38 : memref<1x40xi32, #tpu.memory_space<vmem>> -> memref<40xi32, #tpu.memory_space<vmem>>
    %dma_start3A_40 = tpu.memref_slice %arg3[%multiple_of3A] : memref<320000xi32, #tpu.memory_space<hbm>> -> memref<40xi32, #tpu.memory_space<hbm>>
    %dma_start3A_41 = arith.constant 0 : i32
    %dma_start3A_42 = tpu.memref_slice %arg9[%dma_start3A_36, %dma_start3A_41] : memref<3x40xi32, #tpu.memory_space<vmem>> -> memref<1x40xi32, #tpu.memory_space<vmem>>
    %dma_start3A_43 = tpu.memref_squeeze %dma_start3A_42 : memref<1x40xi32, #tpu.memory_space<vmem>> -> memref<40xi32, #tpu.memory_space<vmem>>
    %dma_start3A_44 = tpu.memref_slice %arg3[%multiple_of3A] : memref<320000xi32, #tpu.memory_space<hbm>> -> memref<40xi32, #tpu.memory_space<hbm>>
    tpu.enqueue_dma source(%dma_start3A_44 : memref<40xi32, #tpu.memory_space<hbm>>) target(%dma_start3A_43 : memref<40xi32, #tpu.memory_space<vmem>>) target_semaphore(%arg17 : memref<!tpu.dma_semaphore, #tpu.memory_space<semaphore_mem>>)
    %add3A_45 = arith.constant 0 : i32
    %add3A_46 = arith.addi %mul3A_25, %add3A_45 : i32
    %multiple_of3A_47 = tpu.assume_multiple %add3A_46, 8 : i32
    %dma_wait3A = arith.constant 0 : i32
    %dma_wait3A_48 = arith.constant 0 : i32
    %dma_wait3A_49 = tpu.memref_slice %arg8[%dma_wait3A, %dma_wait3A_48] : memref<3x40xi32, #tpu.memory_space<vmem>> -> memref<1x40xi32, #tpu.memory_space<vmem>>
    %dma_wait3A_50 = tpu.memref_squeeze %dma_wait3A_49 : memref<1x40xi32, #tpu.memory_space<vmem>> -> memref<40xi32, #tpu.memory_space<vmem>>
    %dma_wait3A_51 = tpu.memref_slice %arg2[%multiple_of3A_47] : memref<320000xi32, #tpu.memory_space<hbm>> -> memref<40xi32, #tpu.memory_space<hbm>>
    %dma_wait3A_52 = arith.constant 0 : i32
    %dma_wait3A_53 = tpu.memref_slice %arg8[%dma_wait3A, %dma_wait3A_52] : memref<3x40xi32, #tpu.memory_space<vmem>> -> memref<1x40xi32, #tpu.memory_space<vmem>>
    %dma_wait3A_54 = tpu.memref_squeeze %dma_wait3A_53 : memref<1x40xi32, #tpu.memory_space<vmem>> -> memref<40xi32, #tpu.memory_space<vmem>>
    %dma_wait3A_55 = tpu.memref_slice %arg2[%multiple_of3A_47] : memref<320000xi32, #tpu.memory_space<hbm>> -> memref<40xi32, #tpu.memory_space<hbm>>
    tpu.wait_dma2 semaphore(%arg17 : memref<!tpu.dma_semaphore, #tpu.memory_space<semaphore_mem>>) src(%dma_wait3A_55 : memref<40xi32, #tpu.memory_space<hbm>>) dst(%dma_wait3A_54 : memref<40xi32, #tpu.memory_space<vmem>>)
    %dma_wait3A_56 = arith.constant 0 : i32
    %dma_wait3A_57 = arith.constant 0 : i32
    %dma_wait3A_58 = tpu.memref_slice %arg9[%dma_wait3A_56, %dma_wait3A_57] : memref<3x40xi32, #tpu.memory_space<vmem>> -> memref<1x40xi32, #tpu.memory_space<vmem>>
    %dma_wait3A_59 = tpu.memref_squeeze %dma_wait3A_58 : memref<1x40xi32, #tpu.memory_space<vmem>> -> memref<40xi32, #tpu.memory_space<vmem>>
    %dma_wait3A_60 = tpu.memref_slice %arg3[%multiple_of3A_47] : memref<320000xi32, #tpu.memory_space<hbm>> -> memref<40xi32, #tpu.memory_space<hbm>>
    %dma_wait3A_61 = arith.constant 0 : i32
    %dma_wait3A_62 = tpu.memref_slice %arg9[%dma_wait3A_56, %dma_wait3A_61] : memref<3x40xi32, #tpu.memory_space<vmem>> -> memref<1x40xi32, #tpu.memory_space<vmem>>
    %dma_wait3A_63 = tpu.memref_squeeze %dma_wait3A_62 : memref<1x40xi32, #tpu.memory_space<vmem>> -> memref<40xi32, #tpu.memory_space<vmem>>
    %dma_wait3A_64 = tpu.memref_slice %arg3[%multiple_of3A_47] : memref<320000xi32, #tpu.memory_space<hbm>> -> memref<40xi32, #tpu.memory_space<hbm>>
    tpu.wait_dma2 semaphore(%arg17 : memref<!tpu.dma_semaphore, #tpu.memory_space<semaphore_mem>>) src(%dma_wait3A_64 : memref<40xi32, #tpu.memory_space<hbm>>) dst(%dma_wait3A_63 : memref<40xi32, #tpu.memory_space<vmem>>)
    %multiple_of3A_65 = arith.constant 0 : i32
    %multiple_of3A_66 = tpu.assume_multiple %multiple_of3A_65, 8 : i32
    %dma_start3A_67 = arith.constant 0 : i32
    %dma_start3A_68 = arith.constant 0 : i32
    %dma_start3A_69 = tpu.memref_slice %arg10[%multiple_of3A_66, %dma_start3A_68] : memref<80x144xf32, #tpu.memory_space<vmem>> -> memref<40x144xf32, #tpu.memory_space<vmem>>
    %dma_start3A_70 = arith.constant 0 : i32
    %dma_start3A_71 = tpu.memref_slice %arg8[%dma_start3A_67, %dma_start3A_70] : memref<3x40xi32, #tpu.memory_space<vmem>> -> memref<1x40xi32, #tpu.memory_space<vmem>>
    %dma_start3A_72 = tpu.memref_squeeze %dma_start3A_71 : memref<1x40xi32, #tpu.memory_space<vmem>> -> memref<40xi32, #tpu.memory_space<vmem>>
    %dma_start3A_73 = arith.constant 0 : i32
    %dma_start3A_74 = arith.constant 0 : i32
    %dma_start3A_75 = tpu.memref_slice %arg4[%dma_start3A_73, %dma_start3A_74] : memref<10000x144xf32, #tpu.memory_space<hbm>> -> memref<10000x144xf32, #tpu.memory_space<hbm>>
    tpu.enqueue_indirect_dma source(%dma_start3A_75 : memref<10000x144xf32, #tpu.memory_space<hbm>>) target(%dma_start3A_69 : memref<40x144xf32, #tpu.memory_space<vmem>>) offsets(%dma_start3A_72 : memref<40xi32, #tpu.memory_space<vmem>>) semaphore(%arg16 : memref<!tpu.dma_semaphore, #tpu.memory_space<semaphore_mem>>)
    %dma_start3A_76 = arith.constant 0 : i32
    %dma_start3A_77 = arith.constant 0 : i32
    %dma_start3A_78 = tpu.memref_slice %arg11[%multiple_of3A_66, %dma_start3A_77] : memref<80x16xf32, #tpu.memory_space<vmem>> -> memref<40x16xf32, #tpu.memory_space<vmem>>
    %dma_start3A_79 = arith.constant 0 : i32
    %dma_start3A_80 = tpu.memref_slice %arg9[%dma_start3A_76, %dma_start3A_79] : memref<3x40xi32, #tpu.memory_space<vmem>> -> memref<1x40xi32, #tpu.memory_space<vmem>>
    %dma_start3A_81 = tpu.memref_squeeze %dma_start3A_80 : memref<1x40xi32, #tpu.memory_space<vmem>> -> memref<40xi32, #tpu.memory_space<vmem>>
    %dma_start3A_82 = arith.constant 0 : i32
    %dma_start3A_83 = arith.constant 0 : i32
    %dma_start3A_84 = tpu.memref_slice %arg5[%dma_start3A_82, %dma_start3A_83] : memref<10000x16xf32, #tpu.memory_space<hbm>> -> memref<10000x16xf32, #tpu.memory_space<hbm>>
    tpu.enqueue_indirect_dma source(%dma_start3A_84 : memref<10000x16xf32, #tpu.memory_space<hbm>>) target(%dma_start3A_78 : memref<40x16xf32, #tpu.memory_space<vmem>>) offsets(%dma_start3A_81 : memref<40xi32, #tpu.memory_space<vmem>>) semaphore(%arg16 : memref<!tpu.dma_semaphore, #tpu.memory_space<semaphore_mem>>)
    %add3A_85 = arith.constant 40 : i32
    %add3A_86 = arith.addi %mul3A_25, %add3A_85 : i32
    %multiple_of3A_87 = tpu.assume_multiple %add3A_86, 8 : i32
    %dma_start3A_88 = arith.constant 1 : i32
    %dma_start3A_89 = arith.constant 0 : i32
    %dma_start3A_90 = tpu.memref_slice %arg8[%dma_start3A_88, %dma_start3A_89] : memref<3x40xi32, #tpu.memory_space<vmem>> -> memref<1x40xi32, #tpu.memory_space<vmem>>
    %dma_start3A_91 = tpu.memref_squeeze %dma_start3A_90 : memref<1x40xi32, #tpu.memory_space<vmem>> -> memref<40xi32, #tpu.memory_space<vmem>>
    %dma_start3A_92 = tpu.memref_slice %arg2[%multiple_of3A_87] : memref<320000xi32, #tpu.memory_space<hbm>> -> memref<40xi32, #tpu.memory_space<hbm>>
    %dma_start3A_93 = arith.constant 0 : i32
    %dma_start3A_94 = tpu.memref_slice %arg8[%dma_start3A_88, %dma_start3A_93] : memref<3x40xi32, #tpu.memory_space<vmem>> -> memref<1x40xi32, #tpu.memory_space<vmem>>
    %dma_start3A_95 = tpu.memref_squeeze %dma_start3A_94 : memref<1x40xi32, #tpu.memory_space<vmem>> -> memref<40xi32, #tpu.memory_space<vmem>>
    %dma_start3A_96 = tpu.memref_slice %arg2[%multiple_of3A_87] : memref<320000xi32, #tpu.memory_space<hbm>> -> memref<40xi32, #tpu.memory_space<hbm>>
    tpu.enqueue_dma source(%dma_start3A_96 : memref<40xi32, #tpu.memory_space<hbm>>) target(%dma_start3A_95 : memref<40xi32, #tpu.memory_space<vmem>>) target_semaphore(%arg17 : memref<!tpu.dma_semaphore, #tpu.memory_space<semaphore_mem>>)
    %dma_start3A_97 = arith.constant 1 : i32
    %dma_start3A_98 = arith.constant 0 : i32
    %dma_start3A_99 = tpu.memref_slice %arg9[%dma_start3A_97, %dma_start3A_98] : memref<3x40xi32, #tpu.memory_space<vmem>> -> memref<1x40xi32, #tpu.memory_space<vmem>>
    %dma_start3A_100 = tpu.memref_squeeze %dma_start3A_99 : memref<1x40xi32, #tpu.memory_space<vmem>> -> memref<40xi32, #tpu.memory_space<vmem>>
    %dma_start3A_101 = tpu.memref_slice %arg3[%multiple_of3A_87] : memref<320000xi32, #tpu.memory_space<hbm>> -> memref<40xi32, #tpu.memory_space<hbm>>
    %dma_start3A_102 = arith.constant 0 : i32
    %dma_start3A_103 = tpu.memref_slice %arg9[%dma_start3A_97, %dma_start3A_102] : memref<3x40xi32, #tpu.memory_space<vmem>> -> memref<1x40xi32, #tpu.memory_space<vmem>>
    %dma_start3A_104 = tpu.memref_squeeze %dma_start3A_103 : memref<1x40xi32, #tpu.memory_space<vmem>> -> memref<40xi32, #tpu.memory_space<vmem>>
    %dma_start3A_105 = tpu.memref_slice %arg3[%multiple_of3A_87] : memref<320000xi32, #tpu.memory_space<hbm>> -> memref<40xi32, #tpu.memory_space<hbm>>
    tpu.enqueue_dma source(%dma_start3A_105 : memref<40xi32, #tpu.memory_space<hbm>>) target(%dma_start3A_104 : memref<40xi32, #tpu.memory_space<vmem>>) target_semaphore(%arg17 : memref<!tpu.dma_semaphore, #tpu.memory_space<semaphore_mem>>)
    %scan3A_106 = arith.constant 0 : i32
    %scan3A_107 = arith.constant 0 : i32
    %scan3A_108 = arith.constant 250 : i32
    %scan3A_109 = arith.addi %scan3A_107, %scan3A_108 : i32
    %scan3A_110 = arith.constant 1 : i32
    scf.for %scan3A_139 = %scan3A_107 to %scan3A_109 step %scan3A_110  : i32 {
      %rem3A = arith.constant 2 : i32
      %rem3A_140 = arith.remsi %scan3A_139, %rem3A : i32
      %rem3A_141 = arith.constant 3 : i32
      %rem3A_142 = arith.remsi %scan3A_139, %rem3A_141 : i32
      %mul3A_143 = arith.constant 40 : i32
      %mul3A_144 = arith.muli %rem3A_140, %mul3A_143 : i32
      %multiple_of3A_145 = tpu.assume_multiple %mul3A_144, 8 : i32
      %mul3A_146 = arith.constant 40 : i32
      %mul3A_147 = arith.muli %rem3A_140, %mul3A_146 : i32
      %mul3A_148 = arith.constant 40 : i32
      %mul3A_149 = arith.muli %rem3A_140, %mul3A_148 : i32
      %multiple_of3A_150 = tpu.assume_multiple %mul3A_149, 8 : i32
      %dma_wait3A_151 = arith.constant 0 : i32
      %dma_wait3A_152 = tpu.memref_slice %arg10[%multiple_of3A_150, %dma_wait3A_151] : memref<80x144xf32, #tpu.memory_space<vmem>> -> memref<40x144xf32, #tpu.memory_space<vmem>>
      %dma_wait3A_153 = arith.constant 0 : i32
      %dma_wait3A_154 = tpu.memref_slice %arg8[%rem3A_142, %dma_wait3A_153] : memref<3x40xi32, #tpu.memory_space<vmem>> -> memref<1x40xi32, #tpu.memory_space<vmem>>
      %dma_wait3A_155 = tpu.memref_squeeze %dma_wait3A_154 : memref<1x40xi32, #tpu.memory_space<vmem>> -> memref<40xi32, #tpu.memory_space<vmem>>
      %dma_wait3A_156 = arith.constant 0 : i32
      %dma_wait3A_157 = arith.constant 0 : i32
      %dma_wait3A_158 = tpu.memref_slice %arg4[%dma_wait3A_156, %dma_wait3A_157] : memref<10000x144xf32, #tpu.memory_space<hbm>> -> memref<10000x144xf32, #tpu.memory_space<hbm>>
      tpu.wait_indirect_dma semaphore(%arg16 : memref<!tpu.dma_semaphore, #tpu.memory_space<semaphore_mem>>) src(%dma_wait3A_158 : memref<10000x144xf32, #tpu.memory_space<hbm>>) dst(%dma_wait3A_152 : memref<40x144xf32, #tpu.memory_space<vmem>>)
      %dma_wait3A_159 = arith.constant 0 : i32
      %dma_wait3A_160 = tpu.memref_slice %arg11[%multiple_of3A_150, %dma_wait3A_159] : memref<80x16xf32, #tpu.memory_space<vmem>> -> memref<40x16xf32, #tpu.memory_space<vmem>>
      %dma_wait3A_161 = arith.constant 0 : i32
      %dma_wait3A_162 = tpu.memref_slice %arg9[%rem3A_142, %dma_wait3A_161] : memref<3x40xi32, #tpu.memory_space<vmem>> -> memref<1x40xi32, #tpu.memory_space<vmem>>
      %dma_wait3A_163 = tpu.memref_squeeze %dma_wait3A_162 : memref<1x40xi32, #tpu.memory_space<vmem>> -> memref<40xi32, #tpu.memory_space<vmem>>
      %dma_wait3A_164 = arith.constant 0 : i32
      %dma_wait3A_165 = arith.constant 0 : i32
      %dma_wait3A_166 = tpu.memref_slice %arg5[%dma_wait3A_164, %dma_wait3A_165] : memref<10000x16xf32, #tpu.memory_space<hbm>> -> memref<10000x16xf32, #tpu.memory_space<hbm>>
      tpu.wait_indirect_dma semaphore(%arg16 : memref<!tpu.dma_semaphore, #tpu.memory_space<semaphore_mem>>) src(%dma_wait3A_166 : memref<10000x16xf32, #tpu.memory_space<hbm>>) dst(%dma_wait3A_160 : memref<40x16xf32, #tpu.memory_space<vmem>>)
      %add3A_167 = arith.constant 1 : i32
      %add3A_168 = arith.addi %scan3A_139, %add3A_167 : i32
      %lt3A = arith.constant 250 : i32
      %lt3A_169 = arith.cmpi slt, %add3A_168, %lt3A : i32
      %convert_element_type3A = arith.extui %lt3A_169 : i1 to i32
      %cond3A = arith.constant 0 : i32
      %cond3A_170 = arith.cmpi ne, %convert_element_type3A, %cond3A : i32
      scf.if %cond3A_170 {
        %add3A_203 = arith.constant 1 : i32
        %add3A_204 = arith.addi %scan3A_139, %add3A_203 : i32
        %rem3A_205 = arith.constant 3 : i32
        %rem3A_206 = arith.remsi %add3A_204, %rem3A_205 : i32
        %add3A_207 = arith.constant 1 : i32
        %add3A_208 = arith.addi %scan3A_139, %add3A_207 : i32
        %mul3A_209 = arith.constant 40 : i32
        %mul3A_210 = arith.muli %add3A_208, %mul3A_209 : i32
        %add3A_211 = arith.addi %mul3A_25, %mul3A_210 : i32
        %multiple_of3A_212 = tpu.assume_multiple %add3A_211, 8 : i32
        %dma_wait3A_213 = arith.constant 0 : i32
        %dma_wait3A_214 = tpu.memref_slice %arg8[%rem3A_206, %dma_wait3A_213] : memref<3x40xi32, #tpu.memory_space<vmem>> -> memref<1x40xi32, #tpu.memory_space<vmem>>
        %dma_wait3A_215 = tpu.memref_squeeze %dma_wait3A_214 : memref<1x40xi32, #tpu.memory_space<vmem>> -> memref<40xi32, #tpu.memory_space<vmem>>
        %dma_wait3A_216 = tpu.memref_slice %arg2[%multiple_of3A_212] : memref<320000xi32, #tpu.memory_space<hbm>> -> memref<40xi32, #tpu.memory_space<hbm>>
        %dma_wait3A_217 = arith.constant 0 : i32
        %dma_wait3A_218 = tpu.memref_slice %arg8[%rem3A_206, %dma_wait3A_217] : memref<3x40xi32, #tpu.memory_space<vmem>> -> memref<1x40xi32, #tpu.memory_space<vmem>>
        %dma_wait3A_219 = tpu.memref_squeeze %dma_wait3A_218 : memref<1x40xi32, #tpu.memory_space<vmem>> -> memref<40xi32, #tpu.memory_space<vmem>>
        %dma_wait3A_220 = tpu.memref_slice %arg2[%multiple_of3A_212] : memref<320000xi32, #tpu.memory_space<hbm>> -> memref<40xi32, #tpu.memory_space<hbm>>
        tpu.wait_dma2 semaphore(%arg17 : memref<!tpu.dma_semaphore, #tpu.memory_space<semaphore_mem>>) src(%dma_wait3A_220 : memref<40xi32, #tpu.memory_space<hbm>>) dst(%dma_wait3A_219 : memref<40xi32, #tpu.memory_space<vmem>>)
        %dma_wait3A_221 = arith.constant 0 : i32
        %dma_wait3A_222 = tpu.memref_slice %arg9[%rem3A_206, %dma_wait3A_221] : memref<3x40xi32, #tpu.memory_space<vmem>> -> memref<1x40xi32, #tpu.memory_space<vmem>>
        %dma_wait3A_223 = tpu.memref_squeeze %dma_wait3A_222 : memref<1x40xi32, #tpu.memory_space<vmem>> -> memref<40xi32, #tpu.memory_space<vmem>>
        %dma_wait3A_224 = tpu.memref_slice %arg3[%multiple_of3A_212] : memref<320000xi32, #tpu.memory_space<hbm>> -> memref<40xi32, #tpu.memory_space<hbm>>
        %dma_wait3A_225 = arith.constant 0 : i32
        %dma_wait3A_226 = tpu.memref_slice %arg9[%rem3A_206, %dma_wait3A_225] : memref<3x40xi32, #tpu.memory_space<vmem>> -> memref<1x40xi32, #tpu.memory_space<vmem>>
        %dma_wait3A_227 = tpu.memref_squeeze %dma_wait3A_226 : memref<1x40xi32, #tpu.memory_space<vmem>> -> memref<40xi32, #tpu.memory_space<vmem>>
        %dma_wait3A_228 = tpu.memref_slice %arg3[%multiple_of3A_212] : memref<320000xi32, #tpu.memory_space<hbm>> -> memref<40xi32, #tpu.memory_space<hbm>>
        tpu.wait_dma2 semaphore(%arg17 : memref<!tpu.dma_semaphore, #tpu.memory_space<semaphore_mem>>) src(%dma_wait3A_228 : memref<40xi32, #tpu.memory_space<hbm>>) dst(%dma_wait3A_227 : memref<40xi32, #tpu.memory_space<vmem>>)
        %sub3A = arith.constant 1 : i32
        %sub3A_229 = arith.subi %sub3A, %rem3A_140 : i32
        %mul3A_230 = arith.constant 40 : i32
        %mul3A_231 = arith.muli %sub3A_229, %mul3A_230 : i32
        %multiple_of3A_232 = tpu.assume_multiple %mul3A_231, 8 : i32
        %dma_start3A_233 = arith.constant 0 : i32
        %dma_start3A_234 = tpu.memref_slice %arg10[%multiple_of3A_232, %dma_start3A_233] : memref<80x144xf32, #tpu.memory_space<vmem>> -> memref<40x144xf32, #tpu.memory_space<vmem>>
        %dma_start3A_235 = arith.constant 0 : i32
        %dma_start3A_236 = tpu.memref_slice %arg8[%rem3A_206, %dma_start3A_235] : memref<3x40xi32, #tpu.memory_space<vmem>> -> memref<1x40xi32, #tpu.memory_space<vmem>>
        %dma_start3A_237 = tpu.memref_squeeze %dma_start3A_236 : memref<1x40xi32, #tpu.memory_space<vmem>> -> memref<40xi32, #tpu.memory_space<vmem>>
        %dma_start3A_238 = arith.constant 0 : i32
        %dma_start3A_239 = arith.constant 0 : i32
        %dma_start3A_240 = tpu.memref_slice %arg4[%dma_start3A_238, %dma_start3A_239] : memref<10000x144xf32, #tpu.memory_space<hbm>> -> memref<10000x144xf32, #tpu.memory_space<hbm>>
        tpu.enqueue_indirect_dma source(%dma_start3A_240 : memref<10000x144xf32, #tpu.memory_space<hbm>>) target(%dma_start3A_234 : memref<40x144xf32, #tpu.memory_space<vmem>>) offsets(%dma_start3A_237 : memref<40xi32, #tpu.memory_space<vmem>>) semaphore(%arg16 : memref<!tpu.dma_semaphore, #tpu.memory_space<semaphore_mem>>)
        %dma_start3A_241 = arith.constant 0 : i32
        %dma_start3A_242 = tpu.memref_slice %arg11[%multiple_of3A_232, %dma_start3A_241] : memref<80x16xf32, #tpu.memory_space<vmem>> -> memref<40x16xf32, #tpu.memory_space<vmem>>
        %dma_start3A_243 = arith.constant 0 : i32
        %dma_start3A_244 = tpu.memref_slice %arg9[%rem3A_206, %dma_start3A_243] : memref<3x40xi32, #tpu.memory_space<vmem>> -> memref<1x40xi32, #tpu.memory_space<vmem>>
        %dma_start3A_245 = tpu.memref_squeeze %dma_start3A_244 : memref<1x40xi32, #tpu.memory_space<vmem>> -> memref<40xi32, #tpu.memory_space<vmem>>
        %dma_start3A_246 = arith.constant 0 : i32
        %dma_start3A_247 = arith.constant 0 : i32
        %dma_start3A_248 = tpu.memref_slice %arg5[%dma_start3A_246, %dma_start3A_247] : memref<10000x16xf32, #tpu.memory_space<hbm>> -> memref<10000x16xf32, #tpu.memory_space<hbm>>
        tpu.enqueue_indirect_dma source(%dma_start3A_248 : memref<10000x16xf32, #tpu.memory_space<hbm>>) target(%dma_start3A_242 : memref<40x16xf32, #tpu.memory_space<vmem>>) offsets(%dma_start3A_245 : memref<40xi32, #tpu.memory_space<vmem>>) semaphore(%arg16 : memref<!tpu.dma_semaphore, #tpu.memory_space<semaphore_mem>>)
      } else {
      }
      %add3A_171 = arith.constant 2 : i32
      %add3A_172 = arith.addi %scan3A_139, %add3A_171 : i32
      %lt3A_173 = arith.constant 250 : i32
      %lt3A_174 = arith.cmpi slt, %add3A_172, %lt3A_173 : i32
      %convert_element_type3A_175 = arith.extui %lt3A_174 : i1 to i32
      %cond3A_176 = arith.constant 0 : i32
      %cond3A_177 = arith.cmpi ne, %convert_element_type3A_175, %cond3A_176 : i32
      scf.if %cond3A_177 {
        %add3A_203 = arith.constant 2 : i32
        %add3A_204 = arith.addi %scan3A_139, %add3A_203 : i32
        %add3A_205 = arith.constant 2 : i32
        %add3A_206 = arith.addi %scan3A_139, %add3A_205 : i32
        %rem3A_207 = arith.constant 3 : i32
        %rem3A_208 = arith.remsi %add3A_206, %rem3A_207 : i32
        %mul3A_209 = arith.constant 40 : i32
        %mul3A_210 = arith.muli %add3A_204, %mul3A_209 : i32
        %add3A_211 = arith.addi %mul3A_25, %mul3A_210 : i32
        %multiple_of3A_212 = tpu.assume_multiple %add3A_211, 8 : i32
        %dma_start3A_213 = arith.constant 0 : i32
        %dma_start3A_214 = tpu.memref_slice %arg8[%rem3A_208, %dma_start3A_213] : memref<3x40xi32, #tpu.memory_space<vmem>> -> memref<1x40xi32, #tpu.memory_space<vmem>>
        %dma_start3A_215 = tpu.memref_squeeze %dma_start3A_214 : memref<1x40xi32, #tpu.memory_space<vmem>> -> memref<40xi32, #tpu.memory_space<vmem>>
        %dma_start3A_216 = tpu.memref_slice %arg2[%multiple_of3A_212] : memref<320000xi32, #tpu.memory_space<hbm>> -> memref<40xi32, #tpu.memory_space<hbm>>
        %dma_start3A_217 = arith.constant 0 : i32
        %dma_start3A_218 = tpu.memref_slice %arg8[%rem3A_208, %dma_start3A_217] : memref<3x40xi32, #tpu.memory_space<vmem>> -> memref<1x40xi32, #tpu.memory_space<vmem>>
        %dma_start3A_219 = tpu.memref_squeeze %dma_start3A_218 : memref<1x40xi32, #tpu.memory_space<vmem>> -> memref<40xi32, #tpu.memory_space<vmem>>
        %dma_start3A_220 = tpu.memref_slice %arg2[%multiple_of3A_212] : memref<320000xi32, #tpu.memory_space<hbm>> -> memref<40xi32, #tpu.memory_space<hbm>>
        tpu.enqueue_dma source(%dma_start3A_220 : memref<40xi32, #tpu.memory_space<hbm>>) target(%dma_start3A_219 : memref<40xi32, #tpu.memory_space<vmem>>) target_semaphore(%arg17 : memref<!tpu.dma_semaphore, #tpu.memory_space<semaphore_mem>>)
        %dma_start3A_221 = arith.constant 0 : i32
        %dma_start3A_222 = tpu.memref_slice %arg9[%rem3A_208, %dma_start3A_221] : memref<3x40xi32, #tpu.memory_space<vmem>> -> memref<1x40xi32, #tpu.memory_space<vmem>>
        %dma_start3A_223 = tpu.memref_squeeze %dma_start3A_222 : memref<1x40xi32, #tpu.memory_space<vmem>> -> memref<40xi32, #tpu.memory_space<vmem>>
        %dma_start3A_224 = tpu.memref_slice %arg3[%multiple_of3A_212] : memref<320000xi32, #tpu.memory_space<hbm>> -> memref<40xi32, #tpu.memory_space<hbm>>
        %dma_start3A_225 = arith.constant 0 : i32
        %dma_start3A_226 = tpu.memref_slice %arg9[%rem3A_208, %dma_start3A_225] : memref<3x40xi32, #tpu.memory_space<vmem>> -> memref<1x40xi32, #tpu.memory_space<vmem>>
        %dma_start3A_227 = tpu.memref_squeeze %dma_start3A_226 : memref<1x40xi32, #tpu.memory_space<vmem>> -> memref<40xi32, #tpu.memory_space<vmem>>
        %dma_start3A_228 = tpu.memref_slice %arg3[%multiple_of3A_212] : memref<320000xi32, #tpu.memory_space<hbm>> -> memref<40xi32, #tpu.memory_space<hbm>>
        tpu.enqueue_dma source(%dma_start3A_228 : memref<40xi32, #tpu.memory_space<hbm>>) target(%dma_start3A_227 : memref<40xi32, #tpu.memory_space<vmem>>) target_semaphore(%arg17 : memref<!tpu.dma_semaphore, #tpu.memory_space<semaphore_mem>>)
      } else {
      }
      %ge3A_178 = arith.constant 2 : i32
      %ge3A_179 = arith.cmpi sge, %scan3A_139, %ge3A_178 : i32
      %convert_element_type3A_180 = arith.extui %ge3A_179 : i1 to i32
      %cond3A_181 = arith.constant 0 : i32
      %cond3A_182 = arith.cmpi ne, %convert_element_type3A_180, %cond3A_181 : i32
      scf.if %cond3A_182 {
        %dma_wait3A_203 = arith.constant 0 : i32
        %dma_wait3A_204 = tpu.memref_slice %arg13[%multiple_of3A_145, %dma_wait3A_203] : memref<80x144xf32, #tpu.memory_space<vmem>> -> memref<40x144xf32, #tpu.memory_space<vmem>>
        %dma_wait3A_205 = arith.constant 0 : i32
        %dma_wait3A_206 = tpu.memref_slice %arg9[%rem3A_142, %dma_wait3A_205] : memref<3x40xi32, #tpu.memory_space<vmem>> -> memref<1x40xi32, #tpu.memory_space<vmem>>
        %dma_wait3A_207 = tpu.memref_squeeze %dma_wait3A_206 : memref<1x40xi32, #tpu.memory_space<vmem>> -> memref<40xi32, #tpu.memory_space<vmem>>
        %dma_wait3A_208 = arith.constant 0 : i32
        %dma_wait3A_209 = arith.constant 0 : i32
        %dma_wait3A_210 = tpu.memref_slice %arg15[%dma_wait3A_208, %dma_wait3A_209] : memref<10240x144xf32, #tpu.memory_space<vmem_shared>> -> memref<10240x144xf32, #tpu.memory_space<vmem_shared>>
        tpu.wait_indirect_dma semaphore(%arg18 : memref<!tpu.dma_semaphore, #tpu.memory_space<semaphore_mem>>) src(%dma_wait3A_204 : memref<40x144xf32, #tpu.memory_space<vmem>>) dst(%dma_wait3A_210 : memref<10240x144xf32, #tpu.memory_space<vmem_shared>>)
      } else {
      }
      %scan3A_183 = arith.constant 0 : i32
      %scan3A_184 = arith.constant 0 : i32
      %scan3A_185 = arith.constant 20 : i32
      %scan3A_186 = arith.addi %scan3A_184, %scan3A_185 : i32
      %scan3A_187 = arith.constant 1 : i32
      scf.for %scan3A_203 = %scan3A_184 to %scan3A_186 step %scan3A_187  : i32 {
        %mul3A_204 = arith.constant 2 : i32
        %mul3A_205 = arith.muli %mul3A_204, %scan3A_203 : i32
        %add3A_206 = arith.addi %mul3A_147, %mul3A_205 : i32
        %shift_right_arithmetic3A = arith.constant 3 : i32
        %shift_right_arithmetic3A_207 = vector.broadcast %shift_right_arithmetic3A : i32 to vector<16xi32>
        %shift_right_arithmetic3A_208 = arith.shrsi %iota3A, %shift_right_arithmetic3A_207 : vector<16xi32>
        %add3A_209 = vector.broadcast %add3A_206 : i32 to vector<16xi32>
        %add3A_210 = arith.addi %add3A_209, %shift_right_arithmetic3A_208 : vector<16xi32>
        %add3A_211 = arith.constant 128 : i32
        %add3A_212 = vector.broadcast %add3A_211 : i32 to vector<16xi32>
        %add3A_213 = arith.addi %and3A_2, %add3A_212 : vector<16xi32>
        %gather3A_214 = tpu.vector_load_idx %arg10[%add3A_210, %add3A_213] : memref<80x144xf32, #tpu.memory_space<vmem>>[vector<16xi32>, vector<16xi32>], vector<16xf32>,
        %gather3A_215 = tpu.vector_load_idx %arg11[%add3A_210, %and3A_2] : memref<80x16xf32, #tpu.memory_space<vmem>>[vector<16xi32>, vector<16xi32>], vector<16xf32>,
        %add3A_216 = arith.addf %gather3A_214, %gather3A_215 : vector<16xf32>
        %ge3A_217 = arith.constant 0.000000e+00 : f32
        %ge3A_218 = vector.broadcast %ge3A_217 : f32 to vector<16xf32>
        %ge3A_219 = arith.cmpf oge, %add3A_216, %ge3A_218 : vector<16xf32>
        %mul3A_220 = arith.constant 2.000000e-01 : f32
        %mul3A_221 = vector.broadcast %mul3A_220 : f32 to vector<16xf32>
        %mul3A_222 = arith.mulf %mul3A_221, %add3A_216 : vector<16xf32>
        %select_n3A_223 = arith.select %ge3A_219, %add3A_216, %mul3A_222 : vector<16xi1>, vector<16xf32>
        %sub3A = arith.subf %select_n3A_223, %select_n3A : vector<16xf32>
        %exp3A = math.exp %sub3A : vector<16xf32>
        %mul3A_224 = arith.constant 16 : i32
        %mul3A_225 = arith.muli %scan3A_203, %mul3A_224 : i32
        %swap3A = arith.index_cast %mul3A_225 : i32 to index
        %swap3A_226 = tpu.vector_load %arg12[%swap3A] {strides = array<i32>} : memref<320xf32, #tpu.memory_space<vmem>>, vector<16xf32>,
        tpu.vector_store %arg12[%swap3A], %exp3A {strides = array<i32>} : memref<320xf32, #tpu.memory_space<vmem>>, vector<16xf32>,
      }
      %scan3A_188 = arith.constant 20 : i32
      %scan3A_189 = arith.constant 0 : i32
      %scan3A_190 = arith.constant 0 : i32
      %scan3A_191 = arith.constant 40 : i32
      %scan3A_192 = arith.addi %scan3A_190, %scan3A_191 : i32
      %scan3A_193 = arith.constant 1 : i32
      scf.for %scan3A_203 = %scan3A_190 to %scan3A_192 step %scan3A_193  : i32 {
        %broadcast_in_dim3A = arith.constant 0 : i32
        %broadcast_in_dim3A_204 = vector.broadcast %broadcast_in_dim3A : i32 to vector<16xi32>
        %mul3A_205 = arith.constant 8 : i32
        %mul3A_206 = arith.muli %scan3A_203, %mul3A_205 : i32
        %add3A_207 = vector.broadcast %mul3A_206 : i32 to vector<16xi32>
        %add3A_208 = arith.addi %broadcast_in_dim3A_204, %add3A_207 : vector<16xi32>
        %gather3A_209 = tpu.vector_load_idx %arg12[%add3A_208] : memref<320xf32, #tpu.memory_space<vmem>>[vector<16xi32>], vector<16xf32>,
        %add3A_210 = arith.addi %mul3A_147, %scan3A_203 : i32
        %get3A = arith.index_cast %add3A_210 : i32 to index
        %get3A_211 = arith.constant 0 : index
        %get3A_212 = tpu.vector_load %arg10[%get3A, %get3A_211] {strides = array<i32>} : memref<80x144xf32, #tpu.memory_space<vmem>>, vector<16xf32>,
        %mul3A_213 = arith.mulf %gather3A_209, %get3A_212 : vector<16xf32>
        %add3A_214 = arith.addi %mul3A_147, %scan3A_203 : i32
        %swap3A = arith.index_cast %add3A_214 : i32 to index
        %swap3A_215 = arith.constant 0 : index
        %swap3A_216 = tpu.vector_load %arg13[%swap3A, %swap3A_215] {strides = array<i32>} : memref<80x144xf32, #tpu.memory_space<vmem>>, vector<16xf32>,
        tpu.vector_store %arg13[%swap3A, %swap3A_215], %mul3A_213 {strides = array<i32>} : memref<80x144xf32, #tpu.memory_space<vmem>>, vector<16xf32>,
        %broadcast_in_dim3A_217 = arith.constant 0 : i32
        %broadcast_in_dim3A_218 = vector.broadcast %broadcast_in_dim3A_217 : i32 to vector<16xi32>
        %mul3A_219 = arith.constant 8 : i32
        %mul3A_220 = arith.muli %scan3A_203, %mul3A_219 : i32
        %add3A_221 = vector.broadcast %mul3A_220 : i32 to vector<16xi32>
        %add3A_222 = arith.addi %broadcast_in_dim3A_218, %add3A_221 : vector<16xi32>
        %gather3A_223 = tpu.vector_load_idx %arg12[%add3A_222] : memref<320xf32, #tpu.memory_space<vmem>>[vector<16xi32>], vector<16xf32>,
        %add3A_224 = arith.addi %mul3A_147, %scan3A_203 : i32
        %get3A_225 = arith.index_cast %add3A_224 : i32 to index
        %get3A_226 = arith.constant 16 : index
        %get3A_227 = tpu.vector_load %arg10[%get3A_225, %get3A_226] {strides = array<i32>} : memref<80x144xf32, #tpu.memory_space<vmem>>, vector<16xf32>,
        %mul3A_228 = arith.mulf %gather3A_223, %get3A_227 : vector<16xf32>
        %add3A_229 = arith.addi %mul3A_147, %scan3A_203 : i32
        %swap3A_230 = arith.index_cast %add3A_229 : i32 to index
        %swap3A_231 = arith.constant 16 : index
        %swap3A_232 = tpu.vector_load %arg13[%swap3A_230, %swap3A_231] {strides = array<i32>} : memref<80x144xf32, #tpu.memory_space<vmem>>, vector<16xf32>,
        tpu.vector_store %arg13[%swap3A_230, %swap3A_231], %mul3A_228 {strides = array<i32>} : memref<80x144xf32, #tpu.memory_space<vmem>>, vector<16xf32>,
        %broadcast_in_dim3A_233 = arith.constant 0 : i32
        %broadcast_in_dim3A_234 = vector.broadcast %broadcast_in_dim3A_233 : i32 to vector<16xi32>
        %mul3A_235 = arith.constant 8 : i32
        %mul3A_236 = arith.muli %scan3A_203, %mul3A_235 : i32
        %add3A_237 = vector.broadcast %mul3A_236 : i32 to vector<16xi32>
        %add3A_238 = arith.addi %broadcast_in_dim3A_234, %add3A_237 : vector<16xi32>
        %gather3A_239 = tpu.vector_load_idx %arg12[%add3A_238] : memref<320xf32, #tpu.memory_space<vmem>>[vector<16xi32>], vector<16xf32>,
        %add3A_240 = arith.addi %mul3A_147, %scan3A_203 : i32
        %get3A_241 = arith.index_cast %add3A_240 : i32 to index
        %get3A_242 = arith.constant 32 : index
        %get3A_243 = tpu.vector_load %arg10[%get3A_241, %get3A_242] {strides = array<i32>} : memref<80x144xf32, #tpu.memory_space<vmem>>, vector<16xf32>,
        %mul3A_244 = arith.mulf %gather3A_239, %get3A_243 : vector<16xf32>
        %add3A_245 = arith.addi %mul3A_147, %scan3A_203 : i32
        %swap3A_246 = arith.index_cast %add3A_245 : i32 to index
        %swap3A_247 = arith.constant 32 : index
        %swap3A_248 = tpu.vector_load %arg13[%swap3A_246, %swap3A_247] {strides = array<i32>} : memref<80x144xf32, #tpu.memory_space<vmem>>, vector<16xf32>,
        tpu.vector_store %arg13[%swap3A_246, %swap3A_247], %mul3A_244 {strides = array<i32>} : memref<80x144xf32, #tpu.memory_space<vmem>>, vector<16xf32>,
        %broadcast_in_dim3A_249 = arith.constant 0 : i32
        %broadcast_in_dim3A_250 = vector.broadcast %broadcast_in_dim3A_249 : i32 to vector<16xi32>
        %mul3A_251 = arith.constant 8 : i32
        %mul3A_252 = arith.muli %scan3A_203, %mul3A_251 : i32
        %add3A_253 = vector.broadcast %mul3A_252 : i32 to vector<16xi32>
        %add3A_254 = arith.addi %broadcast_in_dim3A_250, %add3A_253 : vector<16xi32>
        %gather3A_255 = tpu.vector_load_idx %arg12[%add3A_254] : memref<320xf32, #tpu.memory_space<vmem>>[vector<16xi32>], vector<16xf32>,
        %add3A_256 = arith.addi %mul3A_147, %scan3A_203 : i32
        %get3A_257 = arith.index_cast %add3A_256 : i32 to index
        %get3A_258 = arith.constant 48 : index
        %get3A_259 = tpu.vector_load %arg10[%get3A_257, %get3A_258] {strides = array<i32>} : memref<80x144xf32, #tpu.memory_space<vmem>>, vector<16xf32>,
        %mul3A_260 = arith.mulf %gather3A_255, %get3A_259 : vector<16xf32>
        %add3A_261 = arith.addi %mul3A_147, %scan3A_203 : i32
        %swap3A_262 = arith.index_cast %add3A_261 : i32 to index
        %swap3A_263 = arith.constant 48 : index
        %swap3A_264 = tpu.vector_load %arg13[%swap3A_262, %swap3A_263] {strides = array<i32>} : memref<80x144xf32, #tpu.memory_space<vmem>>, vector<16xf32>,
        tpu.vector_store %arg13[%swap3A_262, %swap3A_263], %mul3A_260 {strides = array<i32>} : memref<80x144xf32, #tpu.memory_space<vmem>>, vector<16xf32>,
        %broadcast_in_dim3A_265 = arith.constant 0 : i32
        %broadcast_in_dim3A_266 = vector.broadcast %broadcast_in_dim3A_265 : i32 to vector<16xi32>
        %mul3A_267 = arith.constant 8 : i32
        %mul3A_268 = arith.muli %scan3A_203, %mul3A_267 : i32
        %add3A_269 = vector.broadcast %mul3A_268 : i32 to vector<16xi32>
        %add3A_270 = arith.addi %broadcast_in_dim3A_266, %add3A_269 : vector<16xi32>
        %gather3A_271 = tpu.vector_load_idx %arg12[%add3A_270] : memref<320xf32, #tpu.memory_space<vmem>>[vector<16xi32>], vector<16xf32>,
        %add3A_272 = arith.addi %mul3A_147, %scan3A_203 : i32
        %get3A_273 = arith.index_cast %add3A_272 : i32 to index
        %get3A_274 = arith.constant 64 : index
        %get3A_275 = tpu.vector_load %arg10[%get3A_273, %get3A_274] {strides = array<i32>} : memref<80x144xf32, #tpu.memory_space<vmem>>, vector<16xf32>,
        %mul3A_276 = arith.mulf %gather3A_271, %get3A_275 : vector<16xf32>
        %add3A_277 = arith.addi %mul3A_147, %scan3A_203 : i32
        %swap3A_278 = arith.index_cast %add3A_277 : i32 to index
        %swap3A_279 = arith.constant 64 : index
        %swap3A_280 = tpu.vector_load %arg13[%swap3A_278, %swap3A_279] {strides = array<i32>} : memref<80x144xf32, #tpu.memory_space<vmem>>, vector<16xf32>,
        tpu.vector_store %arg13[%swap3A_278, %swap3A_279], %mul3A_276 {strides = array<i32>} : memref<80x144xf32, #tpu.memory_space<vmem>>, vector<16xf32>,
        %broadcast_in_dim3A_281 = arith.constant 0 : i32
        %broadcast_in_dim3A_282 = vector.broadcast %broadcast_in_dim3A_281 : i32 to vector<16xi32>
        %mul3A_283 = arith.constant 8 : i32
        %mul3A_284 = arith.muli %scan3A_203, %mul3A_283 : i32
        %add3A_285 = vector.broadcast %mul3A_284 : i32 to vector<16xi32>
        %add3A_286 = arith.addi %broadcast_in_dim3A_282, %add3A_285 : vector<16xi32>
        %gather3A_287 = tpu.vector_load_idx %arg12[%add3A_286] : memref<320xf32, #tpu.memory_space<vmem>>[vector<16xi32>], vector<16xf32>,
        %add3A_288 = arith.addi %mul3A_147, %scan3A_203 : i32
        %get3A_289 = arith.index_cast %add3A_288 : i32 to index
        %get3A_290 = arith.constant 80 : index
        %get3A_291 = tpu.vector_load %arg10[%get3A_289, %get3A_290] {strides = array<i32>} : memref<80x144xf32, #tpu.memory_space<vmem>>, vector<16xf32>,
        %mul3A_292 = arith.mulf %gather3A_287, %get3A_291 : vector<16xf32>
        %add3A_293 = arith.addi %mul3A_147, %scan3A_203 : i32
        %swap3A_294 = arith.index_cast %add3A_293 : i32 to index
        %swap3A_295 = arith.constant 80 : index
        %swap3A_296 = tpu.vector_load %arg13[%swap3A_294, %swap3A_295] {strides = array<i32>} : memref<80x144xf32, #tpu.memory_space<vmem>>, vector<16xf32>,
        tpu.vector_store %arg13[%swap3A_294, %swap3A_295], %mul3A_292 {strides = array<i32>} : memref<80x144xf32, #tpu.memory_space<vmem>>, vector<16xf32>,
        %broadcast_in_dim3A_297 = arith.constant 0 : i32
        %broadcast_in_dim3A_298 = vector.broadcast %broadcast_in_dim3A_297 : i32 to vector<16xi32>
        %mul3A_299 = arith.constant 8 : i32
        %mul3A_300 = arith.muli %scan3A_203, %mul3A_299 : i32
        %add3A_301 = vector.broadcast %mul3A_300 : i32 to vector<16xi32>
        %add3A_302 = arith.addi %broadcast_in_dim3A_298, %add3A_301 : vector<16xi32>
        %gather3A_303 = tpu.vector_load_idx %arg12[%add3A_302] : memref<320xf32, #tpu.memory_space<vmem>>[vector<16xi32>], vector<16xf32>,
        %add3A_304 = arith.addi %mul3A_147, %scan3A_203 : i32
        %get3A_305 = arith.index_cast %add3A_304 : i32 to index
        %get3A_306 = arith.constant 96 : index
        %get3A_307 = tpu.vector_load %arg10[%get3A_305, %get3A_306] {strides = array<i32>} : memref<80x144xf32, #tpu.memory_space<vmem>>, vector<16xf32>,
        %mul3A_308 = arith.mulf %gather3A_303, %get3A_307 : vector<16xf32>
        %add3A_309 = arith.addi %mul3A_147, %scan3A_203 : i32
        %swap3A_310 = arith.index_cast %add3A_309 : i32 to index
        %swap3A_311 = arith.constant 96 : index
        %swap3A_312 = tpu.vector_load %arg13[%swap3A_310, %swap3A_311] {strides = array<i32>} : memref<80x144xf32, #tpu.memory_space<vmem>>, vector<16xf32>,
        tpu.vector_store %arg13[%swap3A_310, %swap3A_311], %mul3A_308 {strides = array<i32>} : memref<80x144xf32, #tpu.memory_space<vmem>>, vector<16xf32>,
        %broadcast_in_dim3A_313 = arith.constant 0 : i32
        %broadcast_in_dim3A_314 = vector.broadcast %broadcast_in_dim3A_313 : i32 to vector<16xi32>
        %mul3A_315 = arith.constant 8 : i32
        %mul3A_316 = arith.muli %scan3A_203, %mul3A_315 : i32
        %add3A_317 = vector.broadcast %mul3A_316 : i32 to vector<16xi32>
        %add3A_318 = arith.addi %broadcast_in_dim3A_314, %add3A_317 : vector<16xi32>
        %gather3A_319 = tpu.vector_load_idx %arg12[%add3A_318] : memref<320xf32, #tpu.memory_space<vmem>>[vector<16xi32>], vector<16xf32>,
        %add3A_320 = arith.addi %mul3A_147, %scan3A_203 : i32
        %get3A_321 = arith.index_cast %add3A_320 : i32 to index
        %get3A_322 = arith.constant 112 : index
        %get3A_323 = tpu.vector_load %arg10[%get3A_321, %get3A_322] {strides = array<i32>} : memref<80x144xf32, #tpu.memory_space<vmem>>, vector<16xf32>,
        %mul3A_324 = arith.mulf %gather3A_319, %get3A_323 : vector<16xf32>
        %add3A_325 = arith.addi %mul3A_147, %scan3A_203 : i32
        %swap3A_326 = arith.index_cast %add3A_325 : i32 to index
        %swap3A_327 = arith.constant 112 : index
        %swap3A_328 = tpu.vector_load %arg13[%swap3A_326, %swap3A_327] {strides = array<i32>} : memref<80x144xf32, #tpu.memory_space<vmem>>, vector<16xf32>,
        tpu.vector_store %arg13[%swap3A_326, %swap3A_327], %mul3A_324 {strides = array<i32>} : memref<80x144xf32, #tpu.memory_space<vmem>>, vector<16xf32>,
        %mul3A_329 = arith.constant 8 : i32
        %mul3A_330 = arith.muli %scan3A_203, %mul3A_329 : i32
        %add3A_331 = vector.broadcast %mul3A_330 : i32 to vector<16xi32>
        %add3A_332 = arith.addi %add3A_331, %and3A_2 : vector<16xi32>
        %gather3A_333 = tpu.vector_load_idx %arg12[%add3A_332] : memref<320xf32, #tpu.memory_space<vmem>>[vector<16xi32>], vector<16xf32>,
        %lt3A_334 = arith.constant 8 : i32
        %lt3A_335 = vector.broadcast %lt3A_334 : i32 to vector<16xi32>
        %lt3A_336 = arith.cmpi slt, %iota3A, %lt3A_335 : vector<16xi32>
        %jit3A = arith.constant 0.000000e+00 : f32
        %broadcast_in_dim3A_337 = vector.broadcast %jit3A : f32 to vector<16xf32>
        %select_n3A_338 = arith.select %lt3A_336, %gather3A_333, %broadcast_in_dim3A_337 : vector<16xi1>, vector<16xf32>
        %add3A_339 = arith.addi %mul3A_147, %scan3A_203 : i32
        %swap3A_340 = arith.index_cast %add3A_339 : i32 to index
        %swap3A_341 = arith.constant 128 : index
        %swap3A_342 = tpu.vector_load %arg13[%swap3A_340, %swap3A_341] {strides = array<i32>} : memref<80x144xf32, #tpu.memory_space<vmem>>, vector<16xf32>,
        tpu.vector_store %arg13[%swap3A_340, %swap3A_341], %select_n3A_338 {strides = array<i32>} : memref<80x144xf32, #tpu.memory_space<vmem>>, vector<16xf32>,
      }
      %scan3A_194 = arith.constant 40 : i32
      %dma_start3A_195 = arith.constant 0 : i32
      %dma_start3A_196 = tpu.memref_slice %arg13[%multiple_of3A_145, %dma_start3A_195] : memref<80x144xf32, #tpu.memory_space<vmem>> -> memref<40x144xf32, #tpu.memory_space<vmem>>
      %dma_start3A_197 = arith.constant 0 : i32
      %dma_start3A_198 = tpu.memref_slice %arg9[%rem3A_142, %dma_start3A_197] : memref<3x40xi32, #tpu.memory_space<vmem>> -> memref<1x40xi32, #tpu.memory_space<vmem>>
      %dma_start3A_199 = tpu.memref_squeeze %dma_start3A_198 : memref<1x40xi32, #tpu.memory_space<vmem>> -> memref<40xi32, #tpu.memory_space<vmem>>
      %dma_start3A_200 = arith.constant 0 : i32
      %dma_start3A_201 = arith.constant 0 : i32
      %dma_start3A_202 = tpu.memref_slice %arg15[%dma_start3A_200, %dma_start3A_201] : memref<10240x144xf32, #tpu.memory_space<vmem_shared>> -> memref<10240x144xf32, #tpu.memory_space<vmem_shared>>
      tpu.enqueue_indirect_dma source(%dma_start3A_196 : memref<40x144xf32, #tpu.memory_space<vmem>>) target(%dma_start3A_202 : memref<10240x144xf32, #tpu.memory_space<vmem_shared>>) offsets(%dma_start3A_199 : memref<40xi32, #tpu.memory_space<vmem>>) semaphore(%arg18 : memref<!tpu.dma_semaphore, #tpu.memory_space<semaphore_mem>>) {add = true}
    }
    %scan3A_111 = arith.constant 250 : i32
    %multiple_of3A_112 = arith.constant 0 : i32
    %multiple_of3A_113 = tpu.assume_multiple %multiple_of3A_112, 8 : i32
    %dma_wait3A_114 = arith.constant 2 : i32
    %dma_wait3A_115 = arith.constant 0 : i32
    %dma_wait3A_116 = tpu.memref_slice %arg13[%multiple_of3A_113, %dma_wait3A_115] : memref<80x144xf32, #tpu.memory_space<vmem>> -> memref<40x144xf32, #tpu.memory_space<vmem>>
    %dma_wait3A_117 = arith.constant 0 : i32
    %dma_wait3A_118 = tpu.memref_slice %arg9[%dma_wait3A_114, %dma_wait3A_117] : memref<3x40xi32, #tpu.memory_space<vmem>> -> memref<1x40xi32, #tpu.memory_space<vmem>>
    %dma_wait3A_119 = tpu.memref_squeeze %dma_wait3A_118 : memref<1x40xi32, #tpu.memory_space<vmem>> -> memref<40xi32, #tpu.memory_space<vmem>>
    %dma_wait3A_120 = arith.constant 0 : i32
    %dma_wait3A_121 = arith.constant 0 : i32
    %dma_wait3A_122 = tpu.memref_slice %arg15[%dma_wait3A_120, %dma_wait3A_121] : memref<10240x144xf32, #tpu.memory_space<vmem_shared>> -> memref<10240x144xf32, #tpu.memory_space<vmem_shared>>
    tpu.wait_indirect_dma semaphore(%arg18 : memref<!tpu.dma_semaphore, #tpu.memory_space<semaphore_mem>>) src(%dma_wait3A_116 : memref<40x144xf32, #tpu.memory_space<vmem>>) dst(%dma_wait3A_122 : memref<10240x144xf32, #tpu.memory_space<vmem_shared>>)
    %multiple_of3A_123 = arith.constant 40 : i32
    %multiple_of3A_124 = tpu.assume_multiple %multiple_of3A_123, 8 : i32
    %dma_wait3A_125 = arith.constant 0 : i32
    %dma_wait3A_126 = arith.constant 0 : i32
    %dma_wait3A_127 = tpu.memref_slice %arg13[%multiple_of3A_124, %dma_wait3A_126] : memref<80x144xf32, #tpu.memory_space<vmem>> -> memref<40x144xf32, #tpu.memory_space<vmem>>
    %dma_wait3A_128 = arith.constant 0 : i32
    %dma_wait3A_129 = tpu.memref_slice %arg9[%dma_wait3A_125, %dma_wait3A_128] : memref<3x40xi32, #tpu.memory_space<vmem>> -> memref<1x40xi32, #tpu.memory_space<vmem>>
    %dma_wait3A_130 = tpu.memref_squeeze %dma_wait3A_129 : memref<1x40xi32, #tpu.memory_space<vmem>> -> memref<40xi32, #tpu.memory_space<vmem>>
    %dma_wait3A_131 = arith.constant 0 : i32
    %dma_wait3A_132 = arith.constant 0 : i32
    %dma_wait3A_133 = tpu.memref_slice %arg15[%dma_wait3A_131, %dma_wait3A_132] : memref<10240x144xf32, #tpu.memory_space<vmem_shared>> -> memref<10240x144xf32, #tpu.memory_space<vmem_shared>>
    tpu.wait_indirect_dma semaphore(%arg18 : memref<!tpu.dma_semaphore, #tpu.memory_space<semaphore_mem>>) src(%dma_wait3A_127 : memref<40x144xf32, #tpu.memory_space<vmem>>) dst(%dma_wait3A_133 : memref<10240x144xf32, #tpu.memory_space<vmem_shared>>)
    %barrier3A_134 = arith.constant 0 : index
    tpu.barrier barrier_id(%barrier3A_134)
    %mul3A_135 = arith.constant 640 : i32
    %mul3A_136 = arith.muli %arg1, %mul3A_135 : i32
    %mul3A_137 = arith.constant 640 : i32
    %mul3A_138 = arith.muli %arg1, %mul3A_137 : i32
    "tpu.region"() ({
      %run_scoped3A = tpu.sem_alloc : memref<!tpu.dma_semaphore, #tpu.memory_space<semaphore_mem>>
      %dma_start3A_139 = arith.constant 0 : i32
      %dma_start3A_140 = tpu.memref_slice %arg7[%arg0, %mul3A_138, %dma_start3A_139] : memref<2x10240x144xf32, #tpu.memory_space<hbm>> -> memref<1x640x144xf32, #tpu.memory_space<hbm>>
      %dma_start3A_141 = tpu.memref_squeeze %dma_start3A_140 : memref<1x640x144xf32, #tpu.memory_space<hbm>> -> memref<640x144xf32, #tpu.memory_space<hbm>>
      %dma_start3A_142 = arith.constant 0 : i32
      %dma_start3A_143 = tpu.memref_slice %arg15[%mul3A_136, %dma_start3A_142] : memref<10240x144xf32, #tpu.memory_space<vmem_shared>> -> memref<640x144xf32, #tpu.memory_space<vmem_shared>>
      tpu.enqueue_dma source(%dma_start3A_143 : memref<640x144xf32, #tpu.memory_space<vmem_shared>>) target(%dma_start3A_141 : memref<640x144xf32, #tpu.memory_space<hbm>>) target_semaphore(%run_scoped3A : memref<!tpu.dma_semaphore, #tpu.memory_space<semaphore_mem>>)
      %dma_wait3A_144 = arith.constant 0 : i32
      %dma_wait3A_145 = tpu.memref_slice %arg7[%arg0, %mul3A_138, %dma_wait3A_144] : memref<2x10240x144xf32, #tpu.memory_space<hbm>> -> memref<1x640x144xf32, #tpu.memory_space<hbm>>
      %dma_wait3A_146 = tpu.memref_squeeze %dma_wait3A_145 : memref<1x640x144xf32, #tpu.memory_space<hbm>> -> memref<640x144xf32, #tpu.memory_space<hbm>>
      %dma_wait3A_147 = arith.constant 0 : i32
      %dma_wait3A_148 = tpu.memref_slice %arg15[%mul3A_136, %dma_wait3A_147] : memref<10240x144xf32, #tpu.memory_space<vmem_shared>> -> memref<640x144xf32, #tpu.memory_space<vmem_shared>>
      tpu.wait_dma2 semaphore(%run_scoped3A : memref<!tpu.dma_semaphore, #tpu.memory_space<semaphore_mem>>) src(%dma_wait3A_148 : memref<640x144xf32, #tpu.memory_space<vmem_shared>>) dst(%dma_wait3A_146 : memref<640x144xf32, #tpu.memory_space<hbm>>)
      tpu.yield
    }) : () -> ()
    return
  }
}

#map = affine_map<(d0, d1) -> (0)>
#map1 = affine_map<(d0, d1) -> (0, 0)>
#map2 = affine_map<(d0, d1) -> (0, 0, 0)>
module attributes {stable_mosaic.version = 14 : i64} {
  func.func @_edge_body(%arg0: i32, %arg1: i32, %arg2: memref<320000xi32, #tpu.memory_space<hbm>>, %arg3: memref<320000xi32, #tpu.memory_space<hbm>>, %arg4: memref<10000x144xf32, #tpu.memory_space<hbm>>, %arg5: memref<10000x16xf32, #tpu.memory_space<hbm>>, %arg6: memref<16xf32, #tpu.memory_space<hbm>>, %arg7: memref<2x10240x144xf32, #tpu.memory_space<hbm>>, %arg8: memref<3x40xi32, #tpu.memory_space<vmem>>, %arg9: memref<3x40xi32, #tpu.memory_space<vmem>>, %arg10: memref<80x144xf32, #tpu.memory_space<vmem>>, %arg11: memref<80x16xf32, #tpu.memory_space<vmem>>, %arg12: memref<320xf32, #tpu.memory_space<vmem>>, %arg13: memref<80x144xf32, #tpu.memory_space<vmem>>, %arg14: memref<16xf32, #tpu.memory_space<vmem>>, %arg15: memref<10240x144xf32, #tpu.memory_space<vmem_shared>>, %arg16: memref<!tpu.dma_semaphore, #tpu.memory_space<semaphore_mem>>, %arg17: memref<!tpu.dma_semaphore, #tpu.memory_space<semaphore_mem>>, %arg18: memref<!tpu.dma_semaphore, #tpu.memory_space<semaphore_mem>>) attributes {dimension_semantics = [#tpu.dimension_semantics<core_parallel>, #tpu.dimension_semantics<subcore_parallel>], iteration_bounds = array<i64: 2, 16>, scalar_prefetch = 0 : i64, scratch_operands = 11 : i64, tpu.core_type = #tpu.core_type<sc_vector_subcore>, window_params = [{transform_indices = #map}, {transform_indices = #map}, {transform_indices = #map1}, {transform_indices = #map1}, {transform_indices = #map}, {transform_indices = #map2}]} {
    %mul3A = arith.constant 2 : i32
    %mul3A_0 = arith.muli %arg1, %mul3A : i32
    %add3A = arith.addi %mul3A_0, %arg0 : i32
    %iota3A = tpu.iota {dimensions = array<i32: 0>} : vector<16xi32>
    %and3A = arith.constant 7 : i32
    %and3A_1 = vector.broadcast %and3A : i32 to vector<16xi32>
    %and3A_2 = arith.andi %iota3A, %and3A_1 : vector<16xi32>
    %scan3A = arith.constant 0 : i32
    %scan3A_3 = arith.constant 0 : i32
    %scan3A_4 = arith.constant 720 : i32
    %scan3A_5 = arith.addi %scan3A_3, %scan3A_4 : i32
    %scan3A_6 = arith.constant 1 : i32
    scf.for %scan3A_139 = %scan3A_3 to %scan3A_5 step %scan3A_6  : i32 {
      %broadcast_in_dim3A = arith.constant 0.000000e+00 : f32
      %broadcast_in_dim3A_140 = vector.broadcast %broadcast_in_dim3A : f32 to vector<16xf32>
      %jit3A = arith.constant 9 : i32
      %div3A = arith.divsi %scan3A_139, %jit3A : i32
      %sign3A = arith.constant 0 : i32
      %sign3A_141 = arith.cmpi sgt, %scan3A_139, %sign3A : i32
      %sign3A_142 = arith.extui %sign3A_141 : i1 to i32
      %sign3A_143 = arith.constant 0 : i32
      %sign3A_144 = arith.cmpi slt, %scan3A_139, %sign3A_143 : i32
      %sign3A_145 = arith.extui %sign3A_144 : i1 to i32
      %sign3A_146 = arith.subi %sign3A_142, %sign3A_145 : i32
      %sign3A_147 = arith.constant 0 : i32
      %sign3A_148 = arith.cmpi sgt, %jit3A, %sign3A_147 : i32
      %sign3A_149 = arith.extui %sign3A_148 : i1 to i32
      %sign3A_150 = arith.constant 0 : i32
      %sign3A_151 = arith.cmpi slt, %jit3A, %sign3A_150 : i32
      %sign3A_152 = arith.extui %sign3A_151 : i1 to i32
      %sign3A_153 = arith.subi %sign3A_149, %sign3A_152 : i32
      %ne3A = arith.cmpi ne, %sign3A_146, %sign3A_153 : i32
      %rem3A = arith.remsi %scan3A_139, %jit3A : i32
      %ne3A_154 = arith.constant 0 : i32
      %ne3A_155 = arith.cmpi ne, %rem3A, %ne3A_154 : i32
      %and3A_156 = arith.andi %ne3A, %ne3A_155 : i1
      %sub3A = arith.constant 1 : i32
      %sub3A_157 = arith.subi %div3A, %sub3A : i32
      %select_n3A_158 = arith.select %and3A_156, %sub3A_157, %div3A : i32
      %jit3A_159 = arith.constant 9 : i32
      %eq3A = arith.constant 0 : i32
      %eq3A_160 = arith.cmpi eq, %jit3A_159, %eq3A : i32
      %jit3A_161 = arith.constant 1 : i32
      %select_n3A_162 = arith.select %eq3A_160, %jit3A_161, %jit3A_159 : i32
      %rem3A_163 = arith.remsi %scan3A_139, %select_n3A_162 : i32
      %ne3A_164 = arith.constant 0 : i32
      %ne3A_165 = arith.cmpi ne, %rem3A_163, %ne3A_164 : i32
      %lt3A = arith.constant 0 : i32
      %lt3A_166 = arith.cmpi slt, %rem3A_163, %lt3A : i32
      %lt3A_167 = arith.constant 0 : i32
      %lt3A_168 = arith.cmpi slt, %select_n3A_162, %lt3A_167 : i32
      %ne3A_169 = arith.xori %lt3A_166, %lt3A_168 : i1
      %and3A_170 = arith.andi %ne3A_169, %ne3A_165 : i1
      %add3A_171 = arith.addi %rem3A_163, %select_n3A_162 : i32
      %select_n3A_172 = arith.select %and3A_170, %add3A_171, %rem3A_163 : i32
      %mul3A_173 = arith.constant 16 : i32
      %mul3A_174 = arith.muli %select_n3A_172, %mul3A_173 : i32
      %swap3A = arith.index_cast %select_n3A_158 : i32 to index
      %swap3A_175 = arith.index_cast %mul3A_174 : i32 to index
      %swap3A_176 = tpu.vector_load %arg13[%swap3A, %swap3A_175] {strides = array<i32>} : memref<80x144xf32, #tpu.memory_space<vmem>>, vector<16xf32>,
      tpu.vector_store %arg13[%swap3A, %swap3A_175], %broadcast_in_dim3A_140 {strides = array<i32>} : memref<80x144xf32, #tpu.memory_space<vmem>>, vector<16xf32>,
    }
    %scan3A_7 = arith.constant 720 : i32
    %scan3A_8 = arith.constant 0 : i32
    %scan3A_9 = arith.constant 0 : i32
    %scan3A_10 = arith.constant 16 : i32
    %scan3A_11 = arith.addi %scan3A_9, %scan3A_10 : i32
    %scan3A_12 = arith.constant 1 : i32
    scf.for %scan3A_139 = %scan3A_9 to %scan3A_11 step %scan3A_12  : i32 {
      %mul3A_140 = arith.constant 640 : i32
      %mul3A_141 = arith.muli %arg1, %mul3A_140 : i32
      %mul3A_142 = arith.constant 40 : i32
      %mul3A_143 = arith.muli %scan3A_139, %mul3A_142 : i32
      %add3A_144 = arith.addi %mul3A_141, %mul3A_143 : i32
      "tpu.region"() ({
        %run_scoped3A = tpu.sem_alloc : memref<!tpu.dma_semaphore, #tpu.memory_space<semaphore_mem>>
        %dma_start3A_145 = arith.constant 0 : i32
        %dma_start3A_146 = arith.constant 0 : i32
        %dma_start3A_147 = tpu.memref_slice %arg13[%dma_start3A_145, %dma_start3A_146] : memref<80x144xf32, #tpu.memory_space<vmem>> -> memref<40x144xf32, #tpu.memory_space<vmem>>
        %dma_start3A_148 = arith.constant 0 : i32
        %dma_start3A_149 = tpu.memref_slice %arg15[%add3A_144, %dma_start3A_148] : memref<10240x144xf32, #tpu.memory_space<vmem_shared>> -> memref<40x144xf32, #tpu.memory_space<vmem_shared>>
        %dma_start3A_150 = arith.constant 0 : i32
        %dma_start3A_151 = tpu.memref_slice %arg15[%add3A_144, %dma_start3A_150] : memref<10240x144xf32, #tpu.memory_space<vmem_shared>> -> memref<40x144xf32, #tpu.memory_space<vmem_shared>>
        %dma_start3A_152 = arith.constant 0 : i32
        %dma_start3A_153 = arith.constant 0 : i32
        %dma_start3A_154 = tpu.memref_slice %arg13[%dma_start3A_152, %dma_start3A_153] : memref<80x144xf32, #tpu.memory_space<vmem>> -> memref<40x144xf32, #tpu.memory_space<vmem>>
        tpu.enqueue_dma source(%dma_start3A_154 : memref<40x144xf32, #tpu.memory_space<vmem>>) target(%dma_start3A_151 : memref<40x144xf32, #tpu.memory_space<vmem_shared>>) target_semaphore(%run_scoped3A : memref<!tpu.dma_semaphore, #tpu.memory_space<semaphore_mem>>)
        %dma_wait3A_155 = arith.constant 0 : i32
        %dma_wait3A_156 = arith.constant 0 : i32
        %dma_wait3A_157 = tpu.memref_slice %arg13[%dma_wait3A_155, %dma_wait3A_156] : memref<80x144xf32, #tpu.memory_space<vmem>> -> memref<40x144xf32, #tpu.memory_space<vmem>>
        %dma_wait3A_158 = arith.constant 0 : i32
        %dma_wait3A_159 = tpu.memref_slice %arg15[%add3A_144, %dma_wait3A_158] : memref<10240x144xf32, #tpu.memory_space<vmem_shared>> -> memref<40x144xf32, #tpu.memory_space<vmem_shared>>
        %dma_wait3A_160 = arith.constant 0 : i32
        %dma_wait3A_161 = tpu.memref_slice %arg15[%add3A_144, %dma_wait3A_160] : memref<10240x144xf32, #tpu.memory_space<vmem_shared>> -> memref<40x144xf32, #tpu.memory_space<vmem_shared>>
        %dma_wait3A_162 = arith.constant 0 : i32
        %dma_wait3A_163 = arith.constant 0 : i32
        %dma_wait3A_164 = tpu.memref_slice %arg13[%dma_wait3A_162, %dma_wait3A_163] : memref<80x144xf32, #tpu.memory_space<vmem>> -> memref<40x144xf32, #tpu.memory_space<vmem>>
        tpu.wait_dma2 semaphore(%run_scoped3A : memref<!tpu.dma_semaphore, #tpu.memory_space<semaphore_mem>>) src(%dma_wait3A_164 : memref<40x144xf32, #tpu.memory_space<vmem>>) dst(%dma_wait3A_161 : memref<40x144xf32, #tpu.memory_space<vmem_shared>>)
        tpu.yield
      }) : () -> ()
    }
    %scan3A_13 = arith.constant 16 : i32
    %barrier3A = arith.constant 0 : index
    tpu.barrier barrier_id(%barrier3A)
    "tpu.region"() ({
      %run_scoped3A = tpu.sem_alloc : memref<!tpu.dma_semaphore, #tpu.memory_space<semaphore_mem>>
      tpu.enqueue_dma source(%arg6 : memref<16xf32, #tpu.memory_space<hbm>>) target(%arg14 : memref<16xf32, #tpu.memory_space<vmem>>) target_semaphore(%run_scoped3A : memref<!tpu.dma_semaphore, #tpu.memory_space<semaphore_mem>>)
      tpu.wait_dma2 semaphore(%run_scoped3A : memref<!tpu.dma_semaphore, #tpu.memory_space<semaphore_mem>>) src(%arg6 : memref<16xf32, #tpu.memory_space<hbm>>) dst(%arg14 : memref<16xf32, #tpu.memory_space<vmem>>)
      tpu.yield
    }) : () -> ()
    %gather3A = tpu.vector_load_idx %arg14[%and3A_2] : memref<16xf32, #tpu.memory_space<vmem>>[vector<16xi32>], vector<16xf32>,
    %add3A_14 = arith.constant 8 : i32
    %add3A_15 = vector.broadcast %add3A_14 : i32 to vector<16xi32>
    %add3A_16 = arith.addi %and3A_2, %add3A_15 : vector<16xi32>
    %gather3A_17 = tpu.vector_load_idx %arg14[%add3A_16] : memref<16xf32, #tpu.memory_space<vmem>>[vector<16xi32>], vector<16xf32>,
    %add3A_18 = arith.addf %gather3A, %gather3A_17 : vector<16xf32>
    %ge3A = arith.constant 0.000000e+00 : f32
    %ge3A_19 = vector.broadcast %ge3A : f32 to vector<16xf32>
    %ge3A_20 = arith.cmpf oge, %add3A_18, %ge3A_19 : vector<16xf32>
    %mul3A_21 = arith.constant 2.000000e-01 : f32
    %mul3A_22 = vector.broadcast %mul3A_21 : f32 to vector<16xf32>
    %mul3A_23 = arith.mulf %mul3A_22, %add3A_18 : vector<16xf32>
    %select_n3A = arith.select %ge3A_20, %add3A_18, %mul3A_23 : vector<16xi1>, vector<16xf32>
    %mul3A_24 = arith.constant 10000 : i32
    %mul3A_25 = arith.muli %add3A, %mul3A_24 : i32
    %add3A_26 = arith.constant 0 : i32
    %add3A_27 = arith.addi %mul3A_25, %add3A_26 : i32
    %multiple_of3A = tpu.assume_multiple %add3A_27, 8 : i32
    %dma_start3A = arith.constant 0 : i32
    %dma_start3A_28 = arith.constant 0 : i32
    %dma_start3A_29 = tpu.memref_slice %arg8[%dma_start3A, %dma_start3A_28] : memref<3x40xi32, #tpu.memory_space<vmem>> -> memref<1x40xi32, #tpu.memory_space<vmem>>
    %dma_start3A_30 = tpu.memref_squeeze %dma_start3A_29 : memref<1x40xi32, #tpu.memory_space<vmem>> -> memref<40xi32, #tpu.memory_space<vmem>>
    %dma_start3A_31 = tpu.memref_slice %arg2[%multiple_of3A] : memref<320000xi32, #tpu.memory_space<hbm>> -> memref<40xi32, #tpu.memory_space<hbm>>
    %dma_start3A_32 = arith.constant 0 : i32
    %dma_start3A_33 = tpu.memref_slice %arg8[%dma_start3A, %dma_start3A_32] : memref<3x40xi32, #tpu.memory_space<vmem>> -> memref<1x40xi32, #tpu.memory_space<vmem>>
    %dma_start3A_34 = tpu.memref_squeeze %dma_start3A_33 : memref<1x40xi32, #tpu.memory_space<vmem>> -> memref<40xi32, #tpu.memory_space<vmem>>
    %dma_start3A_35 = tpu.memref_slice %arg2[%multiple_of3A] : memref<320000xi32, #tpu.memory_space<hbm>> -> memref<40xi32, #tpu.memory_space<hbm>>
    tpu.enqueue_dma source(%dma_start3A_35 : memref<40xi32, #tpu.memory_space<hbm>>) target(%dma_start3A_34 : memref<40xi32, #tpu.memory_space<vmem>>) target_semaphore(%arg17 : memref<!tpu.dma_semaphore, #tpu.memory_space<semaphore_mem>>)
    %dma_start3A_36 = arith.constant 0 : i32
    %dma_start3A_37 = arith.constant 0 : i32
    %dma_start3A_38 = tpu.memref_slice %arg9[%dma_start3A_36, %dma_start3A_37] : memref<3x40xi32, #tpu.memory_space<vmem>> -> memref<1x40xi32, #tpu.memory_space<vmem>>
    %dma_start3A_39 = tpu.memref_squeeze %dma_start3A_38 : memref<1x40xi32, #tpu.memory_space<vmem>> -> memref<40xi32, #tpu.memory_space<vmem>>
    %dma_start3A_40 = tpu.memref_slice %arg3[%multiple_of3A] : memref<320000xi32, #tpu.memory_space<hbm>> -> memref<40xi32, #tpu.memory_space<hbm>>
    %dma_start3A_41 = arith.constant 0 : i32
    %dma_start3A_42 = tpu.memref_slice %arg9[%dma_start3A_36, %dma_start3A_41] : memref<3x40xi32, #tpu.memory_space<vmem>> -> memref<1x40xi32, #tpu.memory_space<vmem>>
    %dma_start3A_43 = tpu.memref_squeeze %dma_start3A_42 : memref<1x40xi32, #tpu.memory_space<vmem>> -> memref<40xi32, #tpu.memory_space<vmem>>
    %dma_start3A_44 = tpu.memref_slice %arg3[%multiple_of3A] : memref<320000xi32, #tpu.memory_space<hbm>> -> memref<40xi32, #tpu.memory_space<hbm>>
    tpu.enqueue_dma source(%dma_start3A_44 : memref<40xi32, #tpu.memory_space<hbm>>) target(%dma_start3A_43 : memref<40xi32, #tpu.memory_space<vmem>>) target_semaphore(%arg17 : memref<!tpu.dma_semaphore, #tpu.memory_space<semaphore_mem>>)
    %add3A_45 = arith.constant 0 : i32
    %add3A_46 = arith.addi %mul3A_25, %add3A_45 : i32
    %multiple_of3A_47 = tpu.assume_multiple %add3A_46, 8 : i32
    %dma_wait3A = arith.constant 0 : i32
    %dma_wait3A_48 = arith.constant 0 : i32
    %dma_wait3A_49 = tpu.memref_slice %arg8[%dma_wait3A, %dma_wait3A_48] : memref<3x40xi32, #tpu.memory_space<vmem>> -> memref<1x40xi32, #tpu.memory_space<vmem>>
    %dma_wait3A_50 = tpu.memref_squeeze %dma_wait3A_49 : memref<1x40xi32, #tpu.memory_space<vmem>> -> memref<40xi32, #tpu.memory_space<vmem>>
    %dma_wait3A_51 = tpu.memref_slice %arg2[%multiple_of3A_47] : memref<320000xi32, #tpu.memory_space<hbm>> -> memref<40xi32, #tpu.memory_space<hbm>>
    %dma_wait3A_52 = arith.constant 0 : i32
    %dma_wait3A_53 = tpu.memref_slice %arg8[%dma_wait3A, %dma_wait3A_52] : memref<3x40xi32, #tpu.memory_space<vmem>> -> memref<1x40xi32, #tpu.memory_space<vmem>>
    %dma_wait3A_54 = tpu.memref_squeeze %dma_wait3A_53 : memref<1x40xi32, #tpu.memory_space<vmem>> -> memref<40xi32, #tpu.memory_space<vmem>>
    %dma_wait3A_55 = tpu.memref_slice %arg2[%multiple_of3A_47] : memref<320000xi32, #tpu.memory_space<hbm>> -> memref<40xi32, #tpu.memory_space<hbm>>
    tpu.wait_dma2 semaphore(%arg17 : memref<!tpu.dma_semaphore, #tpu.memory_space<semaphore_mem>>) src(%dma_wait3A_55 : memref<40xi32, #tpu.memory_space<hbm>>) dst(%dma_wait3A_54 : memref<40xi32, #tpu.memory_space<vmem>>)
    %dma_wait3A_56 = arith.constant 0 : i32
    %dma_wait3A_57 = arith.constant 0 : i32
    %dma_wait3A_58 = tpu.memref_slice %arg9[%dma_wait3A_56, %dma_wait3A_57] : memref<3x40xi32, #tpu.memory_space<vmem>> -> memref<1x40xi32, #tpu.memory_space<vmem>>
    %dma_wait3A_59 = tpu.memref_squeeze %dma_wait3A_58 : memref<1x40xi32, #tpu.memory_space<vmem>> -> memref<40xi32, #tpu.memory_space<vmem>>
    %dma_wait3A_60 = tpu.memref_slice %arg3[%multiple_of3A_47] : memref<320000xi32, #tpu.memory_space<hbm>> -> memref<40xi32, #tpu.memory_space<hbm>>
    %dma_wait3A_61 = arith.constant 0 : i32
    %dma_wait3A_62 = tpu.memref_slice %arg9[%dma_wait3A_56, %dma_wait3A_61] : memref<3x40xi32, #tpu.memory_space<vmem>> -> memref<1x40xi32, #tpu.memory_space<vmem>>
    %dma_wait3A_63 = tpu.memref_squeeze %dma_wait3A_62 : memref<1x40xi32, #tpu.memory_space<vmem>> -> memref<40xi32, #tpu.memory_space<vmem>>
    %dma_wait3A_64 = tpu.memref_slice %arg3[%multiple_of3A_47] : memref<320000xi32, #tpu.memory_space<hbm>> -> memref<40xi32, #tpu.memory_space<hbm>>
    tpu.wait_dma2 semaphore(%arg17 : memref<!tpu.dma_semaphore, #tpu.memory_space<semaphore_mem>>) src(%dma_wait3A_64 : memref<40xi32, #tpu.memory_space<hbm>>) dst(%dma_wait3A_63 : memref<40xi32, #tpu.memory_space<vmem>>)
    %multiple_of3A_65 = arith.constant 0 : i32
    %multiple_of3A_66 = tpu.assume_multiple %multiple_of3A_65, 8 : i32
    %dma_start3A_67 = arith.constant 0 : i32
    %dma_start3A_68 = arith.constant 0 : i32
    %dma_start3A_69 = tpu.memref_slice %arg10[%multiple_of3A_66, %dma_start3A_68] : memref<80x144xf32, #tpu.memory_space<vmem>> -> memref<40x144xf32, #tpu.memory_space<vmem>>
    %dma_start3A_70 = arith.constant 0 : i32
    %dma_start3A_71 = tpu.memref_slice %arg8[%dma_start3A_67, %dma_start3A_70] : memref<3x40xi32, #tpu.memory_space<vmem>> -> memref<1x40xi32, #tpu.memory_space<vmem>>
    %dma_start3A_72 = tpu.memref_squeeze %dma_start3A_71 : memref<1x40xi32, #tpu.memory_space<vmem>> -> memref<40xi32, #tpu.memory_space<vmem>>
    %dma_start3A_73 = arith.constant 0 : i32
    %dma_start3A_74 = arith.constant 0 : i32
    %dma_start3A_75 = tpu.memref_slice %arg4[%dma_start3A_73, %dma_start3A_74] : memref<10000x144xf32, #tpu.memory_space<hbm>> -> memref<10000x144xf32, #tpu.memory_space<hbm>>
    tpu.enqueue_indirect_dma source(%dma_start3A_75 : memref<10000x144xf32, #tpu.memory_space<hbm>>) target(%dma_start3A_69 : memref<40x144xf32, #tpu.memory_space<vmem>>) offsets(%dma_start3A_72 : memref<40xi32, #tpu.memory_space<vmem>>) semaphore(%arg16 : memref<!tpu.dma_semaphore, #tpu.memory_space<semaphore_mem>>)
    %dma_start3A_76 = arith.constant 0 : i32
    %dma_start3A_77 = arith.constant 0 : i32
    %dma_start3A_78 = tpu.memref_slice %arg11[%multiple_of3A_66, %dma_start3A_77] : memref<80x16xf32, #tpu.memory_space<vmem>> -> memref<40x16xf32, #tpu.memory_space<vmem>>
    %dma_start3A_79 = arith.constant 0 : i32
    %dma_start3A_80 = tpu.memref_slice %arg9[%dma_start3A_76, %dma_start3A_79] : memref<3x40xi32, #tpu.memory_space<vmem>> -> memref<1x40xi32, #tpu.memory_space<vmem>>
    %dma_start3A_81 = tpu.memref_squeeze %dma_start3A_80 : memref<1x40xi32, #tpu.memory_space<vmem>> -> memref<40xi32, #tpu.memory_space<vmem>>
    %dma_start3A_82 = arith.constant 0 : i32
    %dma_start3A_83 = arith.constant 0 : i32
    %dma_start3A_84 = tpu.memref_slice %arg5[%dma_start3A_82, %dma_start3A_83] : memref<10000x16xf32, #tpu.memory_space<hbm>> -> memref<10000x16xf32, #tpu.memory_space<hbm>>
    tpu.enqueue_indirect_dma source(%dma_start3A_84 : memref<10000x16xf32, #tpu.memory_space<hbm>>) target(%dma_start3A_78 : memref<40x16xf32, #tpu.memory_space<vmem>>) offsets(%dma_start3A_81 : memref<40xi32, #tpu.memory_space<vmem>>) semaphore(%arg16 : memref<!tpu.dma_semaphore, #tpu.memory_space<semaphore_mem>>)
    %add3A_85 = arith.constant 40 : i32
    %add3A_86 = arith.addi %mul3A_25, %add3A_85 : i32
    %multiple_of3A_87 = tpu.assume_multiple %add3A_86, 8 : i32
    %dma_start3A_88 = arith.constant 1 : i32
    %dma_start3A_89 = arith.constant 0 : i32
    %dma_start3A_90 = tpu.memref_slice %arg8[%dma_start3A_88, %dma_start3A_89] : memref<3x40xi32, #tpu.memory_space<vmem>> -> memref<1x40xi32, #tpu.memory_space<vmem>>
    %dma_start3A_91 = tpu.memref_squeeze %dma_start3A_90 : memref<1x40xi32, #tpu.memory_space<vmem>> -> memref<40xi32, #tpu.memory_space<vmem>>
    %dma_start3A_92 = tpu.memref_slice %arg2[%multiple_of3A_87] : memref<320000xi32, #tpu.memory_space<hbm>> -> memref<40xi32, #tpu.memory_space<hbm>>
    %dma_start3A_93 = arith.constant 0 : i32
    %dma_start3A_94 = tpu.memref_slice %arg8[%dma_start3A_88, %dma_start3A_93] : memref<3x40xi32, #tpu.memory_space<vmem>> -> memref<1x40xi32, #tpu.memory_space<vmem>>
    %dma_start3A_95 = tpu.memref_squeeze %dma_start3A_94 : memref<1x40xi32, #tpu.memory_space<vmem>> -> memref<40xi32, #tpu.memory_space<vmem>>
    %dma_start3A_96 = tpu.memref_slice %arg2[%multiple_of3A_87] : memref<320000xi32, #tpu.memory_space<hbm>> -> memref<40xi32, #tpu.memory_space<hbm>>
    tpu.enqueue_dma source(%dma_start3A_96 : memref<40xi32, #tpu.memory_space<hbm>>) target(%dma_start3A_95 : memref<40xi32, #tpu.memory_space<vmem>>) target_semaphore(%arg17 : memref<!tpu.dma_semaphore, #tpu.memory_space<semaphore_mem>>)
    %dma_start3A_97 = arith.constant 1 : i32
    %dma_start3A_98 = arith.constant 0 : i32
    %dma_start3A_99 = tpu.memref_slice %arg9[%dma_start3A_97, %dma_start3A_98] : memref<3x40xi32, #tpu.memory_space<vmem>> -> memref<1x40xi32, #tpu.memory_space<vmem>>
    %dma_start3A_100 = tpu.memref_squeeze %dma_start3A_99 : memref<1x40xi32, #tpu.memory_space<vmem>> -> memref<40xi32, #tpu.memory_space<vmem>>
    %dma_start3A_101 = tpu.memref_slice %arg3[%multiple_of3A_87] : memref<320000xi32, #tpu.memory_space<hbm>> -> memref<40xi32, #tpu.memory_space<hbm>>
    %dma_start3A_102 = arith.constant 0 : i32
    %dma_start3A_103 = tpu.memref_slice %arg9[%dma_start3A_97, %dma_start3A_102] : memref<3x40xi32, #tpu.memory_space<vmem>> -> memref<1x40xi32, #tpu.memory_space<vmem>>
    %dma_start3A_104 = tpu.memref_squeeze %dma_start3A_103 : memref<1x40xi32, #tpu.memory_space<vmem>> -> memref<40xi32, #tpu.memory_space<vmem>>
    %dma_start3A_105 = tpu.memref_slice %arg3[%multiple_of3A_87] : memref<320000xi32, #tpu.memory_space<hbm>> -> memref<40xi32, #tpu.memory_space<hbm>>
    tpu.enqueue_dma source(%dma_start3A_105 : memref<40xi32, #tpu.memory_space<hbm>>) target(%dma_start3A_104 : memref<40xi32, #tpu.memory_space<vmem>>) target_semaphore(%arg17 : memref<!tpu.dma_semaphore, #tpu.memory_space<semaphore_mem>>)
    %scan3A_106 = arith.constant 0 : i32
    %scan3A_107 = arith.constant 0 : i32
    %scan3A_108 = arith.constant 250 : i32
    %scan3A_109 = arith.addi %scan3A_107, %scan3A_108 : i32
    %scan3A_110 = arith.constant 1 : i32
    scf.for %scan3A_139 = %scan3A_107 to %scan3A_109 step %scan3A_110  : i32 {
      %rem3A = arith.constant 2 : i32
      %rem3A_140 = arith.remsi %scan3A_139, %rem3A : i32
      %rem3A_141 = arith.constant 3 : i32
      %rem3A_142 = arith.remsi %scan3A_139, %rem3A_141 : i32
      %mul3A_143 = arith.constant 40 : i32
      %mul3A_144 = arith.muli %rem3A_140, %mul3A_143 : i32
      %multiple_of3A_145 = tpu.assume_multiple %mul3A_144, 8 : i32
      %mul3A_146 = arith.constant 40 : i32
      %mul3A_147 = arith.muli %rem3A_140, %mul3A_146 : i32
      %mul3A_148 = arith.constant 40 : i32
      %mul3A_149 = arith.muli %rem3A_140, %mul3A_148 : i32
      %multiple_of3A_150 = tpu.assume_multiple %mul3A_149, 8 : i32
      %dma_wait3A_151 = arith.constant 0 : i32
      %dma_wait3A_152 = tpu.memref_slice %arg10[%multiple_of3A_150, %dma_wait3A_151] : memref<80x144xf32, #tpu.memory_space<vmem>> -> memref<40x144xf32, #tpu.memory_space<vmem>>
      %dma_wait3A_153 = arith.constant 0 : i32
      %dma_wait3A_154 = tpu.memref_slice %arg8[%rem3A_142, %dma_wait3A_153] : memref<3x40xi32, #tpu.memory_space<vmem>> -> memref<1x40xi32, #tpu.memory_space<vmem>>
      %dma_wait3A_155 = tpu.memref_squeeze %dma_wait3A_154 : memref<1x40xi32, #tpu.memory_space<vmem>> -> memref<40xi32, #tpu.memory_space<vmem>>
      %dma_wait3A_156 = arith.constant 0 : i32
      %dma_wait3A_157 = arith.constant 0 : i32
      %dma_wait3A_158 = tpu.memref_slice %arg4[%dma_wait3A_156, %dma_wait3A_157] : memref<10000x144xf32, #tpu.memory_space<hbm>> -> memref<10000x144xf32, #tpu.memory_space<hbm>>
      tpu.wait_indirect_dma semaphore(%arg16 : memref<!tpu.dma_semaphore, #tpu.memory_space<semaphore_mem>>) src(%dma_wait3A_158 : memref<10000x144xf32, #tpu.memory_space<hbm>>) dst(%dma_wait3A_152 : memref<40x144xf32, #tpu.memory_space<vmem>>)
      %dma_wait3A_159 = arith.constant 0 : i32
      %dma_wait3A_160 = tpu.memref_slice %arg11[%multiple_of3A_150, %dma_wait3A_159] : memref<80x16xf32, #tpu.memory_space<vmem>> -> memref<40x16xf32, #tpu.memory_space<vmem>>
      %dma_wait3A_161 = arith.constant 0 : i32
      %dma_wait3A_162 = tpu.memref_slice %arg9[%rem3A_142, %dma_wait3A_161] : memref<3x40xi32, #tpu.memory_space<vmem>> -> memref<1x40xi32, #tpu.memory_space<vmem>>
      %dma_wait3A_163 = tpu.memref_squeeze %dma_wait3A_162 : memref<1x40xi32, #tpu.memory_space<vmem>> -> memref<40xi32, #tpu.memory_space<vmem>>
      %dma_wait3A_164 = arith.constant 0 : i32
      %dma_wait3A_165 = arith.constant 0 : i32
      %dma_wait3A_166 = tpu.memref_slice %arg5[%dma_wait3A_164, %dma_wait3A_165] : memref<10000x16xf32, #tpu.memory_space<hbm>> -> memref<10000x16xf32, #tpu.memory_space<hbm>>
      tpu.wait_indirect_dma semaphore(%arg16 : memref<!tpu.dma_semaphore, #tpu.memory_space<semaphore_mem>>) src(%dma_wait3A_166 : memref<10000x16xf32, #tpu.memory_space<hbm>>) dst(%dma_wait3A_160 : memref<40x16xf32, #tpu.memory_space<vmem>>)
      %add3A_167 = arith.constant 1 : i32
      %add3A_168 = arith.addi %scan3A_139, %add3A_167 : i32
      %lt3A = arith.constant 250 : i32
      %lt3A_169 = arith.cmpi slt, %add3A_168, %lt3A : i32
      %convert_element_type3A = arith.extui %lt3A_169 : i1 to i32
      %cond3A = arith.constant 0 : i32
      %cond3A_170 = arith.cmpi ne, %convert_element_type3A, %cond3A : i32
      scf.if %cond3A_170 {
        %add3A_203 = arith.constant 1 : i32
        %add3A_204 = arith.addi %scan3A_139, %add3A_203 : i32
        %rem3A_205 = arith.constant 3 : i32
        %rem3A_206 = arith.remsi %add3A_204, %rem3A_205 : i32
        %add3A_207 = arith.constant 1 : i32
        %add3A_208 = arith.addi %scan3A_139, %add3A_207 : i32
        %mul3A_209 = arith.constant 40 : i32
        %mul3A_210 = arith.muli %add3A_208, %mul3A_209 : i32
        %add3A_211 = arith.addi %mul3A_25, %mul3A_210 : i32
        %multiple_of3A_212 = tpu.assume_multiple %add3A_211, 8 : i32
        %dma_wait3A_213 = arith.constant 0 : i32
        %dma_wait3A_214 = tpu.memref_slice %arg8[%rem3A_206, %dma_wait3A_213] : memref<3x40xi32, #tpu.memory_space<vmem>> -> memref<1x40xi32, #tpu.memory_space<vmem>>
        %dma_wait3A_215 = tpu.memref_squeeze %dma_wait3A_214 : memref<1x40xi32, #tpu.memory_space<vmem>> -> memref<40xi32, #tpu.memory_space<vmem>>
        %dma_wait3A_216 = tpu.memref_slice %arg2[%multiple_of3A_212] : memref<320000xi32, #tpu.memory_space<hbm>> -> memref<40xi32, #tpu.memory_space<hbm>>
        %dma_wait3A_217 = arith.constant 0 : i32
        %dma_wait3A_218 = tpu.memref_slice %arg8[%rem3A_206, %dma_wait3A_217] : memref<3x40xi32, #tpu.memory_space<vmem>> -> memref<1x40xi32, #tpu.memory_space<vmem>>
        %dma_wait3A_219 = tpu.memref_squeeze %dma_wait3A_218 : memref<1x40xi32, #tpu.memory_space<vmem>> -> memref<40xi32, #tpu.memory_space<vmem>>
        %dma_wait3A_220 = tpu.memref_slice %arg2[%multiple_of3A_212] : memref<320000xi32, #tpu.memory_space<hbm>> -> memref<40xi32, #tpu.memory_space<hbm>>
        tpu.wait_dma2 semaphore(%arg17 : memref<!tpu.dma_semaphore, #tpu.memory_space<semaphore_mem>>) src(%dma_wait3A_220 : memref<40xi32, #tpu.memory_space<hbm>>) dst(%dma_wait3A_219 : memref<40xi32, #tpu.memory_space<vmem>>)
        %dma_wait3A_221 = arith.constant 0 : i32
        %dma_wait3A_222 = tpu.memref_slice %arg9[%rem3A_206, %dma_wait3A_221] : memref<3x40xi32, #tpu.memory_space<vmem>> -> memref<1x40xi32, #tpu.memory_space<vmem>>
        %dma_wait3A_223 = tpu.memref_squeeze %dma_wait3A_222 : memref<1x40xi32, #tpu.memory_space<vmem>> -> memref<40xi32, #tpu.memory_space<vmem>>
        %dma_wait3A_224 = tpu.memref_slice %arg3[%multiple_of3A_212] : memref<320000xi32, #tpu.memory_space<hbm>> -> memref<40xi32, #tpu.memory_space<hbm>>
        %dma_wait3A_225 = arith.constant 0 : i32
        %dma_wait3A_226 = tpu.memref_slice %arg9[%rem3A_206, %dma_wait3A_225] : memref<3x40xi32, #tpu.memory_space<vmem>> -> memref<1x40xi32, #tpu.memory_space<vmem>>
        %dma_wait3A_227 = tpu.memref_squeeze %dma_wait3A_226 : memref<1x40xi32, #tpu.memory_space<vmem>> -> memref<40xi32, #tpu.memory_space<vmem>>
        %dma_wait3A_228 = tpu.memref_slice %arg3[%multiple_of3A_212] : memref<320000xi32, #tpu.memory_space<hbm>> -> memref<40xi32, #tpu.memory_space<hbm>>
        tpu.wait_dma2 semaphore(%arg17 : memref<!tpu.dma_semaphore, #tpu.memory_space<semaphore_mem>>) src(%dma_wait3A_228 : memref<40xi32, #tpu.memory_space<hbm>>) dst(%dma_wait3A_227 : memref<40xi32, #tpu.memory_space<vmem>>)
        %sub3A = arith.constant 1 : i32
        %sub3A_229 = arith.subi %sub3A, %rem3A_140 : i32
        %mul3A_230 = arith.constant 40 : i32
        %mul3A_231 = arith.muli %sub3A_229, %mul3A_230 : i32
        %multiple_of3A_232 = tpu.assume_multiple %mul3A_231, 8 : i32
        %dma_start3A_233 = arith.constant 0 : i32
        %dma_start3A_234 = tpu.memref_slice %arg10[%multiple_of3A_232, %dma_start3A_233] : memref<80x144xf32, #tpu.memory_space<vmem>> -> memref<40x144xf32, #tpu.memory_space<vmem>>
        %dma_start3A_235 = arith.constant 0 : i32
        %dma_start3A_236 = tpu.memref_slice %arg8[%rem3A_206, %dma_start3A_235] : memref<3x40xi32, #tpu.memory_space<vmem>> -> memref<1x40xi32, #tpu.memory_space<vmem>>
        %dma_start3A_237 = tpu.memref_squeeze %dma_start3A_236 : memref<1x40xi32, #tpu.memory_space<vmem>> -> memref<40xi32, #tpu.memory_space<vmem>>
        %dma_start3A_238 = arith.constant 0 : i32
        %dma_start3A_239 = arith.constant 0 : i32
        %dma_start3A_240 = tpu.memref_slice %arg4[%dma_start3A_238, %dma_start3A_239] : memref<10000x144xf32, #tpu.memory_space<hbm>> -> memref<10000x144xf32, #tpu.memory_space<hbm>>
        tpu.enqueue_indirect_dma source(%dma_start3A_240 : memref<10000x144xf32, #tpu.memory_space<hbm>>) target(%dma_start3A_234 : memref<40x144xf32, #tpu.memory_space<vmem>>) offsets(%dma_start3A_237 : memref<40xi32, #tpu.memory_space<vmem>>) semaphore(%arg16 : memref<!tpu.dma_semaphore, #tpu.memory_space<semaphore_mem>>)
        %dma_start3A_241 = arith.constant 0 : i32
        %dma_start3A_242 = tpu.memref_slice %arg11[%multiple_of3A_232, %dma_start3A_241] : memref<80x16xf32, #tpu.memory_space<vmem>> -> memref<40x16xf32, #tpu.memory_space<vmem>>
        %dma_start3A_243 = arith.constant 0 : i32
        %dma_start3A_244 = tpu.memref_slice %arg9[%rem3A_206, %dma_start3A_243] : memref<3x40xi32, #tpu.memory_space<vmem>> -> memref<1x40xi32, #tpu.memory_space<vmem>>
        %dma_start3A_245 = tpu.memref_squeeze %dma_start3A_244 : memref<1x40xi32, #tpu.memory_space<vmem>> -> memref<40xi32, #tpu.memory_space<vmem>>
        %dma_start3A_246 = arith.constant 0 : i32
        %dma_start3A_247 = arith.constant 0 : i32
        %dma_start3A_248 = tpu.memref_slice %arg5[%dma_start3A_246, %dma_start3A_247] : memref<10000x16xf32, #tpu.memory_space<hbm>> -> memref<10000x16xf32, #tpu.memory_space<hbm>>
        tpu.enqueue_indirect_dma source(%dma_start3A_248 : memref<10000x16xf32, #tpu.memory_space<hbm>>) target(%dma_start3A_242 : memref<40x16xf32, #tpu.memory_space<vmem>>) offsets(%dma_start3A_245 : memref<40xi32, #tpu.memory_space<vmem>>) semaphore(%arg16 : memref<!tpu.dma_semaphore, #tpu.memory_space<semaphore_mem>>)
      } else {
      }
      %add3A_171 = arith.constant 2 : i32
      %add3A_172 = arith.addi %scan3A_139, %add3A_171 : i32
      %lt3A_173 = arith.constant 250 : i32
      %lt3A_174 = arith.cmpi slt, %add3A_172, %lt3A_173 : i32
      %convert_element_type3A_175 = arith.extui %lt3A_174 : i1 to i32
      %cond3A_176 = arith.constant 0 : i32
      %cond3A_177 = arith.cmpi ne, %convert_element_type3A_175, %cond3A_176 : i32
      scf.if %cond3A_177 {
        %add3A_203 = arith.constant 2 : i32
        %add3A_204 = arith.addi %scan3A_139, %add3A_203 : i32
        %add3A_205 = arith.constant 2 : i32
        %add3A_206 = arith.addi %scan3A_139, %add3A_205 : i32
        %rem3A_207 = arith.constant 3 : i32
        %rem3A_208 = arith.remsi %add3A_206, %rem3A_207 : i32
        %mul3A_209 = arith.constant 40 : i32
        %mul3A_210 = arith.muli %add3A_204, %mul3A_209 : i32
        %add3A_211 = arith.addi %mul3A_25, %mul3A_210 : i32
        %multiple_of3A_212 = tpu.assume_multiple %add3A_211, 8 : i32
        %dma_start3A_213 = arith.constant 0 : i32
        %dma_start3A_214 = tpu.memref_slice %arg8[%rem3A_208, %dma_start3A_213] : memref<3x40xi32, #tpu.memory_space<vmem>> -> memref<1x40xi32, #tpu.memory_space<vmem>>
        %dma_start3A_215 = tpu.memref_squeeze %dma_start3A_214 : memref<1x40xi32, #tpu.memory_space<vmem>> -> memref<40xi32, #tpu.memory_space<vmem>>
        %dma_start3A_216 = tpu.memref_slice %arg2[%multiple_of3A_212] : memref<320000xi32, #tpu.memory_space<hbm>> -> memref<40xi32, #tpu.memory_space<hbm>>
        %dma_start3A_217 = arith.constant 0 : i32
        %dma_start3A_218 = tpu.memref_slice %arg8[%rem3A_208, %dma_start3A_217] : memref<3x40xi32, #tpu.memory_space<vmem>> -> memref<1x40xi32, #tpu.memory_space<vmem>>
        %dma_start3A_219 = tpu.memref_squeeze %dma_start3A_218 : memref<1x40xi32, #tpu.memory_space<vmem>> -> memref<40xi32, #tpu.memory_space<vmem>>
        %dma_start3A_220 = tpu.memref_slice %arg2[%multiple_of3A_212] : memref<320000xi32, #tpu.memory_space<hbm>> -> memref<40xi32, #tpu.memory_space<hbm>>
        tpu.enqueue_dma source(%dma_start3A_220 : memref<40xi32, #tpu.memory_space<hbm>>) target(%dma_start3A_219 : memref<40xi32, #tpu.memory_space<vmem>>) target_semaphore(%arg17 : memref<!tpu.dma_semaphore, #tpu.memory_space<semaphore_mem>>)
        %dma_start3A_221 = arith.constant 0 : i32
        %dma_start3A_222 = tpu.memref_slice %arg9[%rem3A_208, %dma_start3A_221] : memref<3x40xi32, #tpu.memory_space<vmem>> -> memref<1x40xi32, #tpu.memory_space<vmem>>
        %dma_start3A_223 = tpu.memref_squeeze %dma_start3A_222 : memref<1x40xi32, #tpu.memory_space<vmem>> -> memref<40xi32, #tpu.memory_space<vmem>>
        %dma_start3A_224 = tpu.memref_slice %arg3[%multiple_of3A_212] : memref<320000xi32, #tpu.memory_space<hbm>> -> memref<40xi32, #tpu.memory_space<hbm>>
        %dma_start3A_225 = arith.constant 0 : i32
        %dma_start3A_226 = tpu.memref_slice %arg9[%rem3A_208, %dma_start3A_225] : memref<3x40xi32, #tpu.memory_space<vmem>> -> memref<1x40xi32, #tpu.memory_space<vmem>>
        %dma_start3A_227 = tpu.memref_squeeze %dma_start3A_226 : memref<1x40xi32, #tpu.memory_space<vmem>> -> memref<40xi32, #tpu.memory_space<vmem>>
        %dma_start3A_228 = tpu.memref_slice %arg3[%multiple_of3A_212] : memref<320000xi32, #tpu.memory_space<hbm>> -> memref<40xi32, #tpu.memory_space<hbm>>
        tpu.enqueue_dma source(%dma_start3A_228 : memref<40xi32, #tpu.memory_space<hbm>>) target(%dma_start3A_227 : memref<40xi32, #tpu.memory_space<vmem>>) target_semaphore(%arg17 : memref<!tpu.dma_semaphore, #tpu.memory_space<semaphore_mem>>)
      } else {
      }
      %ge3A_178 = arith.constant 2 : i32
      %ge3A_179 = arith.cmpi sge, %scan3A_139, %ge3A_178 : i32
      %convert_element_type3A_180 = arith.extui %ge3A_179 : i1 to i32
      %cond3A_181 = arith.constant 0 : i32
      %cond3A_182 = arith.cmpi ne, %convert_element_type3A_180, %cond3A_181 : i32
      scf.if %cond3A_182 {
        %dma_wait3A_203 = arith.constant 0 : i32
        %dma_wait3A_204 = tpu.memref_slice %arg13[%multiple_of3A_145, %dma_wait3A_203] : memref<80x144xf32, #tpu.memory_space<vmem>> -> memref<40x144xf32, #tpu.memory_space<vmem>>
        %dma_wait3A_205 = arith.constant 0 : i32
        %dma_wait3A_206 = tpu.memref_slice %arg9[%rem3A_142, %dma_wait3A_205] : memref<3x40xi32, #tpu.memory_space<vmem>> -> memref<1x40xi32, #tpu.memory_space<vmem>>
        %dma_wait3A_207 = tpu.memref_squeeze %dma_wait3A_206 : memref<1x40xi32, #tpu.memory_space<vmem>> -> memref<40xi32, #tpu.memory_space<vmem>>
        %dma_wait3A_208 = arith.constant 0 : i32
        %dma_wait3A_209 = arith.constant 0 : i32
        %dma_wait3A_210 = tpu.memref_slice %arg15[%dma_wait3A_208, %dma_wait3A_209] : memref<10240x144xf32, #tpu.memory_space<vmem_shared>> -> memref<10240x144xf32, #tpu.memory_space<vmem_shared>>
        tpu.wait_indirect_dma semaphore(%arg18 : memref<!tpu.dma_semaphore, #tpu.memory_space<semaphore_mem>>) src(%dma_wait3A_204 : memref<40x144xf32, #tpu.memory_space<vmem>>) dst(%dma_wait3A_210 : memref<10240x144xf32, #tpu.memory_space<vmem_shared>>)
      } else {
      }
      %scan3A_183 = arith.constant 0 : i32
      %scan3A_184 = arith.constant 0 : i32
      %scan3A_185 = arith.constant 20 : i32
      %scan3A_186 = arith.addi %scan3A_184, %scan3A_185 : i32
      %scan3A_187 = arith.constant 1 : i32
      scf.for %scan3A_203 = %scan3A_184 to %scan3A_186 step %scan3A_187  : i32 {
        %mul3A_204 = arith.constant 2 : i32
        %mul3A_205 = arith.muli %mul3A_204, %scan3A_203 : i32
        %add3A_206 = arith.addi %mul3A_147, %mul3A_205 : i32
        %shift_right_arithmetic3A = arith.constant 3 : i32
        %shift_right_arithmetic3A_207 = vector.broadcast %shift_right_arithmetic3A : i32 to vector<16xi32>
        %shift_right_arithmetic3A_208 = arith.shrsi %iota3A, %shift_right_arithmetic3A_207 : vector<16xi32>
        %add3A_209 = vector.broadcast %add3A_206 : i32 to vector<16xi32>
        %add3A_210 = arith.addi %add3A_209, %shift_right_arithmetic3A_208 : vector<16xi32>
        %add3A_211 = arith.constant 128 : i32
        %add3A_212 = vector.broadcast %add3A_211 : i32 to vector<16xi32>
        %add3A_213 = arith.addi %and3A_2, %add3A_212 : vector<16xi32>
        %gather3A_214 = tpu.vector_load_idx %arg10[%add3A_210, %add3A_213] : memref<80x144xf32, #tpu.memory_space<vmem>>[vector<16xi32>, vector<16xi32>], vector<16xf32>,
        %gather3A_215 = tpu.vector_load_idx %arg11[%add3A_210, %and3A_2] : memref<80x16xf32, #tpu.memory_space<vmem>>[vector<16xi32>, vector<16xi32>], vector<16xf32>,
        %add3A_216 = arith.addf %gather3A_214, %gather3A_215 : vector<16xf32>
        %ge3A_217 = arith.constant 0.000000e+00 : f32
        %ge3A_218 = vector.broadcast %ge3A_217 : f32 to vector<16xf32>
        %ge3A_219 = arith.cmpf oge, %add3A_216, %ge3A_218 : vector<16xf32>
        %mul3A_220 = arith.constant 2.000000e-01 : f32
        %mul3A_221 = vector.broadcast %mul3A_220 : f32 to vector<16xf32>
        %mul3A_222 = arith.mulf %mul3A_221, %add3A_216 : vector<16xf32>
        %select_n3A_223 = arith.select %ge3A_219, %add3A_216, %mul3A_222 : vector<16xi1>, vector<16xf32>
        %sub3A = arith.subf %select_n3A_223, %select_n3A : vector<16xf32>
        %exp3A = math.exp %sub3A : vector<16xf32>
        %mul3A_224 = arith.constant 16 : i32
        %mul3A_225 = arith.muli %scan3A_203, %mul3A_224 : i32
        %swap3A = arith.index_cast %mul3A_225 : i32 to index
        %swap3A_226 = tpu.vector_load %arg12[%swap3A] {strides = array<i32>} : memref<320xf32, #tpu.memory_space<vmem>>, vector<16xf32>,
        tpu.vector_store %arg12[%swap3A], %exp3A {strides = array<i32>} : memref<320xf32, #tpu.memory_space<vmem>>, vector<16xf32>,
      }
      %scan3A_188 = arith.constant 20 : i32
      %scan3A_189 = arith.constant 0 : i32
      %scan3A_190 = arith.constant 0 : i32
      %scan3A_191 = arith.constant 40 : i32
      %scan3A_192 = arith.addi %scan3A_190, %scan3A_191 : i32
      %scan3A_193 = arith.constant 1 : i32
      scf.for %scan3A_203 = %scan3A_190 to %scan3A_192 step %scan3A_193  : i32 {
        %broadcast_in_dim3A = arith.constant 0 : i32
        %broadcast_in_dim3A_204 = vector.broadcast %broadcast_in_dim3A : i32 to vector<16xi32>
        %mul3A_205 = arith.constant 8 : i32
        %mul3A_206 = arith.muli %scan3A_203, %mul3A_205 : i32
        %add3A_207 = arith.constant 0 : i32
        %add3A_208 = arith.addi %mul3A_206, %add3A_207 : i32
        %add3A_209 = vector.broadcast %add3A_208 : i32 to vector<16xi32>
        %add3A_210 = arith.addi %broadcast_in_dim3A_204, %add3A_209 : vector<16xi32>
        %gather3A_211 = tpu.vector_load_idx %arg12[%add3A_210] : memref<320xf32, #tpu.memory_space<vmem>>[vector<16xi32>], vector<16xf32>,
        %add3A_212 = arith.addi %mul3A_147, %scan3A_203 : i32
        %get3A = arith.index_cast %add3A_212 : i32 to index
        %get3A_213 = arith.constant 0 : index
        %get3A_214 = tpu.vector_load %arg10[%get3A, %get3A_213] {strides = array<i32>} : memref<80x144xf32, #tpu.memory_space<vmem>>, vector<16xf32>,
        %mul3A_215 = arith.mulf %gather3A_211, %get3A_214 : vector<16xf32>
        %add3A_216 = arith.addi %mul3A_147, %scan3A_203 : i32
        %swap3A = arith.index_cast %add3A_216 : i32 to index
        %swap3A_217 = arith.constant 0 : index
        %swap3A_218 = tpu.vector_load %arg13[%swap3A, %swap3A_217] {strides = array<i32>} : memref<80x144xf32, #tpu.memory_space<vmem>>, vector<16xf32>,
        tpu.vector_store %arg13[%swap3A, %swap3A_217], %mul3A_215 {strides = array<i32>} : memref<80x144xf32, #tpu.memory_space<vmem>>, vector<16xf32>,
        %broadcast_in_dim3A_219 = arith.constant 0 : i32
        %broadcast_in_dim3A_220 = vector.broadcast %broadcast_in_dim3A_219 : i32 to vector<16xi32>
        %mul3A_221 = arith.constant 8 : i32
        %mul3A_222 = arith.muli %scan3A_203, %mul3A_221 : i32
        %add3A_223 = arith.constant 1 : i32
        %add3A_224 = arith.addi %mul3A_222, %add3A_223 : i32
        %add3A_225 = vector.broadcast %add3A_224 : i32 to vector<16xi32>
        %add3A_226 = arith.addi %broadcast_in_dim3A_220, %add3A_225 : vector<16xi32>
        %gather3A_227 = tpu.vector_load_idx %arg12[%add3A_226] : memref<320xf32, #tpu.memory_space<vmem>>[vector<16xi32>], vector<16xf32>,
        %add3A_228 = arith.addi %mul3A_147, %scan3A_203 : i32
        %get3A_229 = arith.index_cast %add3A_228 : i32 to index
        %get3A_230 = arith.constant 16 : index
        %get3A_231 = tpu.vector_load %arg10[%get3A_229, %get3A_230] {strides = array<i32>} : memref<80x144xf32, #tpu.memory_space<vmem>>, vector<16xf32>,
        %mul3A_232 = arith.mulf %gather3A_227, %get3A_231 : vector<16xf32>
        %add3A_233 = arith.addi %mul3A_147, %scan3A_203 : i32
        %swap3A_234 = arith.index_cast %add3A_233 : i32 to index
        %swap3A_235 = arith.constant 16 : index
        %swap3A_236 = tpu.vector_load %arg13[%swap3A_234, %swap3A_235] {strides = array<i32>} : memref<80x144xf32, #tpu.memory_space<vmem>>, vector<16xf32>,
        tpu.vector_store %arg13[%swap3A_234, %swap3A_235], %mul3A_232 {strides = array<i32>} : memref<80x144xf32, #tpu.memory_space<vmem>>, vector<16xf32>,
        %broadcast_in_dim3A_237 = arith.constant 0 : i32
        %broadcast_in_dim3A_238 = vector.broadcast %broadcast_in_dim3A_237 : i32 to vector<16xi32>
        %mul3A_239 = arith.constant 8 : i32
        %mul3A_240 = arith.muli %scan3A_203, %mul3A_239 : i32
        %add3A_241 = arith.constant 2 : i32
        %add3A_242 = arith.addi %mul3A_240, %add3A_241 : i32
        %add3A_243 = vector.broadcast %add3A_242 : i32 to vector<16xi32>
        %add3A_244 = arith.addi %broadcast_in_dim3A_238, %add3A_243 : vector<16xi32>
        %gather3A_245 = tpu.vector_load_idx %arg12[%add3A_244] : memref<320xf32, #tpu.memory_space<vmem>>[vector<16xi32>], vector<16xf32>,
        %add3A_246 = arith.addi %mul3A_147, %scan3A_203 : i32
        %get3A_247 = arith.index_cast %add3A_246 : i32 to index
        %get3A_248 = arith.constant 32 : index
        %get3A_249 = tpu.vector_load %arg10[%get3A_247, %get3A_248] {strides = array<i32>} : memref<80x144xf32, #tpu.memory_space<vmem>>, vector<16xf32>,
        %mul3A_250 = arith.mulf %gather3A_245, %get3A_249 : vector<16xf32>
        %add3A_251 = arith.addi %mul3A_147, %scan3A_203 : i32
        %swap3A_252 = arith.index_cast %add3A_251 : i32 to index
        %swap3A_253 = arith.constant 32 : index
        %swap3A_254 = tpu.vector_load %arg13[%swap3A_252, %swap3A_253] {strides = array<i32>} : memref<80x144xf32, #tpu.memory_space<vmem>>, vector<16xf32>,
        tpu.vector_store %arg13[%swap3A_252, %swap3A_253], %mul3A_250 {strides = array<i32>} : memref<80x144xf32, #tpu.memory_space<vmem>>, vector<16xf32>,
        %broadcast_in_dim3A_255 = arith.constant 0 : i32
        %broadcast_in_dim3A_256 = vector.broadcast %broadcast_in_dim3A_255 : i32 to vector<16xi32>
        %mul3A_257 = arith.constant 8 : i32
        %mul3A_258 = arith.muli %scan3A_203, %mul3A_257 : i32
        %add3A_259 = arith.constant 3 : i32
        %add3A_260 = arith.addi %mul3A_258, %add3A_259 : i32
        %add3A_261 = vector.broadcast %add3A_260 : i32 to vector<16xi32>
        %add3A_262 = arith.addi %broadcast_in_dim3A_256, %add3A_261 : vector<16xi32>
        %gather3A_263 = tpu.vector_load_idx %arg12[%add3A_262] : memref<320xf32, #tpu.memory_space<vmem>>[vector<16xi32>], vector<16xf32>,
        %add3A_264 = arith.addi %mul3A_147, %scan3A_203 : i32
        %get3A_265 = arith.index_cast %add3A_264 : i32 to index
        %get3A_266 = arith.constant 48 : index
        %get3A_267 = tpu.vector_load %arg10[%get3A_265, %get3A_266] {strides = array<i32>} : memref<80x144xf32, #tpu.memory_space<vmem>>, vector<16xf32>,
        %mul3A_268 = arith.mulf %gather3A_263, %get3A_267 : vector<16xf32>
        %add3A_269 = arith.addi %mul3A_147, %scan3A_203 : i32
        %swap3A_270 = arith.index_cast %add3A_269 : i32 to index
        %swap3A_271 = arith.constant 48 : index
        %swap3A_272 = tpu.vector_load %arg13[%swap3A_270, %swap3A_271] {strides = array<i32>} : memref<80x144xf32, #tpu.memory_space<vmem>>, vector<16xf32>,
        tpu.vector_store %arg13[%swap3A_270, %swap3A_271], %mul3A_268 {strides = array<i32>} : memref<80x144xf32, #tpu.memory_space<vmem>>, vector<16xf32>,
        %broadcast_in_dim3A_273 = arith.constant 0 : i32
        %broadcast_in_dim3A_274 = vector.broadcast %broadcast_in_dim3A_273 : i32 to vector<16xi32>
        %mul3A_275 = arith.constant 8 : i32
        %mul3A_276 = arith.muli %scan3A_203, %mul3A_275 : i32
        %add3A_277 = arith.constant 4 : i32
        %add3A_278 = arith.addi %mul3A_276, %add3A_277 : i32
        %add3A_279 = vector.broadcast %add3A_278 : i32 to vector<16xi32>
        %add3A_280 = arith.addi %broadcast_in_dim3A_274, %add3A_279 : vector<16xi32>
        %gather3A_281 = tpu.vector_load_idx %arg12[%add3A_280] : memref<320xf32, #tpu.memory_space<vmem>>[vector<16xi32>], vector<16xf32>,
        %add3A_282 = arith.addi %mul3A_147, %scan3A_203 : i32
        %get3A_283 = arith.index_cast %add3A_282 : i32 to index
        %get3A_284 = arith.constant 64 : index
        %get3A_285 = tpu.vector_load %arg10[%get3A_283, %get3A_284] {strides = array<i32>} : memref<80x144xf32, #tpu.memory_space<vmem>>, vector<16xf32>,
        %mul3A_286 = arith.mulf %gather3A_281, %get3A_285 : vector<16xf32>
        %add3A_287 = arith.addi %mul3A_147, %scan3A_203 : i32
        %swap3A_288 = arith.index_cast %add3A_287 : i32 to index
        %swap3A_289 = arith.constant 64 : index
        %swap3A_290 = tpu.vector_load %arg13[%swap3A_288, %swap3A_289] {strides = array<i32>} : memref<80x144xf32, #tpu.memory_space<vmem>>, vector<16xf32>,
        tpu.vector_store %arg13[%swap3A_288, %swap3A_289], %mul3A_286 {strides = array<i32>} : memref<80x144xf32, #tpu.memory_space<vmem>>, vector<16xf32>,
        %broadcast_in_dim3A_291 = arith.constant 0 : i32
        %broadcast_in_dim3A_292 = vector.broadcast %broadcast_in_dim3A_291 : i32 to vector<16xi32>
        %mul3A_293 = arith.constant 8 : i32
        %mul3A_294 = arith.muli %scan3A_203, %mul3A_293 : i32
        %add3A_295 = arith.constant 5 : i32
        %add3A_296 = arith.addi %mul3A_294, %add3A_295 : i32
        %add3A_297 = vector.broadcast %add3A_296 : i32 to vector<16xi32>
        %add3A_298 = arith.addi %broadcast_in_dim3A_292, %add3A_297 : vector<16xi32>
        %gather3A_299 = tpu.vector_load_idx %arg12[%add3A_298] : memref<320xf32, #tpu.memory_space<vmem>>[vector<16xi32>], vector<16xf32>,
        %add3A_300 = arith.addi %mul3A_147, %scan3A_203 : i32
        %get3A_301 = arith.index_cast %add3A_300 : i32 to index
        %get3A_302 = arith.constant 80 : index
        %get3A_303 = tpu.vector_load %arg10[%get3A_301, %get3A_302] {strides = array<i32>} : memref<80x144xf32, #tpu.memory_space<vmem>>, vector<16xf32>,
        %mul3A_304 = arith.mulf %gather3A_299, %get3A_303 : vector<16xf32>
        %add3A_305 = arith.addi %mul3A_147, %scan3A_203 : i32
        %swap3A_306 = arith.index_cast %add3A_305 : i32 to index
        %swap3A_307 = arith.constant 80 : index
        %swap3A_308 = tpu.vector_load %arg13[%swap3A_306, %swap3A_307] {strides = array<i32>} : memref<80x144xf32, #tpu.memory_space<vmem>>, vector<16xf32>,
        tpu.vector_store %arg13[%swap3A_306, %swap3A_307], %mul3A_304 {strides = array<i32>} : memref<80x144xf32, #tpu.memory_space<vmem>>, vector<16xf32>,
        %broadcast_in_dim3A_309 = arith.constant 0 : i32
        %broadcast_in_dim3A_310 = vector.broadcast %broadcast_in_dim3A_309 : i32 to vector<16xi32>
        %mul3A_311 = arith.constant 8 : i32
        %mul3A_312 = arith.muli %scan3A_203, %mul3A_311 : i32
        %add3A_313 = arith.constant 6 : i32
        %add3A_314 = arith.addi %mul3A_312, %add3A_313 : i32
        %add3A_315 = vector.broadcast %add3A_314 : i32 to vector<16xi32>
        %add3A_316 = arith.addi %broadcast_in_dim3A_310, %add3A_315 : vector<16xi32>
        %gather3A_317 = tpu.vector_load_idx %arg12[%add3A_316] : memref<320xf32, #tpu.memory_space<vmem>>[vector<16xi32>], vector<16xf32>,
        %add3A_318 = arith.addi %mul3A_147, %scan3A_203 : i32
        %get3A_319 = arith.index_cast %add3A_318 : i32 to index
        %get3A_320 = arith.constant 96 : index
        %get3A_321 = tpu.vector_load %arg10[%get3A_319, %get3A_320] {strides = array<i32>} : memref<80x144xf32, #tpu.memory_space<vmem>>, vector<16xf32>,
        %mul3A_322 = arith.mulf %gather3A_317, %get3A_321 : vector<16xf32>
        %add3A_323 = arith.addi %mul3A_147, %scan3A_203 : i32
        %swap3A_324 = arith.index_cast %add3A_323 : i32 to index
        %swap3A_325 = arith.constant 96 : index
        %swap3A_326 = tpu.vector_load %arg13[%swap3A_324, %swap3A_325] {strides = array<i32>} : memref<80x144xf32, #tpu.memory_space<vmem>>, vector<16xf32>,
        tpu.vector_store %arg13[%swap3A_324, %swap3A_325], %mul3A_322 {strides = array<i32>} : memref<80x144xf32, #tpu.memory_space<vmem>>, vector<16xf32>,
        %broadcast_in_dim3A_327 = arith.constant 0 : i32
        %broadcast_in_dim3A_328 = vector.broadcast %broadcast_in_dim3A_327 : i32 to vector<16xi32>
        %mul3A_329 = arith.constant 8 : i32
        %mul3A_330 = arith.muli %scan3A_203, %mul3A_329 : i32
        %add3A_331 = arith.constant 7 : i32
        %add3A_332 = arith.addi %mul3A_330, %add3A_331 : i32
        %add3A_333 = vector.broadcast %add3A_332 : i32 to vector<16xi32>
        %add3A_334 = arith.addi %broadcast_in_dim3A_328, %add3A_333 : vector<16xi32>
        %gather3A_335 = tpu.vector_load_idx %arg12[%add3A_334] : memref<320xf32, #tpu.memory_space<vmem>>[vector<16xi32>], vector<16xf32>,
        %add3A_336 = arith.addi %mul3A_147, %scan3A_203 : i32
        %get3A_337 = arith.index_cast %add3A_336 : i32 to index
        %get3A_338 = arith.constant 112 : index
        %get3A_339 = tpu.vector_load %arg10[%get3A_337, %get3A_338] {strides = array<i32>} : memref<80x144xf32, #tpu.memory_space<vmem>>, vector<16xf32>,
        %mul3A_340 = arith.mulf %gather3A_335, %get3A_339 : vector<16xf32>
        %add3A_341 = arith.addi %mul3A_147, %scan3A_203 : i32
        %swap3A_342 = arith.index_cast %add3A_341 : i32 to index
        %swap3A_343 = arith.constant 112 : index
        %swap3A_344 = tpu.vector_load %arg13[%swap3A_342, %swap3A_343] {strides = array<i32>} : memref<80x144xf32, #tpu.memory_space<vmem>>, vector<16xf32>,
        tpu.vector_store %arg13[%swap3A_342, %swap3A_343], %mul3A_340 {strides = array<i32>} : memref<80x144xf32, #tpu.memory_space<vmem>>, vector<16xf32>,
        %mul3A_345 = arith.constant 8 : i32
        %mul3A_346 = arith.muli %scan3A_203, %mul3A_345 : i32
        %add3A_347 = vector.broadcast %mul3A_346 : i32 to vector<16xi32>
        %add3A_348 = arith.addi %add3A_347, %and3A_2 : vector<16xi32>
        %gather3A_349 = tpu.vector_load_idx %arg12[%add3A_348] : memref<320xf32, #tpu.memory_space<vmem>>[vector<16xi32>], vector<16xf32>,
        %lt3A_350 = arith.constant 8 : i32
        %lt3A_351 = vector.broadcast %lt3A_350 : i32 to vector<16xi32>
        %lt3A_352 = arith.cmpi slt, %iota3A, %lt3A_351 : vector<16xi32>
        %jit3A = arith.constant 0.000000e+00 : f32
        %broadcast_in_dim3A_353 = vector.broadcast %jit3A : f32 to vector<16xf32>
        %select_n3A_354 = arith.select %lt3A_352, %gather3A_349, %broadcast_in_dim3A_353 : vector<16xi1>, vector<16xf32>
        %add3A_355 = arith.addi %mul3A_147, %scan3A_203 : i32
        %swap3A_356 = arith.index_cast %add3A_355 : i32 to index
        %swap3A_357 = arith.constant 128 : index
        %swap3A_358 = tpu.vector_load %arg13[%swap3A_356, %swap3A_357] {strides = array<i32>} : memref<80x144xf32, #tpu.memory_space<vmem>>, vector<16xf32>,
        tpu.vector_store %arg13[%swap3A_356, %swap3A_357], %select_n3A_354 {strides = array<i32>} : memref<80x144xf32, #tpu.memory_space<vmem>>, vector<16xf32>,
      }
      %scan3A_194 = arith.constant 40 : i32
      %dma_start3A_195 = arith.constant 0 : i32
      %dma_start3A_196 = tpu.memref_slice %arg13[%multiple_of3A_145, %dma_start3A_195] : memref<80x144xf32, #tpu.memory_space<vmem>> -> memref<40x144xf32, #tpu.memory_space<vmem>>
      %dma_start3A_197 = arith.constant 0 : i32
      %dma_start3A_198 = tpu.memref_slice %arg9[%rem3A_142, %dma_start3A_197] : memref<3x40xi32, #tpu.memory_space<vmem>> -> memref<1x40xi32, #tpu.memory_space<vmem>>
      %dma_start3A_199 = tpu.memref_squeeze %dma_start3A_198 : memref<1x40xi32, #tpu.memory_space<vmem>> -> memref<40xi32, #tpu.memory_space<vmem>>
      %dma_start3A_200 = arith.constant 0 : i32
      %dma_start3A_201 = arith.constant 0 : i32
      %dma_start3A_202 = tpu.memref_slice %arg15[%dma_start3A_200, %dma_start3A_201] : memref<10240x144xf32, #tpu.memory_space<vmem_shared>> -> memref<10240x144xf32, #tpu.memory_space<vmem_shared>>
      tpu.enqueue_indirect_dma source(%dma_start3A_196 : memref<40x144xf32, #tpu.memory_space<vmem>>) target(%dma_start3A_202 : memref<10240x144xf32, #tpu.memory_space<vmem_shared>>) offsets(%dma_start3A_199 : memref<40xi32, #tpu.memory_space<vmem>>) semaphore(%arg18 : memref<!tpu.dma_semaphore, #tpu.memory_space<semaphore_mem>>) {add = true}
    }
    %scan3A_111 = arith.constant 250 : i32
    %multiple_of3A_112 = arith.constant 0 : i32
    %multiple_of3A_113 = tpu.assume_multiple %multiple_of3A_112, 8 : i32
    %dma_wait3A_114 = arith.constant 2 : i32
    %dma_wait3A_115 = arith.constant 0 : i32
    %dma_wait3A_116 = tpu.memref_slice %arg13[%multiple_of3A_113, %dma_wait3A_115] : memref<80x144xf32, #tpu.memory_space<vmem>> -> memref<40x144xf32, #tpu.memory_space<vmem>>
    %dma_wait3A_117 = arith.constant 0 : i32
    %dma_wait3A_118 = tpu.memref_slice %arg9[%dma_wait3A_114, %dma_wait3A_117] : memref<3x40xi32, #tpu.memory_space<vmem>> -> memref<1x40xi32, #tpu.memory_space<vmem>>
    %dma_wait3A_119 = tpu.memref_squeeze %dma_wait3A_118 : memref<1x40xi32, #tpu.memory_space<vmem>> -> memref<40xi32, #tpu.memory_space<vmem>>
    %dma_wait3A_120 = arith.constant 0 : i32
    %dma_wait3A_121 = arith.constant 0 : i32
    %dma_wait3A_122 = tpu.memref_slice %arg15[%dma_wait3A_120, %dma_wait3A_121] : memref<10240x144xf32, #tpu.memory_space<vmem_shared>> -> memref<10240x144xf32, #tpu.memory_space<vmem_shared>>
    tpu.wait_indirect_dma semaphore(%arg18 : memref<!tpu.dma_semaphore, #tpu.memory_space<semaphore_mem>>) src(%dma_wait3A_116 : memref<40x144xf32, #tpu.memory_space<vmem>>) dst(%dma_wait3A_122 : memref<10240x144xf32, #tpu.memory_space<vmem_shared>>)
    %multiple_of3A_123 = arith.constant 40 : i32
    %multiple_of3A_124 = tpu.assume_multiple %multiple_of3A_123, 8 : i32
    %dma_wait3A_125 = arith.constant 0 : i32
    %dma_wait3A_126 = arith.constant 0 : i32
    %dma_wait3A_127 = tpu.memref_slice %arg13[%multiple_of3A_124, %dma_wait3A_126] : memref<80x144xf32, #tpu.memory_space<vmem>> -> memref<40x144xf32, #tpu.memory_space<vmem>>
    %dma_wait3A_128 = arith.constant 0 : i32
    %dma_wait3A_129 = tpu.memref_slice %arg9[%dma_wait3A_125, %dma_wait3A_128] : memref<3x40xi32, #tpu.memory_space<vmem>> -> memref<1x40xi32, #tpu.memory_space<vmem>>
    %dma_wait3A_130 = tpu.memref_squeeze %dma_wait3A_129 : memref<1x40xi32, #tpu.memory_space<vmem>> -> memref<40xi32, #tpu.memory_space<vmem>>
    %dma_wait3A_131 = arith.constant 0 : i32
    %dma_wait3A_132 = arith.constant 0 : i32
    %dma_wait3A_133 = tpu.memref_slice %arg15[%dma_wait3A_131, %dma_wait3A_132] : memref<10240x144xf32, #tpu.memory_space<vmem_shared>> -> memref<10240x144xf32, #tpu.memory_space<vmem_shared>>
    tpu.wait_indirect_dma semaphore(%arg18 : memref<!tpu.dma_semaphore, #tpu.memory_space<semaphore_mem>>) src(%dma_wait3A_127 : memref<40x144xf32, #tpu.memory_space<vmem>>) dst(%dma_wait3A_133 : memref<10240x144xf32, #tpu.memory_space<vmem_shared>>)
    %barrier3A_134 = arith.constant 0 : index
    tpu.barrier barrier_id(%barrier3A_134)
    %mul3A_135 = arith.constant 640 : i32
    %mul3A_136 = arith.muli %arg1, %mul3A_135 : i32
    %mul3A_137 = arith.constant 640 : i32
    %mul3A_138 = arith.muli %arg1, %mul3A_137 : i32
    "tpu.region"() ({
      %run_scoped3A = tpu.sem_alloc : memref<!tpu.dma_semaphore, #tpu.memory_space<semaphore_mem>>
      %dma_start3A_139 = arith.constant 0 : i32
      %dma_start3A_140 = tpu.memref_slice %arg7[%arg0, %mul3A_138, %dma_start3A_139] : memref<2x10240x144xf32, #tpu.memory_space<hbm>> -> memref<1x640x144xf32, #tpu.memory_space<hbm>>
      %dma_start3A_141 = tpu.memref_squeeze %dma_start3A_140 : memref<1x640x144xf32, #tpu.memory_space<hbm>> -> memref<640x144xf32, #tpu.memory_space<hbm>>
      %dma_start3A_142 = arith.constant 0 : i32
      %dma_start3A_143 = tpu.memref_slice %arg15[%mul3A_136, %dma_start3A_142] : memref<10240x144xf32, #tpu.memory_space<vmem_shared>> -> memref<640x144xf32, #tpu.memory_space<vmem_shared>>
      tpu.enqueue_dma source(%dma_start3A_143 : memref<640x144xf32, #tpu.memory_space<vmem_shared>>) target(%dma_start3A_141 : memref<640x144xf32, #tpu.memory_space<hbm>>) target_semaphore(%run_scoped3A : memref<!tpu.dma_semaphore, #tpu.memory_space<semaphore_mem>>)
      %dma_wait3A_144 = arith.constant 0 : i32
      %dma_wait3A_145 = tpu.memref_slice %arg7[%arg0, %mul3A_138, %dma_wait3A_144] : memref<2x10240x144xf32, #tpu.memory_space<hbm>> -> memref<1x640x144xf32, #tpu.memory_space<hbm>>
      %dma_wait3A_146 = tpu.memref_squeeze %dma_wait3A_145 : memref<1x640x144xf32, #tpu.memory_space<hbm>> -> memref<640x144xf32, #tpu.memory_space<hbm>>
      %dma_wait3A_147 = arith.constant 0 : i32
      %dma_wait3A_148 = tpu.memref_slice %arg15[%mul3A_136, %dma_wait3A_147] : memref<10240x144xf32, #tpu.memory_space<vmem_shared>> -> memref<640x144xf32, #tpu.memory_space<vmem_shared>>
      tpu.wait_dma2 semaphore(%run_scoped3A : memref<!tpu.dma_semaphore, #tpu.memory_space<semaphore_mem>>) src(%dma_wait3A_148 : memref<640x144xf32, #tpu.memory_space<vmem_shared>>) dst(%dma_wait3A_146 : memref<640x144xf32, #tpu.memory_space<hbm>>)
      tpu.yield
    }) : () -> ()
    return
  }
}

#map = affine_map<(d0, d1) -> (0)>
#map1 = affine_map<(d0, d1) -> (0, 0)>
#map2 = affine_map<(d0, d1) -> (0, 0, 0)>
module attributes {stable_mosaic.version = 14 : i64} {
  func.func @_edge_body(%arg0: i32, %arg1: i32, %arg2: memref<320000xi32, #tpu.memory_space<hbm>>, %arg3: memref<320000xi32, #tpu.memory_space<hbm>>, %arg4: memref<10000x144xf32, #tpu.memory_space<hbm>>, %arg5: memref<10000x16xf32, #tpu.memory_space<hbm>>, %arg6: memref<16xf32, #tpu.memory_space<hbm>>, %arg7: memref<2x10240x144xf32, #tpu.memory_space<hbm>>, %arg8: memref<3x40xi32, #tpu.memory_space<vmem>>, %arg9: memref<3x40xi32, #tpu.memory_space<vmem>>, %arg10: memref<80x144xf32, #tpu.memory_space<vmem>>, %arg11: memref<80x16xf32, #tpu.memory_space<vmem>>, %arg12: memref<320xf32, #tpu.memory_space<vmem>>, %arg13: memref<80x144xf32, #tpu.memory_space<vmem>>, %arg14: memref<16xf32, #tpu.memory_space<vmem>>, %arg15: memref<10240x144xf32, #tpu.memory_space<vmem_shared>>, %arg16: memref<!tpu.dma_semaphore, #tpu.memory_space<semaphore_mem>>, %arg17: memref<!tpu.dma_semaphore, #tpu.memory_space<semaphore_mem>>, %arg18: memref<!tpu.dma_semaphore, #tpu.memory_space<semaphore_mem>>) attributes {dimension_semantics = [#tpu.dimension_semantics<core_parallel>, #tpu.dimension_semantics<subcore_parallel>], iteration_bounds = array<i64: 2, 16>, scalar_prefetch = 0 : i64, scratch_operands = 11 : i64, tpu.core_type = #tpu.core_type<sc_vector_subcore>, window_params = [{transform_indices = #map}, {transform_indices = #map}, {transform_indices = #map1}, {transform_indices = #map1}, {transform_indices = #map}, {transform_indices = #map2}]} {
    %mul3A = arith.constant 2 : i32
    %mul3A_0 = arith.muli %arg1, %mul3A : i32
    %add3A = arith.addi %mul3A_0, %arg0 : i32
    %iota3A = tpu.iota {dimensions = array<i32: 0>} : vector<16xi32>
    %and3A = arith.constant 7 : i32
    %and3A_1 = vector.broadcast %and3A : i32 to vector<16xi32>
    %and3A_2 = arith.andi %iota3A, %and3A_1 : vector<16xi32>
    %scan3A = arith.constant 0 : i32
    %scan3A_3 = arith.constant 0 : i32
    %scan3A_4 = arith.constant 720 : i32
    %scan3A_5 = arith.addi %scan3A_3, %scan3A_4 : i32
    %scan3A_6 = arith.constant 1 : i32
    scf.for %scan3A_139 = %scan3A_3 to %scan3A_5 step %scan3A_6  : i32 {
      %broadcast_in_dim3A = arith.constant 0.000000e+00 : f32
      %broadcast_in_dim3A_140 = vector.broadcast %broadcast_in_dim3A : f32 to vector<16xf32>
      %jit3A = arith.constant 9 : i32
      %div3A = arith.divsi %scan3A_139, %jit3A : i32
      %sign3A = arith.constant 0 : i32
      %sign3A_141 = arith.cmpi sgt, %scan3A_139, %sign3A : i32
      %sign3A_142 = arith.extui %sign3A_141 : i1 to i32
      %sign3A_143 = arith.constant 0 : i32
      %sign3A_144 = arith.cmpi slt, %scan3A_139, %sign3A_143 : i32
      %sign3A_145 = arith.extui %sign3A_144 : i1 to i32
      %sign3A_146 = arith.subi %sign3A_142, %sign3A_145 : i32
      %sign3A_147 = arith.constant 0 : i32
      %sign3A_148 = arith.cmpi sgt, %jit3A, %sign3A_147 : i32
      %sign3A_149 = arith.extui %sign3A_148 : i1 to i32
      %sign3A_150 = arith.constant 0 : i32
      %sign3A_151 = arith.cmpi slt, %jit3A, %sign3A_150 : i32
      %sign3A_152 = arith.extui %sign3A_151 : i1 to i32
      %sign3A_153 = arith.subi %sign3A_149, %sign3A_152 : i32
      %ne3A = arith.cmpi ne, %sign3A_146, %sign3A_153 : i32
      %rem3A = arith.remsi %scan3A_139, %jit3A : i32
      %ne3A_154 = arith.constant 0 : i32
      %ne3A_155 = arith.cmpi ne, %rem3A, %ne3A_154 : i32
      %and3A_156 = arith.andi %ne3A, %ne3A_155 : i1
      %sub3A = arith.constant 1 : i32
      %sub3A_157 = arith.subi %div3A, %sub3A : i32
      %select_n3A_158 = arith.select %and3A_156, %sub3A_157, %div3A : i32
      %jit3A_159 = arith.constant 9 : i32
      %eq3A = arith.constant 0 : i32
      %eq3A_160 = arith.cmpi eq, %jit3A_159, %eq3A : i32
      %jit3A_161 = arith.constant 1 : i32
      %select_n3A_162 = arith.select %eq3A_160, %jit3A_161, %jit3A_159 : i32
      %rem3A_163 = arith.remsi %scan3A_139, %select_n3A_162 : i32
      %ne3A_164 = arith.constant 0 : i32
      %ne3A_165 = arith.cmpi ne, %rem3A_163, %ne3A_164 : i32
      %lt3A = arith.constant 0 : i32
      %lt3A_166 = arith.cmpi slt, %rem3A_163, %lt3A : i32
      %lt3A_167 = arith.constant 0 : i32
      %lt3A_168 = arith.cmpi slt, %select_n3A_162, %lt3A_167 : i32
      %ne3A_169 = arith.xori %lt3A_166, %lt3A_168 : i1
      %and3A_170 = arith.andi %ne3A_169, %ne3A_165 : i1
      %add3A_171 = arith.addi %rem3A_163, %select_n3A_162 : i32
      %select_n3A_172 = arith.select %and3A_170, %add3A_171, %rem3A_163 : i32
      %mul3A_173 = arith.constant 16 : i32
      %mul3A_174 = arith.muli %select_n3A_172, %mul3A_173 : i32
      %swap3A = arith.index_cast %select_n3A_158 : i32 to index
      %swap3A_175 = arith.index_cast %mul3A_174 : i32 to index
      %swap3A_176 = tpu.vector_load %arg13[%swap3A, %swap3A_175] {strides = array<i32>} : memref<80x144xf32, #tpu.memory_space<vmem>>, vector<16xf32>,
      tpu.vector_store %arg13[%swap3A, %swap3A_175], %broadcast_in_dim3A_140 {strides = array<i32>} : memref<80x144xf32, #tpu.memory_space<vmem>>, vector<16xf32>,
    }
    %scan3A_7 = arith.constant 720 : i32
    %scan3A_8 = arith.constant 0 : i32
    %scan3A_9 = arith.constant 0 : i32
    %scan3A_10 = arith.constant 16 : i32
    %scan3A_11 = arith.addi %scan3A_9, %scan3A_10 : i32
    %scan3A_12 = arith.constant 1 : i32
    scf.for %scan3A_139 = %scan3A_9 to %scan3A_11 step %scan3A_12  : i32 {
      %mul3A_140 = arith.constant 640 : i32
      %mul3A_141 = arith.muli %arg1, %mul3A_140 : i32
      %mul3A_142 = arith.constant 40 : i32
      %mul3A_143 = arith.muli %scan3A_139, %mul3A_142 : i32
      %add3A_144 = arith.addi %mul3A_141, %mul3A_143 : i32
      "tpu.region"() ({
        %run_scoped3A = tpu.sem_alloc : memref<!tpu.dma_semaphore, #tpu.memory_space<semaphore_mem>>
        %dma_start3A_145 = arith.constant 0 : i32
        %dma_start3A_146 = arith.constant 0 : i32
        %dma_start3A_147 = tpu.memref_slice %arg13[%dma_start3A_145, %dma_start3A_146] : memref<80x144xf32, #tpu.memory_space<vmem>> -> memref<40x144xf32, #tpu.memory_space<vmem>>
        %dma_start3A_148 = arith.constant 0 : i32
        %dma_start3A_149 = tpu.memref_slice %arg15[%add3A_144, %dma_start3A_148] : memref<10240x144xf32, #tpu.memory_space<vmem_shared>> -> memref<40x144xf32, #tpu.memory_space<vmem_shared>>
        %dma_start3A_150 = arith.constant 0 : i32
        %dma_start3A_151 = tpu.memref_slice %arg15[%add3A_144, %dma_start3A_150] : memref<10240x144xf32, #tpu.memory_space<vmem_shared>> -> memref<40x144xf32, #tpu.memory_space<vmem_shared>>
        %dma_start3A_152 = arith.constant 0 : i32
        %dma_start3A_153 = arith.constant 0 : i32
        %dma_start3A_154 = tpu.memref_slice %arg13[%dma_start3A_152, %dma_start3A_153] : memref<80x144xf32, #tpu.memory_space<vmem>> -> memref<40x144xf32, #tpu.memory_space<vmem>>
        tpu.enqueue_dma source(%dma_start3A_154 : memref<40x144xf32, #tpu.memory_space<vmem>>) target(%dma_start3A_151 : memref<40x144xf32, #tpu.memory_space<vmem_shared>>) target_semaphore(%run_scoped3A : memref<!tpu.dma_semaphore, #tpu.memory_space<semaphore_mem>>)
        %dma_wait3A_155 = arith.constant 0 : i32
        %dma_wait3A_156 = arith.constant 0 : i32
        %dma_wait3A_157 = tpu.memref_slice %arg13[%dma_wait3A_155, %dma_wait3A_156] : memref<80x144xf32, #tpu.memory_space<vmem>> -> memref<40x144xf32, #tpu.memory_space<vmem>>
        %dma_wait3A_158 = arith.constant 0 : i32
        %dma_wait3A_159 = tpu.memref_slice %arg15[%add3A_144, %dma_wait3A_158] : memref<10240x144xf32, #tpu.memory_space<vmem_shared>> -> memref<40x144xf32, #tpu.memory_space<vmem_shared>>
        %dma_wait3A_160 = arith.constant 0 : i32
        %dma_wait3A_161 = tpu.memref_slice %arg15[%add3A_144, %dma_wait3A_160] : memref<10240x144xf32, #tpu.memory_space<vmem_shared>> -> memref<40x144xf32, #tpu.memory_space<vmem_shared>>
        %dma_wait3A_162 = arith.constant 0 : i32
        %dma_wait3A_163 = arith.constant 0 : i32
        %dma_wait3A_164 = tpu.memref_slice %arg13[%dma_wait3A_162, %dma_wait3A_163] : memref<80x144xf32, #tpu.memory_space<vmem>> -> memref<40x144xf32, #tpu.memory_space<vmem>>
        tpu.wait_dma2 semaphore(%run_scoped3A : memref<!tpu.dma_semaphore, #tpu.memory_space<semaphore_mem>>) src(%dma_wait3A_164 : memref<40x144xf32, #tpu.memory_space<vmem>>) dst(%dma_wait3A_161 : memref<40x144xf32, #tpu.memory_space<vmem_shared>>)
        tpu.yield
      }) : () -> ()
    }
    %scan3A_13 = arith.constant 16 : i32
    %barrier3A = arith.constant 0 : index
    tpu.barrier barrier_id(%barrier3A)
    "tpu.region"() ({
      %run_scoped3A = tpu.sem_alloc : memref<!tpu.dma_semaphore, #tpu.memory_space<semaphore_mem>>
      tpu.enqueue_dma source(%arg6 : memref<16xf32, #tpu.memory_space<hbm>>) target(%arg14 : memref<16xf32, #tpu.memory_space<vmem>>) target_semaphore(%run_scoped3A : memref<!tpu.dma_semaphore, #tpu.memory_space<semaphore_mem>>)
      tpu.wait_dma2 semaphore(%run_scoped3A : memref<!tpu.dma_semaphore, #tpu.memory_space<semaphore_mem>>) src(%arg6 : memref<16xf32, #tpu.memory_space<hbm>>) dst(%arg14 : memref<16xf32, #tpu.memory_space<vmem>>)
      tpu.yield
    }) : () -> ()
    %gather3A = tpu.vector_load_idx %arg14[%and3A_2] : memref<16xf32, #tpu.memory_space<vmem>>[vector<16xi32>], vector<16xf32>,
    %add3A_14 = arith.constant 8 : i32
    %add3A_15 = vector.broadcast %add3A_14 : i32 to vector<16xi32>
    %add3A_16 = arith.addi %and3A_2, %add3A_15 : vector<16xi32>
    %gather3A_17 = tpu.vector_load_idx %arg14[%add3A_16] : memref<16xf32, #tpu.memory_space<vmem>>[vector<16xi32>], vector<16xf32>,
    %add3A_18 = arith.addf %gather3A, %gather3A_17 : vector<16xf32>
    %ge3A = arith.constant 0.000000e+00 : f32
    %ge3A_19 = vector.broadcast %ge3A : f32 to vector<16xf32>
    %ge3A_20 = arith.cmpf oge, %add3A_18, %ge3A_19 : vector<16xf32>
    %mul3A_21 = arith.constant 2.000000e-01 : f32
    %mul3A_22 = vector.broadcast %mul3A_21 : f32 to vector<16xf32>
    %mul3A_23 = arith.mulf %mul3A_22, %add3A_18 : vector<16xf32>
    %select_n3A = arith.select %ge3A_20, %add3A_18, %mul3A_23 : vector<16xi1>, vector<16xf32>
    %mul3A_24 = arith.constant 10000 : i32
    %mul3A_25 = arith.muli %add3A, %mul3A_24 : i32
    %add3A_26 = arith.constant 0 : i32
    %add3A_27 = arith.addi %mul3A_25, %add3A_26 : i32
    %multiple_of3A = tpu.assume_multiple %add3A_27, 8 : i32
    %dma_start3A = arith.constant 0 : i32
    %dma_start3A_28 = arith.constant 0 : i32
    %dma_start3A_29 = tpu.memref_slice %arg8[%dma_start3A, %dma_start3A_28] : memref<3x40xi32, #tpu.memory_space<vmem>> -> memref<1x40xi32, #tpu.memory_space<vmem>>
    %dma_start3A_30 = tpu.memref_squeeze %dma_start3A_29 : memref<1x40xi32, #tpu.memory_space<vmem>> -> memref<40xi32, #tpu.memory_space<vmem>>
    %dma_start3A_31 = tpu.memref_slice %arg2[%multiple_of3A] : memref<320000xi32, #tpu.memory_space<hbm>> -> memref<40xi32, #tpu.memory_space<hbm>>
    %dma_start3A_32 = arith.constant 0 : i32
    %dma_start3A_33 = tpu.memref_slice %arg8[%dma_start3A, %dma_start3A_32] : memref<3x40xi32, #tpu.memory_space<vmem>> -> memref<1x40xi32, #tpu.memory_space<vmem>>
    %dma_start3A_34 = tpu.memref_squeeze %dma_start3A_33 : memref<1x40xi32, #tpu.memory_space<vmem>> -> memref<40xi32, #tpu.memory_space<vmem>>
    %dma_start3A_35 = tpu.memref_slice %arg2[%multiple_of3A] : memref<320000xi32, #tpu.memory_space<hbm>> -> memref<40xi32, #tpu.memory_space<hbm>>
    tpu.enqueue_dma source(%dma_start3A_35 : memref<40xi32, #tpu.memory_space<hbm>>) target(%dma_start3A_34 : memref<40xi32, #tpu.memory_space<vmem>>) target_semaphore(%arg17 : memref<!tpu.dma_semaphore, #tpu.memory_space<semaphore_mem>>)
    %dma_start3A_36 = arith.constant 0 : i32
    %dma_start3A_37 = arith.constant 0 : i32
    %dma_start3A_38 = tpu.memref_slice %arg9[%dma_start3A_36, %dma_start3A_37] : memref<3x40xi32, #tpu.memory_space<vmem>> -> memref<1x40xi32, #tpu.memory_space<vmem>>
    %dma_start3A_39 = tpu.memref_squeeze %dma_start3A_38 : memref<1x40xi32, #tpu.memory_space<vmem>> -> memref<40xi32, #tpu.memory_space<vmem>>
    %dma_start3A_40 = tpu.memref_slice %arg3[%multiple_of3A] : memref<320000xi32, #tpu.memory_space<hbm>> -> memref<40xi32, #tpu.memory_space<hbm>>
    %dma_start3A_41 = arith.constant 0 : i32
    %dma_start3A_42 = tpu.memref_slice %arg9[%dma_start3A_36, %dma_start3A_41] : memref<3x40xi32, #tpu.memory_space<vmem>> -> memref<1x40xi32, #tpu.memory_space<vmem>>
    %dma_start3A_43 = tpu.memref_squeeze %dma_start3A_42 : memref<1x40xi32, #tpu.memory_space<vmem>> -> memref<40xi32, #tpu.memory_space<vmem>>
    %dma_start3A_44 = tpu.memref_slice %arg3[%multiple_of3A] : memref<320000xi32, #tpu.memory_space<hbm>> -> memref<40xi32, #tpu.memory_space<hbm>>
    tpu.enqueue_dma source(%dma_start3A_44 : memref<40xi32, #tpu.memory_space<hbm>>) target(%dma_start3A_43 : memref<40xi32, #tpu.memory_space<vmem>>) target_semaphore(%arg17 : memref<!tpu.dma_semaphore, #tpu.memory_space<semaphore_mem>>)
    %add3A_45 = arith.constant 0 : i32
    %add3A_46 = arith.addi %mul3A_25, %add3A_45 : i32
    %multiple_of3A_47 = tpu.assume_multiple %add3A_46, 8 : i32
    %dma_wait3A = arith.constant 0 : i32
    %dma_wait3A_48 = arith.constant 0 : i32
    %dma_wait3A_49 = tpu.memref_slice %arg8[%dma_wait3A, %dma_wait3A_48] : memref<3x40xi32, #tpu.memory_space<vmem>> -> memref<1x40xi32, #tpu.memory_space<vmem>>
    %dma_wait3A_50 = tpu.memref_squeeze %dma_wait3A_49 : memref<1x40xi32, #tpu.memory_space<vmem>> -> memref<40xi32, #tpu.memory_space<vmem>>
    %dma_wait3A_51 = tpu.memref_slice %arg2[%multiple_of3A_47] : memref<320000xi32, #tpu.memory_space<hbm>> -> memref<40xi32, #tpu.memory_space<hbm>>
    %dma_wait3A_52 = arith.constant 0 : i32
    %dma_wait3A_53 = tpu.memref_slice %arg8[%dma_wait3A, %dma_wait3A_52] : memref<3x40xi32, #tpu.memory_space<vmem>> -> memref<1x40xi32, #tpu.memory_space<vmem>>
    %dma_wait3A_54 = tpu.memref_squeeze %dma_wait3A_53 : memref<1x40xi32, #tpu.memory_space<vmem>> -> memref<40xi32, #tpu.memory_space<vmem>>
    %dma_wait3A_55 = tpu.memref_slice %arg2[%multiple_of3A_47] : memref<320000xi32, #tpu.memory_space<hbm>> -> memref<40xi32, #tpu.memory_space<hbm>>
    tpu.wait_dma2 semaphore(%arg17 : memref<!tpu.dma_semaphore, #tpu.memory_space<semaphore_mem>>) src(%dma_wait3A_55 : memref<40xi32, #tpu.memory_space<hbm>>) dst(%dma_wait3A_54 : memref<40xi32, #tpu.memory_space<vmem>>)
    %dma_wait3A_56 = arith.constant 0 : i32
    %dma_wait3A_57 = arith.constant 0 : i32
    %dma_wait3A_58 = tpu.memref_slice %arg9[%dma_wait3A_56, %dma_wait3A_57] : memref<3x40xi32, #tpu.memory_space<vmem>> -> memref<1x40xi32, #tpu.memory_space<vmem>>
    %dma_wait3A_59 = tpu.memref_squeeze %dma_wait3A_58 : memref<1x40xi32, #tpu.memory_space<vmem>> -> memref<40xi32, #tpu.memory_space<vmem>>
    %dma_wait3A_60 = tpu.memref_slice %arg3[%multiple_of3A_47] : memref<320000xi32, #tpu.memory_space<hbm>> -> memref<40xi32, #tpu.memory_space<hbm>>
    %dma_wait3A_61 = arith.constant 0 : i32
    %dma_wait3A_62 = tpu.memref_slice %arg9[%dma_wait3A_56, %dma_wait3A_61] : memref<3x40xi32, #tpu.memory_space<vmem>> -> memref<1x40xi32, #tpu.memory_space<vmem>>
    %dma_wait3A_63 = tpu.memref_squeeze %dma_wait3A_62 : memref<1x40xi32, #tpu.memory_space<vmem>> -> memref<40xi32, #tpu.memory_space<vmem>>
    %dma_wait3A_64 = tpu.memref_slice %arg3[%multiple_of3A_47] : memref<320000xi32, #tpu.memory_space<hbm>> -> memref<40xi32, #tpu.memory_space<hbm>>
    tpu.wait_dma2 semaphore(%arg17 : memref<!tpu.dma_semaphore, #tpu.memory_space<semaphore_mem>>) src(%dma_wait3A_64 : memref<40xi32, #tpu.memory_space<hbm>>) dst(%dma_wait3A_63 : memref<40xi32, #tpu.memory_space<vmem>>)
    %multiple_of3A_65 = arith.constant 0 : i32
    %multiple_of3A_66 = tpu.assume_multiple %multiple_of3A_65, 8 : i32
    %dma_start3A_67 = arith.constant 0 : i32
    %dma_start3A_68 = arith.constant 0 : i32
    %dma_start3A_69 = tpu.memref_slice %arg10[%multiple_of3A_66, %dma_start3A_68] : memref<80x144xf32, #tpu.memory_space<vmem>> -> memref<40x144xf32, #tpu.memory_space<vmem>>
    %dma_start3A_70 = arith.constant 0 : i32
    %dma_start3A_71 = tpu.memref_slice %arg8[%dma_start3A_67, %dma_start3A_70] : memref<3x40xi32, #tpu.memory_space<vmem>> -> memref<1x40xi32, #tpu.memory_space<vmem>>
    %dma_start3A_72 = tpu.memref_squeeze %dma_start3A_71 : memref<1x40xi32, #tpu.memory_space<vmem>> -> memref<40xi32, #tpu.memory_space<vmem>>
    %dma_start3A_73 = arith.constant 0 : i32
    %dma_start3A_74 = arith.constant 0 : i32
    %dma_start3A_75 = tpu.memref_slice %arg4[%dma_start3A_73, %dma_start3A_74] : memref<10000x144xf32, #tpu.memory_space<hbm>> -> memref<10000x144xf32, #tpu.memory_space<hbm>>
    tpu.enqueue_indirect_dma source(%dma_start3A_75 : memref<10000x144xf32, #tpu.memory_space<hbm>>) target(%dma_start3A_69 : memref<40x144xf32, #tpu.memory_space<vmem>>) offsets(%dma_start3A_72 : memref<40xi32, #tpu.memory_space<vmem>>) semaphore(%arg16 : memref<!tpu.dma_semaphore, #tpu.memory_space<semaphore_mem>>)
    %dma_start3A_76 = arith.constant 0 : i32
    %dma_start3A_77 = arith.constant 0 : i32
    %dma_start3A_78 = tpu.memref_slice %arg11[%multiple_of3A_66, %dma_start3A_77] : memref<80x16xf32, #tpu.memory_space<vmem>> -> memref<40x16xf32, #tpu.memory_space<vmem>>
    %dma_start3A_79 = arith.constant 0 : i32
    %dma_start3A_80 = tpu.memref_slice %arg9[%dma_start3A_76, %dma_start3A_79] : memref<3x40xi32, #tpu.memory_space<vmem>> -> memref<1x40xi32, #tpu.memory_space<vmem>>
    %dma_start3A_81 = tpu.memref_squeeze %dma_start3A_80 : memref<1x40xi32, #tpu.memory_space<vmem>> -> memref<40xi32, #tpu.memory_space<vmem>>
    %dma_start3A_82 = arith.constant 0 : i32
    %dma_start3A_83 = arith.constant 0 : i32
    %dma_start3A_84 = tpu.memref_slice %arg5[%dma_start3A_82, %dma_start3A_83] : memref<10000x16xf32, #tpu.memory_space<hbm>> -> memref<10000x16xf32, #tpu.memory_space<hbm>>
    tpu.enqueue_indirect_dma source(%dma_start3A_84 : memref<10000x16xf32, #tpu.memory_space<hbm>>) target(%dma_start3A_78 : memref<40x16xf32, #tpu.memory_space<vmem>>) offsets(%dma_start3A_81 : memref<40xi32, #tpu.memory_space<vmem>>) semaphore(%arg16 : memref<!tpu.dma_semaphore, #tpu.memory_space<semaphore_mem>>)
    %add3A_85 = arith.constant 40 : i32
    %add3A_86 = arith.addi %mul3A_25, %add3A_85 : i32
    %multiple_of3A_87 = tpu.assume_multiple %add3A_86, 8 : i32
    %dma_start3A_88 = arith.constant 1 : i32
    %dma_start3A_89 = arith.constant 0 : i32
    %dma_start3A_90 = tpu.memref_slice %arg8[%dma_start3A_88, %dma_start3A_89] : memref<3x40xi32, #tpu.memory_space<vmem>> -> memref<1x40xi32, #tpu.memory_space<vmem>>
    %dma_start3A_91 = tpu.memref_squeeze %dma_start3A_90 : memref<1x40xi32, #tpu.memory_space<vmem>> -> memref<40xi32, #tpu.memory_space<vmem>>
    %dma_start3A_92 = tpu.memref_slice %arg2[%multiple_of3A_87] : memref<320000xi32, #tpu.memory_space<hbm>> -> memref<40xi32, #tpu.memory_space<hbm>>
    %dma_start3A_93 = arith.constant 0 : i32
    %dma_start3A_94 = tpu.memref_slice %arg8[%dma_start3A_88, %dma_start3A_93] : memref<3x40xi32, #tpu.memory_space<vmem>> -> memref<1x40xi32, #tpu.memory_space<vmem>>
    %dma_start3A_95 = tpu.memref_squeeze %dma_start3A_94 : memref<1x40xi32, #tpu.memory_space<vmem>> -> memref<40xi32, #tpu.memory_space<vmem>>
    %dma_start3A_96 = tpu.memref_slice %arg2[%multiple_of3A_87] : memref<320000xi32, #tpu.memory_space<hbm>> -> memref<40xi32, #tpu.memory_space<hbm>>
    tpu.enqueue_dma source(%dma_start3A_96 : memref<40xi32, #tpu.memory_space<hbm>>) target(%dma_start3A_95 : memref<40xi32, #tpu.memory_space<vmem>>) target_semaphore(%arg17 : memref<!tpu.dma_semaphore, #tpu.memory_space<semaphore_mem>>)
    %dma_start3A_97 = arith.constant 1 : i32
    %dma_start3A_98 = arith.constant 0 : i32
    %dma_start3A_99 = tpu.memref_slice %arg9[%dma_start3A_97, %dma_start3A_98] : memref<3x40xi32, #tpu.memory_space<vmem>> -> memref<1x40xi32, #tpu.memory_space<vmem>>
    %dma_start3A_100 = tpu.memref_squeeze %dma_start3A_99 : memref<1x40xi32, #tpu.memory_space<vmem>> -> memref<40xi32, #tpu.memory_space<vmem>>
    %dma_start3A_101 = tpu.memref_slice %arg3[%multiple_of3A_87] : memref<320000xi32, #tpu.memory_space<hbm>> -> memref<40xi32, #tpu.memory_space<hbm>>
    %dma_start3A_102 = arith.constant 0 : i32
    %dma_start3A_103 = tpu.memref_slice %arg9[%dma_start3A_97, %dma_start3A_102] : memref<3x40xi32, #tpu.memory_space<vmem>> -> memref<1x40xi32, #tpu.memory_space<vmem>>
    %dma_start3A_104 = tpu.memref_squeeze %dma_start3A_103 : memref<1x40xi32, #tpu.memory_space<vmem>> -> memref<40xi32, #tpu.memory_space<vmem>>
    %dma_start3A_105 = tpu.memref_slice %arg3[%multiple_of3A_87] : memref<320000xi32, #tpu.memory_space<hbm>> -> memref<40xi32, #tpu.memory_space<hbm>>
    tpu.enqueue_dma source(%dma_start3A_105 : memref<40xi32, #tpu.memory_space<hbm>>) target(%dma_start3A_104 : memref<40xi32, #tpu.memory_space<vmem>>) target_semaphore(%arg17 : memref<!tpu.dma_semaphore, #tpu.memory_space<semaphore_mem>>)
    %scan3A_106 = arith.constant 0 : i32
    %scan3A_107 = arith.constant 0 : i32
    %scan3A_108 = arith.constant 250 : i32
    %scan3A_109 = arith.addi %scan3A_107, %scan3A_108 : i32
    %scan3A_110 = arith.constant 1 : i32
    scf.for %scan3A_139 = %scan3A_107 to %scan3A_109 step %scan3A_110  : i32 {
      %rem3A = arith.constant 2 : i32
      %rem3A_140 = arith.remsi %scan3A_139, %rem3A : i32
      %rem3A_141 = arith.constant 3 : i32
      %rem3A_142 = arith.remsi %scan3A_139, %rem3A_141 : i32
      %mul3A_143 = arith.constant 40 : i32
      %mul3A_144 = arith.muli %rem3A_140, %mul3A_143 : i32
      %multiple_of3A_145 = tpu.assume_multiple %mul3A_144, 8 : i32
      %mul3A_146 = arith.constant 40 : i32
      %mul3A_147 = arith.muli %rem3A_140, %mul3A_146 : i32
      %mul3A_148 = arith.constant 40 : i32
      %mul3A_149 = arith.muli %rem3A_140, %mul3A_148 : i32
      %multiple_of3A_150 = tpu.assume_multiple %mul3A_149, 8 : i32
      %dma_wait3A_151 = arith.constant 0 : i32
      %dma_wait3A_152 = tpu.memref_slice %arg10[%multiple_of3A_150, %dma_wait3A_151] : memref<80x144xf32, #tpu.memory_space<vmem>> -> memref<40x144xf32, #tpu.memory_space<vmem>>
      %dma_wait3A_153 = arith.constant 0 : i32
      %dma_wait3A_154 = tpu.memref_slice %arg8[%rem3A_142, %dma_wait3A_153] : memref<3x40xi32, #tpu.memory_space<vmem>> -> memref<1x40xi32, #tpu.memory_space<vmem>>
      %dma_wait3A_155 = tpu.memref_squeeze %dma_wait3A_154 : memref<1x40xi32, #tpu.memory_space<vmem>> -> memref<40xi32, #tpu.memory_space<vmem>>
      %dma_wait3A_156 = arith.constant 0 : i32
      %dma_wait3A_157 = arith.constant 0 : i32
      %dma_wait3A_158 = tpu.memref_slice %arg4[%dma_wait3A_156, %dma_wait3A_157] : memref<10000x144xf32, #tpu.memory_space<hbm>> -> memref<10000x144xf32, #tpu.memory_space<hbm>>
      tpu.wait_indirect_dma semaphore(%arg16 : memref<!tpu.dma_semaphore, #tpu.memory_space<semaphore_mem>>) src(%dma_wait3A_158 : memref<10000x144xf32, #tpu.memory_space<hbm>>) dst(%dma_wait3A_152 : memref<40x144xf32, #tpu.memory_space<vmem>>)
      %dma_wait3A_159 = arith.constant 0 : i32
      %dma_wait3A_160 = tpu.memref_slice %arg11[%multiple_of3A_150, %dma_wait3A_159] : memref<80x16xf32, #tpu.memory_space<vmem>> -> memref<40x16xf32, #tpu.memory_space<vmem>>
      %dma_wait3A_161 = arith.constant 0 : i32
      %dma_wait3A_162 = tpu.memref_slice %arg9[%rem3A_142, %dma_wait3A_161] : memref<3x40xi32, #tpu.memory_space<vmem>> -> memref<1x40xi32, #tpu.memory_space<vmem>>
      %dma_wait3A_163 = tpu.memref_squeeze %dma_wait3A_162 : memref<1x40xi32, #tpu.memory_space<vmem>> -> memref<40xi32, #tpu.memory_space<vmem>>
      %dma_wait3A_164 = arith.constant 0 : i32
      %dma_wait3A_165 = arith.constant 0 : i32
      %dma_wait3A_166 = tpu.memref_slice %arg5[%dma_wait3A_164, %dma_wait3A_165] : memref<10000x16xf32, #tpu.memory_space<hbm>> -> memref<10000x16xf32, #tpu.memory_space<hbm>>
      tpu.wait_indirect_dma semaphore(%arg16 : memref<!tpu.dma_semaphore, #tpu.memory_space<semaphore_mem>>) src(%dma_wait3A_166 : memref<10000x16xf32, #tpu.memory_space<hbm>>) dst(%dma_wait3A_160 : memref<40x16xf32, #tpu.memory_space<vmem>>)
      %add3A_167 = arith.constant 1 : i32
      %add3A_168 = arith.addi %scan3A_139, %add3A_167 : i32
      %lt3A = arith.constant 250 : i32
      %lt3A_169 = arith.cmpi slt, %add3A_168, %lt3A : i32
      %convert_element_type3A = arith.extui %lt3A_169 : i1 to i32
      %cond3A = arith.constant 0 : i32
      %cond3A_170 = arith.cmpi ne, %convert_element_type3A, %cond3A : i32
      scf.if %cond3A_170 {
        %add3A_203 = arith.constant 1 : i32
        %add3A_204 = arith.addi %scan3A_139, %add3A_203 : i32
        %rem3A_205 = arith.constant 3 : i32
        %rem3A_206 = arith.remsi %add3A_204, %rem3A_205 : i32
        %add3A_207 = arith.constant 1 : i32
        %add3A_208 = arith.addi %scan3A_139, %add3A_207 : i32
        %mul3A_209 = arith.constant 40 : i32
        %mul3A_210 = arith.muli %add3A_208, %mul3A_209 : i32
        %add3A_211 = arith.addi %mul3A_25, %mul3A_210 : i32
        %multiple_of3A_212 = tpu.assume_multiple %add3A_211, 8 : i32
        %dma_wait3A_213 = arith.constant 0 : i32
        %dma_wait3A_214 = tpu.memref_slice %arg8[%rem3A_206, %dma_wait3A_213] : memref<3x40xi32, #tpu.memory_space<vmem>> -> memref<1x40xi32, #tpu.memory_space<vmem>>
        %dma_wait3A_215 = tpu.memref_squeeze %dma_wait3A_214 : memref<1x40xi32, #tpu.memory_space<vmem>> -> memref<40xi32, #tpu.memory_space<vmem>>
        %dma_wait3A_216 = tpu.memref_slice %arg2[%multiple_of3A_212] : memref<320000xi32, #tpu.memory_space<hbm>> -> memref<40xi32, #tpu.memory_space<hbm>>
        %dma_wait3A_217 = arith.constant 0 : i32
        %dma_wait3A_218 = tpu.memref_slice %arg8[%rem3A_206, %dma_wait3A_217] : memref<3x40xi32, #tpu.memory_space<vmem>> -> memref<1x40xi32, #tpu.memory_space<vmem>>
        %dma_wait3A_219 = tpu.memref_squeeze %dma_wait3A_218 : memref<1x40xi32, #tpu.memory_space<vmem>> -> memref<40xi32, #tpu.memory_space<vmem>>
        %dma_wait3A_220 = tpu.memref_slice %arg2[%multiple_of3A_212] : memref<320000xi32, #tpu.memory_space<hbm>> -> memref<40xi32, #tpu.memory_space<hbm>>
        tpu.wait_dma2 semaphore(%arg17 : memref<!tpu.dma_semaphore, #tpu.memory_space<semaphore_mem>>) src(%dma_wait3A_220 : memref<40xi32, #tpu.memory_space<hbm>>) dst(%dma_wait3A_219 : memref<40xi32, #tpu.memory_space<vmem>>)
        %dma_wait3A_221 = arith.constant 0 : i32
        %dma_wait3A_222 = tpu.memref_slice %arg9[%rem3A_206, %dma_wait3A_221] : memref<3x40xi32, #tpu.memory_space<vmem>> -> memref<1x40xi32, #tpu.memory_space<vmem>>
        %dma_wait3A_223 = tpu.memref_squeeze %dma_wait3A_222 : memref<1x40xi32, #tpu.memory_space<vmem>> -> memref<40xi32, #tpu.memory_space<vmem>>
        %dma_wait3A_224 = tpu.memref_slice %arg3[%multiple_of3A_212] : memref<320000xi32, #tpu.memory_space<hbm>> -> memref<40xi32, #tpu.memory_space<hbm>>
        %dma_wait3A_225 = arith.constant 0 : i32
        %dma_wait3A_226 = tpu.memref_slice %arg9[%rem3A_206, %dma_wait3A_225] : memref<3x40xi32, #tpu.memory_space<vmem>> -> memref<1x40xi32, #tpu.memory_space<vmem>>
        %dma_wait3A_227 = tpu.memref_squeeze %dma_wait3A_226 : memref<1x40xi32, #tpu.memory_space<vmem>> -> memref<40xi32, #tpu.memory_space<vmem>>
        %dma_wait3A_228 = tpu.memref_slice %arg3[%multiple_of3A_212] : memref<320000xi32, #tpu.memory_space<hbm>> -> memref<40xi32, #tpu.memory_space<hbm>>
        tpu.wait_dma2 semaphore(%arg17 : memref<!tpu.dma_semaphore, #tpu.memory_space<semaphore_mem>>) src(%dma_wait3A_228 : memref<40xi32, #tpu.memory_space<hbm>>) dst(%dma_wait3A_227 : memref<40xi32, #tpu.memory_space<vmem>>)
        %sub3A = arith.constant 1 : i32
        %sub3A_229 = arith.subi %sub3A, %rem3A_140 : i32
        %mul3A_230 = arith.constant 40 : i32
        %mul3A_231 = arith.muli %sub3A_229, %mul3A_230 : i32
        %multiple_of3A_232 = tpu.assume_multiple %mul3A_231, 8 : i32
        %dma_start3A_233 = arith.constant 0 : i32
        %dma_start3A_234 = tpu.memref_slice %arg10[%multiple_of3A_232, %dma_start3A_233] : memref<80x144xf32, #tpu.memory_space<vmem>> -> memref<40x144xf32, #tpu.memory_space<vmem>>
        %dma_start3A_235 = arith.constant 0 : i32
        %dma_start3A_236 = tpu.memref_slice %arg8[%rem3A_206, %dma_start3A_235] : memref<3x40xi32, #tpu.memory_space<vmem>> -> memref<1x40xi32, #tpu.memory_space<vmem>>
        %dma_start3A_237 = tpu.memref_squeeze %dma_start3A_236 : memref<1x40xi32, #tpu.memory_space<vmem>> -> memref<40xi32, #tpu.memory_space<vmem>>
        %dma_start3A_238 = arith.constant 0 : i32
        %dma_start3A_239 = arith.constant 0 : i32
        %dma_start3A_240 = tpu.memref_slice %arg4[%dma_start3A_238, %dma_start3A_239] : memref<10000x144xf32, #tpu.memory_space<hbm>> -> memref<10000x144xf32, #tpu.memory_space<hbm>>
        tpu.enqueue_indirect_dma source(%dma_start3A_240 : memref<10000x144xf32, #tpu.memory_space<hbm>>) target(%dma_start3A_234 : memref<40x144xf32, #tpu.memory_space<vmem>>) offsets(%dma_start3A_237 : memref<40xi32, #tpu.memory_space<vmem>>) semaphore(%arg16 : memref<!tpu.dma_semaphore, #tpu.memory_space<semaphore_mem>>)
        %dma_start3A_241 = arith.constant 0 : i32
        %dma_start3A_242 = tpu.memref_slice %arg11[%multiple_of3A_232, %dma_start3A_241] : memref<80x16xf32, #tpu.memory_space<vmem>> -> memref<40x16xf32, #tpu.memory_space<vmem>>
        %dma_start3A_243 = arith.constant 0 : i32
        %dma_start3A_244 = tpu.memref_slice %arg9[%rem3A_206, %dma_start3A_243] : memref<3x40xi32, #tpu.memory_space<vmem>> -> memref<1x40xi32, #tpu.memory_space<vmem>>
        %dma_start3A_245 = tpu.memref_squeeze %dma_start3A_244 : memref<1x40xi32, #tpu.memory_space<vmem>> -> memref<40xi32, #tpu.memory_space<vmem>>
        %dma_start3A_246 = arith.constant 0 : i32
        %dma_start3A_247 = arith.constant 0 : i32
        %dma_start3A_248 = tpu.memref_slice %arg5[%dma_start3A_246, %dma_start3A_247] : memref<10000x16xf32, #tpu.memory_space<hbm>> -> memref<10000x16xf32, #tpu.memory_space<hbm>>
        tpu.enqueue_indirect_dma source(%dma_start3A_248 : memref<10000x16xf32, #tpu.memory_space<hbm>>) target(%dma_start3A_242 : memref<40x16xf32, #tpu.memory_space<vmem>>) offsets(%dma_start3A_245 : memref<40xi32, #tpu.memory_space<vmem>>) semaphore(%arg16 : memref<!tpu.dma_semaphore, #tpu.memory_space<semaphore_mem>>)
      } else {
      }
      %add3A_171 = arith.constant 2 : i32
      %add3A_172 = arith.addi %scan3A_139, %add3A_171 : i32
      %lt3A_173 = arith.constant 250 : i32
      %lt3A_174 = arith.cmpi slt, %add3A_172, %lt3A_173 : i32
      %convert_element_type3A_175 = arith.extui %lt3A_174 : i1 to i32
      %cond3A_176 = arith.constant 0 : i32
      %cond3A_177 = arith.cmpi ne, %convert_element_type3A_175, %cond3A_176 : i32
      scf.if %cond3A_177 {
        %add3A_203 = arith.constant 2 : i32
        %add3A_204 = arith.addi %scan3A_139, %add3A_203 : i32
        %add3A_205 = arith.constant 2 : i32
        %add3A_206 = arith.addi %scan3A_139, %add3A_205 : i32
        %rem3A_207 = arith.constant 3 : i32
        %rem3A_208 = arith.remsi %add3A_206, %rem3A_207 : i32
        %mul3A_209 = arith.constant 40 : i32
        %mul3A_210 = arith.muli %add3A_204, %mul3A_209 : i32
        %add3A_211 = arith.addi %mul3A_25, %mul3A_210 : i32
        %multiple_of3A_212 = tpu.assume_multiple %add3A_211, 8 : i32
        %dma_start3A_213 = arith.constant 0 : i32
        %dma_start3A_214 = tpu.memref_slice %arg8[%rem3A_208, %dma_start3A_213] : memref<3x40xi32, #tpu.memory_space<vmem>> -> memref<1x40xi32, #tpu.memory_space<vmem>>
        %dma_start3A_215 = tpu.memref_squeeze %dma_start3A_214 : memref<1x40xi32, #tpu.memory_space<vmem>> -> memref<40xi32, #tpu.memory_space<vmem>>
        %dma_start3A_216 = tpu.memref_slice %arg2[%multiple_of3A_212] : memref<320000xi32, #tpu.memory_space<hbm>> -> memref<40xi32, #tpu.memory_space<hbm>>
        %dma_start3A_217 = arith.constant 0 : i32
        %dma_start3A_218 = tpu.memref_slice %arg8[%rem3A_208, %dma_start3A_217] : memref<3x40xi32, #tpu.memory_space<vmem>> -> memref<1x40xi32, #tpu.memory_space<vmem>>
        %dma_start3A_219 = tpu.memref_squeeze %dma_start3A_218 : memref<1x40xi32, #tpu.memory_space<vmem>> -> memref<40xi32, #tpu.memory_space<vmem>>
        %dma_start3A_220 = tpu.memref_slice %arg2[%multiple_of3A_212] : memref<320000xi32, #tpu.memory_space<hbm>> -> memref<40xi32, #tpu.memory_space<hbm>>
        tpu.enqueue_dma source(%dma_start3A_220 : memref<40xi32, #tpu.memory_space<hbm>>) target(%dma_start3A_219 : memref<40xi32, #tpu.memory_space<vmem>>) target_semaphore(%arg17 : memref<!tpu.dma_semaphore, #tpu.memory_space<semaphore_mem>>)
        %dma_start3A_221 = arith.constant 0 : i32
        %dma_start3A_222 = tpu.memref_slice %arg9[%rem3A_208, %dma_start3A_221] : memref<3x40xi32, #tpu.memory_space<vmem>> -> memref<1x40xi32, #tpu.memory_space<vmem>>
        %dma_start3A_223 = tpu.memref_squeeze %dma_start3A_222 : memref<1x40xi32, #tpu.memory_space<vmem>> -> memref<40xi32, #tpu.memory_space<vmem>>
        %dma_start3A_224 = tpu.memref_slice %arg3[%multiple_of3A_212] : memref<320000xi32, #tpu.memory_space<hbm>> -> memref<40xi32, #tpu.memory_space<hbm>>
        %dma_start3A_225 = arith.constant 0 : i32
        %dma_start3A_226 = tpu.memref_slice %arg9[%rem3A_208, %dma_start3A_225] : memref<3x40xi32, #tpu.memory_space<vmem>> -> memref<1x40xi32, #tpu.memory_space<vmem>>
        %dma_start3A_227 = tpu.memref_squeeze %dma_start3A_226 : memref<1x40xi32, #tpu.memory_space<vmem>> -> memref<40xi32, #tpu.memory_space<vmem>>
        %dma_start3A_228 = tpu.memref_slice %arg3[%multiple_of3A_212] : memref<320000xi32, #tpu.memory_space<hbm>> -> memref<40xi32, #tpu.memory_space<hbm>>
        tpu.enqueue_dma source(%dma_start3A_228 : memref<40xi32, #tpu.memory_space<hbm>>) target(%dma_start3A_227 : memref<40xi32, #tpu.memory_space<vmem>>) target_semaphore(%arg17 : memref<!tpu.dma_semaphore, #tpu.memory_space<semaphore_mem>>)
      } else {
      }
      %ge3A_178 = arith.constant 2 : i32
      %ge3A_179 = arith.cmpi sge, %scan3A_139, %ge3A_178 : i32
      %convert_element_type3A_180 = arith.extui %ge3A_179 : i1 to i32
      %cond3A_181 = arith.constant 0 : i32
      %cond3A_182 = arith.cmpi ne, %convert_element_type3A_180, %cond3A_181 : i32
      scf.if %cond3A_182 {
        %dma_wait3A_203 = arith.constant 0 : i32
        %dma_wait3A_204 = tpu.memref_slice %arg13[%multiple_of3A_145, %dma_wait3A_203] : memref<80x144xf32, #tpu.memory_space<vmem>> -> memref<40x144xf32, #tpu.memory_space<vmem>>
        %dma_wait3A_205 = arith.constant 0 : i32
        %dma_wait3A_206 = tpu.memref_slice %arg9[%rem3A_142, %dma_wait3A_205] : memref<3x40xi32, #tpu.memory_space<vmem>> -> memref<1x40xi32, #tpu.memory_space<vmem>>
        %dma_wait3A_207 = tpu.memref_squeeze %dma_wait3A_206 : memref<1x40xi32, #tpu.memory_space<vmem>> -> memref<40xi32, #tpu.memory_space<vmem>>
        %dma_wait3A_208 = arith.constant 0 : i32
        %dma_wait3A_209 = arith.constant 0 : i32
        %dma_wait3A_210 = tpu.memref_slice %arg15[%dma_wait3A_208, %dma_wait3A_209] : memref<10240x144xf32, #tpu.memory_space<vmem_shared>> -> memref<10240x144xf32, #tpu.memory_space<vmem_shared>>
        tpu.wait_indirect_dma semaphore(%arg18 : memref<!tpu.dma_semaphore, #tpu.memory_space<semaphore_mem>>) src(%dma_wait3A_204 : memref<40x144xf32, #tpu.memory_space<vmem>>) dst(%dma_wait3A_210 : memref<10240x144xf32, #tpu.memory_space<vmem_shared>>)
      } else {
      }
      %scan3A_183 = arith.constant 0 : i32
      %scan3A_184 = arith.constant 0 : i32
      %scan3A_185 = arith.constant 20 : i32
      %scan3A_186 = arith.addi %scan3A_184, %scan3A_185 : i32
      %scan3A_187 = arith.constant 1 : i32
      scf.for %scan3A_203 = %scan3A_184 to %scan3A_186 step %scan3A_187  : i32 {
        %mul3A_204 = arith.constant 2 : i32
        %mul3A_205 = arith.muli %mul3A_204, %scan3A_203 : i32
        %add3A_206 = arith.addi %mul3A_147, %mul3A_205 : i32
        %shift_right_arithmetic3A = arith.constant 3 : i32
        %shift_right_arithmetic3A_207 = vector.broadcast %shift_right_arithmetic3A : i32 to vector<16xi32>
        %shift_right_arithmetic3A_208 = arith.shrsi %iota3A, %shift_right_arithmetic3A_207 : vector<16xi32>
        %add3A_209 = vector.broadcast %add3A_206 : i32 to vector<16xi32>
        %add3A_210 = arith.addi %add3A_209, %shift_right_arithmetic3A_208 : vector<16xi32>
        %add3A_211 = arith.constant 128 : i32
        %add3A_212 = vector.broadcast %add3A_211 : i32 to vector<16xi32>
        %add3A_213 = arith.addi %and3A_2, %add3A_212 : vector<16xi32>
        %gather3A_214 = tpu.vector_load_idx %arg10[%add3A_210, %add3A_213] : memref<80x144xf32, #tpu.memory_space<vmem>>[vector<16xi32>, vector<16xi32>], vector<16xf32>,
        %gather3A_215 = tpu.vector_load_idx %arg11[%add3A_210, %and3A_2] : memref<80x16xf32, #tpu.memory_space<vmem>>[vector<16xi32>, vector<16xi32>], vector<16xf32>,
        %add3A_216 = arith.addf %gather3A_214, %gather3A_215 : vector<16xf32>
        %ge3A_217 = arith.constant 0.000000e+00 : f32
        %ge3A_218 = vector.broadcast %ge3A_217 : f32 to vector<16xf32>
        %ge3A_219 = arith.cmpf oge, %add3A_216, %ge3A_218 : vector<16xf32>
        %mul3A_220 = arith.constant 2.000000e-01 : f32
        %mul3A_221 = vector.broadcast %mul3A_220 : f32 to vector<16xf32>
        %mul3A_222 = arith.mulf %mul3A_221, %add3A_216 : vector<16xf32>
        %select_n3A_223 = arith.select %ge3A_219, %add3A_216, %mul3A_222 : vector<16xi1>, vector<16xf32>
        %sub3A = arith.subf %select_n3A_223, %select_n3A : vector<16xf32>
        %exp3A = math.exp %sub3A : vector<16xf32>
        %mul3A_224 = arith.constant 16 : i32
        %mul3A_225 = arith.muli %scan3A_203, %mul3A_224 : i32
        %swap3A = arith.index_cast %mul3A_225 : i32 to index
        %swap3A_226 = tpu.vector_load %arg12[%swap3A] {strides = array<i32>} : memref<320xf32, #tpu.memory_space<vmem>>, vector<16xf32>,
        tpu.vector_store %arg12[%swap3A], %exp3A {strides = array<i32>} : memref<320xf32, #tpu.memory_space<vmem>>, vector<16xf32>,
      }
      %scan3A_188 = arith.constant 20 : i32
      %scan3A_189 = arith.constant 0 : i32
      %scan3A_190 = arith.constant 0 : i32
      %scan3A_191 = arith.constant 40 : i32
      %scan3A_192 = arith.addi %scan3A_190, %scan3A_191 : i32
      %scan3A_193 = arith.constant 1 : i32
      scf.for %scan3A_203 = %scan3A_190 to %scan3A_192 step %scan3A_193  : i32 {
        %broadcast_in_dim3A = arith.constant 0 : i32
        %broadcast_in_dim3A_204 = vector.broadcast %broadcast_in_dim3A : i32 to vector<16xi32>
        %mul3A_205 = arith.constant 8 : i32
        %mul3A_206 = arith.muli %scan3A_203, %mul3A_205 : i32
        %add3A_207 = arith.constant 0 : i32
        %add3A_208 = arith.addi %mul3A_206, %add3A_207 : i32
        %add3A_209 = vector.broadcast %add3A_208 : i32 to vector<16xi32>
        %add3A_210 = arith.addi %broadcast_in_dim3A_204, %add3A_209 : vector<16xi32>
        %gather3A_211 = tpu.vector_load_idx %arg12[%add3A_210] : memref<320xf32, #tpu.memory_space<vmem>>[vector<16xi32>], vector<16xf32>,
        %add3A_212 = arith.addi %mul3A_147, %scan3A_203 : i32
        %get3A = arith.index_cast %add3A_212 : i32 to index
        %get3A_213 = arith.constant 0 : index
        %get3A_214 = tpu.vector_load %arg10[%get3A, %get3A_213] {strides = array<i32>} : memref<80x144xf32, #tpu.memory_space<vmem>>, vector<16xf32>,
        %mul3A_215 = arith.mulf %gather3A_211, %get3A_214 : vector<16xf32>
        %add3A_216 = arith.addi %mul3A_147, %scan3A_203 : i32
        %swap3A = arith.index_cast %add3A_216 : i32 to index
        %swap3A_217 = arith.constant 0 : index
        %swap3A_218 = tpu.vector_load %arg13[%swap3A, %swap3A_217] {strides = array<i32>} : memref<80x144xf32, #tpu.memory_space<vmem>>, vector<16xf32>,
        tpu.vector_store %arg13[%swap3A, %swap3A_217], %mul3A_215 {strides = array<i32>} : memref<80x144xf32, #tpu.memory_space<vmem>>, vector<16xf32>,
        %broadcast_in_dim3A_219 = arith.constant 0 : i32
        %broadcast_in_dim3A_220 = vector.broadcast %broadcast_in_dim3A_219 : i32 to vector<16xi32>
        %mul3A_221 = arith.constant 8 : i32
        %mul3A_222 = arith.muli %scan3A_203, %mul3A_221 : i32
        %add3A_223 = arith.constant 1 : i32
        %add3A_224 = arith.addi %mul3A_222, %add3A_223 : i32
        %add3A_225 = vector.broadcast %add3A_224 : i32 to vector<16xi32>
        %add3A_226 = arith.addi %broadcast_in_dim3A_220, %add3A_225 : vector<16xi32>
        %gather3A_227 = tpu.vector_load_idx %arg12[%add3A_226] : memref<320xf32, #tpu.memory_space<vmem>>[vector<16xi32>], vector<16xf32>,
        %add3A_228 = arith.addi %mul3A_147, %scan3A_203 : i32
        %get3A_229 = arith.index_cast %add3A_228 : i32 to index
        %get3A_230 = arith.constant 16 : index
        %get3A_231 = tpu.vector_load %arg10[%get3A_229, %get3A_230] {strides = array<i32>} : memref<80x144xf32, #tpu.memory_space<vmem>>, vector<16xf32>,
        %mul3A_232 = arith.mulf %gather3A_227, %get3A_231 : vector<16xf32>
        %add3A_233 = arith.addi %mul3A_147, %scan3A_203 : i32
        %swap3A_234 = arith.index_cast %add3A_233 : i32 to index
        %swap3A_235 = arith.constant 16 : index
        %swap3A_236 = tpu.vector_load %arg13[%swap3A_234, %swap3A_235] {strides = array<i32>} : memref<80x144xf32, #tpu.memory_space<vmem>>, vector<16xf32>,
        tpu.vector_store %arg13[%swap3A_234, %swap3A_235], %mul3A_232 {strides = array<i32>} : memref<80x144xf32, #tpu.memory_space<vmem>>, vector<16xf32>,
        %broadcast_in_dim3A_237 = arith.constant 0 : i32
        %broadcast_in_dim3A_238 = vector.broadcast %broadcast_in_dim3A_237 : i32 to vector<16xi32>
        %mul3A_239 = arith.constant 8 : i32
        %mul3A_240 = arith.muli %scan3A_203, %mul3A_239 : i32
        %add3A_241 = arith.constant 2 : i32
        %add3A_242 = arith.addi %mul3A_240, %add3A_241 : i32
        %add3A_243 = vector.broadcast %add3A_242 : i32 to vector<16xi32>
        %add3A_244 = arith.addi %broadcast_in_dim3A_238, %add3A_243 : vector<16xi32>
        %gather3A_245 = tpu.vector_load_idx %arg12[%add3A_244] : memref<320xf32, #tpu.memory_space<vmem>>[vector<16xi32>], vector<16xf32>,
        %add3A_246 = arith.addi %mul3A_147, %scan3A_203 : i32
        %get3A_247 = arith.index_cast %add3A_246 : i32 to index
        %get3A_248 = arith.constant 32 : index
        %get3A_249 = tpu.vector_load %arg10[%get3A_247, %get3A_248] {strides = array<i32>} : memref<80x144xf32, #tpu.memory_space<vmem>>, vector<16xf32>,
        %mul3A_250 = arith.mulf %gather3A_245, %get3A_249 : vector<16xf32>
        %add3A_251 = arith.addi %mul3A_147, %scan3A_203 : i32
        %swap3A_252 = arith.index_cast %add3A_251 : i32 to index
        %swap3A_253 = arith.constant 32 : index
        %swap3A_254 = tpu.vector_load %arg13[%swap3A_252, %swap3A_253] {strides = array<i32>} : memref<80x144xf32, #tpu.memory_space<vmem>>, vector<16xf32>,
        tpu.vector_store %arg13[%swap3A_252, %swap3A_253], %mul3A_250 {strides = array<i32>} : memref<80x144xf32, #tpu.memory_space<vmem>>, vector<16xf32>,
        %broadcast_in_dim3A_255 = arith.constant 0 : i32
        %broadcast_in_dim3A_256 = vector.broadcast %broadcast_in_dim3A_255 : i32 to vector<16xi32>
        %mul3A_257 = arith.constant 8 : i32
        %mul3A_258 = arith.muli %scan3A_203, %mul3A_257 : i32
        %add3A_259 = arith.constant 3 : i32
        %add3A_260 = arith.addi %mul3A_258, %add3A_259 : i32
        %add3A_261 = vector.broadcast %add3A_260 : i32 to vector<16xi32>
        %add3A_262 = arith.addi %broadcast_in_dim3A_256, %add3A_261 : vector<16xi32>
        %gather3A_263 = tpu.vector_load_idx %arg12[%add3A_262] : memref<320xf32, #tpu.memory_space<vmem>>[vector<16xi32>], vector<16xf32>,
        %add3A_264 = arith.addi %mul3A_147, %scan3A_203 : i32
        %get3A_265 = arith.index_cast %add3A_264 : i32 to index
        %get3A_266 = arith.constant 48 : index
        %get3A_267 = tpu.vector_load %arg10[%get3A_265, %get3A_266] {strides = array<i32>} : memref<80x144xf32, #tpu.memory_space<vmem>>, vector<16xf32>,
        %mul3A_268 = arith.mulf %gather3A_263, %get3A_267 : vector<16xf32>
        %add3A_269 = arith.addi %mul3A_147, %scan3A_203 : i32
        %swap3A_270 = arith.index_cast %add3A_269 : i32 to index
        %swap3A_271 = arith.constant 48 : index
        %swap3A_272 = tpu.vector_load %arg13[%swap3A_270, %swap3A_271] {strides = array<i32>} : memref<80x144xf32, #tpu.memory_space<vmem>>, vector<16xf32>,
        tpu.vector_store %arg13[%swap3A_270, %swap3A_271], %mul3A_268 {strides = array<i32>} : memref<80x144xf32, #tpu.memory_space<vmem>>, vector<16xf32>,
        %broadcast_in_dim3A_273 = arith.constant 0 : i32
        %broadcast_in_dim3A_274 = vector.broadcast %broadcast_in_dim3A_273 : i32 to vector<16xi32>
        %mul3A_275 = arith.constant 8 : i32
        %mul3A_276 = arith.muli %scan3A_203, %mul3A_275 : i32
        %add3A_277 = arith.constant 4 : i32
        %add3A_278 = arith.addi %mul3A_276, %add3A_277 : i32
        %add3A_279 = vector.broadcast %add3A_278 : i32 to vector<16xi32>
        %add3A_280 = arith.addi %broadcast_in_dim3A_274, %add3A_279 : vector<16xi32>
        %gather3A_281 = tpu.vector_load_idx %arg12[%add3A_280] : memref<320xf32, #tpu.memory_space<vmem>>[vector<16xi32>], vector<16xf32>,
        %add3A_282 = arith.addi %mul3A_147, %scan3A_203 : i32
        %get3A_283 = arith.index_cast %add3A_282 : i32 to index
        %get3A_284 = arith.constant 64 : index
        %get3A_285 = tpu.vector_load %arg10[%get3A_283, %get3A_284] {strides = array<i32>} : memref<80x144xf32, #tpu.memory_space<vmem>>, vector<16xf32>,
        %mul3A_286 = arith.mulf %gather3A_281, %get3A_285 : vector<16xf32>
        %add3A_287 = arith.addi %mul3A_147, %scan3A_203 : i32
        %swap3A_288 = arith.index_cast %add3A_287 : i32 to index
        %swap3A_289 = arith.constant 64 : index
        %swap3A_290 = tpu.vector_load %arg13[%swap3A_288, %swap3A_289] {strides = array<i32>} : memref<80x144xf32, #tpu.memory_space<vmem>>, vector<16xf32>,
        tpu.vector_store %arg13[%swap3A_288, %swap3A_289], %mul3A_286 {strides = array<i32>} : memref<80x144xf32, #tpu.memory_space<vmem>>, vector<16xf32>,
        %broadcast_in_dim3A_291 = arith.constant 0 : i32
        %broadcast_in_dim3A_292 = vector.broadcast %broadcast_in_dim3A_291 : i32 to vector<16xi32>
        %mul3A_293 = arith.constant 8 : i32
        %mul3A_294 = arith.muli %scan3A_203, %mul3A_293 : i32
        %add3A_295 = arith.constant 5 : i32
        %add3A_296 = arith.addi %mul3A_294, %add3A_295 : i32
        %add3A_297 = vector.broadcast %add3A_296 : i32 to vector<16xi32>
        %add3A_298 = arith.addi %broadcast_in_dim3A_292, %add3A_297 : vector<16xi32>
        %gather3A_299 = tpu.vector_load_idx %arg12[%add3A_298] : memref<320xf32, #tpu.memory_space<vmem>>[vector<16xi32>], vector<16xf32>,
        %add3A_300 = arith.addi %mul3A_147, %scan3A_203 : i32
        %get3A_301 = arith.index_cast %add3A_300 : i32 to index
        %get3A_302 = arith.constant 80 : index
        %get3A_303 = tpu.vector_load %arg10[%get3A_301, %get3A_302] {strides = array<i32>} : memref<80x144xf32, #tpu.memory_space<vmem>>, vector<16xf32>,
        %mul3A_304 = arith.mulf %gather3A_299, %get3A_303 : vector<16xf32>
        %add3A_305 = arith.addi %mul3A_147, %scan3A_203 : i32
        %swap3A_306 = arith.index_cast %add3A_305 : i32 to index
        %swap3A_307 = arith.constant 80 : index
        %swap3A_308 = tpu.vector_load %arg13[%swap3A_306, %swap3A_307] {strides = array<i32>} : memref<80x144xf32, #tpu.memory_space<vmem>>, vector<16xf32>,
        tpu.vector_store %arg13[%swap3A_306, %swap3A_307], %mul3A_304 {strides = array<i32>} : memref<80x144xf32, #tpu.memory_space<vmem>>, vector<16xf32>,
        %broadcast_in_dim3A_309 = arith.constant 0 : i32
        %broadcast_in_dim3A_310 = vector.broadcast %broadcast_in_dim3A_309 : i32 to vector<16xi32>
        %mul3A_311 = arith.constant 8 : i32
        %mul3A_312 = arith.muli %scan3A_203, %mul3A_311 : i32
        %add3A_313 = arith.constant 6 : i32
        %add3A_314 = arith.addi %mul3A_312, %add3A_313 : i32
        %add3A_315 = vector.broadcast %add3A_314 : i32 to vector<16xi32>
        %add3A_316 = arith.addi %broadcast_in_dim3A_310, %add3A_315 : vector<16xi32>
        %gather3A_317 = tpu.vector_load_idx %arg12[%add3A_316] : memref<320xf32, #tpu.memory_space<vmem>>[vector<16xi32>], vector<16xf32>,
        %add3A_318 = arith.addi %mul3A_147, %scan3A_203 : i32
        %get3A_319 = arith.index_cast %add3A_318 : i32 to index
        %get3A_320 = arith.constant 96 : index
        %get3A_321 = tpu.vector_load %arg10[%get3A_319, %get3A_320] {strides = array<i32>} : memref<80x144xf32, #tpu.memory_space<vmem>>, vector<16xf32>,
        %mul3A_322 = arith.mulf %gather3A_317, %get3A_321 : vector<16xf32>
        %add3A_323 = arith.addi %mul3A_147, %scan3A_203 : i32
        %swap3A_324 = arith.index_cast %add3A_323 : i32 to index
        %swap3A_325 = arith.constant 96 : index
        %swap3A_326 = tpu.vector_load %arg13[%swap3A_324, %swap3A_325] {strides = array<i32>} : memref<80x144xf32, #tpu.memory_space<vmem>>, vector<16xf32>,
        tpu.vector_store %arg13[%swap3A_324, %swap3A_325], %mul3A_322 {strides = array<i32>} : memref<80x144xf32, #tpu.memory_space<vmem>>, vector<16xf32>,
        %broadcast_in_dim3A_327 = arith.constant 0 : i32
        %broadcast_in_dim3A_328 = vector.broadcast %broadcast_in_dim3A_327 : i32 to vector<16xi32>
        %mul3A_329 = arith.constant 8 : i32
        %mul3A_330 = arith.muli %scan3A_203, %mul3A_329 : i32
        %add3A_331 = arith.constant 7 : i32
        %add3A_332 = arith.addi %mul3A_330, %add3A_331 : i32
        %add3A_333 = vector.broadcast %add3A_332 : i32 to vector<16xi32>
        %add3A_334 = arith.addi %broadcast_in_dim3A_328, %add3A_333 : vector<16xi32>
        %gather3A_335 = tpu.vector_load_idx %arg12[%add3A_334] : memref<320xf32, #tpu.memory_space<vmem>>[vector<16xi32>], vector<16xf32>,
        %add3A_336 = arith.addi %mul3A_147, %scan3A_203 : i32
        %get3A_337 = arith.index_cast %add3A_336 : i32 to index
        %get3A_338 = arith.constant 112 : index
        %get3A_339 = tpu.vector_load %arg10[%get3A_337, %get3A_338] {strides = array<i32>} : memref<80x144xf32, #tpu.memory_space<vmem>>, vector<16xf32>,
        %mul3A_340 = arith.mulf %gather3A_335, %get3A_339 : vector<16xf32>
        %add3A_341 = arith.addi %mul3A_147, %scan3A_203 : i32
        %swap3A_342 = arith.index_cast %add3A_341 : i32 to index
        %swap3A_343 = arith.constant 112 : index
        %swap3A_344 = tpu.vector_load %arg13[%swap3A_342, %swap3A_343] {strides = array<i32>} : memref<80x144xf32, #tpu.memory_space<vmem>>, vector<16xf32>,
        tpu.vector_store %arg13[%swap3A_342, %swap3A_343], %mul3A_340 {strides = array<i32>} : memref<80x144xf32, #tpu.memory_space<vmem>>, vector<16xf32>,
        %mul3A_345 = arith.constant 8 : i32
        %mul3A_346 = arith.muli %scan3A_203, %mul3A_345 : i32
        %add3A_347 = vector.broadcast %mul3A_346 : i32 to vector<16xi32>
        %add3A_348 = arith.addi %add3A_347, %and3A_2 : vector<16xi32>
        %gather3A_349 = tpu.vector_load_idx %arg12[%add3A_348] : memref<320xf32, #tpu.memory_space<vmem>>[vector<16xi32>], vector<16xf32>,
        %lt3A_350 = arith.constant 8 : i32
        %lt3A_351 = vector.broadcast %lt3A_350 : i32 to vector<16xi32>
        %lt3A_352 = arith.cmpi slt, %iota3A, %lt3A_351 : vector<16xi32>
        %jit3A = arith.constant 0.000000e+00 : f32
        %broadcast_in_dim3A_353 = vector.broadcast %jit3A : f32 to vector<16xf32>
        %select_n3A_354 = arith.select %lt3A_352, %gather3A_349, %broadcast_in_dim3A_353 : vector<16xi1>, vector<16xf32>
        %add3A_355 = arith.addi %mul3A_147, %scan3A_203 : i32
        %swap3A_356 = arith.index_cast %add3A_355 : i32 to index
        %swap3A_357 = arith.constant 128 : index
        %swap3A_358 = tpu.vector_load %arg13[%swap3A_356, %swap3A_357] {strides = array<i32>} : memref<80x144xf32, #tpu.memory_space<vmem>>, vector<16xf32>,
        tpu.vector_store %arg13[%swap3A_356, %swap3A_357], %select_n3A_354 {strides = array<i32>} : memref<80x144xf32, #tpu.memory_space<vmem>>, vector<16xf32>,
      }
      %scan3A_194 = arith.constant 40 : i32
      %dma_start3A_195 = arith.constant 0 : i32
      %dma_start3A_196 = tpu.memref_slice %arg13[%multiple_of3A_145, %dma_start3A_195] : memref<80x144xf32, #tpu.memory_space<vmem>> -> memref<40x144xf32, #tpu.memory_space<vmem>>
      %dma_start3A_197 = arith.constant 0 : i32
      %dma_start3A_198 = tpu.memref_slice %arg9[%rem3A_142, %dma_start3A_197] : memref<3x40xi32, #tpu.memory_space<vmem>> -> memref<1x40xi32, #tpu.memory_space<vmem>>
      %dma_start3A_199 = tpu.memref_squeeze %dma_start3A_198 : memref<1x40xi32, #tpu.memory_space<vmem>> -> memref<40xi32, #tpu.memory_space<vmem>>
      %dma_start3A_200 = arith.constant 0 : i32
      %dma_start3A_201 = arith.constant 0 : i32
      %dma_start3A_202 = tpu.memref_slice %arg15[%dma_start3A_200, %dma_start3A_201] : memref<10240x144xf32, #tpu.memory_space<vmem_shared>> -> memref<10240x144xf32, #tpu.memory_space<vmem_shared>>
      tpu.enqueue_indirect_dma source(%dma_start3A_196 : memref<40x144xf32, #tpu.memory_space<vmem>>) target(%dma_start3A_202 : memref<10240x144xf32, #tpu.memory_space<vmem_shared>>) offsets(%dma_start3A_199 : memref<40xi32, #tpu.memory_space<vmem>>) semaphore(%arg18 : memref<!tpu.dma_semaphore, #tpu.memory_space<semaphore_mem>>) {add = true}
    }
    %scan3A_111 = arith.constant 250 : i32
    %multiple_of3A_112 = arith.constant 0 : i32
    %multiple_of3A_113 = tpu.assume_multiple %multiple_of3A_112, 8 : i32
    %dma_wait3A_114 = arith.constant 2 : i32
    %dma_wait3A_115 = arith.constant 0 : i32
    %dma_wait3A_116 = tpu.memref_slice %arg13[%multiple_of3A_113, %dma_wait3A_115] : memref<80x144xf32, #tpu.memory_space<vmem>> -> memref<40x144xf32, #tpu.memory_space<vmem>>
    %dma_wait3A_117 = arith.constant 0 : i32
    %dma_wait3A_118 = tpu.memref_slice %arg9[%dma_wait3A_114, %dma_wait3A_117] : memref<3x40xi32, #tpu.memory_space<vmem>> -> memref<1x40xi32, #tpu.memory_space<vmem>>
    %dma_wait3A_119 = tpu.memref_squeeze %dma_wait3A_118 : memref<1x40xi32, #tpu.memory_space<vmem>> -> memref<40xi32, #tpu.memory_space<vmem>>
    %dma_wait3A_120 = arith.constant 0 : i32
    %dma_wait3A_121 = arith.constant 0 : i32
    %dma_wait3A_122 = tpu.memref_slice %arg15[%dma_wait3A_120, %dma_wait3A_121] : memref<10240x144xf32, #tpu.memory_space<vmem_shared>> -> memref<10240x144xf32, #tpu.memory_space<vmem_shared>>
    tpu.wait_indirect_dma semaphore(%arg18 : memref<!tpu.dma_semaphore, #tpu.memory_space<semaphore_mem>>) src(%dma_wait3A_116 : memref<40x144xf32, #tpu.memory_space<vmem>>) dst(%dma_wait3A_122 : memref<10240x144xf32, #tpu.memory_space<vmem_shared>>)
    %multiple_of3A_123 = arith.constant 40 : i32
    %multiple_of3A_124 = tpu.assume_multiple %multiple_of3A_123, 8 : i32
    %dma_wait3A_125 = arith.constant 0 : i32
    %dma_wait3A_126 = arith.constant 0 : i32
    %dma_wait3A_127 = tpu.memref_slice %arg13[%multiple_of3A_124, %dma_wait3A_126] : memref<80x144xf32, #tpu.memory_space<vmem>> -> memref<40x144xf32, #tpu.memory_space<vmem>>
    %dma_wait3A_128 = arith.constant 0 : i32
    %dma_wait3A_129 = tpu.memref_slice %arg9[%dma_wait3A_125, %dma_wait3A_128] : memref<3x40xi32, #tpu.memory_space<vmem>> -> memref<1x40xi32, #tpu.memory_space<vmem>>
    %dma_wait3A_130 = tpu.memref_squeeze %dma_wait3A_129 : memref<1x40xi32, #tpu.memory_space<vmem>> -> memref<40xi32, #tpu.memory_space<vmem>>
    %dma_wait3A_131 = arith.constant 0 : i32
    %dma_wait3A_132 = arith.constant 0 : i32
    %dma_wait3A_133 = tpu.memref_slice %arg15[%dma_wait3A_131, %dma_wait3A_132] : memref<10240x144xf32, #tpu.memory_space<vmem_shared>> -> memref<10240x144xf32, #tpu.memory_space<vmem_shared>>
    tpu.wait_indirect_dma semaphore(%arg18 : memref<!tpu.dma_semaphore, #tpu.memory_space<semaphore_mem>>) src(%dma_wait3A_127 : memref<40x144xf32, #tpu.memory_space<vmem>>) dst(%dma_wait3A_133 : memref<10240x144xf32, #tpu.memory_space<vmem_shared>>)
    %barrier3A_134 = arith.constant 0 : index
    tpu.barrier barrier_id(%barrier3A_134)
    %mul3A_135 = arith.constant 640 : i32
    %mul3A_136 = arith.muli %arg1, %mul3A_135 : i32
    %mul3A_137 = arith.constant 640 : i32
    %mul3A_138 = arith.muli %arg1, %mul3A_137 : i32
    "tpu.region"() ({
      %run_scoped3A = tpu.sem_alloc : memref<!tpu.dma_semaphore, #tpu.memory_space<semaphore_mem>>
      %dma_start3A_139 = arith.constant 0 : i32
      %dma_start3A_140 = tpu.memref_slice %arg7[%arg0, %mul3A_138, %dma_start3A_139] : memref<2x10240x144xf32, #tpu.memory_space<hbm>> -> memref<1x640x144xf32, #tpu.memory_space<hbm>>
      %dma_start3A_141 = tpu.memref_squeeze %dma_start3A_140 : memref<1x640x144xf32, #tpu.memory_space<hbm>> -> memref<640x144xf32, #tpu.memory_space<hbm>>
      %dma_start3A_142 = arith.constant 0 : i32
      %dma_start3A_143 = tpu.memref_slice %arg15[%mul3A_136, %dma_start3A_142] : memref<10240x144xf32, #tpu.memory_space<vmem_shared>> -> memref<640x144xf32, #tpu.memory_space<vmem_shared>>
      tpu.enqueue_dma source(%dma_start3A_143 : memref<640x144xf32, #tpu.memory_space<vmem_shared>>) target(%dma_start3A_141 : memref<640x144xf32, #tpu.memory_space<hbm>>) target_semaphore(%run_scoped3A : memref<!tpu.dma_semaphore, #tpu.memory_space<semaphore_mem>>)
      %dma_wait3A_144 = arith.constant 0 : i32
      %dma_wait3A_145 = tpu.memref_slice %arg7[%arg0, %mul3A_138, %dma_wait3A_144] : memref<2x10240x144xf32, #tpu.memory_space<hbm>> -> memref<1x640x144xf32, #tpu.memory_space<hbm>>
      %dma_wait3A_146 = tpu.memref_squeeze %dma_wait3A_145 : memref<1x640x144xf32, #tpu.memory_space<hbm>> -> memref<640x144xf32, #tpu.memory_space<hbm>>
      %dma_wait3A_147 = arith.constant 0 : i32
      %dma_wait3A_148 = tpu.memref_slice %arg15[%mul3A_136, %dma_wait3A_147] : memref<10240x144xf32, #tpu.memory_space<vmem_shared>> -> memref<640x144xf32, #tpu.memory_space<vmem_shared>>
      tpu.wait_dma2 semaphore(%run_scoped3A : memref<!tpu.dma_semaphore, #tpu.memory_space<semaphore_mem>>) src(%dma_wait3A_148 : memref<640x144xf32, #tpu.memory_space<vmem_shared>>) dst(%dma_wait3A_146 : memref<640x144xf32, #tpu.memory_space<hbm>>)
      tpu.yield
    }) : () -> ()
    return
  }
}

module attributes {stable_mosaic.version = 14 : i64} {
  func.func @_a0_body(%arg0: i32, %arg1: memref<1x1x1000xi32, #tpu.memory_space<vmem>>, %arg2: memref<128x128xf32, #tpu.memory_space<vmem>>, %arg3: memref<128x128xf32, #tpu.memory_space<vmem>>, %arg4: memref<1x128xf32, #tpu.memory_space<vmem>>, %arg5: memref<128x16xf32, #tpu.memory_space<vmem>>, %arg6: memref<1000x128xf32, #tpu.memory_space<vmem>>, %arg7: memref<1000x144xf32, #tpu.memory_space<vmem>>, %arg8: memref<1000x16xf32, #tpu.memory_space<vmem>>, %arg9: memref<1x16xf32, #tpu.memory_space<vmem>>) attributes {dimension_semantics = [#tpu.dimension_semantics<arbitrary>], iteration_bounds = array<i64: 10>, scalar_prefetch = 0 : i64, scratch_operands = 0 : i64, tpu.core_type = #tpu.core_type<tc>, window_params = [{transform_indices = @transform_0, window_bounds = array<i64: 1, 1, 1000>}, {pipeline_mode = #tpu.pipeline_mode<synchronous>, transform_indices = @transform_1, window_bounds = array<i64: 128, 128>}, {pipeline_mode = #tpu.pipeline_mode<synchronous>, transform_indices = @transform_2, window_bounds = array<i64: 128, 128>}, {pipeline_mode = #tpu.pipeline_mode<synchronous>, transform_indices = @transform_3, window_bounds = array<i64: 1, 128>}, {pipeline_mode = #tpu.pipeline_mode<synchronous>, transform_indices = @transform_4, window_bounds = array<i64: 128, 16>}, {transform_indices = @transform_5, window_bounds = array<i64: 1000, 128>}, {transform_indices = @transform_6, window_bounds = array<i64: 1000, 144>}, {transform_indices = @transform_7, window_bounds = array<i64: 1000, 16>}, {pipeline_mode = #tpu.pipeline_mode<synchronous>, transform_indices = @transform_8, window_bounds = array<i64: 1, 16>}]} {
    %get3A = arith.constant 0 : index
    %get3A_0 = arith.constant 0 : index
    %get3A_1 = arith.constant 0 : index
    %get3A_2 = vector.load %arg1[%get3A, %get3A_0, %get3A_1] : memref<1x1x1000xi32, #tpu.memory_space<vmem>>, vector<1x1x1000xi32>
    %get3A_3 = vector.shape_cast %get3A_2 : vector<1x1x1000xi32> to vector<1000xi32>
    %broadcast_in_dim3A = vector.shape_cast %get3A_3 : vector<1000xi32> to vector<1000x1xi32>
    %iota3A = tpu.iota {dimensions = array<i32: 1>} : vector<1000x128xi32>
    %eq3A = vector.broadcast %broadcast_in_dim3A : vector<1000x1xi32> to vector<1000x128xi32>
    %eq3A_4 = arith.cmpi eq, %eq3A, %iota3A : vector<1000x128xi32>
    %convert_element_type3A = arith.extui %eq3A_4 : vector<1000x128xi1> to vector<1000x128xi32>
    %convert_element_type3A_5 = arith.sitofp %convert_element_type3A : vector<1000x128xi32> to vector<1000x128xf32>
    %get3A_6 = arith.constant 0 : index
    %get3A_7 = arith.constant 0 : index
    %get3A_8 = vector.load %arg2[%get3A_6, %get3A_7] : memref<128x128xf32, #tpu.memory_space<vmem>>, vector<128x128xf32>
    %dot_general3A = arith.constant dense<0.000000e+00> : vector<1000x128xf32>
    %dot_general3A_9 = tpu.matmul %convert_element_type3A_5, %get3A_8, %dot_general3A {dimension_numbers = #tpu.dot_dimension_numbers<[1], [0], [0], [1], [0, 0, 1, 1], [], []>, precision = #tpu.contract_precision<fp32>, transpose_lhs_hint = false} : vector<1000x128xf32>, vector<128x128xf32>, vector<1000x128xf32> -> vector<1000x128xf32>
    %swap3A = arith.constant 0 : index
    %swap3A_10 = arith.constant 0 : index
    %swap3A_11 = vector.load %arg6[%swap3A, %swap3A_10] : memref<1000x128xf32, #tpu.memory_space<vmem>>, vector<1000x128xf32>
    tpu.vector_store %arg6[%swap3A, %swap3A_10], %dot_general3A_9 {strides = array<i32>} : memref<1000x128xf32, #tpu.memory_space<vmem>>, vector<1000x128xf32>,
    %get3A_12 = arith.constant 0 : index
    %get3A_13 = arith.constant 0 : index
    %get3A_14 = vector.load %arg3[%get3A_12, %get3A_13] : memref<128x128xf32, #tpu.memory_space<vmem>>, vector<128x128xf32>
    %dot_general3A_15 = arith.constant dense<0.000000e+00> : vector<1000x128xf32>
    %dot_general3A_16 = tpu.matmul %dot_general3A_9, %get3A_14, %dot_general3A_15 {dimension_numbers = #tpu.dot_dimension_numbers<[1], [0], [0], [1], [0, 0, 1, 1], [], []>, transpose_lhs_hint = false} : vector<1000x128xf32>, vector<128x128xf32>, vector<1000x128xf32> -> vector<1000x128xf32>
    %get3A_17 = arith.constant 0 : index
    %get3A_18 = arith.constant 0 : index
    %get3A_19 = vector.load %arg4[%get3A_17, %get3A_18] : memref<1x128xf32, #tpu.memory_space<vmem>>, vector<1x128xf32>
    %add3A = vector.broadcast %get3A_19 : vector<1x128xf32> to vector<1000x128xf32>
    %add3A_20 = arith.addf %dot_general3A_16, %add3A : vector<1000x128xf32>
    %get3A_21 = arith.constant 0 : index
    %get3A_22 = arith.constant 0 : index
    %get3A_23 = vector.load %arg5[%get3A_21, %get3A_22] : memref<128x16xf32, #tpu.memory_space<vmem>>, vector<128x16xf32>
    %dot_general3A_24 = arith.constant dense<0.000000e+00> : vector<1000x16xf32>
    %dot_general3A_25 = tpu.matmul %add3A_20, %get3A_23, %dot_general3A_24 {dimension_numbers = #tpu.dot_dimension_numbers<[1], [0], [0], [1], [0, 0, 1, 1], [], []>, precision = #tpu.contract_precision<fp32>, transpose_lhs_hint = false} : vector<1000x128xf32>, vector<128x16xf32>, vector<1000x16xf32> -> vector<1000x16xf32>
    %concatenate3A = tpu.concatenate %add3A_20, %dot_general3A_25 in 1 : vector<1000x128xf32>, vector<1000x16xf32> -> vector<1000x144xf32>
    %swap3A_26 = arith.constant 0 : index
    %swap3A_27 = arith.constant 0 : index
    %swap3A_28 = vector.load %arg7[%swap3A_26, %swap3A_27] : memref<1000x144xf32, #tpu.memory_space<vmem>>, vector<1000x144xf32>
    tpu.vector_store %arg7[%swap3A_26, %swap3A_27], %concatenate3A {strides = array<i32>} : memref<1000x144xf32, #tpu.memory_space<vmem>>, vector<1000x144xf32>,
    %slice3A = vector.extract_strided_slice %dot_general3A_25 {offsets = [0, 8], sizes = [1000, 8], strides = [1, 1]} : vector<1000x16xf32> to vector<1000x8xf32>
    %broadcast_in_dim3A_29 = arith.constant 0.000000e+00 : f32
    %broadcast_in_dim3A_30 = vector.broadcast %broadcast_in_dim3A_29 : f32 to vector<1000x8xf32>
    %concatenate3A_31 = tpu.concatenate %slice3A, %broadcast_in_dim3A_30 in 1 : vector<1000x8xf32>, vector<1000x8xf32> -> vector<1000x16xf32>
    %swap3A_32 = arith.constant 0 : index
    %swap3A_33 = arith.constant 0 : index
    %swap3A_34 = vector.load %arg8[%swap3A_32, %swap3A_33] : memref<1000x16xf32, #tpu.memory_space<vmem>>, vector<1000x16xf32>
    tpu.vector_store %arg8[%swap3A_32, %swap3A_33], %concatenate3A_31 {strides = array<i32>} : memref<1000x16xf32, #tpu.memory_space<vmem>>, vector<1000x16xf32>,
    %reduce_max3A = arith.constant dense<0xFF800000> : vector<16xf32>
    %reduce_max3A_35 = vector.multi_reduction <maximumf>, %dot_general3A_25, %reduce_max3A [0] : vector<1000x16xf32> to vector<16xf32>
    %broadcast_in_dim3A_36 = vector.shape_cast %reduce_max3A_35 : vector<16xf32> to vector<1x16xf32>
    %eq3A_37 = arith.constant 0 : i32
    %eq3A_38 = arith.cmpi eq, %arg0, %eq3A_37 : i32
    %convert_element_type3A_39 = arith.extui %eq3A_38 : i1 to i32
    %cond3A = arith.constant 0 : i32
    %cond3A_40 = arith.cmpi ne, %convert_element_type3A_39, %cond3A : i32
    scf.if %cond3A_40 {
      %swap3A_45 = arith.constant 0 : index
      %swap3A_46 = arith.constant 0 : index
      %swap3A_47 = vector.load %arg9[%swap3A_45, %swap3A_46] : memref<1x16xf32, #tpu.memory_space<vmem>>, vector<1x16xf32>
      tpu.vector_store %arg9[%swap3A_45, %swap3A_46], %broadcast_in_dim3A_36 {strides = array<i32>} : memref<1x16xf32, #tpu.memory_space<vmem>>, vector<1x16xf32>,
    } else {
    }
    %gt3A = arith.constant 0 : i32
    %gt3A_41 = arith.cmpi sgt, %arg0, %gt3A : i32
    %convert_element_type3A_42 = arith.extui %gt3A_41 : i1 to i32
    %cond3A_43 = arith.constant 0 : i32
    %cond3A_44 = arith.cmpi ne, %convert_element_type3A_42, %cond3A_43 : i32
    scf.if %cond3A_44 {
      %get3A_45 = arith.constant 0 : index
      %get3A_46 = arith.constant 0 : index
      %get3A_47 = vector.load %arg9[%get3A_45, %get3A_46] : memref<1x16xf32, #tpu.memory_space<vmem>>, vector<1x16xf32>
      %max3A = arith.maximumf %get3A_47, %broadcast_in_dim3A_36 : vector<1x16xf32>
      %swap3A_48 = arith.constant 0 : index
      %swap3A_49 = arith.constant 0 : index
      %swap3A_50 = vector.load %arg9[%swap3A_48, %swap3A_49] : memref<1x16xf32, #tpu.memory_space<vmem>>, vector<1x16xf32>
      tpu.vector_store %arg9[%swap3A_48, %swap3A_49], %max3A {strides = array<i32>} : memref<1x16xf32, #tpu.memory_space<vmem>>, vector<1x16xf32>,
    } else {
    }
    return
  }
  func.func @transform_0(%arg0: i32) -> (i32, i32, i32) {
    %c0_i32 = arith.constant 0 : i32
    %c0_i32_0 = arith.constant 0 : i32
    %c0_i32_1 = arith.constant 0 : i32
    return %arg0, %c0_i32, %c0_i32_0 : i32, i32, i32
  }
  func.func @transform_1(%arg0: i32) -> (i32, i32) {
    %c0_i32 = arith.constant 0 : i32
    %c0_i32_0 = arith.constant 0 : i32
    %c0_i32_1 = arith.constant 0 : i32
    return %c0_i32, %c0_i32_0 : i32, i32
  }
  func.func @transform_2(%arg0: i32) -> (i32, i32) {
    %c0_i32 = arith.constant 0 : i32
    %c0_i32_0 = arith.constant 0 : i32
    %c0_i32_1 = arith.constant 0 : i32
    return %c0_i32, %c0_i32_0 : i32, i32
  }
  func.func @transform_3(%arg0: i32) -> (i32, i32) {
    %c0_i32 = arith.constant 0 : i32
    %c0_i32_0 = arith.constant 0 : i32
    %c0_i32_1 = arith.constant 0 : i32
    return %c0_i32, %c0_i32_0 : i32, i32
  }
  func.func @transform_4(%arg0: i32) -> (i32, i32) {
    %c0_i32 = arith.constant 0 : i32
    %c0_i32_0 = arith.constant 0 : i32
    %c0_i32_1 = arith.constant 0 : i32
    return %c0_i32, %c0_i32_0 : i32, i32
  }
  func.func @transform_5(%arg0: i32) -> (i32, i32) {
    %c0_i32 = arith.constant 0 : i32
    %c0_i32_0 = arith.constant 0 : i32
    return %arg0, %c0_i32 : i32, i32
  }
  func.func @transform_6(%arg0: i32) -> (i32, i32) {
    %c0_i32 = arith.constant 0 : i32
    %c0_i32_0 = arith.constant 0 : i32
    return %arg0, %c0_i32 : i32, i32
  }
  func.func @transform_7(%arg0: i32) -> (i32, i32) {
    %c0_i32 = arith.constant 0 : i32
    %c0_i32_0 = arith.constant 0 : i32
    return %arg0, %c0_i32 : i32, i32
  }
  func.func @transform_8(%arg0: i32) -> (i32, i32) {
    %c0_i32 = arith.constant 0 : i32
    %c0_i32_0 = arith.constant 0 : i32
    %c0_i32_1 = arith.constant 0 : i32
    return %c0_i32, %c0_i32_0 : i32, i32
  }
}

module attributes {stable_mosaic.version = 14 : i64} {
  func.func @_al_body(%arg0: i32, %arg1: memref<2x1000x144xf32, #tpu.memory_space<vmem>>, %arg2: memref<1000x128xf32, #tpu.memory_space<vmem>>, %arg3: memref<128x128xf32, #tpu.memory_space<vmem>>, %arg4: memref<1x128xf32, #tpu.memory_space<vmem>>, %arg5: memref<128x16xf32, #tpu.memory_space<vmem>>, %arg6: memref<1000x128xf32, #tpu.memory_space<vmem>>, %arg7: memref<1000x144xf32, #tpu.memory_space<vmem>>, %arg8: memref<1000x16xf32, #tpu.memory_space<vmem>>, %arg9: memref<1x16xf32, #tpu.memory_space<vmem>>) attributes {dimension_semantics = [#tpu.dimension_semantics<arbitrary>], iteration_bounds = array<i64: 10>, scalar_prefetch = 0 : i64, scratch_operands = 0 : i64, tpu.core_type = #tpu.core_type<tc>, window_params = [{transform_indices = @transform_0, window_bounds = array<i64: 2, 1000, 144>}, {transform_indices = @transform_1, window_bounds = array<i64: 1000, 128>}, {pipeline_mode = #tpu.pipeline_mode<synchronous>, transform_indices = @transform_2, window_bounds = array<i64: 128, 128>}, {pipeline_mode = #tpu.pipeline_mode<synchronous>, transform_indices = @transform_3, window_bounds = array<i64: 1, 128>}, {pipeline_mode = #tpu.pipeline_mode<synchronous>, transform_indices = @transform_4, window_bounds = array<i64: 128, 16>}, {transform_indices = @transform_5, window_bounds = array<i64: 1000, 128>}, {transform_indices = @transform_6, window_bounds = array<i64: 1000, 144>}, {transform_indices = @transform_7, window_bounds = array<i64: 1000, 16>}, {pipeline_mode = #tpu.pipeline_mode<synchronous>, transform_indices = @transform_8, window_bounds = array<i64: 1, 16>}]} {
    %get3A = arith.constant 0 : index
    %get3A_0 = arith.constant 0 : index
    %get3A_1 = arith.constant 0 : index
    %get3A_2 = vector.load %arg1[%get3A, %get3A_0, %get3A_1] : memref<2x1000x144xf32, #tpu.memory_space<vmem>>, vector<1x1000x144xf32>
    %get3A_3 = vector.shape_cast %get3A_2 : vector<1x1000x144xf32> to vector<1000x144xf32>
    %get3A_4 = arith.constant 1 : index
    %get3A_5 = arith.constant 0 : index
    %get3A_6 = arith.constant 0 : index
    %get3A_7 = vector.load %arg1[%get3A_4, %get3A_5, %get3A_6] : memref<2x1000x144xf32, #tpu.memory_space<vmem>>, vector<1x1000x144xf32>
    %get3A_8 = vector.shape_cast %get3A_7 : vector<1x1000x144xf32> to vector<1000x144xf32>
    %add3A = arith.addf %get3A_3, %get3A_8 : vector<1000x144xf32>
    %slice3A = vector.extract_strided_slice %add3A {offsets = [0, 128], sizes = [1000, 1], strides = [1, 1]} : vector<1000x144xf32> to vector<1000x1xf32>
    %gt3A = arith.constant 0.000000e+00 : f32
    %gt3A_9 = vector.broadcast %gt3A : f32 to vector<1000x1xf32>
    %gt3A_10 = arith.cmpf ogt, %slice3A, %gt3A_9 : vector<1000x1xf32>
    %slice3A_11 = vector.extract_strided_slice %add3A {offsets = [0, 0], sizes = [1000, 16], strides = [1, 1]} : vector<1000x144xf32> to vector<1000x16xf32>
    %div3A = vector.broadcast %slice3A : vector<1000x1xf32> to vector<1000x16xf32>
    %div3A_12 = arith.divf %slice3A_11, %div3A : vector<1000x16xf32>
    %jit3A = arith.constant 0.000000e+00 : f32
    %broadcast_in_dim3A = vector.shape_cast %gt3A_10 : vector<1000x1xi1> to vector<1000x1xi1>
    %broadcast_in_dim3A_13 = vector.broadcast %broadcast_in_dim3A : vector<1000x1xi1> to vector<1000x16xi1>
    %broadcast_in_dim3A_14 = vector.broadcast %jit3A : f32 to vector<1000x16xf32>
    %select_n3A = arith.select %broadcast_in_dim3A_13, %div3A_12, %broadcast_in_dim3A_14 : vector<1000x16xi1>, vector<1000x16xf32>
    %get3A_15 = arith.constant 0 : index
    %get3A_16 = arith.constant 0 : index
    %get3A_17 = vector.load %arg2[%get3A_15, %get3A_16] : memref<1000x128xf32, #tpu.memory_space<vmem>>, vector<1000x16xf32>
    %add3A_18 = arith.addf %get3A_17, %select_n3A : vector<1000x16xf32>
    %max3A = arith.constant 0.000000e+00 : f32
    %max3A_19 = vector.broadcast %max3A : f32 to vector<1000x16xf32>
    %max3A_20 = arith.maximumf %add3A_18, %max3A_19 : vector<1000x16xf32>
    %slice3A_21 = vector.extract_strided_slice %add3A {offsets = [0, 129], sizes = [1000, 1], strides = [1, 1]} : vector<1000x144xf32> to vector<1000x1xf32>
    %gt3A_22 = arith.constant 0.000000e+00 : f32
    %gt3A_23 = vector.broadcast %gt3A_22 : f32 to vector<1000x1xf32>
    %gt3A_24 = arith.cmpf ogt, %slice3A_21, %gt3A_23 : vector<1000x1xf32>
    %slice3A_25 = vector.extract_strided_slice %add3A {offsets = [0, 16], sizes = [1000, 16], strides = [1, 1]} : vector<1000x144xf32> to vector<1000x16xf32>
    %div3A_26 = vector.broadcast %slice3A_21 : vector<1000x1xf32> to vector<1000x16xf32>
    %div3A_27 = arith.divf %slice3A_25, %div3A_26 : vector<1000x16xf32>
    %jit3A_28 = arith.constant 0.000000e+00 : f32
    %broadcast_in_dim3A_29 = vector.shape_cast %gt3A_24 : vector<1000x1xi1> to vector<1000x1xi1>
    %broadcast_in_dim3A_30 = vector.broadcast %broadcast_in_dim3A_29 : vector<1000x1xi1> to vector<1000x16xi1>
    %broadcast_in_dim3A_31 = vector.broadcast %jit3A_28 : f32 to vector<1000x16xf32>
    %select_n3A_32 = arith.select %broadcast_in_dim3A_30, %div3A_27, %broadcast_in_dim3A_31 : vector<1000x16xi1>, vector<1000x16xf32>
    %get3A_33 = arith.constant 0 : index
    %get3A_34 = arith.constant 16 : index
    %get3A_35 = vector.load %arg2[%get3A_33, %get3A_34] : memref<1000x128xf32, #tpu.memory_space<vmem>>, vector<1000x16xf32>
    %add3A_36 = arith.addf %get3A_35, %select_n3A_32 : vector<1000x16xf32>
    %max3A_37 = arith.constant 0.000000e+00 : f32
    %max3A_38 = vector.broadcast %max3A_37 : f32 to vector<1000x16xf32>
    %max3A_39 = arith.maximumf %add3A_36, %max3A_38 : vector<1000x16xf32>
    %slice3A_40 = vector.extract_strided_slice %add3A {offsets = [0, 130], sizes = [1000, 1], strides = [1, 1]} : vector<1000x144xf32> to vector<1000x1xf32>
    %gt3A_41 = arith.constant 0.000000e+00 : f32
    %gt3A_42 = vector.broadcast %gt3A_41 : f32 to vector<1000x1xf32>
    %gt3A_43 = arith.cmpf ogt, %slice3A_40, %gt3A_42 : vector<1000x1xf32>
    %slice3A_44 = vector.extract_strided_slice %add3A {offsets = [0, 32], sizes = [1000, 16], strides = [1, 1]} : vector<1000x144xf32> to vector<1000x16xf32>
    %div3A_45 = vector.broadcast %slice3A_40 : vector<1000x1xf32> to vector<1000x16xf32>
    %div3A_46 = arith.divf %slice3A_44, %div3A_45 : vector<1000x16xf32>
    %jit3A_47 = arith.constant 0.000000e+00 : f32
    %broadcast_in_dim3A_48 = vector.shape_cast %gt3A_43 : vector<1000x1xi1> to vector<1000x1xi1>
    %broadcast_in_dim3A_49 = vector.broadcast %broadcast_in_dim3A_48 : vector<1000x1xi1> to vector<1000x16xi1>
    %broadcast_in_dim3A_50 = vector.broadcast %jit3A_47 : f32 to vector<1000x16xf32>
    %select_n3A_51 = arith.select %broadcast_in_dim3A_49, %div3A_46, %broadcast_in_dim3A_50 : vector<1000x16xi1>, vector<1000x16xf32>
    %get3A_52 = arith.constant 0 : index
    %get3A_53 = arith.constant 32 : index
    %get3A_54 = vector.load %arg2[%get3A_52, %get3A_53] : memref<1000x128xf32, #tpu.memory_space<vmem>>, vector<1000x16xf32>
    %add3A_55 = arith.addf %get3A_54, %select_n3A_51 : vector<1000x16xf32>
    %max3A_56 = arith.constant 0.000000e+00 : f32
    %max3A_57 = vector.broadcast %max3A_56 : f32 to vector<1000x16xf32>
    %max3A_58 = arith.maximumf %add3A_55, %max3A_57 : vector<1000x16xf32>
    %slice3A_59 = vector.extract_strided_slice %add3A {offsets = [0, 131], sizes = [1000, 1], strides = [1, 1]} : vector<1000x144xf32> to vector<1000x1xf32>
    %gt3A_60 = arith.constant 0.000000e+00 : f32
    %gt3A_61 = vector.broadcast %gt3A_60 : f32 to vector<1000x1xf32>
    %gt3A_62 = arith.cmpf ogt, %slice3A_59, %gt3A_61 : vector<1000x1xf32>
    %slice3A_63 = vector.extract_strided_slice %add3A {offsets = [0, 48], sizes = [1000, 16], strides = [1, 1]} : vector<1000x144xf32> to vector<1000x16xf32>
    %div3A_64 = vector.broadcast %slice3A_59 : vector<1000x1xf32> to vector<1000x16xf32>
    %div3A_65 = arith.divf %slice3A_63, %div3A_64 : vector<1000x16xf32>
    %jit3A_66 = arith.constant 0.000000e+00 : f32
    %broadcast_in_dim3A_67 = vector.shape_cast %gt3A_62 : vector<1000x1xi1> to vector<1000x1xi1>
    %broadcast_in_dim3A_68 = vector.broadcast %broadcast_in_dim3A_67 : vector<1000x1xi1> to vector<1000x16xi1>
    %broadcast_in_dim3A_69 = vector.broadcast %jit3A_66 : f32 to vector<1000x16xf32>
    %select_n3A_70 = arith.select %broadcast_in_dim3A_68, %div3A_65, %broadcast_in_dim3A_69 : vector<1000x16xi1>, vector<1000x16xf32>
    %get3A_71 = arith.constant 0 : index
    %get3A_72 = arith.constant 48 : index
    %get3A_73 = vector.load %arg2[%get3A_71, %get3A_72] : memref<1000x128xf32, #tpu.memory_space<vmem>>, vector<1000x16xf32>
    %add3A_74 = arith.addf %get3A_73, %select_n3A_70 : vector<1000x16xf32>
    %max3A_75 = arith.constant 0.000000e+00 : f32
    %max3A_76 = vector.broadcast %max3A_75 : f32 to vector<1000x16xf32>
    %max3A_77 = arith.maximumf %add3A_74, %max3A_76 : vector<1000x16xf32>
    %slice3A_78 = vector.extract_strided_slice %add3A {offsets = [0, 132], sizes = [1000, 1], strides = [1, 1]} : vector<1000x144xf32> to vector<1000x1xf32>
    %gt3A_79 = arith.constant 0.000000e+00 : f32
    %gt3A_80 = vector.broadcast %gt3A_79 : f32 to vector<1000x1xf32>
    %gt3A_81 = arith.cmpf ogt, %slice3A_78, %gt3A_80 : vector<1000x1xf32>
    %slice3A_82 = vector.extract_strided_slice %add3A {offsets = [0, 64], sizes = [1000, 16], strides = [1, 1]} : vector<1000x144xf32> to vector<1000x16xf32>
    %div3A_83 = vector.broadcast %slice3A_78 : vector<1000x1xf32> to vector<1000x16xf32>
    %div3A_84 = arith.divf %slice3A_82, %div3A_83 : vector<1000x16xf32>
    %jit3A_85 = arith.constant 0.000000e+00 : f32
    %broadcast_in_dim3A_86 = vector.shape_cast %gt3A_81 : vector<1000x1xi1> to vector<1000x1xi1>
    %broadcast_in_dim3A_87 = vector.broadcast %broadcast_in_dim3A_86 : vector<1000x1xi1> to vector<1000x16xi1>
    %broadcast_in_dim3A_88 = vector.broadcast %jit3A_85 : f32 to vector<1000x16xf32>
    %select_n3A_89 = arith.select %broadcast_in_dim3A_87, %div3A_84, %broadcast_in_dim3A_88 : vector<1000x16xi1>, vector<1000x16xf32>
    %get3A_90 = arith.constant 0 : index
    %get3A_91 = arith.constant 64 : index
    %get3A_92 = vector.load %arg2[%get3A_90, %get3A_91] : memref<1000x128xf32, #tpu.memory_space<vmem>>, vector<1000x16xf32>
    %add3A_93 = arith.addf %get3A_92, %select_n3A_89 : vector<1000x16xf32>
    %max3A_94 = arith.constant 0.000000e+00 : f32
    %max3A_95 = vector.broadcast %max3A_94 : f32 to vector<1000x16xf32>
    %max3A_96 = arith.maximumf %add3A_93, %max3A_95 : vector<1000x16xf32>
    %slice3A_97 = vector.extract_strided_slice %add3A {offsets = [0, 133], sizes = [1000, 1], strides = [1, 1]} : vector<1000x144xf32> to vector<1000x1xf32>
    %gt3A_98 = arith.constant 0.000000e+00 : f32
    %gt3A_99 = vector.broadcast %gt3A_98 : f32 to vector<1000x1xf32>
    %gt3A_100 = arith.cmpf ogt, %slice3A_97, %gt3A_99 : vector<1000x1xf32>
    %slice3A_101 = vector.extract_strided_slice %add3A {offsets = [0, 80], sizes = [1000, 16], strides = [1, 1]} : vector<1000x144xf32> to vector<1000x16xf32>
    %div3A_102 = vector.broadcast %slice3A_97 : vector<1000x1xf32> to vector<1000x16xf32>
    %div3A_103 = arith.divf %slice3A_101, %div3A_102 : vector<1000x16xf32>
    %jit3A_104 = arith.constant 0.000000e+00 : f32
    %broadcast_in_dim3A_105 = vector.shape_cast %gt3A_100 : vector<1000x1xi1> to vector<1000x1xi1>
    %broadcast_in_dim3A_106 = vector.broadcast %broadcast_in_dim3A_105 : vector<1000x1xi1> to vector<1000x16xi1>
    %broadcast_in_dim3A_107 = vector.broadcast %jit3A_104 : f32 to vector<1000x16xf32>
    %select_n3A_108 = arith.select %broadcast_in_dim3A_106, %div3A_103, %broadcast_in_dim3A_107 : vector<1000x16xi1>, vector<1000x16xf32>
    %get3A_109 = arith.constant 0 : index
    %get3A_110 = arith.constant 80 : index
    %get3A_111 = vector.load %arg2[%get3A_109, %get3A_110] : memref<1000x128xf32, #tpu.memory_space<vmem>>, vector<1000x16xf32>
    %add3A_112 = arith.addf %get3A_111, %select_n3A_108 : vector<1000x16xf32>
    %max3A_113 = arith.constant 0.000000e+00 : f32
    %max3A_114 = vector.broadcast %max3A_113 : f32 to vector<1000x16xf32>
    %max3A_115 = arith.maximumf %add3A_112, %max3A_114 : vector<1000x16xf32>
    %slice3A_116 = vector.extract_strided_slice %add3A {offsets = [0, 134], sizes = [1000, 1], strides = [1, 1]} : vector<1000x144xf32> to vector<1000x1xf32>
    %gt3A_117 = arith.constant 0.000000e+00 : f32
    %gt3A_118 = vector.broadcast %gt3A_117 : f32 to vector<1000x1xf32>
    %gt3A_119 = arith.cmpf ogt, %slice3A_116, %gt3A_118 : vector<1000x1xf32>
    %slice3A_120 = vector.extract_strided_slice %add3A {offsets = [0, 96], sizes = [1000, 16], strides = [1, 1]} : vector<1000x144xf32> to vector<1000x16xf32>
    %div3A_121 = vector.broadcast %slice3A_116 : vector<1000x1xf32> to vector<1000x16xf32>
    %div3A_122 = arith.divf %slice3A_120, %div3A_121 : vector<1000x16xf32>
    %jit3A_123 = arith.constant 0.000000e+00 : f32
    %broadcast_in_dim3A_124 = vector.shape_cast %gt3A_119 : vector<1000x1xi1> to vector<1000x1xi1>
    %broadcast_in_dim3A_125 = vector.broadcast %broadcast_in_dim3A_124 : vector<1000x1xi1> to vector<1000x16xi1>
    %broadcast_in_dim3A_126 = vector.broadcast %jit3A_123 : f32 to vector<1000x16xf32>
    %select_n3A_127 = arith.select %broadcast_in_dim3A_125, %div3A_122, %broadcast_in_dim3A_126 : vector<1000x16xi1>, vector<1000x16xf32>
    %get3A_128 = arith.constant 0 : index
    %get3A_129 = arith.constant 96 : index
    %get3A_130 = vector.load %arg2[%get3A_128, %get3A_129] : memref<1000x128xf32, #tpu.memory_space<vmem>>, vector<1000x16xf32>
    %add3A_131 = arith.addf %get3A_130, %select_n3A_127 : vector<1000x16xf32>
    %max3A_132 = arith.constant 0.000000e+00 : f32
    %max3A_133 = vector.broadcast %max3A_132 : f32 to vector<1000x16xf32>
    %max3A_134 = arith.maximumf %add3A_131, %max3A_133 : vector<1000x16xf32>
    %slice3A_135 = vector.extract_strided_slice %add3A {offsets = [0, 135], sizes = [1000, 1], strides = [1, 1]} : vector<1000x144xf32> to vector<1000x1xf32>
    %gt3A_136 = arith.constant 0.000000e+00 : f32
    %gt3A_137 = vector.broadcast %gt3A_136 : f32 to vector<1000x1xf32>
    %gt3A_138 = arith.cmpf ogt, %slice3A_135, %gt3A_137 : vector<1000x1xf32>
    %slice3A_139 = vector.extract_strided_slice %add3A {offsets = [0, 112], sizes = [1000, 16], strides = [1, 1]} : vector<1000x144xf32> to vector<1000x16xf32>
    %div3A_140 = vector.broadcast %slice3A_135 : vector<1000x1xf32> to vector<1000x16xf32>
    %div3A_141 = arith.divf %slice3A_139, %div3A_140 : vector<1000x16xf32>
    %jit3A_142 = arith.constant 0.000000e+00 : f32
    %broadcast_in_dim3A_143 = vector.shape_cast %gt3A_138 : vector<1000x1xi1> to vector<1000x1xi1>
    %broadcast_in_dim3A_144 = vector.broadcast %broadcast_in_dim3A_143 : vector<1000x1xi1> to vector<1000x16xi1>
    %broadcast_in_dim3A_145 = vector.broadcast %jit3A_142 : f32 to vector<1000x16xf32>
    %select_n3A_146 = arith.select %broadcast_in_dim3A_144, %div3A_141, %broadcast_in_dim3A_145 : vector<1000x16xi1>, vector<1000x16xf32>
    %get3A_147 = arith.constant 0 : index
    %get3A_148 = arith.constant 112 : index
    %get3A_149 = vector.load %arg2[%get3A_147, %get3A_148] : memref<1000x128xf32, #tpu.memory_space<vmem>>, vector<1000x16xf32>
    %add3A_150 = arith.addf %get3A_149, %select_n3A_146 : vector<1000x16xf32>
    %max3A_151 = arith.constant 0.000000e+00 : f32
    %max3A_152 = vector.broadcast %max3A_151 : f32 to vector<1000x16xf32>
    %max3A_153 = arith.maximumf %add3A_150, %max3A_152 : vector<1000x16xf32>
    %concatenate3A = tpu.concatenate %max3A_20, %max3A_39, %max3A_58, %max3A_77, %max3A_96, %max3A_115, %max3A_134, %max3A_153 in 1 : vector<1000x16xf32>, vector<1000x16xf32>, vector<1000x16xf32>, vector<1000x16xf32>, vector<1000x16xf32>, vector<1000x16xf32>, vector<1000x16xf32>, vector<1000x16xf32> -> vector<1000x128xf32>
    %swap3A = arith.constant 0 : index
    %swap3A_154 = arith.constant 0 : index
    %swap3A_155 = vector.load %arg6[%swap3A, %swap3A_154] : memref<1000x128xf32, #tpu.memory_space<vmem>>, vector<1000x128xf32>
    tpu.vector_store %arg6[%swap3A, %swap3A_154], %concatenate3A {strides = array<i32>} : memref<1000x128xf32, #tpu.memory_space<vmem>>, vector<1000x128xf32>,
    %get3A_156 = arith.constant 0 : index
    %get3A_157 = arith.constant 0 : index
    %get3A_158 = vector.load %arg3[%get3A_156, %get3A_157] : memref<128x128xf32, #tpu.memory_space<vmem>>, vector<128x128xf32>
    %dot_general3A = arith.constant dense<0.000000e+00> : vector<1000x128xf32>
    %dot_general3A_159 = tpu.matmul %concatenate3A, %get3A_158, %dot_general3A {dimension_numbers = #tpu.dot_dimension_numbers<[1], [0], [0], [1], [0, 0, 1, 1], [], []>, transpose_lhs_hint = false} : vector<1000x128xf32>, vector<128x128xf32>, vector<1000x128xf32> -> vector<1000x128xf32>
    %get3A_160 = arith.constant 0 : index
    %get3A_161 = arith.constant 0 : index
    %get3A_162 = vector.load %arg4[%get3A_160, %get3A_161] : memref<1x128xf32, #tpu.memory_space<vmem>>, vector<1x128xf32>
    %add3A_163 = vector.broadcast %get3A_162 : vector<1x128xf32> to vector<1000x128xf32>
    %add3A_164 = arith.addf %dot_general3A_159, %add3A_163 : vector<1000x128xf32>
    %get3A_165 = arith.constant 0 : index
    %get3A_166 = arith.constant 0 : index
    %get3A_167 = vector.load %arg5[%get3A_165, %get3A_166] : memref<128x16xf32, #tpu.memory_space<vmem>>, vector<128x16xf32>
    %dot_general3A_168 = arith.constant dense<0.000000e+00> : vector<1000x16xf32>
    %dot_general3A_169 = tpu.matmul %add3A_164, %get3A_167, %dot_general3A_168 {dimension_numbers = #tpu.dot_dimension_numbers<[1], [0], [0], [1], [0, 0, 1, 1], [], []>, precision = #tpu.contract_precision<fp32>, transpose_lhs_hint = false} : vector<1000x128xf32>, vector<128x16xf32>, vector<1000x16xf32> -> vector<1000x16xf32>
    %concatenate3A_170 = tpu.concatenate %add3A_164, %dot_general3A_169 in 1 : vector<1000x128xf32>, vector<1000x16xf32> -> vector<1000x144xf32>
    %swap3A_171 = arith.constant 0 : index
    %swap3A_172 = arith.constant 0 : index
    %swap3A_173 = vector.load %arg7[%swap3A_171, %swap3A_172] : memref<1000x144xf32, #tpu.memory_space<vmem>>, vector<1000x144xf32>
    tpu.vector_store %arg7[%swap3A_171, %swap3A_172], %concatenate3A_170 {strides = array<i32>} : memref<1000x144xf32, #tpu.memory_space<vmem>>, vector<1000x144xf32>,
    %slice3A_174 = vector.extract_strided_slice %dot_general3A_169 {offsets = [0, 8], sizes = [1000, 8], strides = [1, 1]} : vector<1000x16xf32> to vector<1000x8xf32>
    %broadcast_in_dim3A_175 = arith.constant 0.000000e+00 : f32
    %broadcast_in_dim3A_176 = vector.broadcast %broadcast_in_dim3A_175 : f32 to vector<1000x8xf32>
    %concatenate3A_177 = tpu.concatenate %slice3A_174, %broadcast_in_dim3A_176 in 1 : vector<1000x8xf32>, vector<1000x8xf32> -> vector<1000x16xf32>
    %swap3A_178 = arith.constant 0 : index
    %swap3A_179 = arith.constant 0 : index
    %swap3A_180 = vector.load %arg8[%swap3A_178, %swap3A_179] : memref<1000x16xf32, #tpu.memory_space<vmem>>, vector<1000x16xf32>
    tpu.vector_store %arg8[%swap3A_178, %swap3A_179], %concatenate3A_177 {strides = array<i32>} : memref<1000x16xf32, #tpu.memory_space<vmem>>, vector<1000x16xf32>,
    %reduce_max3A = arith.constant dense<0xFF800000> : vector<16xf32>
    %reduce_max3A_181 = vector.multi_reduction <maximumf>, %dot_general3A_169, %reduce_max3A [0] : vector<1000x16xf32> to vector<16xf32>
    %broadcast_in_dim3A_182 = vector.shape_cast %reduce_max3A_181 : vector<16xf32> to vector<1x16xf32>
    %eq3A = arith.constant 0 : i32
    %eq3A_183 = arith.cmpi eq, %arg0, %eq3A : i32
    %convert_element_type3A = arith.extui %eq3A_183 : i1 to i32
    %cond3A = arith.constant 0 : i32
    %cond3A_184 = arith.cmpi ne, %convert_element_type3A, %cond3A : i32
    scf.if %cond3A_184 {
      %swap3A_190 = arith.constant 0 : index
      %swap3A_191 = arith.constant 0 : index
      %swap3A_192 = vector.load %arg9[%swap3A_190, %swap3A_191] : memref<1x16xf32, #tpu.memory_space<vmem>>, vector<1x16xf32>
      tpu.vector_store %arg9[%swap3A_190, %swap3A_191], %broadcast_in_dim3A_182 {strides = array<i32>} : memref<1x16xf32, #tpu.memory_space<vmem>>, vector<1x16xf32>,
    } else {
    }
    %gt3A_185 = arith.constant 0 : i32
    %gt3A_186 = arith.cmpi sgt, %arg0, %gt3A_185 : i32
    %convert_element_type3A_187 = arith.extui %gt3A_186 : i1 to i32
    %cond3A_188 = arith.constant 0 : i32
    %cond3A_189 = arith.cmpi ne, %convert_element_type3A_187, %cond3A_188 : i32
    scf.if %cond3A_189 {
      %get3A_190 = arith.constant 0 : index
      %get3A_191 = arith.constant 0 : index
      %get3A_192 = vector.load %arg9[%get3A_190, %get3A_191] : memref<1x16xf32, #tpu.memory_space<vmem>>, vector<1x16xf32>
      %max3A_193 = arith.maximumf %get3A_192, %broadcast_in_dim3A_182 : vector<1x16xf32>
      %swap3A_194 = arith.constant 0 : index
      %swap3A_195 = arith.constant 0 : index
      %swap3A_196 = vector.load %arg9[%swap3A_194, %swap3A_195] : memref<1x16xf32, #tpu.memory_space<vmem>>, vector<1x16xf32>
      tpu.vector_store %arg9[%swap3A_194, %swap3A_195], %max3A_193 {strides = array<i32>} : memref<1x16xf32, #tpu.memory_space<vmem>>, vector<1x16xf32>,
    } else {
    }
    return
  }
  func.func @transform_0(%arg0: i32) -> (i32, i32, i32) {
    %c0_i32 = arith.constant 0 : i32
    %c0_i32_0 = arith.constant 0 : i32
    %c0_i32_1 = arith.constant 0 : i32
    return %c0_i32, %arg0, %c0_i32_0 : i32, i32, i32
  }
  func.func @transform_1(%arg0: i32) -> (i32, i32) {
    %c0_i32 = arith.constant 0 : i32
    %c0_i32_0 = arith.constant 0 : i32
    return %arg0, %c0_i32 : i32, i32
  }
  func.func @transform_2(%arg0: i32) -> (i32, i32) {
    %c0_i32 = arith.constant 0 : i32
    %c0_i32_0 = arith.constant 0 : i32
    %c0_i32_1 = arith.constant 0 : i32
    return %c0_i32, %c0_i32_0 : i32, i32
  }
  func.func @transform_3(%arg0: i32) -> (i32, i32) {
    %c0_i32 = arith.constant 0 : i32
    %c0_i32_0 = arith.constant 0 : i32
    %c0_i32_1 = arith.constant 0 : i32
    return %c0_i32, %c0_i32_0 : i32, i32
  }
  func.func @transform_4(%arg0: i32) -> (i32, i32) {
    %c0_i32 = arith.constant 0 : i32
    %c0_i32_0 = arith.constant 0 : i32
    %c0_i32_1 = arith.constant 0 : i32
    return %c0_i32, %c0_i32_0 : i32, i32
  }
  func.func @transform_5(%arg0: i32) -> (i32, i32) {
    %c0_i32 = arith.constant 0 : i32
    %c0_i32_0 = arith.constant 0 : i32
    return %arg0, %c0_i32 : i32, i32
  }
  func.func @transform_6(%arg0: i32) -> (i32, i32) {
    %c0_i32 = arith.constant 0 : i32
    %c0_i32_0 = arith.constant 0 : i32
    return %arg0, %c0_i32 : i32, i32
  }
  func.func @transform_7(%arg0: i32) -> (i32, i32) {
    %c0_i32 = arith.constant 0 : i32
    %c0_i32_0 = arith.constant 0 : i32
    return %arg0, %c0_i32 : i32, i32
  }
  func.func @transform_8(%arg0: i32) -> (i32, i32) {
    %c0_i32 = arith.constant 0 : i32
    %c0_i32_0 = arith.constant 0 : i32
    %c0_i32_1 = arith.constant 0 : i32
    return %c0_i32, %c0_i32_0 : i32, i32
  }
}

module attributes {stable_mosaic.version = 14 : i64} {
  func.func @_final_body(%arg0: i32, %arg1: memref<2x1000x144xf32, #tpu.memory_space<vmem>>, %arg2: memref<1000x128xf32, #tpu.memory_space<vmem>>, %arg3: memref<1000x128xf32, #tpu.memory_space<vmem>>) attributes {dimension_semantics = [#tpu.dimension_semantics<arbitrary>], iteration_bounds = array<i64: 10>, scalar_prefetch = 0 : i64, scratch_operands = 0 : i64, tpu.core_type = #tpu.core_type<tc>, window_params = [{transform_indices = @transform_0, window_bounds = array<i64: 2, 1000, 144>}, {transform_indices = @transform_1, window_bounds = array<i64: 1000, 128>}, {transform_indices = @transform_2, window_bounds = array<i64: 1000, 128>}]} {
    %get3A = arith.constant 0 : index
    %get3A_0 = arith.constant 0 : index
    %get3A_1 = arith.constant 0 : index
    %get3A_2 = vector.load %arg1[%get3A, %get3A_0, %get3A_1] : memref<2x1000x144xf32, #tpu.memory_space<vmem>>, vector<1x1000x144xf32>
    %get3A_3 = vector.shape_cast %get3A_2 : vector<1x1000x144xf32> to vector<1000x144xf32>
    %get3A_4 = arith.constant 1 : index
    %get3A_5 = arith.constant 0 : index
    %get3A_6 = arith.constant 0 : index
    %get3A_7 = vector.load %arg1[%get3A_4, %get3A_5, %get3A_6] : memref<2x1000x144xf32, #tpu.memory_space<vmem>>, vector<1x1000x144xf32>
    %get3A_8 = vector.shape_cast %get3A_7 : vector<1x1000x144xf32> to vector<1000x144xf32>
    %add3A = arith.addf %get3A_3, %get3A_8 : vector<1000x144xf32>
    %slice3A = vector.extract_strided_slice %add3A {offsets = [0, 128], sizes = [1000, 1], strides = [1, 1]} : vector<1000x144xf32> to vector<1000x1xf32>
    %gt3A = arith.constant 0.000000e+00 : f32
    %gt3A_9 = vector.broadcast %gt3A : f32 to vector<1000x1xf32>
    %gt3A_10 = arith.cmpf ogt, %slice3A, %gt3A_9 : vector<1000x1xf32>
    %slice3A_11 = vector.extract_strided_slice %add3A {offsets = [0, 0], sizes = [1000, 128], strides = [1, 1]} : vector<1000x144xf32> to vector<1000x128xf32>
    %div3A = vector.broadcast %slice3A : vector<1000x1xf32> to vector<1000x128xf32>
    %div3A_12 = arith.divf %slice3A_11, %div3A : vector<1000x128xf32>
    %jit3A = arith.constant 0.000000e+00 : f32
    %broadcast_in_dim3A = vector.shape_cast %gt3A_10 : vector<1000x1xi1> to vector<1000x1xi1>
    %broadcast_in_dim3A_13 = vector.broadcast %broadcast_in_dim3A : vector<1000x1xi1> to vector<1000x128xi1>
    %broadcast_in_dim3A_14 = vector.broadcast %jit3A : f32 to vector<1000x128xf32>
    %select_n3A = arith.select %broadcast_in_dim3A_13, %div3A_12, %broadcast_in_dim3A_14 : vector<1000x128xi1>, vector<1000x128xf32>
    %get3A_15 = arith.constant 0 : index
    %get3A_16 = arith.constant 0 : index
    %get3A_17 = vector.load %arg2[%get3A_15, %get3A_16] : memref<1000x128xf32, #tpu.memory_space<vmem>>, vector<1000x128xf32>
    %add3A_18 = arith.addf %get3A_17, %select_n3A : vector<1000x128xf32>
    %max3A = arith.constant 0.000000e+00 : f32
    %max3A_19 = vector.broadcast %max3A : f32 to vector<1000x128xf32>
    %max3A_20 = arith.maximumf %add3A_18, %max3A_19 : vector<1000x128xf32>
    %swap3A = arith.constant 0 : index
    %swap3A_21 = arith.constant 0 : index
    %swap3A_22 = vector.load %arg3[%swap3A, %swap3A_21] : memref<1000x128xf32, #tpu.memory_space<vmem>>, vector<1000x128xf32>
    tpu.vector_store %arg3[%swap3A, %swap3A_21], %max3A_20 {strides = array<i32>} : memref<1000x128xf32, #tpu.memory_space<vmem>>, vector<1000x128xf32>,
    return
  }
  func.func @transform_0(%arg0: i32) -> (i32, i32, i32) {
    %c0_i32 = arith.constant 0 : i32
    %c0_i32_0 = arith.constant 0 : i32
    %c0_i32_1 = arith.constant 0 : i32
    return %c0_i32, %arg0, %c0_i32_0 : i32, i32, i32
  }
  func.func @transform_1(%arg0: i32) -> (i32, i32) {
    %c0_i32 = arith.constant 0 : i32
    %c0_i32_0 = arith.constant 0 : i32
    return %arg0, %c0_i32 : i32, i32
  }
  func.func @transform_2(%arg0: i32) -> (i32, i32) {
    %c0_i32 = arith.constant 0 : i32
    %c0_i32_0 = arith.constant 0 : i32
    return %arg0, %c0_i32 : i32, i32
  }
}

</mosaic_0001>

<sc_bundles>
// kernel: kernel.11.cloned.1.call-start
scs
__scs_entry_jumppad:
0x0: {  	(pc) =	sbr.rel $0x88, $3  }
0x1: {  	(tag) =	ssettag $0x0;
	lr =	simm.s32 $0x1  }
0x2: {  	[smem:$0x3F88] =	sst lr;
	_ =	strace $0xD0000000  }
0x3: {  	_ = 	snop  }
0x4: {  	_ = 	snop  }
0x5: {  	_ = 	snop  }
0x6: {  	_ = 	snop  }
0x7: {  	_ = 	snop  }
__scs_overlays_trampoline_lowered:
0x8: {  	[smem:$0x3F97] =	sst s0  }
0x9: {  	[smem:$0x3F98] =	sst s1  }
0xa: {  	[smem:$0x3F99] =	sst s2  }
0xb: {  	[smem:$0x3F9A] =	sst s3  }
0xc: {  	[smem:$0x3F9B] =	sst s4  }
0xd: {  	[smem:$0x3F9C] =	sst s5  }
0xe: {  	[smem:$0x3F9D] =	sst s6  }
0xf: {  	[smem:$0x3F9E] =	sst s7  }
0x10: {  	[smem:$0x3F9F] =	sst s8  }
0x11: {  	[smem:$0x3FA0] =	sst s9;
	s0 =	simm.s32 @!p0 $0x0  }
0x12: {  	s1 =	sld [smem:$0x3F86];
	s0 =	simm.s32 @p0 $0x1  }
0x13: {  	[smem:$0x3FA1] =	sst s0;
	s0 =	simm.s32 @!p1 $0x0  }
0x14: {  	s2 =	sld [smem:$0x3F85];
	s0 =	simm.s32 @p1 $0x1  }
0x15: {  	[smem:$0x3FA2] =	sst s0;
	s0 =	simm.s32 @!p2 $0x0  }
0x16: {  	s3 =	sld [smem:$0x3FDB];
	s0 =	simm.s32 @p2 $0x1  }
0x17: {  	s4 =	simm.s32 $0x1BF5;
	[smem:$0x3FA4] =	sst s0  }
0x18: {  	s0 =	sld [smem:$0x3F87];
	_ =	swait.ge [sflag:s4], $0x0  }
0x19: {  	s7 =	sld [smem:$0x3F88]  }
0x1a: {  	s8 =	sadd.s32 $0xFFFFE003, lr  }
0x1b: {  	s9 =	sadd.s32 $0xFFFFFEF7, lr;
	s5 =	simm.s32 $0xFFFFFFFF;
	p2 =	slt.u32 s8, $0xFFFFF086  }
0x1c: {  	p1 =	slt.u32 s9, $0xF7A;
	s5 =	simm.s32 @!p2 $0x0  }
0x1d: {  	s5 =	simm.s32 @p1 $0x1;
	p0 =	seq.s32 s7, s2  }
0x1e: {  	s7 =	smul.u32 @!p0 $0xF7A, s2;
	p2 =	seq.s32 @!p0 s5, $0x0  }
0x1f: {  	s9 =	smul.u32 $0xF7A, s1;
	s8 =	simm.s32 @!p0 $0x1BF5;
	p2 =	por !p2, p0  }
0x20: {  	[sflag:s8] =	ssyncset.s32 @!p0 $0xFFFFF086;
	s6 =	sadd.s32 @!p0 s3, s7;
	s7 =	simm.s32 @!p0 $0x108  }
0x21: {  	s3 =	sadd.s32 s3, s9;
	s6 =	sadd.s32 @!p0 $0x88, s6;
	s7 =	simm.s32 @p2 $0x1082  }
0x22: {  	[simem:s7], [sflag:s8] =	dma.local @!p0 [hbm:s6], $0xF7A  }
0x23: {  	s9 =	sor.u32 $0xD0000000, s2;
	s6 =	simm.s32 $0x108;
	_ =	swait.ge @!p0 [sflag:s8], $0x0  }
0x24: {  	s3 =	sadd.s32 $0x88, s3;
	s6 =	simm.s32 @!p1 $0x1082;
	[sflag:s4] =	ssyncset.s32 $0xFFFFF086  }
0x25: {  	[simem:s6], [sflag:s4] =	dma.local [hbm:s3], $0xF7A  }
0x26: {  	[smem:$0x3F88] =	sst s1;
	(tag) =	ssettag s2;
	_ =	strace s9  }
0x27: {  	s1 =	sld [smem:$0x3F98]  }
0x28: {  	s2 =	sld [smem:$0x3F99]  }
0x29: {  	s4 =	sld [smem:$0x3F9B]  }
0x2a: {  	p0 =	seq.s32 s5, $0x0;
	s5 =	sld [smem:$0x3F9C]  }
0x2b: {  	s6 =	sld [smem:$0x3F9D]  }
0x2c: {  	s7 =	sld [smem:$0x3F9E]  }
0x2d: {  	s3 =	simm.s32 $0x108;
	s8 =	sld [smem:$0x3F9F]  }
0x2e: {  	s3 =	simm.s32 @!p0 $0x1082;
	s9 =	sld [smem:$0x3FA0]  }
0x2f: {  	lr =	sadd.s32 s0, s3;
	s0 =	sld [smem:$0x3F97]  }
0x30: {  	s3 =	sld [smem:$0x3F9A]  }
0x31: {  	[smem:$0x3FA3] =	sst s10  }
0x32: {  	s10 =	sld [smem:$0x3FA1];
	_ =	sdelay $0x3  }
0x33: {  	p0 =	seq.s32 s10, $0x1;
	s10 =	sld [smem:$0x3FA3];
	_ =	sdelay $0x3  }
0x34: {  	[smem:$0x3FA3] =	sst s10  }
0x35: {  	s10 =	sld [smem:$0x3FA2];
	_ =	sdelay $0x3  }
0x36: {  	p1 =	seq.s32 s10, $0x1;
	s10 =	sld [smem:$0x3FA3];
	_ =	sdelay $0x3  }
0x37: {  	[smem:$0x3FA3] =	sst s10  }
0x38: {  	s10 =	sld [smem:$0x3FA4]  }
0x39: {  	_ = 	snop;
	(pc) =	sbr.ind lr, $3  }
0x3a: {  	_ = 	snop  }
0x3b: {  	_ = 	snop  }
0x3c: {  	p2 =	seq.s32 s10, $0x1;
	s10 =	sld [smem:$0x3FA3]  }
0x3d: {  	_ =	shalt  }
0x3e: {  	_ =	shalt  }
0x3f: {  	_ =	shalt  }
0x40: {  	_ =	shalt  }
0x41: {  	_ =	shalt  }
0x42: {  	_ =	shalt  }
0x43: {  	_ =	shalt  }
0x44: {  	_ =	shalt  }
0x45: {  	_ =	shalt  }
0x46: {  	_ =	shalt  }
0x47: {  	_ =	shalt  }
0x48: {  	_ =	shalt  }
0x49: {  	_ =	shalt  }
0x4a: {  	_ =	shalt  }
0x4b: {  	_ =	shalt  }
0x4c: {  	_ =	shalt  }
0x4d: {  	_ =	shalt  }
0x4e: {  	_ =	shalt  }
0x4f: {  	_ =	shalt  }
0x50: {  	_ =	shalt  }
0x51: {  	_ =	shalt  }
0x52: {  	_ =	shalt  }
0x53: {  	_ =	shalt  }
0x54: {  	_ =	shalt  }
0x55: {  	_ =	shalt  }
0x56: {  	_ =	shalt  }
0x57: {  	_ =	shalt  }
0x58: {  	_ =	shalt  }
0x59: {  	_ =	shalt  }
0x5a: {  	_ =	shalt  }
0x5b: {  	_ =	shalt  }
0x5c: {  	_ =	shalt  }
0x5d: {  	_ =	shalt  }
0x5e: {  	_ =	shalt  }
0x5f: {  	_ =	shalt  }
0x60: {  	_ =	shalt  }
0x61: {  	_ =	shalt  }
0x62: {  	_ =	shalt  }
0x63: {  	_ =	shalt  }
0x64: {  	_ =	shalt  }
0x65: {  	_ =	shalt  }
0x66: {  	_ =	shalt  }
0x67: {  	_ =	shalt  }
0x68: {  	_ =	shalt  }
0x69: {  	_ =	shalt  }
0x6a: {  	_ =	shalt  }
0x6b: {  	_ =	shalt  }
0x6c: {  	_ =	shalt  }
0x6d: {  	_ =	shalt  }
0x6e: {  	_ =	shalt  }
0x6f: {  	_ =	shalt  }
0x70: {  	_ =	shalt  }
0x71: {  	_ =	shalt  }
0x72: {  	_ =	shalt  }
0x73: {  	_ =	shalt  }
0x74: {  	_ =	shalt  }
0x75: {  	_ =	shalt  }
0x76: {  	_ =	shalt  }
0x77: {  	_ =	shalt  }
0x78: {  	_ =	shalt  }
0x79: {  	_ =	shalt  }
0x7a: {  	_ =	shalt  }
0x7b: {  	_ =	shalt  }
0x7c: {  	_ =	shalt  }
0x7d: {  	_ =	shalt  }
0x7e: {  	_ =	shalt  }
0x7f: {  	_ =	shalt  }
0x80: {  	_ =	shalt  }
0x81: {  	_ =	shalt  }
0x82: {  	_ =	shalt  }
0x83: {  	_ =	shalt  }
0x84: {  	_ =	shalt  }
0x85: {  	_ =	shalt  }
0x86: {  	_ =	shalt  }
0x87: {  	_ =	shalt  }
.Lfunc_end0:
.L_simem_size_0:
called_computation_lowered:
.L_overlay_start_0:
0x88: {  	s2 =	sld [smem:$0x3FD9]  }
0x89: {  	s3 =	sld [smem:$0x3FFE];
	_ =	sdelay $0x1  }
0x8a: {  	s1 =	srdreg.scid  }
0x8b: {  	s0 =	sand.u32 $0x1, s1  }
0x8c: {  	s17 =	sshll.u32 s0, $0xA;
	s2 =	sadd.s32 s3, s2  }
0x8d: {  	s2 =	sadd.s32 s2, s17  }
0x8e: {  	[smem:$0x3FAF] =	sst s2  }
0x8f: {  	_ = 	snop  }
0x90: {  	s2 =	sld [smem:$0x3FD0];
	(tm) =	ssettm $0x1  }
0x91: {  	s18 =	sld [smem:$0x3FFB];
	_ =	sdelay $0x3  }
0x92: {  	_ =	strace s18  }
0x93: {  	s3 =	sld [smem:$0x3FFC];
	_ =	sdelay $0x3  }
0x94: {  	_ =	strace s3  }
0x95: {  	s3 =	sld [smem:$0x3FFD];
	_ =	sdelay $0x3  }
0x96: {  	_ =	strace s3  }
0x97: {  	_ =	strace $0x8FFFFFFF  }
0x98: {  	s19 =	sld [smem:$0x3FDB];
	_ =	sdelay $0x1  }
0x99: {  	s4 =	simm.s32 $_scs_section_size  }
0x9a: {  	s5 =	simm.s32 $_size__tile_overlayer_lowered;
	s6 =	simm.s32 $_tile_overlayer_lowered  }
0x9b: {  	s22 =	simm.s32 $0x1BFF;
	s21 =	sshll.u32 s6, $0x1;
	s3 =	sadd.s32 s4, s19  }
0x9c: {  	s7 =	simm.s32 $0x0;
	s20 =	sshll.u32 s5, $0x1;
	s5 =	sadd.s32 s21, s3  }
0x9d: {  	[timem:s7], [sflag:s22] =	dma.local [hbm:s5], s20  }
0x9e: {  	_ =	swait.ge [sflag:s22], s20  }
0x9f: {  	s4 =	ssub.s32 $0x0, s20;
	[sflag:s22] =	ssyncset.done $0x0  }
0xa0: {  	[sflag:s22] =	ssyncadd.s32 s4;
	_ =	sdelay $0x1  }
0xa1: {  	s23 =	simm.s32 $0x1B8B  }
0xa2: {  	_ =	swait.ge [sflag:s23], $0x1  }
0xa3: {  	[sflag:s23] =	ssyncset.done $0x0  }
0xa4: {  	s25 =	simm.s32 $0x1B8E;
	s24 =	sld [smem:$0x3FFE];
	[sflag:s23] =	ssyncadd.s32 $0xFFFFFFFF  }
0xa5: {  	s26 =	simm.s32 $execute0_lowered;
	[smem:$0x3FD2] =	sst s25  }
0xa6: {  	s5 =	sshll.u32 s26, $0x1;
	_ =	strace $0x80000046;
	[dreg:$0x1] =	wrdreg $0xFFFFFFFF  }
0xa7: {  	s28 =	simm.s32 $_size_execute0_lowered;
	s3 =	sadd.s32 s3, s5;
	[dreg:$0x0] =	wrdreg $0x0  }
0xa8: {  	s5 =	sshll.u32 s28, $0x1;
	[dreg:$0x2] =	wrdreg s3  }
0xa9: {  	[dreg:$0x3] =	wrdreg s5  }
0xaa: {  	[dreg:$0x4] =	wrdreg $0xC0  }
0xab: {  	_ =	task [dreg:s7], $0x5FFFF  }
0xac: {  	[dreg:$0x1] =	wrdreg $0xFFFFFFFF  }
0xad: {  	[dreg:$0x0] =	wrdreg $0x60  }
0xae: {  	[dreg:$0x2] =	wrdreg s24  }
0xaf: {  	[dreg:$0x3] =	wrdreg s2  }
0xb0: {  	[dreg:$0x4] =	wrdreg $0x61400  }
0xb1: {  	[dreg:$0x5] =	wrdreg $0x9  }
0xb2: {  	_ =	task.clear_ibuf [dreg:s7], $0x6FFFF;
	_ =	strace $0x90000046  }
0xb3: {  	s29 =	simm.s32 $0x9;
	_ =	strace $0x80000048  }
0xb4: {  	_ =	swait.ge [sflag:s29], $0x1  }
0xb5: {  	[sflag:s29] =	ssyncadd.s32 $0xFFFFFFFF  }
0xb6: {  	_ =	strace $0x90000048  }
0xb7: {  	_ =	sfence  }
0xb8: {  	s30 =	sld [smem:$0x0];
	_ =	sdelay $0x2  }
0xb9: {  	s31 =	sshll.u32 s1, $0xD;
	s1 =	sshrl.u32 s1, $0x2  }
0xba: {  	s3 =	sand.u32 $0x4000, s31;
	s1 =	sadd.s32 s1, s30  }
0xbb: {  	s0 =	sor.u32 s3, s0;
	s1 =	sshll.u32 s1, $0x11  }
0xbc: {  	s0 =	sor.u32 s1, s0  }
0xbd: {  	s0 =	sadd.s32 $0x8F2B, s0  }
0xbe: {  	[sflag:s0] =	ssyncadd.remote.s32 $0x1  }
0xbf: {  	_ =	sfence.sel $0xFFFF  }
0xc0: {  	[dreg:$0x0] =	wrdreg $0xFFFFFFFF;
	(pc) =	sbr.abs _section_cstart, $3  }
0xc1: {  	[dreg:$0x1] =	wrdreg $0xFFFFFFFF  }
0xc2: {  	_ =	task.clear_ibuf [dreg:s7], $0x2FFFF;
	_ =	strace $0x9FFFFFFF  }
0xc3: {  	(tm) =	ssettm $0x7FFFFFFF  }
tec
execute0_lowered:
.L_overlay_start_1:
0x0: {  	(tag) =	ssettag $0x1  }
0x1: {  	s0 =	rddreg [dreg:$0x0]  }
0x2: {  	s2 =	rddreg [dreg:$0x2]  }
0x3: {  	s3 =	simm.s32 $0x0;
	s1 =	srdreg.scid;
	s12 =	stileid.u32  }
0x4: {  	[smem:$0x7FF] =	sst s3;
	s1 =	sand.u32 $0x1, s1;
	s5 =	sadd.s32 $0x3E000, s0  }
0x5: {  	s4 =	smul.u32 $0x16800, s12;
	s6 =	sadd.s32 $0x34200, s0;
	s7 =	sadd.s32 $0x3200, s0  }
0x6: {  	s8 =	sshll.u32 s12, $0x1;
	s9 =	sadd.s32 $0x2F200, s0;
	s30 =	smul.u32 $0x168000, s1  }
0x7: {  	s13 =	smul.u32 $0x5A000, s12;
	s10 =	ssub.s32 $0x2, s1;
	s1 =	sor.u32 s1, s8  }
0x8: {  	s11 =	sshrl.u32 s10, $0x1;
	s8 =	smul.u32 $0x2710, s1;
	s3 =	sadd.s32 s4, s30  }
0x9: {  	_ =	strace $0x80000047;
	s31 =	ssub.s32 s10, s11;
	s3 =	sshrl.u32 s3, $0x3  }
0xa: {  	s10 =	sshrl.u32 s8, $0x3;
	s11 =	sadd.s32 $0x28, s8;
	s1 =	smax.u32 s31, $0x1  }
0xb: {  	s0 =	sadd.s32 s3, s0;
	s14 =	sadd.s32 s5, s10;
	[dreg:$0x9] =	wrdreg s1  }
0xc: {  	s3 =	sadd.s32 s6, s10;
	s15 =	sshrl.u32 s11, $0x3;
	[dreg:$0x4] =	wrdreg s14  }
0xd: {  	[dreg:$0x5] =	wrdreg s3;
	s10 =	sadd.s32 s5, s15  }
0xe: {  	s16 =	sshrl.u32 s13, $0x2;
	s3 =	sadd.s32 s6, s15;
	[dreg:$0x6] =	wrdreg s10  }
0xf: {  	s0 =	sadd.s32 $0x47E00, s0;
	s15 =	sadd.s32 s16, s2;
	[dreg:$0x7] =	wrdreg s3  }
0x10: {  	[dreg:$0x8] =	wrdreg s0;
	s18 =	sadd.s32 $0x1680, s15  }
0x11: {  	s19 =	sadd.s32 $0x2D00, s15;
	[dreg:$0xa] =	wrdreg s18  }
0x12: {  	s20 =	sadd.s32 $0x4380, s15;
	[dreg:$0xb] =	wrdreg s19  }
0x13: {  	s21 =	sadd.s32 $0x5A00, s15;
	[dreg:$0xc] =	wrdreg s20  }
0x14: {  	s22 =	sadd.s32 $0x7080, s15;
	[dreg:$0xd] =	wrdreg s21  }
0x15: {  	s12 =	simm.s32 $0x2;
	s23 =	sadd.s32 $0x8700, s15;
	[dreg:$0xe] =	wrdreg s22  }
0x16: {  	s17 =	sadd.s32 s4, s2;
	s24 =	sadd.s32 $0x9D80, s15;
	[dreg:$0xf] =	wrdreg s23  }
0x17: {  	s13 =	simm.s32 $0x28;
	s25 =	sadd.s32 $0xB400, s15;
	[dreg:$0x10] =	wrdreg s24  }
0x18: {  	s4 =	simm.s32 $0x3430;
	s0 =	sshrl.u32 s17, $0x3;
	[dreg:$0x11] =	wrdreg s25  }
0x19: {  	s14 =	simm.s32 $0xF0;
	s26 =	sadd.s32 $0xCA80, s15;
	[dreg:$0x12] =	wrdreg s0  }
0x1a: {  	s16 =	simm.s32 $0x2DF0;
	s28 =	sadd.s32 $0xE100, s15;
	[dreg:$0x13] =	wrdreg s26  }
0x1b: {  	s29 =	sadd.s32 $0xF780, s15;
	s30 =	sadd.s32 $0x10E00, s15;
	[dreg:$0x14] =	wrdreg s28  }
0x1c: {  	v3 =	vlaneseq.u32;
	s31 =	sadd.s32 $0x12480, s15;
	s1 =	sadd.s32 $0x15180, s15;
	[dreg:$0x15] =	wrdreg s29  }
0x1d: {  	v0 =	vimm.f32 $0.0e+00;
	v5 =	vimm.s32 $0x0;
	vm0 =	vcmask $0x300;
	s3 =	simm.s32 $0x4;
	s10 =	simm.s32 $0x6130;
	[dreg:$0x16] =	wrdreg s30  }
0x1e: {  	v1 =	vand.u32 $0x7, v3;
	v2 =	vor.u32 $0x8, v3;
	v3 =	vshrl.u32 v3, $0x3;
	s17 =	simm.s32 $0x1;
	[dreg:$0x17] =	wrdreg s31;
	s0 =	sadd.s32 $0x13B00, s15  }
0x1f: {  	v5 =	vsel vm0, $0x3, v5;
	vm0 =	vmmov $0xff;
	v4 =	vor.u32 $0x80, v1;
	s18 =	simm.s32 $0x3;
	s19 =	simm.s32 $0x32F0;
	s20 =	simm.s32 $0x0  }
.LBB2_1:
0x20: {  	s11 =	simm.s32 $0x0  }
0x21: {  	s11 =	smul.u32 $0xE38F, s11;
	_ =	sdelay $0x1  }
0x22: {  	s21 =	sshrl.u32 s11, $0x13  }
0x23: {  	s22 =	simm.s32 $0x0;
	s11 =	simm.s32 $0x1;
	s23 =	smul.u32 $0x9, s21  }
.LBB2_2:
0x24: {  	s24 =	smul.u32 $0xE38F, s11  }
0x25: {  	s25 =	smov.u32 s11;
	s21 =	smul.u32 $0x240, s21;
	p0 =	sne.s32 s11, $0x2CF  }
.Ltmp0:
0x26: {  	s22 =	ssub.s32 s22, s23;
	(pc) =	sbr.rel @p0 .LBB2_2-.Ltmp0, $4  }
0x27: {  	s11 =	sadd.s32 $0x1, s11;
	s22 =	sand.u32 $0xFFFF, s22  }
0x28: {  	s23 =	sshrl.u32 s21, $0x2;
	s26 =	sshll.u32 s22, $0x4;
	s22 =	smov.u32 s25  }
0x29: {  	s21 =	sshrl.u32 s24, $0x13;
	s24 =	sadd.s32 s26, s23  }
0x2a: {  	s23 =	smul.u32 $0x9, s21;
	[tilespmem:s24+$0x3430] =	vst v0  }
0x2b: {  	_ = 	snop  }
0x2c: {  	s21 =	smul.u32 $0x240, s21;
	s11 =	ssub.s32 s22, s23  }
0x2d: {  	s11 =	sand.u32 $0xFFFF, s11  }
0x2e: {  	s21 =	sshrl.u32 s21, $0x2;
	s11 =	sshll.u32 s11, $0x4  }
0x2f: {  	s11 =	sadd.s32 s11, s21  }
0x30: {  	[tilespmem:s11+$0x3430] =	vst v0  }
0x31: {  	[spmem:s15] =	stream.linear.scatter [tilespmem:s4], [sflag:$0x4], $0x1680, $0x38;
	[tilespmem:$0x1C940] =	vst v63  }
0x32: {  	_ =	swait.ge [sflag:s3], $0x1680  }
0x33: {  	[sflag:s3] =	ssyncset.done $0x0  }
0x34: {  	s21 =	rddreg [dreg:$0xa];
	[sflag:s3] =	ssyncadd.s32 $0xFFFFE980  }
0x35: {  	[spmem:s21] =	stream.linear.scatter [tilespmem:s4], [sflag:$0x4], $0x1680, $0x38;
	[tilespmem:$0x1C940] =	vst v63  }
0x36: {  	_ =	swait.ge [sflag:s3], $0x1680  }
0x37: {  	[sflag:s3] =	ssyncset.done $0x0  }
0x38: {  	s22 =	rddreg [dreg:$0xb];
	[sflag:s3] =	ssyncadd.s32 $0xFFFFE980  }
0x39: {  	[spmem:s22] =	stream.linear.scatter [tilespmem:s4], [sflag:$0x4], $0x1680, $0x38;
	[tilespmem:$0x1C940] =	vst v63  }
0x3a: {  	_ =	swait.ge [sflag:s3], $0x1680  }
0x3b: {  	[sflag:s3] =	ssyncset.done $0x0  }
0x3c: {  	s23 =	rddreg [dreg:$0xc];
	[sflag:s3] =	ssyncadd.s32 $0xFFFFE980  }
0x3d: {  	[spmem:s23] =	stream.linear.scatter [tilespmem:s4], [sflag:$0x4], $0x1680, $0x38;
	[tilespmem:$0x1C940] =	vst v63  }
0x3e: {  	_ =	swait.ge [sflag:s3], $0x1680  }
0x3f: {  	[sflag:s3] =	ssyncset.done $0x0  }
0x40: {  	s24 =	rddreg [dreg:$0xd];
	[sflag:s3] =	ssyncadd.s32 $0xFFFFE980  }
0x41: {  	[spmem:s24] =	stream.linear.scatter [tilespmem:s4], [sflag:$0x4], $0x1680, $0x38;
	[tilespmem:$0x1C940] =	vst v63  }
0x42: {  	_ =	swait.ge [sflag:s3], $0x1680  }
0x43: {  	[sflag:s3] =	ssyncset.done $0x0  }
0x44: {  	s25 =	rddreg [dreg:$0xe];
	[sflag:s3] =	ssyncadd.s32 $0xFFFFE980  }
0x45: {  	[spmem:s25] =	stream.linear.scatter [tilespmem:s4], [sflag:$0x4], $0x1680, $0x38;
	[tilespmem:$0x1C940] =	vst v63  }
0x46: {  	_ =	swait.ge [sflag:s3], $0x1680  }
0x47: {  	[sflag:s3] =	ssyncset.done $0x0  }
0x48: {  	s26 =	rddreg [dreg:$0xf];
	[sflag:s3] =	ssyncadd.s32 $0xFFFFE980  }
0x49: {  	[spmem:s26] =	stream.linear.scatter [tilespmem:s4], [sflag:$0x4], $0x1680, $0x38;
	[tilespmem:$0x1C940] =	vst v63  }
0x4a: {  	_ =	swait.ge [sflag:s3], $0x1680  }
0x4b: {  	[sflag:s3] =	ssyncset.done $0x0  }
0x4c: {  	s28 =	rddreg [dreg:$0x10];
	[sflag:s3] =	ssyncadd.s32 $0xFFFFE980  }
0x4d: {  	[spmem:s28] =	stream.linear.scatter [tilespmem:s4], [sflag:$0x4], $0x1680, $0x38;
	[tilespmem:$0x1C940] =	vst v63  }
0x4e: {  	_ =	swait.ge [sflag:s3], $0x1680  }
0x4f: {  	[sflag:s3] =	ssyncset.done $0x0  }
0x50: {  	s29 =	rddreg [dreg:$0x11];
	[sflag:s3] =	ssyncadd.s32 $0xFFFFE980  }
0x51: {  	[spmem:s29] =	stream.linear.scatter [tilespmem:s4], [sflag:$0x4], $0x1680, $0x38;
	[tilespmem:$0x1C940] =	vst v63  }
0x52: {  	_ =	swait.ge [sflag:s3], $0x1680  }
0x53: {  	[sflag:s3] =	ssyncset.done $0x0  }
0x54: {  	s30 =	rddreg [dreg:$0x13];
	[sflag:s3] =	ssyncadd.s32 $0xFFFFE980  }
0x55: {  	[spmem:s30] =	stream.linear.scatter [tilespmem:s4], [sflag:$0x4], $0x1680, $0x38;
	[tilespmem:$0x1C940] =	vst v63  }
0x56: {  	_ =	swait.ge [sflag:s3], $0x1680  }
0x57: {  	[sflag:s3] =	ssyncset.done $0x0  }
0x58: {  	s31 =	rddreg [dreg:$0x14];
	[sflag:s3] =	ssyncadd.s32 $0xFFFFE980  }
0x59: {  	[spmem:s31] =	stream.linear.scatter [tilespmem:s4], [sflag:$0x4], $0x1680, $0x38;
	[tilespmem:$0x1C940] =	vst v63  }
0x5a: {  	_ =	swait.ge [sflag:s3], $0x1680  }
0x5b: {  	[sflag:s3] =	ssyncset.done $0x0  }
0x5c: {  	s21 =	rddreg [dreg:$0x15];
	[sflag:s3] =	ssyncadd.s32 $0xFFFFE980  }
0x5d: {  	[spmem:s21] =	stream.linear.scatter [tilespmem:s4], [sflag:$0x4], $0x1680, $0x38;
	[tilespmem:$0x1C940] =	vst v63  }
0x5e: {  	_ =	swait.ge [sflag:s3], $0x1680  }
0x5f: {  	[sflag:s3] =	ssyncset.done $0x0  }
0x60: {  	s22 =	rddreg [dreg:$0x16];
	[sflag:s3] =	ssyncadd.s32 $0xFFFFE980  }
0x61: {  	[spmem:s22] =	stream.linear.scatter [tilespmem:s4], [sflag:$0x4], $0x1680, $0x38;
	[tilespmem:$0x1C940] =	vst v63  }
0x62: {  	_ =	swait.ge [sflag:s3], $0x1680  }
0x63: {  	[sflag:s3] =	ssyncset.done $0x0  }
0x64: {  	s23 =	rddreg [dreg:$0x17];
	[sflag:s3] =	ssyncadd.s32 $0xFFFFE980  }
0x65: {  	[spmem:s23] =	stream.linear.scatter [tilespmem:s4], [sflag:$0x4], $0x1680, $0x38;
	[tilespmem:$0x1C940] =	vst v63  }
0x66: {  	_ =	swait.ge [sflag:s3], $0x1680  }
0x67: {  	[sflag:s3] =	ssyncset.done $0x0  }
0x68: {  	[sflag:s3] =	ssyncadd.s32 $0xFFFFE980  }
0x69: {  	[spmem:s0] =	stream.linear.scatter [tilespmem:s4], [sflag:$0x4], $0x1680, $0x38;
	[tilespmem:$0x1C940] =	vst v63  }
0x6a: {  	_ =	swait.ge [sflag:s3], $0x1680  }
0x6b: {  	[sflag:s3] =	ssyncset.done $0x0  }
0x6c: {  	[sflag:s3] =	ssyncadd.s32 $0xFFFFE980  }
0x6d: {  	[spmem:s1] =	stream.linear.scatter [tilespmem:s4], [sflag:$0x4], $0x1680, $0x38;
	[tilespmem:$0x1C940] =	vst v63  }
0x6e: {  	_ =	swait.ge [sflag:s3], $0x1680  }
0x6f: {  	[sflag:s3] =	ssyncset.done $0x0  }
0x70: {  	[sflag:s3] =	ssyncadd.s32 $0xFFFFE980  }
0x71: {  	[bflag:$0x0] =	sbarrier.arrive $0xFFFF  }
0x72: {  	s23 =	simm.s32 $0x0;
	s24 =	rddreg [dreg:$0x1]  }
0x73: {  	[tilespmem:s10], [sflag:$0x4] =	stream.linear.gather [hbm4b:s24+s23], $0x10, $0x38;
	[tilespmem:$0x1C940] =	vst v63  }
0x74: {  	_ =	swait.ge [sflag:s3], $0x10  }
0x75: {  	[sflag:s3] =	ssyncset.done $0x0  }
0x76: {  	[sflag:s3] =	ssyncadd.s32 $0xFFFFFFF0  }
0x77: {  	s25 =	rddreg [dreg:$0x4];
	v6 =	vld.idx.msk [tilespmem:v1+s10+$0x0], $0xffff  }
0x78: {  	v7 =	vld.idx.msk [tilespmem:v2+s10+$0x0], $0xffff;
	[tilespmem:s23], [sflag:$0x2] =	stream.linear.gather [hbm4b:s25+s23], $0x28, $0x38  }
0x79: {  	s28 =	simm.s32 $0x78;
	s26 =	rddreg [dreg:$0x5]  }
0x7a: {  	[tilespmem:s28], [sflag:$0x2] =	stream.linear.gather [hbm4b:s26+s23], $0x28, $0x38;
	[tilespmem:$0x1C940] =	vst v63  }
0x7b: {  	_ =	swait.ge [sflag:s12], $0x28  }
0x7c: {  	[sflag:s12] =	ssyncset.done $0x0  }
0x7d: {  	[sflag:s12] =	ssyncadd.s32 $0xFFFFFFD8  }
0x7e: {  	_ =	swait.ge [sflag:s12], $0x28  }
0x7f: {  	[sflag:s12] =	ssyncset.done $0x0  }
0x80: {  	[sflag:s12] =	ssyncadd.s32 $0xFFFFFFD8  }
0x81: {  	[tilespmem:s14], [sflag:$0x1] =	stream.indirect.gather [hbm4b:s7+s13], $0x90, s23, s13, $0xb8;
	[tilespmem:$0x1C940] =	vst v63  }
0x82: {  	_ = 	snop  }
0x83: {  	v6 =	vadd.f32 v7, v6;
	[tilespmem:s16], [sflag:$0x1] =	stream.indirect.gather [hbm4b:s9+s13], $0x10, s28, s13, $0xb8;
	[tilespmem:$0x1C940] =	vst v63  }
0x84: {  	s29 =	rddreg [dreg:$0x6]  }
0x85: {  	v7 =	vmul.f32 $2.000000030e-01, v6;
	[tilespmem:s13], [sflag:$0x2] =	stream.linear.gather [hbm4b:s29+s23], $0x28, $0x38;
	[tilespmem:$0x1C940] =	vst v63  }
0x86: {  	p0 =	por $0x0, $0x0;
	s31 =	simm.s32 $0xA0;
	s30 =	rddreg [dreg:$0x7];
	vm1 =	vge.f32 v6, $0.0e+00  }
0x87: {  	v6 =	vsel vm1, v6, v7;
	[tilespmem:s31], [sflag:$0x2] =	stream.linear.gather [hbm4b:s30+s23], $0x28, $0x38;
	[tilespmem:$0x1C940] =	vst v63  }
.LBB2_4:
0x88: {  	s21 =	sadd.s32 $0x1, s23;
	p1 =	seq.s32 s23, $0xF9;
	_ =	swait.ge [sflag:s17], $0x1680  }
0x89: {  	s11 =	sand.u32 @!p1 $0xFF, s21;
	[sflag:s17] =	ssyncset.done $0x0  }
0x8a: {  	s11 =	smul.u32 @!p1 $0xAB, s11;
	[sflag:s17] =	ssyncadd.s32 $0xFFFFE980  }
0x8b: {  	_ =	swait.ge [sflag:s17], $0x280  }
0x8c: {  	s22 =	sand.u32 $0x1, s23;
	s11 =	sshrl.u32 @!p1 s11, $0x9;
	[sflag:s17] =	ssyncset.done $0x0  }
0x8d: {  	s24 =	simm.s32 @!p1 $0x2;
	s11 =	smul.u32 @!p1 $0x3, s11;
	[sflag:s17] =	ssyncadd.s32 $0xFFFFFD80  }
0x8e: {  	s25 =	sxor.u32 @!p1 $0x1, s22;
	_ =	swait.ge @!p1 [sflag:s24], $0x28  }
0x8f: {  	s26 =	smul.u32 @!p1 $0x5A00, s25;
	s11 =	ssub.s32 @!p1 s21, s11;
	[sflag:s24] =	ssyncset.done @!p1 $0x0  }
0x90: {  	s11 =	smul.u32 @!p1 $0x28, s11;
	[sflag:s24] =	ssyncadd.s32 @!p1 $0xFFFFFFD8  }
0x91: {  	_ =	swait.ge @!p1 [sflag:s24], $0x28  }
0x92: {  	s26 =	sshrl.u32 @!p1 s26, $0x2;
	s11 =	sand.u32 @!p1 $0xF8, s11;
	[sflag:s24] =	ssyncset.done @!p1 $0x0  }
0x93: {  	[sflag:s24] =	ssyncadd.s32 @!p1 $0xFFFFFFD8;
	s24 =	sadd.s32 @!p1 $0xF0, s26;
	s26 =	simm.s32 @!p1 $0x28  }
0x94: {  	[tilespmem:s24], [sflag:$0x1] =	stream.indirect.gather @!p1 [hbm4b:s7+s26], $0x90, s11, s26, $0xb8;
	[tilespmem:$0x1C940] =	vst v63  }
0x95: {  	p2 =	sgt.u32 @!p1 s23, $0xF7;
	s24 =	smul.u32 @!p1 $0xA00, s25  }
0x96: {  	p2 =	por p1, p2  }
0x97: {  	s25 =	sadd.s32 @!p2 $0x2, s23;
	s24 =	sshrl.u32 @!p1 s24, $0x2  }
0x98: {  	s11 =	sadd.s32 @!p1 $0x78, s11;
	s28 =	smul.u32 @!p2 $0xAB, s25;
	s24 =	sadd.s32 @!p1 $0x2DF0, s24  }
0x99: {  	[tilespmem:s24], [sflag:$0x1] =	stream.indirect.gather @!p1 [hbm4b:s9+s26], $0x10, s11, s26, $0xb8;
	[tilespmem:$0x1C940] =	vst v63  }
0x9a: {  	s11 =	sshrl.u32 @!p2 s28, $0x9  }
0x9b: {  	s11 =	sand.u32 @!p2 $0x7F, s11  }
0x9c: {  	s11 =	smul.u32 @!p2 $0x3, s11  }
0x9d: {  	s24 =	smul.u32 @!p2 $0x28, s25  }
0x9e: {  	s11 =	ssub.s32 @!p2 s25, s11  }
0x9f: {  	s24 =	sadd.s32 @!p2 s8, s24;
	s11 =	smul.u32 @!p2 $0x28, s11  }
0xa0: {  	s24 =	sshrl.u32 @!p2 s24, $0x3  }
0xa1: {  	s26 =	simm.s32 @!p2 $0x0;
	s25 =	sadd.s32 @!p2 s5, s24;
	s11 =	sand.u32 @!p2 $0xF8, s11  }
0xa2: {  	[tilespmem:s11], [sflag:$0x2] =	stream.linear.gather @!p2 [hbm4b:s25+s26], $0x28, $0x38;
	[tilespmem:$0x1C940] =	vst v63  }
0xa3: {  	s24 =	sadd.s32 @!p2 s6, s24;
	s11 =	sadd.s32 @!p2 $0x78, s11  }
0xa4: {  	[tilespmem:s11], [sflag:$0x2] =	stream.linear.gather @!p2 [hbm4b:s24+s26], $0x28, $0x38;
	[tilespmem:$0x1C940] =	vst v63  }
0xa5: {  	s11 =	simm.s32 $0x1  }
0xa6: {  	s11 =	simm.s32 @!p0 $0x0  }
0xa7: {  	s28 =	smul.u32 $0x28, s11;
	_ =	sdelay $0x1  }
0xa8: {  	v7 =	vor.u32 s28, v3  }
0xa9: {  	v8 =	vmul.u32 $0x90, v7;
	v7 =	vshll.u32 v7, $0x4  }
0xaa: {  	p1 =	slt.u32 @!p2 s23, $0x2;
	v7 =	vor.u32 v1, v7  }
0xab: {  	p1 =	por p2, !p1;
	v8 =	vadd.s32 v4, v8  }
0xac: {  	_ =	swait.ge @p1 [sflag:s18], $0x1680  }
0xad: {  	[sflag:s18] =	ssyncset.done @p1 $0x0  }
0xae: {  	[sflag:s18] =	ssyncadd.s32 @p1 $0xFFFFE980  }
0xaf: {  	v7 =	vld.idx.msk [tilespmem:v7+s16+$0x0], $0xffff  }
0xb0: {  	v8 =	vld.idx.msk [tilespmem:v8+s14+$0x0], $0xffff;
	_ =	sdelay $0x4  }
0xb1: {  	v7 =	vadd.f32 v7, v8;
	_ =	sdelay $0x1  }
0xb2: {  	v8 =	vmul.f32 $2.000000030e-01, v7  }
0xb3: {  	vm1 =	vge.f32 v7, $0.0e+00  }
0xb4: {  	v7 =	vsel vm1, v7, v8  }
0xb5: {  	v7 =	vsub.f32 v7, v6  }
0xb6: {  	s26 =	smul.u32 $0xAB, s23  }
0xb7: {  	v7 =	vmul.f32 $1.442695020e+00, v7  }
0xb8: {  	s24 =	sshrl.u32 s26, $0x9  }
0xb9: {  	s11 =	smul.u32 $0x5A00, s11;
	s24 =	sand.u32 $0x7F, s24;
	(erf) = vpow2.f32 v7  }
0xba: {  	s30 =	simm.s32 $0x80;
	s31 =	smul.u32 $0x3, s24  }
0xbb: {  	s29 =	simm.s32 $0x0;
	s26 =	simm.s32 $0x0;
	s11 =	sshrl.u32 s11, $0x2  }
0xbc: {  	s28 =	sadd.s32 $0x2, s28;
	s25 =	sadd.s32 $0x130, s11;
	s31 =	ssub.s32 s23, s31  }
0xbd: {  	s24 =	sadd.s32 $0x3470, s11;
	s11 =	simm.s32 $0x40;
	s23 =	sand.u32 $0xFF, s31;
	v7 =	vor.u32 s28, v3  }
.LBB2_5:
0xbe: {  	p1 =	sne.s32 s30, $0x4C0;
	v8 =	vmul.u32 $0x90, v7;
	v7 =	vshll.u32 v7, $0x4  }
0xbf: {  	v7 =	vor.u32 v1, v7  }
0xc0: {  	v8 =	vadd.s32 v4, v8;
	_ =	sdelay $0x1  }
0xc1: {  	s31 =	sshra.s32 s29, $0x2;
	s29 =	smov.u32 s11;
	s11 =	smov.u32 s30;
	v9 =	vpop (erf)  }
0xc2: {  	[tilespmem:s31+$0x32F0] =	vst v9  }
0xc3: {  	v7 =	vld.idx.msk [tilespmem:v7+s16+$0x0], $0xffff  }
0xc4: {  	v8 =	vld.idx.msk [tilespmem:v8+s14+$0x0], $0xffff;
	_ =	sdelay $0x5  }
0xc5: {  	v7 =	vadd.f32 v7, v8;
	_ =	sdelay $0x1  }
0xc6: {  	v8 =	vmul.f32 $2.000000030e-01, v7  }
0xc7: {  	vm1 =	vge.f32 v7, $0.0e+00  }
0xc8: {  	v7 =	vsel vm1, v7, v8  }
0xc9: {  	v7 =	vsub.f32 v7, v6;
	_ =	sdelay $0x1  }
0xca: {  	v7 =	vmul.f32 $1.442695020e+00, v7;
	_ =	sdelay $0x1  }
.Ltmp1:
0xcb: {  	(erf) = vpow2.f32 v7;
	(pc) =	sbr.rel @p1 .LBB2_5-.Ltmp1, $3  }
0xcc: {  	_ =	sdelay $0x1  }
0xcd: {  	s28 =	sadd.s32 $0x2, s28  }
0xce: {  	s30 =	sadd.s32 $0x40, s30;
	v7 =	vor.u32 s28, v3  }
0xcf: {  	v8 =	vmul.u32 $0x90, v7;
	v7 =	vshll.u32 v7, $0x4  }
0xd0: {  	v7 =	vor.u32 v1, v7  }
0xd1: {  	v8 =	vadd.s32 v4, v8;
	_ =	sdelay $0x1  }
0xd2: {  	s28 =	sshra.s32 s29, $0x2;
	v9 =	vpop (erf)  }
0xd3: {  	[tilespmem:s28+$0x32F0] =	vst v9  }
0xd4: {  	v7 =	vld.idx.msk [tilespmem:v7+s16+$0x0], $0xffff  }
0xd5: {  	v8 =	vld.idx.msk [tilespmem:v8+s14+$0x0], $0xffff;
	_ =	sdelay $0x4  }
0xd6: {  	v7 =	vadd.f32 v7, v8;
	_ =	sdelay $0x1  }
0xd7: {  	v8 =	vmul.f32 $2.000000030e-01, v7  }
0xd8: {  	vm1 =	vge.f32 v7, $0.0e+00  }
0xd9: {  	v7 =	vsel vm1, v7, v8  }
0xda: {  	v7 =	vsub.f32 v7, v6;
	_ =	sdelay $0x1  }
0xdb: {  	v7 =	vmul.f32 $1.442695020e+00, v7;
	_ =	sdelay $0x1  }
0xdc: {  	(erf) = vpow2.f32 v7;
	_ =	sdelay $0x5  }
0xdd: {  	v7 =	vmov s26;
	_ =	sdelay $0x2  }
0xde: {  	s11 =	sshra.s32 s11, $0x2;
	v8 =	vpop (erf)  }
0xdf: {  	[tilespmem:s11+$0x32F0] =	vst v8  }
0xe0: {  	v8 =	vshrl.u32 v7, $0x3;
	v7 =	vld.idx.msk [tilespmem:v7+s19+$0x0], $0xffff  }
0xe1: {  	v8 =	vshll.u32 v8, v5;
	v9 =	vld [tilespmem:s25+$0xFFFFFFC0]  }
0xe2: {  	v10 =	vadd.s32 $0x1, v8  }
0xe3: {  	v10 =	vbroadcast v10, $0x0;
	_ =	sdelay $0x2  }
0xe4: {  	v7 =	vmul.f32 v9, v7;
	_ =	sdelay $0x1  }
0xe5: {  	[tilespmem:s24+$0xFFFFFFC0] =	vst v7  }
0xe6: {  	v7 =	vld.idx.msk [tilespmem:v10+s19+$0x0], $0xffff  }
0xe7: {  	v9 =	vld [tilespmem:s25+$0xFFFFFFD0]  }
0xe8: {  	v10 =	vadd.s32 $0x2, v8  }
0xe9: {  	v10 =	vbroadcast v10, $0x0;
	_ =	sdelay $0x2  }
0xea: {  	v7 =	vmul.f32 v9, v7;
	_ =	sdelay $0x1  }
0xeb: {  	[tilespmem:s24+$0xFFFFFFD0] =	vst v7  }
0xec: {  	v7 =	vld.idx.msk [tilespmem:v10+s19+$0x0], $0xffff  }
0xed: {  	v9 =	vld [tilespmem:s25+$0xFFFFFFE0]  }
0xee: {  	v10 =	vadd.s32 $0x3, v8  }
0xef: {  	v10 =	vbroadcast v10, $0x0;
	_ =	sdelay $0x2  }
0xf0: {  	v7 =	vmul.f32 v9, v7;
	_ =	sdelay $0x1  }
0xf1: {  	[tilespmem:s24+$0xFFFFFFE0] =	vst v7  }
0xf2: {  	v7 =	vld.idx.msk [tilespmem:v10+s19+$0x0], $0xffff  }
0xf3: {  	v9 =	vld [tilespmem:s25+$0xFFFFFFF0]  }
0xf4: {  	v10 =	vadd.s32 $0x4, v8  }
0xf5: {  	v10 =	vbroadcast v10, $0x0;
	_ =	sdelay $0x2  }
0xf6: {  	v7 =	vmul.f32 v9, v7;
	_ =	sdelay $0x1  }
0xf7: {  	[tilespmem:s24+$0xFFFFFFF0] =	vst v7  }
0xf8: {  	v7 =	vld.idx.msk [tilespmem:v10+s19+$0x0], $0xffff  }
0xf9: {  	v9 =	vld [tilespmem:s25+$0x0]  }
0xfa: {  	v10 =	vadd.s32 $0x5, v8  }
0xfb: {  	v10 =	vbroadcast v10, $0x0;
	_ =	sdelay $0x2  }
0xfc: {  	v7 =	vmul.f32 v9, v7;
	_ =	sdelay $0x1  }
0xfd: {  	[tilespmem:s24+$0x0] =	vst v7  }
0xfe: {  	v7 =	vld.idx.msk [tilespmem:v10+s19+$0x0], $0xffff  }
0xff: {  	v9 =	vld [tilespmem:s25+$0x10]  }
0x100: {  	v10 =	vadd.s32 $0x6, v8  }
0x101: {  	v10 =	vbroadcast v10, $0x0;
	_ =	sdelay $0x2  }
0x102: {  	v7 =	vmul.f32 v9, v7;
	_ =	sdelay $0x1  }
0x103: {  	[tilespmem:s24+$0x10] =	vst v7  }
0x104: {  	v7 =	vld.idx.msk [tilespmem:v10+s19+$0x0], $0xffff  }
0x105: {  	v9 =	vld [tilespmem:s25+$0x20]  }
0x106: {  	v8 =	vadd.s32 $0x7, v8  }
0x107: {  	v8 =	vbroadcast v8, $0x0;
	_ =	sdelay $0x2  }
0x108: {  	v7 =	vmul.f32 v9, v7;
	_ =	sdelay $0x1  }
0x109: {  	[tilespmem:s24+$0x20] =	vst v7  }
0x10a: {  	v7 =	vld.idx.msk [tilespmem:v8+s19+$0x0], $0xffff  }
0x10b: {  	v8 =	vld [tilespmem:s25+$0x30];
	_ =	sdelay $0x2  }
0x10c: {  	v9 =	vor.u32 s26, v1;
	_ =	sdelay $0x1  }
0x10d: {  	v7 =	vmul.f32 v8, v7;
	_ =	sdelay $0x1  }
0x10e: {  	[tilespmem:s24+$0x30] =	vst v7  }
0x10f: {  	v11 =	vld.idx.msk [tilespmem:v9+s19+$0x0], $0xffff  }
0x110: {  	s26 =	simm.s32 $0x8  }
0x111: {  	v9 =	vmov s26  }
0x112: {  	v7 =	vshrl.u32 v9, $0x3  }
0x113: {  	v7 =	vshll.u32 v7, v5  }
0x114: {  	s29 =	simm.s32 $0x10;
	v10 =	vadd.s32 $0x1, v7;
	v8 =	vadd.s32 $0x2, v7;
	v11 =	vnsel vm0, $0x0, v11  }
.LBB2_7:
0x115: {  	s25 =	sadd.s32 $0x90, s25  }
0x116: {  	v12 =	vadd.s32 $0x3, v7;
	v13 =	vadd.s32 $0x4, v7;
	v14 =	vadd.s32 $0x5, v7;
	[tilespmem:s24+$0x40] =	vst v11;
	s24 =	sadd.s32 $0x90, s24;
	s11 =	smov.u32 s29;
	s28 =	sadd.s32 $0x8, s29  }
0x117: {  	p1 =	sne.s32 s29, $0x138;
	v11 =	vadd.s32 $0x6, v7;
	v7 =	vadd.s32 $0x7, v7;
	v9 =	vld.idx.msk [tilespmem:v9+s19+$0x0], $0xffff  }
0x118: {  	v15 =	vld [tilespmem:s25+$0xFFFFFFC0];
	_ =	sdelay $0x1  }
0x119: {  	v10 =	vbroadcast v10, $0x0;
	_ =	sdelay $0x2  }
0x11a: {  	v9 =	vmul.f32 v15, v9;
	_ =	sdelay $0x1  }
0x11b: {  	[tilespmem:s24+$0xFFFFFFC0] =	vst v9  }
0x11c: {  	v9 =	vld.idx.msk [tilespmem:v10+s19+$0x0], $0xffff  }
0x11d: {  	v10 =	vld [tilespmem:s25+$0xFFFFFFD0];
	_ =	sdelay $0x1  }
0x11e: {  	v8 =	vbroadcast v8, $0x0;
	_ =	sdelay $0x2  }
0x11f: {  	v9 =	vmul.f32 v10, v9;
	_ =	sdelay $0x1  }
0x120: {  	[tilespmem:s24+$0xFFFFFFD0] =	vst v9  }
0x121: {  	v8 =	vld.idx.msk [tilespmem:v8+s19+$0x0], $0xffff  }
0x122: {  	v9 =	vld [tilespmem:s25+$0xFFFFFFE0];
	_ =	sdelay $0x1  }
0x123: {  	v10 =	vbroadcast v12, $0x0;
	_ =	sdelay $0x2  }
0x124: {  	v8 =	vmul.f32 v9, v8;
	_ =	sdelay $0x1  }
0x125: {  	[tilespmem:s24+$0xFFFFFFE0] =	vst v8  }
0x126: {  	v8 =	vld.idx.msk [tilespmem:v10+s19+$0x0], $0xffff  }
0x127: {  	v9 =	vld [tilespmem:s25+$0xFFFFFFF0];
	_ =	sdelay $0x1  }
0x128: {  	v10 =	vbroadcast v13, $0x0;
	_ =	sdelay $0x2  }
0x129: {  	v8 =	vmul.f32 v9, v8;
	_ =	sdelay $0x1  }
0x12a: {  	[tilespmem:s24+$0xFFFFFFF0] =	vst v8  }
0x12b: {  	v8 =	vld.idx.msk [tilespmem:v10+s19+$0x0], $0xffff  }
0x12c: {  	v9 =	vld [tilespmem:s25+$0x0];
	_ =	sdelay $0x1  }
0x12d: {  	v10 =	vbroadcast v14, $0x0;
	_ =	sdelay $0x2  }
0x12e: {  	v8 =	vmul.f32 v9, v8;
	_ =	sdelay $0x1  }
0x12f: {  	[tilespmem:s24+$0x0] =	vst v8  }
0x130: {  	v8 =	vld.idx.msk [tilespmem:v10+s19+$0x0], $0xffff  }
0x131: {  	v9 =	vld [tilespmem:s25+$0x10];
	_ =	sdelay $0x1  }
0x132: {  	v10 =	vbroadcast v11, $0x0;
	_ =	sdelay $0x2  }
0x133: {  	v8 =	vmul.f32 v9, v8;
	_ =	sdelay $0x1  }
0x134: {  	[tilespmem:s24+$0x10] =	vst v8  }
0x135: {  	v8 =	vld.idx.msk [tilespmem:v10+s19+$0x0], $0xffff  }
0x136: {  	v9 =	vld [tilespmem:s25+$0x20];
	_ =	sdelay $0x1  }
0x137: {  	v7 =	vbroadcast v7, $0x0;
	_ =	sdelay $0x2  }
0x138: {  	v8 =	vmul.f32 v9, v8;
	_ =	sdelay $0x1  }
0x139: {  	[tilespmem:s24+$0x20] =	vst v8  }
0x13a: {  	v7 =	vld.idx.msk [tilespmem:v7+s19+$0x0], $0xffff  }
0x13b: {  	v8 =	vld [tilespmem:s25+$0x30];
	_ =	sdelay $0x2  }
0x13c: {  	v9 =	vor.u32 s26, v1;
	s26 =	smov.u32 s11;
	_ =	sdelay $0x1  }
0x13d: {  	v7 =	vmul.f32 v8, v7;
	_ =	sdelay $0x1  }
0x13e: {  	[tilespmem:s24+$0x30] =	vst v7  }
0x13f: {  	v11 =	vld.idx.msk [tilespmem:v9+s19+$0x0], $0xffff;
	_ =	sdelay $0x1  }
.Ltmp2:
0x140: {  	(pc) =	sbr.rel @p1 .LBB2_7-.Ltmp2, $4  }
0x141: {  	v9 =	vmov s26  }
0x142: {  	v7 =	vshrl.u32 v9, $0x3  }
0x143: {  	v7 =	vshll.u32 v7, v5  }
0x144: {  	s29 =	smov.u32 s28;
	v10 =	vadd.s32 $0x1, v7;
	v8 =	vadd.s32 $0x2, v7;
	v11 =	vnsel vm0, $0x0, v11  }
0x145: {  	_ =	sdelay $0x2  }
0x146: {  	[tilespmem:s24+$0x40] =	vst v11  }
0x147: {  	s11 =	sadd.s32 $0x90, s25;
	v9 =	vld.idx.msk [tilespmem:v9+s19+$0x0], $0xffff  }
0x148: {  	v11 =	vld [tilespmem:s11+$0xFFFFFFC0];
	_ =	sdelay $0x1  }
0x149: {  	v10 =	vbroadcast v10, $0x0;
	_ =	sdelay $0x2  }
0x14a: {  	v9 =	vmul.f32 v11, v9  }
0x14b: {  	s29 =	sadd.s32 $0x90, s24  }
0x14c: {  	[tilespmem:s29+$0xFFFFFFC0] =	vst v9  }
0x14d: {  	v9 =	vld.idx.msk [tilespmem:v10+s19+$0x0], $0xffff  }
0x14e: {  	v54 =	vld [tilespmem:s11+$0xFFFFFFD0];
	_ =	sdelay $0x1  }
0x14f: {  	v8 =	vbroadcast v8, $0x0;
	_ =	sdelay $0x2  }
0x150: {  	v9 =	vmul.f32 v54, v9;
	_ =	sdelay $0x1  }
0x151: {  	[tilespmem:s29+$0xFFFFFFD0] =	vst v9  }
0x152: {  	v8 =	vld.idx.msk [tilespmem:v8+s19+$0x0], $0xffff  }
0x153: {  	v9 =	vld [tilespmem:s11+$0xFFFFFFE0]  }
0x154: {  	v55 =	vadd.s32 $0x3, v7  }
0x155: {  	v10 =	vbroadcast v55, $0x0;
	_ =	sdelay $0x2  }
0x156: {  	v8 =	vmul.f32 v9, v8;
	_ =	sdelay $0x1  }
0x157: {  	[tilespmem:s29+$0xFFFFFFE0] =	vst v8  }
0x158: {  	v8 =	vld.idx.msk [tilespmem:v10+s19+$0x0], $0xffff  }
0x159: {  	v56 =	vld [tilespmem:s11+$0xFFFFFFF0]  }
0x15a: {  	v57 =	vadd.s32 $0x4, v7  }
0x15b: {  	v10 =	vbroadcast v57, $0x0;
	_ =	sdelay $0x2  }
0x15c: {  	v8 =	vmul.f32 v56, v8;
	_ =	sdelay $0x1  }
0x15d: {  	[tilespmem:s29+$0xFFFFFFF0] =	vst v8  }
0x15e: {  	v8 =	vld.idx.msk [tilespmem:v10+s19+$0x0], $0xffff  }
0x15f: {  	v58 =	vld [tilespmem:s11+$0x0]  }
0x160: {  	v59 =	vadd.s32 $0x5, v7  }
0x161: {  	v10 =	vbroadcast v59, $0x0;
	_ =	sdelay $0x2  }
0x162: {  	v8 =	vmul.f32 v58, v8;
	_ =	sdelay $0x1  }
0x163: {  	[tilespmem:s29+$0x0] =	vst v8  }
0x164: {  	v8 =	vld.idx.msk [tilespmem:v10+s19+$0x0], $0xffff  }
0x165: {  	v60 =	vld [tilespmem:s11+$0x10]  }
0x166: {  	v61 =	vadd.s32 $0x6, v7  }
0x167: {  	v10 =	vbroadcast v61, $0x0;
	_ =	sdelay $0x2  }
0x168: {  	v8 =	vmul.f32 v60, v8;
	_ =	sdelay $0x1  }
0x169: {  	[tilespmem:s29+$0x10] =	vst v8  }
0x16a: {  	v8 =	vld.idx.msk [tilespmem:v10+s19+$0x0], $0xffff  }
0x16b: {  	v62 =	vld [tilespmem:s11+$0x20]  }
0x16c: {  	v7 =	vadd.s32 $0x7, v7  }
0x16d: {  	v7 =	vbroadcast v7, $0x0;
	_ =	sdelay $0x2  }
0x16e: {  	v8 =	vmul.f32 v62, v8;
	_ =	sdelay $0x1  }
0x16f: {  	[tilespmem:s29+$0x20] =	vst v8  }
0x170: {  	v7 =	vld.idx.msk [tilespmem:v7+s19+$0x0], $0xffff  }
0x171: {  	v8 =	vld [tilespmem:s11+$0x30];
	_ =	sdelay $0x2  }
0x172: {  	v63 =	vor.u32 s26, v1;
	_ =	sdelay $0x1  }
0x173: {  	v7 =	vmul.f32 v8, v7;
	_ =	sdelay $0x1  }
0x174: {  	[tilespmem:s29+$0x30] =	vst v7  }
0x175: {  	v7 =	vld.idx.msk [tilespmem:v63+s19+$0x0], $0xffff  }
0x176: {  	s30 =	smul.u32 $0x5A00, s22  }
0x177: {  	s31 =	smul.u32 $0xA0, s23;
	p1 =	sne.s32 s21, $0xFA  }
.Ltmp3:
0x178: {  	_ = 	snop;
	(pc) =	sbr.rel @p1 .LBB2_4-.Ltmp3, $4  }
0x179: {  	_ = 	snop  }
0x17a: {  	p0 =	por !p0, !p0;
	s22 =	sshrl.u32 s31, $0x2;
	s11 =	sshrl.u32 s30, $0x2;
	v7 =	vnsel vm0, $0x0, v7  }
0x17b: {  	s23 =	smov.u32 s21;
	s22 =	sadd.s32 $0x78, s22;
	s11 =	sadd.s32 $0x3430, s11;
	[tilespmem:s29+$0x40] =	vst v7  }
0x17c: {  	[spmem:s2] =	stream.indirect.scatter.add.f32 [tilespmem:s11], [sflag:$0x3], $0x90, s22, s13, $0xb8;
	[tilespmem:$0x1C940] =	vst v63  }
0x17d: {  	_ =	swait.ge [sflag:s18], $0x1680  }
0x17e: {  	[sflag:s18] =	ssyncset.done $0x0  }
0x17f: {  	[sflag:s18] =	ssyncadd.s32 $0xFFFFE980  }
0x180: {  	_ =	swait.ge [sflag:s18], $0x1680  }
0x181: {  	[sflag:s18] =	ssyncset.done $0x0  }
0x182: {  	[sflag:s18] =	ssyncadd.s32 $0xFFFFE980  }
0x183: {  	s11 =	stileid.u32;
	[bflag:$0x0] =	sbarrier.arrive $0xFFFF  }
0x184: {  	s11 =	sshll.u32 s11, $0x6;
	s21 =	rddreg [dreg:$0x8]  }
0x185: {  	s11 =	sor.u32 $0x1C04, s11;
	s22 =	rddreg [dreg:$0x12]  }
0x186: {  	[hbm:s21], [sflag:s11] =	dma.local [spmem:s22], $0x2D00  }
0x187: {  	_ =	swait.ge [sflag:s3], $0x2D00  }
0x188: {  	s20 =	sadd.s32 $0x1, s20;
	s31 =	rddreg [dreg:$0x9]  }
0x189: {  	p0 =	sne.s32 s20, s31  }
.Ltmp4:
0x18a: {  	_ = 	snop;
	(pc) =	sbr.rel @p0 .LBB2_1-.Ltmp4, $3  }
0x18b: {  	_ =	sdelay $0x1  }
0x18c: {  	[sflag:s3] =	ssyncset.done $0x0  }
0x18d: {  	[sflag:s3] =	ssyncadd.s32 $0xFFFFD300  }
0x18e: {  	_ =	sfence.sel $0x180000  }
0x18f: {  	[bflag:$0x0] =	sbarrier.arrive $0xFFFF  }
0x190: {  	_ =	strace $0x90000047  }
0x191: {  	s0 =	stileid.u32;
	[bflag:$0x2] =	sbarrier.arrive $0xFFFF  }
0x192: {  	p0 =	sne.s32 s0, $0x0;
	s0 =	rddreg [dreg:$0x3]  }
0x193: {  	s0 =	sadd.s32 @!p0 $0x100000, s0  }
0x194: {  	[sflag:s0] =	ssyncadd.tile.s32 @!p0 $0x1;
	_ =	shalt  }
.Lfunc_end2:
_tile_overlayer_lowered:
.L_overlay_start_2:
0x195: {  	(tag) =	ssettag $0x2  }
0x196: {  	s0 =	rddreg [dreg:$0x0];
	s2 =	stileid.u32  }
0x197: {  	s1 =	rddreg [dreg:$0x1];
	p0 =	sne.s32 s2, $0x0  }
0x198: {  	s3 =	rddreg [dreg:$0x2];
	[bflag:$0x3] =	sbarrier.arrive $0xFFFF;
	s2 =	simm.s32 @!p0 $0x1C04  }
0x199: {  	[timem:s3], [sflag:s2] =	dma.local @!p0 [hbm:s0], s1  }
0x19a: {  	s0 =	simm.s32 @!p0 $0x4  }
0x19b: {  	_ =	swait.ge @!p0 [sflag:s0], s1  }
0x19c: {  	s1 =	ssub.s32 @!p0 $0x0, s1;
	[sflag:s0] =	ssyncset.done @!p0 $0x0  }
0x19d: {  	[sflag:s0] =	ssyncadd.s32 @!p0 s1  }
0x19e: {  	[bflag:$0x3] =	sbarrier.arrive $0xFFFF  }
0x19f: {  	_ =	shalt  }

// kernel: kernel.14.cloned.1.call-start
scs
__scs_entry_jumppad:
0x0: {  	(pc) =	sbr.rel $0x88, $3  }
0x1: {  	(tag) =	ssettag $0x0;
	lr =	simm.s32 $0x1  }
0x2: {  	[smem:$0x3F88] =	sst lr;
	_ =	strace $0xD0000000  }
0x3: {  	_ = 	snop  }
0x4: {  	_ = 	snop  }
0x5: {  	_ = 	snop  }
0x6: {  	_ = 	snop  }
0x7: {  	_ = 	snop  }
__scs_overlays_trampoline_lowered:
0x8: {  	[smem:$0x3F97] =	sst s0  }
0x9: {  	[smem:$0x3F98] =	sst s1  }
0xa: {  	[smem:$0x3F99] =	sst s2  }
0xb: {  	[smem:$0x3F9A] =	sst s3  }
0xc: {  	[smem:$0x3F9B] =	sst s4  }
0xd: {  	[smem:$0x3F9C] =	sst s5  }
0xe: {  	[smem:$0x3F9D] =	sst s6  }
0xf: {  	[smem:$0x3F9E] =	sst s7  }
0x10: {  	[smem:$0x3F9F] =	sst s8  }
0x11: {  	[smem:$0x3FA0] =	sst s9;
	s0 =	simm.s32 @!p0 $0x0  }
0x12: {  	s1 =	sld [smem:$0x3F86];
	s0 =	simm.s32 @p0 $0x1  }
0x13: {  	[smem:$0x3FA1] =	sst s0;
	s0 =	simm.s32 @!p1 $0x0  }
0x14: {  	s2 =	sld [smem:$0x3F85];
	s0 =	simm.s32 @p1 $0x1  }
0x15: {  	[smem:$0x3FA2] =	sst s0;
	s0 =	simm.s32 @!p2 $0x0  }
0x16: {  	s3 =	sld [smem:$0x3FDB];
	s0 =	simm.s32 @p2 $0x1  }
0x17: {  	s4 =	simm.s32 $0x1BF5;
	[smem:$0x3FA4] =	sst s0  }
0x18: {  	s0 =	sld [smem:$0x3F87];
	_ =	swait.ge [sflag:s4], $0x0  }
0x19: {  	s7 =	sld [smem:$0x3F88]  }
0x1a: {  	s8 =	sadd.s32 $0xFFFFE003, lr  }
0x1b: {  	s9 =	sadd.s32 $0xFFFFFEF7, lr;
	s5 =	simm.s32 $0xFFFFFFFF;
	p2 =	slt.u32 s8, $0xFFFFF086  }
0x1c: {  	p1 =	slt.u32 s9, $0xF7A;
	s5 =	simm.s32 @!p2 $0x0  }
0x1d: {  	s5 =	simm.s32 @p1 $0x1;
	p0 =	seq.s32 s7, s2  }
0x1e: {  	s7 =	smul.u32 @!p0 $0xF7A, s2;
	p2 =	seq.s32 @!p0 s5, $0x0  }
0x1f: {  	s9 =	smul.u32 $0xF7A, s1;
	s8 =	simm.s32 @!p0 $0x1BF5;
	p2 =	por !p2, p0  }
0x20: {  	[sflag:s8] =	ssyncset.s32 @!p0 $0xFFFFF086;
	s6 =	sadd.s32 @!p0 s3, s7;
	s7 =	simm.s32 @!p0 $0x108  }
0x21: {  	s3 =	sadd.s32 s3, s9;
	s6 =	sadd.s32 @!p0 $0x88, s6;
	s7 =	simm.s32 @p2 $0x1082  }
0x22: {  	[simem:s7], [sflag:s8] =	dma.local @!p0 [hbm:s6], $0xF7A  }
0x23: {  	s9 =	sor.u32 $0xD0000000, s2;
	s6 =	simm.s32 $0x108;
	_ =	swait.ge @!p0 [sflag:s8], $0x0  }
0x24: {  	s3 =	sadd.s32 $0x88, s3;
	s6 =	simm.s32 @!p1 $0x1082;
	[sflag:s4] =	ssyncset.s32 $0xFFFFF086  }
0x25: {  	[simem:s6], [sflag:s4] =	dma.local [hbm:s3], $0xF7A  }
0x26: {  	[smem:$0x3F88] =	sst s1;
	(tag) =	ssettag s2;
	_ =	strace s9  }
0x27: {  	s1 =	sld [smem:$0x3F98]  }
0x28: {  	s2 =	sld [smem:$0x3F99]  }
0x29: {  	s4 =	sld [smem:$0x3F9B]  }
0x2a: {  	p0 =	seq.s32 s5, $0x0;
	s5 =	sld [smem:$0x3F9C]  }
0x2b: {  	s6 =	sld [smem:$0x3F9D]  }
0x2c: {  	s7 =	sld [smem:$0x3F9E]  }
0x2d: {  	s3 =	simm.s32 $0x108;
	s8 =	sld [smem:$0x3F9F]  }
0x2e: {  	s3 =	simm.s32 @!p0 $0x1082;
	s9 =	sld [smem:$0x3FA0]  }
0x2f: {  	lr =	sadd.s32 s0, s3;
	s0 =	sld [smem:$0x3F97]  }
0x30: {  	s3 =	sld [smem:$0x3F9A]  }
0x31: {  	[smem:$0x3FA3] =	sst s10  }
0x32: {  	s10 =	sld [smem:$0x3FA1];
	_ =	sdelay $0x3  }
0x33: {  	p0 =	seq.s32 s10, $0x1;
	s10 =	sld [smem:$0x3FA3];
	_ =	sdelay $0x3  }
0x34: {  	[smem:$0x3FA3] =	sst s10  }
0x35: {  	s10 =	sld [smem:$0x3FA2];
	_ =	sdelay $0x3  }
0x36: {  	p1 =	seq.s32 s10, $0x1;
	s10 =	sld [smem:$0x3FA3];
	_ =	sdelay $0x3  }
0x37: {  	[smem:$0x3FA3] =	sst s10  }
0x38: {  	s10 =	sld [smem:$0x3FA4]  }
0x39: {  	_ = 	snop;
	(pc) =	sbr.ind lr, $3  }
0x3a: {  	_ = 	snop  }
0x3b: {  	_ = 	snop  }
0x3c: {  	p2 =	seq.s32 s10, $0x1;
	s10 =	sld [smem:$0x3FA3]  }
0x3d: {  	_ =	shalt  }
0x3e: {  	_ =	shalt  }
0x3f: {  	_ =	shalt  }
0x40: {  	_ =	shalt  }
0x41: {  	_ =	shalt  }
0x42: {  	_ =	shalt  }
0x43: {  	_ =	shalt  }
0x44: {  	_ =	shalt  }
0x45: {  	_ =	shalt  }
0x46: {  	_ =	shalt  }
0x47: {  	_ =	shalt  }
0x48: {  	_ =	shalt  }
0x49: {  	_ =	shalt  }
0x4a: {  	_ =	shalt  }
0x4b: {  	_ =	shalt  }
0x4c: {  	_ =	shalt  }
0x4d: {  	_ =	shalt  }
0x4e: {  	_ =	shalt  }
0x4f: {  	_ =	shalt  }
0x50: {  	_ =	shalt  }
0x51: {  	_ =	shalt  }
0x52: {  	_ =	shalt  }
0x53: {  	_ =	shalt  }
0x54: {  	_ =	shalt  }
0x55: {  	_ =	shalt  }
0x56: {  	_ =	shalt  }
0x57: {  	_ =	shalt  }
0x58: {  	_ =	shalt  }
0x59: {  	_ =	shalt  }
0x5a: {  	_ =	shalt  }
0x5b: {  	_ =	shalt  }
0x5c: {  	_ =	shalt  }
0x5d: {  	_ =	shalt  }
0x5e: {  	_ =	shalt  }
0x5f: {  	_ =	shalt  }
0x60: {  	_ =	shalt  }
0x61: {  	_ =	shalt  }
0x62: {  	_ =	shalt  }
0x63: {  	_ =	shalt  }
0x64: {  	_ =	shalt  }
0x65: {  	_ =	shalt  }
0x66: {  	_ =	shalt  }
0x67: {  	_ =	shalt  }
0x68: {  	_ =	shalt  }
0x69: {  	_ =	shalt  }
0x6a: {  	_ =	shalt  }
0x6b: {  	_ =	shalt  }
0x6c: {  	_ =	shalt  }
0x6d: {  	_ =	shalt  }
0x6e: {  	_ =	shalt  }
0x6f: {  	_ =	shalt  }
0x70: {  	_ =	shalt  }
0x71: {  	_ =	shalt  }
0x72: {  	_ =	shalt  }
0x73: {  	_ =	shalt  }
0x74: {  	_ =	shalt  }
0x75: {  	_ =	shalt  }
0x76: {  	_ =	shalt  }
0x77: {  	_ =	shalt  }
0x78: {  	_ =	shalt  }
0x79: {  	_ =	shalt  }
0x7a: {  	_ =	shalt  }
0x7b: {  	_ =	shalt  }
0x7c: {  	_ =	shalt  }
0x7d: {  	_ =	shalt  }
0x7e: {  	_ =	shalt  }
0x7f: {  	_ =	shalt  }
0x80: {  	_ =	shalt  }
0x81: {  	_ =	shalt  }
0x82: {  	_ =	shalt  }
0x83: {  	_ =	shalt  }
0x84: {  	_ =	shalt  }
0x85: {  	_ =	shalt  }
0x86: {  	_ =	shalt  }
0x87: {  	_ =	shalt  }
.Lfunc_end0:
.L_simem_size_0:
called_computation.1_lowered:
.L_overlay_start_0:
0x88: {  	s2 =	sld [smem:$0x3FD9]  }
0x89: {  	s3 =	sld [smem:$0x3FFE];
	_ =	sdelay $0x1  }
0x8a: {  	s1 =	srdreg.scid  }
0x8b: {  	s0 =	sand.u32 $0x1, s1  }
0x8c: {  	s17 =	sshll.u32 s0, $0xA;
	s2 =	sadd.s32 s3, s2  }
0x8d: {  	s2 =	sadd.s32 s2, s17  }
0x8e: {  	[smem:$0x3FAF] =	sst s2  }
0x8f: {  	_ = 	snop  }
0x90: {  	s2 =	sld [smem:$0x3FD0];
	(tm) =	ssettm $0x1  }
0x91: {  	s18 =	sld [smem:$0x3FFB];
	_ =	sdelay $0x3  }
0x92: {  	_ =	strace s18  }
0x93: {  	s3 =	sld [smem:$0x3FFC];
	_ =	sdelay $0x3  }
0x94: {  	_ =	strace s3  }
0x95: {  	s3 =	sld [smem:$0x3FFD];
	_ =	sdelay $0x3  }
0x96: {  	_ =	strace s3  }
0x97: {  	_ =	strace $0x8FFFFFFF  }
0x98: {  	s19 =	sld [smem:$0x3FDB];
	_ =	sdelay $0x1  }
0x99: {  	s4 =	simm.s32 $_scs_section_size  }
0x9a: {  	s5 =	simm.s32 $_size__tile_overlayer_lowered;
	s6 =	simm.s32 $_tile_overlayer_lowered  }
0x9b: {  	s22 =	simm.s32 $0x1BFF;
	s21 =	sshll.u32 s6, $0x1;
	s3 =	sadd.s32 s4, s19  }
0x9c: {  	s7 =	simm.s32 $0x0;
	s20 =	sshll.u32 s5, $0x1;
	s5 =	sadd.s32 s21, s3  }
0x9d: {  	[timem:s7], [sflag:s22] =	dma.local [hbm:s5], s20  }
0x9e: {  	_ =	swait.ge [sflag:s22], s20  }
0x9f: {  	s4 =	ssub.s32 $0x0, s20;
	[sflag:s22] =	ssyncset.done $0x0  }
0xa0: {  	[sflag:s22] =	ssyncadd.s32 s4;
	_ =	sdelay $0x1  }
0xa1: {  	s23 =	simm.s32 $0x1B8B  }
0xa2: {  	_ =	swait.ge [sflag:s23], $0x1  }
0xa3: {  	[sflag:s23] =	ssyncset.done $0x0  }
0xa4: {  	s25 =	simm.s32 $0x1B8E;
	s24 =	sld [smem:$0x3FFE];
	[sflag:s23] =	ssyncadd.s32 $0xFFFFFFFF  }
0xa5: {  	s26 =	simm.s32 $execute0_lowered;
	[smem:$0x3FD2] =	sst s25  }
0xa6: {  	s5 =	sshll.u32 s26, $0x1;
	_ =	strace $0x80000049;
	[dreg:$0x1] =	wrdreg $0xFFFFFFFF  }
0xa7: {  	s28 =	simm.s32 $_size_execute0_lowered;
	s3 =	sadd.s32 s3, s5;
	[dreg:$0x0] =	wrdreg $0x0  }
0xa8: {  	s5 =	sshll.u32 s28, $0x1;
	[dreg:$0x2] =	wrdreg s3  }
0xa9: {  	[dreg:$0x3] =	wrdreg s5  }
0xaa: {  	[dreg:$0x4] =	wrdreg $0xC0  }
0xab: {  	_ =	task [dreg:s7], $0x5FFFF  }
0xac: {  	[dreg:$0x1] =	wrdreg $0xFFFFFFFF  }
0xad: {  	[dreg:$0x0] =	wrdreg $0x60  }
0xae: {  	[dreg:$0x2] =	wrdreg s24  }
0xaf: {  	[dreg:$0x3] =	wrdreg s2  }
0xb0: {  	[dreg:$0x4] =	wrdreg $0x61400  }
0xb1: {  	[dreg:$0x5] =	wrdreg $0x9  }
0xb2: {  	_ =	task.clear_ibuf [dreg:s7], $0x6FFFF;
	_ =	strace $0x90000049  }
0xb3: {  	s29 =	simm.s32 $0x9;
	_ =	strace $0x8000004B  }
0xb4: {  	_ =	swait.ge [sflag:s29], $0x1  }
0xb5: {  	[sflag:s29] =	ssyncadd.s32 $0xFFFFFFFF  }
0xb6: {  	_ =	strace $0x9000004B  }
0xb7: {  	_ =	sfence  }
0xb8: {  	s30 =	sld [smem:$0x0];
	_ =	sdelay $0x2  }
0xb9: {  	s31 =	sshll.u32 s1, $0xD;
	s1 =	sshrl.u32 s1, $0x2  }
0xba: {  	s3 =	sand.u32 $0x4000, s31;
	s1 =	sadd.s32 s1, s30  }
0xbb: {  	s0 =	sor.u32 s3, s0;
	s1 =	sshll.u32 s1, $0x11  }
0xbc: {  	s0 =	sor.u32 s1, s0  }
0xbd: {  	s0 =	sadd.s32 $0x8F2B, s0  }
0xbe: {  	[sflag:s0] =	ssyncadd.remote.s32 $0x1  }
0xbf: {  	_ =	sfence.sel $0xFFFF  }
0xc0: {  	[dreg:$0x0] =	wrdreg $0xFFFFFFFF;
	(pc) =	sbr.abs _section_cstart, $3  }
0xc1: {  	[dreg:$0x1] =	wrdreg $0xFFFFFFFF  }
0xc2: {  	_ =	task.clear_ibuf [dreg:s7], $0x2FFFF;
	_ =	strace $0x9FFFFFFF  }
0xc3: {  	(tm) =	ssettm $0x7FFFFFFF  }
tec
execute0_lowered:
.L_overlay_start_1:
0x0: {  	(tag) =	ssettag $0x1  }
0x1: {  	s0 =	rddreg [dreg:$0x0]  }
0x2: {  	s2 =	rddreg [dreg:$0x2]  }
0x3: {  	s3 =	simm.s32 $0x0;
	s1 =	srdreg.scid;
	s12 =	stileid.u32  }
0x4: {  	[smem:$0x7FF] =	sst s3;
	s1 =	sand.u32 $0x1, s1;
	s5 =	sadd.s32 $0x3E000, s0  }
0x5: {  	s4 =	smul.u32 $0x16800, s12;
	s6 =	sadd.s32 $0x34200, s0;
	s7 =	sadd.s32 $0x3200, s0  }
0x6: {  	s8 =	sshll.u32 s12, $0x1;
	s9 =	sadd.s32 $0x2F200, s0;
	s30 =	smul.u32 $0x168000, s1  }
0x7: {  	s13 =	smul.u32 $0x5A000, s12;
	s10 =	ssub.s32 $0x2, s1;
	s1 =	sor.u32 s1, s8  }
0x8: {  	s11 =	sshrl.u32 s10, $0x1;
	s8 =	smul.u32 $0x2710, s1;
	s3 =	sadd.s32 s4, s30  }
0x9: {  	_ =	strace $0x8000004A;
	s31 =	ssub.s32 s10, s11;
	s3 =	sshrl.u32 s3, $0x3  }
0xa: {  	s10 =	sshrl.u32 s8, $0x3;
	s11 =	sadd.s32 $0x28, s8;
	s1 =	smax.u32 s31, $0x1  }
0xb: {  	s0 =	sadd.s32 s3, s0;
	s14 =	sadd.s32 s5, s10;
	[dreg:$0x9] =	wrdreg s1  }
0xc: {  	s3 =	sadd.s32 s6, s10;
	s15 =	sshrl.u32 s11, $0x3;
	[dreg:$0x4] =	wrdreg s14  }
0xd: {  	[dreg:$0x5] =	wrdreg s3;
	s10 =	sadd.s32 s5, s15  }
0xe: {  	s16 =	sshrl.u32 s13, $0x2;
	s3 =	sadd.s32 s6, s15;
	[dreg:$0x6] =	wrdreg s10  }
0xf: {  	s0 =	sadd.s32 $0x47E00, s0;
	s15 =	sadd.s32 s16, s2;
	[dreg:$0x7] =	wrdreg s3  }
0x10: {  	[dreg:$0x8] =	wrdreg s0;
	s18 =	sadd.s32 $0x1680, s15  }
0x11: {  	s19 =	sadd.s32 $0x2D00, s15;
	[dreg:$0xa] =	wrdreg s18  }
0x12: {  	s20 =	sadd.s32 $0x4380, s15;
	[dreg:$0xb] =	wrdreg s19  }
0x13: {  	s21 =	sadd.s32 $0x5A00, s15;
	[dreg:$0xc] =	wrdreg s20  }
0x14: {  	s22 =	sadd.s32 $0x7080, s15;
	[dreg:$0xd] =	wrdreg s21  }
0x15: {  	s12 =	simm.s32 $0x2;
	s23 =	sadd.s32 $0x8700, s15;
	[dreg:$0xe] =	wrdreg s22  }
0x16: {  	s17 =	sadd.s32 s4, s2;
	s24 =	sadd.s32 $0x9D80, s15;
	[dreg:$0xf] =	wrdreg s23  }
0x17: {  	s13 =	simm.s32 $0x28;
	s25 =	sadd.s32 $0xB400, s15;
	[dreg:$0x10] =	wrdreg s24  }
0x18: {  	s4 =	simm.s32 $0x3430;
	s0 =	sshrl.u32 s17, $0x3;
	[dreg:$0x11] =	wrdreg s25  }
0x19: {  	s14 =	simm.s32 $0xF0;
	s26 =	sadd.s32 $0xCA80, s15;
	[dreg:$0x12] =	wrdreg s0  }
0x1a: {  	s16 =	simm.s32 $0x2DF0;
	s28 =	sadd.s32 $0xE100, s15;
	[dreg:$0x13] =	wrdreg s26  }
0x1b: {  	s29 =	sadd.s32 $0xF780, s15;
	s30 =	sadd.s32 $0x10E00, s15;
	[dreg:$0x14] =	wrdreg s28  }
0x1c: {  	v3 =	vlaneseq.u32;
	s31 =	sadd.s32 $0x12480, s15;
	s1 =	sadd.s32 $0x15180, s15;
	[dreg:$0x15] =	wrdreg s29  }
0x1d: {  	v0 =	vimm.f32 $0.0e+00;
	v5 =	vimm.s32 $0x0;
	vm0 =	vcmask $0x300;
	s3 =	simm.s32 $0x4;
	s10 =	simm.s32 $0x6130;
	[dreg:$0x16] =	wrdreg s30  }
0x1e: {  	v1 =	vand.u32 $0x7, v3;
	v2 =	vor.u32 $0x8, v3;
	v3 =	vshrl.u32 v3, $0x3;
	s17 =	simm.s32 $0x1;
	[dreg:$0x17] =	wrdreg s31;
	s0 =	sadd.s32 $0x13B00, s15  }
0x1f: {  	v5 =	vsel vm0, $0x3, v5;
	vm0 =	vmmov $0xff;
	v4 =	vor.u32 $0x80, v1;
	s18 =	simm.s32 $0x3;
	s19 =	simm.s32 $0x32F0;
	s20 =	simm.s32 $0x0  }
.LBB2_1:
0x20: {  	s11 =	simm.s32 $0x0  }
0x21: {  	s11 =	smul.u32 $0xE38F, s11;
	_ =	sdelay $0x1  }
0x22: {  	s21 =	sshrl.u32 s11, $0x13  }
0x23: {  	s22 =	simm.s32 $0x0;
	s11 =	simm.s32 $0x1;
	s23 =	smul.u32 $0x9, s21  }
.LBB2_2:
0x24: {  	s24 =	smul.u32 $0xE38F, s11  }
0x25: {  	s25 =	smov.u32 s11;
	s21 =	smul.u32 $0x240, s21;
	p0 =	sne.s32 s11, $0x2CF  }
.Ltmp0:
0x26: {  	s22 =	ssub.s32 s22, s23;
	(pc) =	sbr.rel @p0 .LBB2_2-.Ltmp0, $4  }
0x27: {  	s11 =	sadd.s32 $0x1, s11;
	s22 =	sand.u32 $0xFFFF, s22  }
0x28: {  	s23 =	sshrl.u32 s21, $0x2;
	s26 =	sshll.u32 s22, $0x4;
	s22 =	smov.u32 s25  }
0x29: {  	s21 =	sshrl.u32 s24, $0x13;
	s24 =	sadd.s32 s26, s23  }
0x2a: {  	s23 =	smul.u32 $0x9, s21;
	[tilespmem:s24+$0x3430] =	vst v0  }
0x2b: {  	_ = 	snop  }
0x2c: {  	s21 =	smul.u32 $0x240, s21;
	s11 =	ssub.s32 s22, s23  }
0x2d: {  	s11 =	sand.u32 $0xFFFF, s11  }
0x2e: {  	s21 =	sshrl.u32 s21, $0x2;
	s11 =	sshll.u32 s11, $0x4  }
0x2f: {  	s11 =	sadd.s32 s11, s21  }
0x30: {  	[tilespmem:s11+$0x3430] =	vst v0  }
0x31: {  	[spmem:s15] =	stream.linear.scatter [tilespmem:s4], [sflag:$0x4], $0x1680, $0x38;
	[tilespmem:$0x1C940] =	vst v63  }
0x32: {  	_ =	swait.ge [sflag:s3], $0x1680  }
0x33: {  	[sflag:s3] =	ssyncset.done $0x0  }
0x34: {  	s21 =	rddreg [dreg:$0xa];
	[sflag:s3] =	ssyncadd.s32 $0xFFFFE980  }
0x35: {  	[spmem:s21] =	stream.linear.scatter [tilespmem:s4], [sflag:$0x4], $0x1680, $0x38;
	[tilespmem:$0x1C940] =	vst v63  }
0x36: {  	_ =	swait.ge [sflag:s3], $0x1680  }
0x37: {  	[sflag:s3] =	ssyncset.done $0x0  }
0x38: {  	s22 =	rddreg [dreg:$0xb];
	[sflag:s3] =	ssyncadd.s32 $0xFFFFE980  }
0x39: {  	[spmem:s22] =	stream.linear.scatter [tilespmem:s4], [sflag:$0x4], $0x1680, $0x38;
	[tilespmem:$0x1C940] =	vst v63  }
0x3a: {  	_ =	swait.ge [sflag:s3], $0x1680  }
0x3b: {  	[sflag:s3] =	ssyncset.done $0x0  }
0x3c: {  	s23 =	rddreg [dreg:$0xc];
	[sflag:s3] =	ssyncadd.s32 $0xFFFFE980  }
0x3d: {  	[spmem:s23] =	stream.linear.scatter [tilespmem:s4], [sflag:$0x4], $0x1680, $0x38;
	[tilespmem:$0x1C940] =	vst v63  }
0x3e: {  	_ =	swait.ge [sflag:s3], $0x1680  }
0x3f: {  	[sflag:s3] =	ssyncset.done $0x0  }
0x40: {  	s24 =	rddreg [dreg:$0xd];
	[sflag:s3] =	ssyncadd.s32 $0xFFFFE980  }
0x41: {  	[spmem:s24] =	stream.linear.scatter [tilespmem:s4], [sflag:$0x4], $0x1680, $0x38;
	[tilespmem:$0x1C940] =	vst v63  }
0x42: {  	_ =	swait.ge [sflag:s3], $0x1680  }
0x43: {  	[sflag:s3] =	ssyncset.done $0x0  }
0x44: {  	s25 =	rddreg [dreg:$0xe];
	[sflag:s3] =	ssyncadd.s32 $0xFFFFE980  }
0x45: {  	[spmem:s25] =	stream.linear.scatter [tilespmem:s4], [sflag:$0x4], $0x1680, $0x38;
	[tilespmem:$0x1C940] =	vst v63  }
0x46: {  	_ =	swait.ge [sflag:s3], $0x1680  }
0x47: {  	[sflag:s3] =	ssyncset.done $0x0  }
0x48: {  	s26 =	rddreg [dreg:$0xf];
	[sflag:s3] =	ssyncadd.s32 $0xFFFFE980  }
0x49: {  	[spmem:s26] =	stream.linear.scatter [tilespmem:s4], [sflag:$0x4], $0x1680, $0x38;
	[tilespmem:$0x1C940] =	vst v63  }
0x4a: {  	_ =	swait.ge [sflag:s3], $0x1680  }
0x4b: {  	[sflag:s3] =	ssyncset.done $0x0  }
0x4c: {  	s28 =	rddreg [dreg:$0x10];
	[sflag:s3] =	ssyncadd.s32 $0xFFFFE980  }
0x4d: {  	[spmem:s28] =	stream.linear.scatter [tilespmem:s4], [sflag:$0x4], $0x1680, $0x38;
	[tilespmem:$0x1C940] =	vst v63  }
0x4e: {  	_ =	swait.ge [sflag:s3], $0x1680  }
0x4f: {  	[sflag:s3] =	ssyncset.done $0x0  }
0x50: {  	s29 =	rddreg [dreg:$0x11];
	[sflag:s3] =	ssyncadd.s32 $0xFFFFE980  }
0x51: {  	[spmem:s29] =	stream.linear.scatter [tilespmem:s4], [sflag:$0x4], $0x1680, $0x38;
	[tilespmem:$0x1C940] =	vst v63  }
0x52: {  	_ =	swait.ge [sflag:s3], $0x1680  }
0x53: {  	[sflag:s3] =	ssyncset.done $0x0  }
0x54: {  	s30 =	rddreg [dreg:$0x13];
	[sflag:s3] =	ssyncadd.s32 $0xFFFFE980  }
0x55: {  	[spmem:s30] =	stream.linear.scatter [tilespmem:s4], [sflag:$0x4], $0x1680, $0x38;
	[tilespmem:$0x1C940] =	vst v63  }
0x56: {  	_ =	swait.ge [sflag:s3], $0x1680  }
0x57: {  	[sflag:s3] =	ssyncset.done $0x0  }
0x58: {  	s31 =	rddreg [dreg:$0x14];
	[sflag:s3] =	ssyncadd.s32 $0xFFFFE980  }
0x59: {  	[spmem:s31] =	stream.linear.scatter [tilespmem:s4], [sflag:$0x4], $0x1680, $0x38;
	[tilespmem:$0x1C940] =	vst v63  }
0x5a: {  	_ =	swait.ge [sflag:s3], $0x1680  }
0x5b: {  	[sflag:s3] =	ssyncset.done $0x0  }
0x5c: {  	s21 =	rddreg [dreg:$0x15];
	[sflag:s3] =	ssyncadd.s32 $0xFFFFE980  }
0x5d: {  	[spmem:s21] =	stream.linear.scatter [tilespmem:s4], [sflag:$0x4], $0x1680, $0x38;
	[tilespmem:$0x1C940] =	vst v63  }
0x5e: {  	_ =	swait.ge [sflag:s3], $0x1680  }
0x5f: {  	[sflag:s3] =	ssyncset.done $0x0  }
0x60: {  	s22 =	rddreg [dreg:$0x16];
	[sflag:s3] =	ssyncadd.s32 $0xFFFFE980  }
0x61: {  	[spmem:s22] =	stream.linear.scatter [tilespmem:s4], [sflag:$0x4], $0x1680, $0x38;
	[tilespmem:$0x1C940] =	vst v63  }
0x62: {  	_ =	swait.ge [sflag:s3], $0x1680  }
0x63: {  	[sflag:s3] =	ssyncset.done $0x0  }
0x64: {  	s23 =	rddreg [dreg:$0x17];
	[sflag:s3] =	ssyncadd.s32 $0xFFFFE980  }
0x65: {  	[spmem:s23] =	stream.linear.scatter [tilespmem:s4], [sflag:$0x4], $0x1680, $0x38;
	[tilespmem:$0x1C940] =	vst v63  }
0x66: {  	_ =	swait.ge [sflag:s3], $0x1680  }
0x67: {  	[sflag:s3] =	ssyncset.done $0x0  }
0x68: {  	[sflag:s3] =	ssyncadd.s32 $0xFFFFE980  }
0x69: {  	[spmem:s0] =	stream.linear.scatter [tilespmem:s4], [sflag:$0x4], $0x1680, $0x38;
	[tilespmem:$0x1C940] =	vst v63  }
0x6a: {  	_ =	swait.ge [sflag:s3], $0x1680  }
0x6b: {  	[sflag:s3] =	ssyncset.done $0x0  }
0x6c: {  	[sflag:s3] =	ssyncadd.s32 $0xFFFFE980  }
0x6d: {  	[spmem:s1] =	stream.linear.scatter [tilespmem:s4], [sflag:$0x4], $0x1680, $0x38;
	[tilespmem:$0x1C940] =	vst v63  }
0x6e: {  	_ =	swait.ge [sflag:s3], $0x1680  }
0x6f: {  	[sflag:s3] =	ssyncset.done $0x0  }
0x70: {  	[sflag:s3] =	ssyncadd.s32 $0xFFFFE980  }
0x71: {  	[bflag:$0x0] =	sbarrier.arrive $0xFFFF  }
0x72: {  	s23 =	simm.s32 $0x0;
	s24 =	rddreg [dreg:$0x1]  }
0x73: {  	[tilespmem:s10], [sflag:$0x4] =	stream.linear.gather [hbm4b:s24+s23], $0x10, $0x38;
	[tilespmem:$0x1C940] =	vst v63  }
0x74: {  	_ =	swait.ge [sflag:s3], $0x10  }
0x75: {  	[sflag:s3] =	ssyncset.done $0x0  }
0x76: {  	[sflag:s3] =	ssyncadd.s32 $0xFFFFFFF0  }
0x77: {  	s25 =	rddreg [dreg:$0x4];
	v6 =	vld.idx.msk [tilespmem:v1+s10+$0x0], $0xffff  }
0x78: {  	v7 =	vld.idx.msk [tilespmem:v2+s10+$0x0], $0xffff;
	[tilespmem:s23], [sflag:$0x2] =	stream.linear.gather [hbm4b:s25+s23], $0x28, $0x38  }
0x79: {  	s28 =	simm.s32 $0x78;
	s26 =	rddreg [dreg:$0x5]  }
0x7a: {  	[tilespmem:s28], [sflag:$0x2] =	stream.linear.gather [hbm4b:s26+s23], $0x28, $0x38;
	[tilespmem:$0x1C940] =	vst v63  }
0x7b: {  	_ =	swait.ge [sflag:s12], $0x28  }
0x7c: {  	[sflag:s12] =	ssyncset.done $0x0  }
0x7d: {  	[sflag:s12] =	ssyncadd.s32 $0xFFFFFFD8  }
0x7e: {  	_ =	swait.ge [sflag:s12], $0x28  }
0x7f: {  	[sflag:s12] =	ssyncset.done $0x0  }
0x80: {  	[sflag:s12] =	ssyncadd.s32 $0xFFFFFFD8  }
0x81: {  	[tilespmem:s14], [sflag:$0x1] =	stream.indirect.gather [hbm4b:s7+s13], $0x90, s23, s13, $0xb8;
	[tilespmem:$0x1C940] =	vst v63  }
0x82: {  	_ = 	snop  }
0x83: {  	v6 =	vadd.f32 v7, v6;
	[tilespmem:s16], [sflag:$0x1] =	stream.indirect.gather [hbm4b:s9+s13], $0x10, s28, s13, $0xb8;
	[tilespmem:$0x1C940] =	vst v63  }
0x84: {  	s29 =	rddreg [dreg:$0x6]  }
0x85: {  	v7 =	vmul.f32 $2.000000030e-01, v6;
	[tilespmem:s13], [sflag:$0x2] =	stream.linear.gather [hbm4b:s29+s23], $0x28, $0x38;
	[tilespmem:$0x1C940] =	vst v63  }
0x86: {  	p0 =	por $0x0, $0x0;
	s31 =	simm.s32 $0xA0;
	s30 =	rddreg [dreg:$0x7];
	vm1 =	vge.f32 v6, $0.0e+00  }
0x87: {  	v6 =	vsel vm1, v6, v7;
	[tilespmem:s31], [sflag:$0x2] =	stream.linear.gather [hbm4b:s30+s23], $0x28, $0x38;
	[tilespmem:$0x1C940] =	vst v63  }
.LBB2_4:
0x88: {  	s21 =	sadd.s32 $0x1, s23;
	p1 =	seq.s32 s23, $0xF9;
	_ =	swait.ge [sflag:s17], $0x1680  }
0x89: {  	s11 =	sand.u32 @!p1 $0xFF, s21;
	[sflag:s17] =	ssyncset.done $0x0  }
0x8a: {  	s11 =	smul.u32 @!p1 $0xAB, s11;
	[sflag:s17] =	ssyncadd.s32 $0xFFFFE980  }
0x8b: {  	_ =	swait.ge [sflag:s17], $0x280  }
0x8c: {  	s22 =	sand.u32 $0x1, s23;
	s11 =	sshrl.u32 @!p1 s11, $0x9;
	[sflag:s17] =	ssyncset.done $0x0  }
0x8d: {  	s24 =	simm.s32 @!p1 $0x2;
	s11 =	smul.u32 @!p1 $0x3, s11;
	[sflag:s17] =	ssyncadd.s32 $0xFFFFFD80  }
0x8e: {  	s25 =	sxor.u32 @!p1 $0x1, s22;
	_ =	swait.ge @!p1 [sflag:s24], $0x28  }
0x8f: {  	s26 =	smul.u32 @!p1 $0x5A00, s25;
	s11 =	ssub.s32 @!p1 s21, s11;
	[sflag:s24] =	ssyncset.done @!p1 $0x0  }
0x90: {  	s11 =	smul.u32 @!p1 $0x28, s11;
	[sflag:s24] =	ssyncadd.s32 @!p1 $0xFFFFFFD8  }
0x91: {  	_ =	swait.ge @!p1 [sflag:s24], $0x28  }
0x92: {  	s26 =	sshrl.u32 @!p1 s26, $0x2;
	s11 =	sand.u32 @!p1 $0xF8, s11;
	[sflag:s24] =	ssyncset.done @!p1 $0x0  }
0x93: {  	[sflag:s24] =	ssyncadd.s32 @!p1 $0xFFFFFFD8;
	s24 =	sadd.s32 @!p1 $0xF0, s26;
	s26 =	simm.s32 @!p1 $0x28  }
0x94: {  	[tilespmem:s24], [sflag:$0x1] =	stream.indirect.gather @!p1 [hbm4b:s7+s26], $0x90, s11, s26, $0xb8;
	[tilespmem:$0x1C940] =	vst v63  }
0x95: {  	p2 =	sgt.u32 @!p1 s23, $0xF7;
	s24 =	smul.u32 @!p1 $0xA00, s25  }
0x96: {  	p2 =	por p1, p2  }
0x97: {  	s25 =	sadd.s32 @!p2 $0x2, s23;
	s24 =	sshrl.u32 @!p1 s24, $0x2  }
0x98: {  	s11 =	sadd.s32 @!p1 $0x78, s11;
	s28 =	smul.u32 @!p2 $0xAB, s25;
	s24 =	sadd.s32 @!p1 $0x2DF0, s24  }
0x99: {  	[tilespmem:s24], [sflag:$0x1] =	stream.indirect.gather @!p1 [hbm4b:s9+s26], $0x10, s11, s26, $0xb8;
	[tilespmem:$0x1C940] =	vst v63  }
0x9a: {  	s11 =	sshrl.u32 @!p2 s28, $0x9  }
0x9b: {  	s11 =	sand.u32 @!p2 $0x7F, s11  }
0x9c: {  	s11 =	smul.u32 @!p2 $0x3, s11  }
0x9d: {  	s24 =	smul.u32 @!p2 $0x28, s25  }
0x9e: {  	s11 =	ssub.s32 @!p2 s25, s11  }
0x9f: {  	s24 =	sadd.s32 @!p2 s8, s24;
	s11 =	smul.u32 @!p2 $0x28, s11  }
0xa0: {  	s24 =	sshrl.u32 @!p2 s24, $0x3  }
0xa1: {  	s26 =	simm.s32 @!p2 $0x0;
	s25 =	sadd.s32 @!p2 s5, s24;
	s11 =	sand.u32 @!p2 $0xF8, s11  }
0xa2: {  	[tilespmem:s11], [sflag:$0x2] =	stream.linear.gather @!p2 [hbm4b:s25+s26], $0x28, $0x38;
	[tilespmem:$0x1C940] =	vst v63  }
0xa3: {  	s24 =	sadd.s32 @!p2 s6, s24;
	s11 =	sadd.s32 @!p2 $0x78, s11  }
0xa4: {  	[tilespmem:s11], [sflag:$0x2] =	stream.linear.gather @!p2 [hbm4b:s24+s26], $0x28, $0x38;
	[tilespmem:$0x1C940] =	vst v63  }
0xa5: {  	s11 =	simm.s32 $0x1  }
0xa6: {  	s11 =	simm.s32 @!p0 $0x0  }
0xa7: {  	s28 =	smul.u32 $0x28, s11;
	_ =	sdelay $0x1  }
0xa8: {  	v7 =	vor.u32 s28, v3  }
0xa9: {  	v8 =	vmul.u32 $0x90, v7;
	v7 =	vshll.u32 v7, $0x4  }
0xaa: {  	p1 =	slt.u32 @!p2 s23, $0x2;
	v7 =	vor.u32 v1, v7  }
0xab: {  	p1 =	por p2, !p1;
	v8 =	vadd.s32 v4, v8  }
0xac: {  	_ =	swait.ge @p1 [sflag:s18], $0x1680  }
0xad: {  	[sflag:s18] =	ssyncset.done @p1 $0x0  }
0xae: {  	[sflag:s18] =	ssyncadd.s32 @p1 $0xFFFFE980  }
0xaf: {  	v7 =	vld.idx.msk [tilespmem:v7+s16+$0x0], $0xffff  }
0xb0: {  	v8 =	vld.idx.msk [tilespmem:v8+s14+$0x0], $0xffff;
	_ =	sdelay $0x4  }
0xb1: {  	v7 =	vadd.f32 v7, v8;
	_ =	sdelay $0x1  }
0xb2: {  	v8 =	vmul.f32 $2.000000030e-01, v7  }
0xb3: {  	vm1 =	vge.f32 v7, $0.0e+00  }
0xb4: {  	v7 =	vsel vm1, v7, v8  }
0xb5: {  	v7 =	vsub.f32 v7, v6  }
0xb6: {  	s26 =	smul.u32 $0xAB, s23  }
0xb7: {  	v7 =	vmul.f32 $1.442695020e+00, v7  }
0xb8: {  	s24 =	sshrl.u32 s26, $0x9  }
0xb9: {  	s11 =	smul.u32 $0x5A00, s11;
	s24 =	sand.u32 $0x7F, s24;
	(erf) = vpow2.f32 v7  }
0xba: {  	s30 =	simm.s32 $0x80;
	s31 =	smul.u32 $0x3, s24  }
0xbb: {  	s29 =	simm.s32 $0x0;
	s26 =	simm.s32 $0x0;
	s11 =	sshrl.u32 s11, $0x2  }
0xbc: {  	s28 =	sadd.s32 $0x2, s28;
	s25 =	sadd.s32 $0x130, s11;
	s31 =	ssub.s32 s23, s31  }
0xbd: {  	s24 =	sadd.s32 $0x3470, s11;
	s11 =	simm.s32 $0x40;
	s23 =	sand.u32 $0xFF, s31;
	v7 =	vor.u32 s28, v3  }
.LBB2_5:
0xbe: {  	p1 =	sne.s32 s30, $0x4C0;
	v8 =	vmul.u32 $0x90, v7;
	v7 =	vshll.u32 v7, $0x4  }
0xbf: {  	v7 =	vor.u32 v1, v7  }
0xc0: {  	v8 =	vadd.s32 v4, v8;
	_ =	sdelay $0x1  }
0xc1: {  	s31 =	sshra.s32 s29, $0x2;
	s29 =	smov.u32 s11;
	s11 =	smov.u32 s30;
	v9 =	vpop (erf)  }
0xc2: {  	[tilespmem:s31+$0x32F0] =	vst v9  }
0xc3: {  	v7 =	vld.idx.msk [tilespmem:v7+s16+$0x0], $0xffff  }
0xc4: {  	v8 =	vld.idx.msk [tilespmem:v8+s14+$0x0], $0xffff;
	_ =	sdelay $0x5  }
0xc5: {  	v7 =	vadd.f32 v7, v8;
	_ =	sdelay $0x1  }
0xc6: {  	v8 =	vmul.f32 $2.000000030e-01, v7  }
0xc7: {  	vm1 =	vge.f32 v7, $0.0e+00  }
0xc8: {  	v7 =	vsel vm1, v7, v8  }
0xc9: {  	v7 =	vsub.f32 v7, v6;
	_ =	sdelay $0x1  }
0xca: {  	v7 =	vmul.f32 $1.442695020e+00, v7;
	_ =	sdelay $0x1  }
.Ltmp1:
0xcb: {  	(erf) = vpow2.f32 v7;
	(pc) =	sbr.rel @p1 .LBB2_5-.Ltmp1, $3  }
0xcc: {  	_ =	sdelay $0x1  }
0xcd: {  	s28 =	sadd.s32 $0x2, s28  }
0xce: {  	s30 =	sadd.s32 $0x40, s30;
	v7 =	vor.u32 s28, v3  }
0xcf: {  	v8 =	vmul.u32 $0x90, v7;
	v7 =	vshll.u32 v7, $0x4  }
0xd0: {  	v7 =	vor.u32 v1, v7  }
0xd1: {  	v8 =	vadd.s32 v4, v8;
	_ =	sdelay $0x1  }
0xd2: {  	s28 =	sshra.s32 s29, $0x2;
	v9 =	vpop (erf)  }
0xd3: {  	[tilespmem:s28+$0x32F0] =	vst v9  }
0xd4: {  	v7 =	vld.idx.msk [tilespmem:v7+s16+$0x0], $0xffff  }
0xd5: {  	v8 =	vld.idx.msk [tilespmem:v8+s14+$0x0], $0xffff;
	_ =	sdelay $0x4  }
0xd6: {  	v7 =	vadd.f32 v7, v8;
	_ =	sdelay $0x1  }
0xd7: {  	v8 =	vmul.f32 $2.000000030e-01, v7  }
0xd8: {  	vm1 =	vge.f32 v7, $0.0e+00  }
0xd9: {  	v7 =	vsel vm1, v7, v8  }
0xda: {  	v7 =	vsub.f32 v7, v6;
	_ =	sdelay $0x1  }
0xdb: {  	v7 =	vmul.f32 $1.442695020e+00, v7;
	_ =	sdelay $0x1  }
0xdc: {  	(erf) = vpow2.f32 v7;
	_ =	sdelay $0x5  }
0xdd: {  	v7 =	vmov s26;
	_ =	sdelay $0x2  }
0xde: {  	s11 =	sshra.s32 s11, $0x2;
	v8 =	vpop (erf)  }
0xdf: {  	[tilespmem:s11+$0x32F0] =	vst v8  }
0xe0: {  	v8 =	vshrl.u32 v7, $0x3;
	v7 =	vld.idx.msk [tilespmem:v7+s19+$0x0], $0xffff  }
0xe1: {  	v8 =	vshll.u32 v8, v5;
	v9 =	vld [tilespmem:s25+$0xFFFFFFC0]  }
0xe2: {  	v10 =	vadd.s32 $0x1, v8  }
0xe3: {  	v10 =	vbroadcast v10, $0x0;
	_ =	sdelay $0x2  }
0xe4: {  	v7 =	vmul.f32 v9, v7;
	_ =	sdelay $0x1  }
0xe5: {  	[tilespmem:s24+$0xFFFFFFC0] =	vst v7  }
0xe6: {  	v7 =	vld.idx.msk [tilespmem:v10+s19+$0x0], $0xffff  }
0xe7: {  	v9 =	vld [tilespmem:s25+$0xFFFFFFD0]  }
0xe8: {  	v10 =	vadd.s32 $0x2, v8  }
0xe9: {  	v10 =	vbroadcast v10, $0x0;
	_ =	sdelay $0x2  }
0xea: {  	v7 =	vmul.f32 v9, v7;
	_ =	sdelay $0x1  }
0xeb: {  	[tilespmem:s24+$0xFFFFFFD0] =	vst v7  }
0xec: {  	v7 =	vld.idx.msk [tilespmem:v10+s19+$0x0], $0xffff  }
0xed: {  	v9 =	vld [tilespmem:s25+$0xFFFFFFE0]  }
0xee: {  	v10 =	vadd.s32 $0x3, v8  }
0xef: {  	v10 =	vbroadcast v10, $0x0;
	_ =	sdelay $0x2  }
0xf0: {  	v7 =	vmul.f32 v9, v7;
	_ =	sdelay $0x1  }
0xf1: {  	[tilespmem:s24+$0xFFFFFFE0] =	vst v7  }
0xf2: {  	v7 =	vld.idx.msk [tilespmem:v10+s19+$0x0], $0xffff  }
0xf3: {  	v9 =	vld [tilespmem:s25+$0xFFFFFFF0]  }
0xf4: {  	v10 =	vadd.s32 $0x4, v8  }
0xf5: {  	v10 =	vbroadcast v10, $0x0;
	_ =	sdelay $0x2  }
0xf6: {  	v7 =	vmul.f32 v9, v7;
	_ =	sdelay $0x1  }
0xf7: {  	[tilespmem:s24+$0xFFFFFFF0] =	vst v7  }
0xf8: {  	v7 =	vld.idx.msk [tilespmem:v10+s19+$0x0], $0xffff  }
0xf9: {  	v9 =	vld [tilespmem:s25+$0x0]  }
0xfa: {  	v10 =	vadd.s32 $0x5, v8  }
0xfb: {  	v10 =	vbroadcast v10, $0x0;
	_ =	sdelay $0x2  }
0xfc: {  	v7 =	vmul.f32 v9, v7;
	_ =	sdelay $0x1  }
0xfd: {  	[tilespmem:s24+$0x0] =	vst v7  }
0xfe: {  	v7 =	vld.idx.msk [tilespmem:v10+s19+$0x0], $0xffff  }
0xff: {  	v9 =	vld [tilespmem:s25+$0x10]  }
0x100: {  	v10 =	vadd.s32 $0x6, v8  }
0x101: {  	v10 =	vbroadcast v10, $0x0;
	_ =	sdelay $0x2  }
0x102: {  	v7 =	vmul.f32 v9, v7;
	_ =	sdelay $0x1  }
0x103: {  	[tilespmem:s24+$0x10] =	vst v7  }
0x104: {  	v7 =	vld.idx.msk [tilespmem:v10+s19+$0x0], $0xffff  }
0x105: {  	v9 =	vld [tilespmem:s25+$0x20]  }
0x106: {  	v8 =	vadd.s32 $0x7, v8  }
0x107: {  	v8 =	vbroadcast v8, $0x0;
	_ =	sdelay $0x2  }
0x108: {  	v7 =	vmul.f32 v9, v7;
	_ =	sdelay $0x1  }
0x109: {  	[tilespmem:s24+$0x20] =	vst v7  }
0x10a: {  	v7 =	vld.idx.msk [tilespmem:v8+s19+$0x0], $0xffff  }
0x10b: {  	v8 =	vld [tilespmem:s25+$0x30];
	_ =	sdelay $0x2  }
0x10c: {  	v9 =	vor.u32 s26, v1;
	_ =	sdelay $0x1  }
0x10d: {  	v7 =	vmul.f32 v8, v7;
	_ =	sdelay $0x1  }
0x10e: {  	[tilespmem:s24+$0x30] =	vst v7  }
0x10f: {  	v11 =	vld.idx.msk [tilespmem:v9+s19+$0x0], $0xffff  }
0x110: {  	s26 =	simm.s32 $0x8  }
0x111: {  	v9 =	vmov s26  }
0x112: {  	v7 =	vshrl.u32 v9, $0x3  }
0x113: {  	v7 =	vshll.u32 v7, v5  }
0x114: {  	s29 =	simm.s32 $0x10;
	v10 =	vadd.s32 $0x1, v7;
	v8 =	vadd.s32 $0x2, v7;
	v11 =	vnsel vm0, $0x0, v11  }
.LBB2_7:
0x115: {  	s25 =	sadd.s32 $0x90, s25  }
0x116: {  	v12 =	vadd.s32 $0x3, v7;
	v13 =	vadd.s32 $0x4, v7;
	v14 =	vadd.s32 $0x5, v7;
	[tilespmem:s24+$0x40] =	vst v11;
	s24 =	sadd.s32 $0x90, s24;
	s11 =	smov.u32 s29;
	s28 =	sadd.s32 $0x8, s29  }
0x117: {  	p1 =	sne.s32 s29, $0x138;
	v11 =	vadd.s32 $0x6, v7;
	v7 =	vadd.s32 $0x7, v7;
	v9 =	vld.idx.msk [tilespmem:v9+s19+$0x0], $0xffff  }
0x118: {  	v15 =	vld [tilespmem:s25+$0xFFFFFFC0];
	_ =	sdelay $0x1  }
0x119: {  	v10 =	vbroadcast v10, $0x0;
	_ =	sdelay $0x2  }
0x11a: {  	v9 =	vmul.f32 v15, v9;
	_ =	sdelay $0x1  }
0x11b: {  	[tilespmem:s24+$0xFFFFFFC0] =	vst v9  }
0x11c: {  	v9 =	vld.idx.msk [tilespmem:v10+s19+$0x0], $0xffff  }
0x11d: {  	v10 =	vld [tilespmem:s25+$0xFFFFFFD0];
	_ =	sdelay $0x1  }
0x11e: {  	v8 =	vbroadcast v8, $0x0;
	_ =	sdelay $0x2  }
0x11f: {  	v9 =	vmul.f32 v10, v9;
	_ =	sdelay $0x1  }
0x120: {  	[tilespmem:s24+$0xFFFFFFD0] =	vst v9  }
0x121: {  	v8 =	vld.idx.msk [tilespmem:v8+s19+$0x0], $0xffff  }
0x122: {  	v9 =	vld [tilespmem:s25+$0xFFFFFFE0];
	_ =	sdelay $0x1  }
0x123: {  	v10 =	vbroadcast v12, $0x0;
	_ =	sdelay $0x2  }
0x124: {  	v8 =	vmul.f32 v9, v8;
	_ =	sdelay $0x1  }
0x125: {  	[tilespmem:s24+$0xFFFFFFE0] =	vst v8  }
0x126: {  	v8 =	vld.idx.msk [tilespmem:v10+s19+$0x0], $0xffff  }
0x127: {  	v9 =	vld [tilespmem:s25+$0xFFFFFFF0];
	_ =	sdelay $0x1  }
0x128: {  	v10 =	vbroadcast v13, $0x0;
	_ =	sdelay $0x2  }
0x129: {  	v8 =	vmul.f32 v9, v8;
	_ =	sdelay $0x1  }
0x12a: {  	[tilespmem:s24+$0xFFFFFFF0] =	vst v8  }
0x12b: {  	v8 =	vld.idx.msk [tilespmem:v10+s19+$0x0], $0xffff  }
0x12c: {  	v9 =	vld [tilespmem:s25+$0x0];
	_ =	sdelay $0x1  }
0x12d: {  	v10 =	vbroadcast v14, $0x0;
	_ =	sdelay $0x2  }
0x12e: {  	v8 =	vmul.f32 v9, v8;
	_ =	sdelay $0x1  }
0x12f: {  	[tilespmem:s24+$0x0] =	vst v8  }
0x130: {  	v8 =	vld.idx.msk [tilespmem:v10+s19+$0x0], $0xffff  }
0x131: {  	v9 =	vld [tilespmem:s25+$0x10];
	_ =	sdelay $0x1  }
0x132: {  	v10 =	vbroadcast v11, $0x0;
	_ =	sdelay $0x2  }
0x133: {  	v8 =	vmul.f32 v9, v8;
	_ =	sdelay $0x1  }
0x134: {  	[tilespmem:s24+$0x10] =	vst v8  }
0x135: {  	v8 =	vld.idx.msk [tilespmem:v10+s19+$0x0], $0xffff  }
0x136: {  	v9 =	vld [tilespmem:s25+$0x20];
	_ =	sdelay $0x1  }
0x137: {  	v7 =	vbroadcast v7, $0x0;
	_ =	sdelay $0x2  }
0x138: {  	v8 =	vmul.f32 v9, v8;
	_ =	sdelay $0x1  }
0x139: {  	[tilespmem:s24+$0x20] =	vst v8  }
0x13a: {  	v7 =	vld.idx.msk [tilespmem:v7+s19+$0x0], $0xffff  }
0x13b: {  	v8 =	vld [tilespmem:s25+$0x30];
	_ =	sdelay $0x2  }
0x13c: {  	v9 =	vor.u32 s26, v1;
	s26 =	smov.u32 s11;
	_ =	sdelay $0x1  }
0x13d: {  	v7 =	vmul.f32 v8, v7;
	_ =	sdelay $0x1  }
0x13e: {  	[tilespmem:s24+$0x30] =	vst v7  }
0x13f: {  	v11 =	vld.idx.msk [tilespmem:v9+s19+$0x0], $0xffff;
	_ =	sdelay $0x1  }
.Ltmp2:
0x140: {  	(pc) =	sbr.rel @p1 .LBB2_7-.Ltmp2, $4  }
0x141: {  	v9 =	vmov s26  }
0x142: {  	v7 =	vshrl.u32 v9, $0x3  }
0x143: {  	v7 =	vshll.u32 v7, v5  }
0x144: {  	s29 =	smov.u32 s28;
	v10 =	vadd.s32 $0x1, v7;
	v8 =	vadd.s32 $0x2, v7;
	v11 =	vnsel vm0, $0x0, v11  }
0x145: {  	_ =	sdelay $0x2  }
0x146: {  	[tilespmem:s24+$0x40] =	vst v11  }
0x147: {  	s11 =	sadd.s32 $0x90, s25;
	v9 =	vld.idx.msk [tilespmem:v9+s19+$0x0], $0xffff  }
0x148: {  	v11 =	vld [tilespmem:s11+$0xFFFFFFC0];
	_ =	sdelay $0x1  }
0x149: {  	v10 =	vbroadcast v10, $0x0;
	_ =	sdelay $0x2  }
0x14a: {  	v9 =	vmul.f32 v11, v9  }
0x14b: {  	s29 =	sadd.s32 $0x90, s24  }
0x14c: {  	[tilespmem:s29+$0xFFFFFFC0] =	vst v9  }
0x14d: {  	v9 =	vld.idx.msk [tilespmem:v10+s19+$0x0], $0xffff  }
0x14e: {  	v54 =	vld [tilespmem:s11+$0xFFFFFFD0];
	_ =	sdelay $0x1  }
0x14f: {  	v8 =	vbroadcast v8, $0x0;
	_ =	sdelay $0x2  }
0x150: {  	v9 =	vmul.f32 v54, v9;
	_ =	sdelay $0x1  }
0x151: {  	[tilespmem:s29+$0xFFFFFFD0] =	vst v9  }
0x152: {  	v8 =	vld.idx.msk [tilespmem:v8+s19+$0x0], $0xffff  }
0x153: {  	v9 =	vld [tilespmem:s11+$0xFFFFFFE0]  }
0x154: {  	v55 =	vadd.s32 $0x3, v7  }
0x155: {  	v10 =	vbroadcast v55, $0x0;
	_ =	sdelay $0x2  }
0x156: {  	v8 =	vmul.f32 v9, v8;
	_ =	sdelay $0x1  }
0x157: {  	[tilespmem:s29+$0xFFFFFFE0] =	vst v8  }
0x158: {  	v8 =	vld.idx.msk [tilespmem:v10+s19+$0x0], $0xffff  }
0x159: {  	v56 =	vld [tilespmem:s11+$0xFFFFFFF0]  }
0x15a: {  	v57 =	vadd.s32 $0x4, v7  }
0x15b: {  	v10 =	vbroadcast v57, $0x0;
	_ =	sdelay $0x2  }
0x15c: {  	v8 =	vmul.f32 v56, v8;
	_ =	sdelay $0x1  }
0x15d: {  	[tilespmem:s29+$0xFFFFFFF0] =	vst v8  }
0x15e: {  	v8 =	vld.idx.msk [tilespmem:v10+s19+$0x0], $0xffff  }
0x15f: {  	v58 =	vld [tilespmem:s11+$0x0]  }
0x160: {  	v59 =	vadd.s32 $0x5, v7  }
0x161: {  	v10 =	vbroadcast v59, $0x0;
	_ =	sdelay $0x2  }
0x162: {  	v8 =	vmul.f32 v58, v8;
	_ =	sdelay $0x1  }
0x163: {  	[tilespmem:s29+$0x0] =	vst v8  }
0x164: {  	v8 =	vld.idx.msk [tilespmem:v10+s19+$0x0], $0xffff  }
0x165: {  	v60 =	vld [tilespmem:s11+$0x10]  }
0x166: {  	v61 =	vadd.s32 $0x6, v7  }
0x167: {  	v10 =	vbroadcast v61, $0x0;
	_ =	sdelay $0x2  }
0x168: {  	v8 =	vmul.f32 v60, v8;
	_ =	sdelay $0x1  }
0x169: {  	[tilespmem:s29+$0x10] =	vst v8  }
0x16a: {  	v8 =	vld.idx.msk [tilespmem:v10+s19+$0x0], $0xffff  }
0x16b: {  	v62 =	vld [tilespmem:s11+$0x20]  }
0x16c: {  	v7 =	vadd.s32 $0x7, v7  }
0x16d: {  	v7 =	vbroadcast v7, $0x0;
	_ =	sdelay $0x2  }
0x16e: {  	v8 =	vmul.f32 v62, v8;
	_ =	sdelay $0x1  }
0x16f: {  	[tilespmem:s29+$0x20] =	vst v8  }
0x170: {  	v7 =	vld.idx.msk [tilespmem:v7+s19+$0x0], $0xffff  }
0x171: {  	v8 =	vld [tilespmem:s11+$0x30];
	_ =	sdelay $0x2  }
0x172: {  	v63 =	vor.u32 s26, v1;
	_ =	sdelay $0x1  }
0x173: {  	v7 =	vmul.f32 v8, v7;
	_ =	sdelay $0x1  }
0x174: {  	[tilespmem:s29+$0x30] =	vst v7  }
0x175: {  	v7 =	vld.idx.msk [tilespmem:v63+s19+$0x0], $0xffff  }
0x176: {  	s30 =	smul.u32 $0x5A00, s22  }
0x177: {  	s31 =	smul.u32 $0xA0, s23;
	p1 =	sne.s32 s21, $0xFA  }
.Ltmp3:
0x178: {  	_ = 	snop;
	(pc) =	sbr.rel @p1 .LBB2_4-.Ltmp3, $4  }
0x179: {  	_ = 	snop  }
0x17a: {  	p0 =	por !p0, !p0;
	s22 =	sshrl.u32 s31, $0x2;
	s11 =	sshrl.u32 s30, $0x2;
	v7 =	vnsel vm0, $0x0, v7  }
0x17b: {  	s23 =	smov.u32 s21;
	s22 =	sadd.s32 $0x78, s22;
	s11 =	sadd.s32 $0x3430, s11;
	[tilespmem:s29+$0x40] =	vst v7  }
0x17c: {  	[spmem:s2] =	stream.indirect.scatter.add.f32 [tilespmem:s11], [sflag:$0x3], $0x90, s22, s13, $0xb8;
	[tilespmem:$0x1C940] =	vst v63  }
0x17d: {  	_ =	swait.ge [sflag:s18], $0x1680  }
0x17e: {  	[sflag:s18] =	ssyncset.done $0x0  }
0x17f: {  	[sflag:s18] =	ssyncadd.s32 $0xFFFFE980  }
0x180: {  	_ =	swait.ge [sflag:s18], $0x1680  }
0x181: {  	[sflag:s18] =	ssyncset.done $0x0  }
0x182: {  	[sflag:s18] =	ssyncadd.s32 $0xFFFFE980  }
0x183: {  	s11 =	stileid.u32;
	[bflag:$0x0] =	sbarrier.arrive $0xFFFF  }
0x184: {  	s11 =	sshll.u32 s11, $0x6;
	s21 =	rddreg [dreg:$0x8]  }
0x185: {  	s11 =	sor.u32 $0x1C04, s11;
	s22 =	rddreg [dreg:$0x12]  }
0x186: {  	[hbm:s21], [sflag:s11] =	dma.local [spmem:s22], $0x2D00  }
0x187: {  	_ =	swait.ge [sflag:s3], $0x2D00  }
0x188: {  	s20 =	sadd.s32 $0x1, s20;
	s31 =	rddreg [dreg:$0x9]  }
0x189: {  	p0 =	sne.s32 s20, s31  }
.Ltmp4:
0x18a: {  	_ = 	snop;
	(pc) =	sbr.rel @p0 .LBB2_1-.Ltmp4, $3  }
0x18b: {  	_ =	sdelay $0x1  }
0x18c: {  	[sflag:s3] =	ssyncset.done $0x0  }
0x18d: {  	[sflag:s3] =	ssyncadd.s32 $0xFFFFD300  }
0x18e: {  	_ =	sfence.sel $0x180000  }
0x18f: {  	[bflag:$0x0] =	sbarrier.arrive $0xFFFF  }
0x190: {  	_ =	strace $0x9000004A  }
0x191: {  	s0 =	stileid.u32;
	[bflag:$0x2] =	sbarrier.arrive $0xFFFF  }
0x192: {  	p0 =	sne.s32 s0, $0x0;
	s0 =	rddreg [dreg:$0x3]  }
0x193: {  	s0 =	sadd.s32 @!p0 $0x100000, s0  }
0x194: {  	[sflag:s0] =	ssyncadd.tile.s32 @!p0 $0x1;
	_ =	shalt  }
.Lfunc_end2:
_tile_overlayer_lowered:
.L_overlay_start_2:
0x195: {  	(tag) =	ssettag $0x2  }
0x196: {  	s0 =	rddreg [dreg:$0x0];
	s2 =	stileid.u32  }
0x197: {  	s1 =	rddreg [dreg:$0x1];
	p0 =	sne.s32 s2, $0x0  }
0x198: {  	s3 =	rddreg [dreg:$0x2];
	[bflag:$0x3] =	sbarrier.arrive $0xFFFF;
	s2 =	simm.s32 @!p0 $0x1C04  }
0x199: {  	[timem:s3], [sflag:s2] =	dma.local @!p0 [hbm:s0], s1  }
0x19a: {  	s0 =	simm.s32 @!p0 $0x4  }
0x19b: {  	_ =	swait.ge @!p0 [sflag:s0], s1  }
0x19c: {  	s1 =	ssub.s32 @!p0 $0x0, s1;
	[sflag:s0] =	ssyncset.done @!p0 $0x0  }
0x19d: {  	[sflag:s0] =	ssyncadd.s32 @!p0 s1  }
0x19e: {  	[bflag:$0x3] =	sbarrier.arrive $0xFFFF  }
0x19f: {  	_ =	shalt  }

// kernel: kernel.17.cloned.1.call-start
scs
__scs_entry_jumppad:
0x0: {  	(pc) =	sbr.rel $0x88, $3  }
0x1: {  	(tag) =	ssettag $0x0;
	lr =	simm.s32 $0x1  }
0x2: {  	[smem:$0x3F88] =	sst lr;
	_ =	strace $0xD0000000  }
0x3: {  	_ = 	snop  }
0x4: {  	_ = 	snop  }
0x5: {  	_ = 	snop  }
0x6: {  	_ = 	snop  }
0x7: {  	_ = 	snop  }
__scs_overlays_trampoline_lowered:
0x8: {  	[smem:$0x3F97] =	sst s0  }
0x9: {  	[smem:$0x3F98] =	sst s1  }
0xa: {  	[smem:$0x3F99] =	sst s2  }
0xb: {  	[smem:$0x3F9A] =	sst s3  }
0xc: {  	[smem:$0x3F9B] =	sst s4  }
0xd: {  	[smem:$0x3F9C] =	sst s5  }
0xe: {  	[smem:$0x3F9D] =	sst s6  }
0xf: {  	[smem:$0x3F9E] =	sst s7  }
0x10: {  	[smem:$0x3F9F] =	sst s8  }
0x11: {  	[smem:$0x3FA0] =	sst s9;
	s0 =	simm.s32 @!p0 $0x0  }
0x12: {  	s1 =	sld [smem:$0x3F86];
	s0 =	simm.s32 @p0 $0x1  }
0x13: {  	[smem:$0x3FA1] =	sst s0;
	s0 =	simm.s32 @!p1 $0x0  }
0x14: {  	s2 =	sld [smem:$0x3F85];
	s0 =	simm.s32 @p1 $0x1  }
0x15: {  	[smem:$0x3FA2] =	sst s0;
	s0 =	simm.s32 @!p2 $0x0  }
0x16: {  	s3 =	sld [smem:$0x3FDB];
	s0 =	simm.s32 @p2 $0x1  }
0x17: {  	s4 =	simm.s32 $0x1BF5;
	[smem:$0x3FA4] =	sst s0  }
0x18: {  	s0 =	sld [smem:$0x3F87];
	_ =	swait.ge [sflag:s4], $0x0  }
0x19: {  	s7 =	sld [smem:$0x3F88]  }
0x1a: {  	s8 =	sadd.s32 $0xFFFFE003, lr  }
0x1b: {  	s9 =	sadd.s32 $0xFFFFFEF7, lr;
	s5 =	simm.s32 $0xFFFFFFFF;
	p2 =	slt.u32 s8, $0xFFFFF086  }
0x1c: {  	p1 =	slt.u32 s9, $0xF7A;
	s5 =	simm.s32 @!p2 $0x0  }
0x1d: {  	s5 =	simm.s32 @p1 $0x1;
	p0 =	seq.s32 s7, s2  }
0x1e: {  	s7 =	smul.u32 @!p0 $0xF7A, s2;
	p2 =	seq.s32 @!p0 s5, $0x0  }
0x1f: {  	s9 =	smul.u32 $0xF7A, s1;
	s8 =	simm.s32 @!p0 $0x1BF5;
	p2 =	por !p2, p0  }
0x20: {  	[sflag:s8] =	ssyncset.s32 @!p0 $0xFFFFF086;
	s6 =	sadd.s32 @!p0 s3, s7;
	s7 =	simm.s32 @!p0 $0x108  }
0x21: {  	s3 =	sadd.s32 s3, s9;
	s6 =	sadd.s32 @!p0 $0x88, s6;
	s7 =	simm.s32 @p2 $0x1082  }
0x22: {  	[simem:s7], [sflag:s8] =	dma.local @!p0 [hbm:s6], $0xF7A  }
0x23: {  	s9 =	sor.u32 $0xD0000000, s2;
	s6 =	simm.s32 $0x108;
	_ =	swait.ge @!p0 [sflag:s8], $0x0  }
0x24: {  	s3 =	sadd.s32 $0x88, s3;
	s6 =	simm.s32 @!p1 $0x1082;
	[sflag:s4] =	ssyncset.s32 $0xFFFFF086  }
0x25: {  	[simem:s6], [sflag:s4] =	dma.local [hbm:s3], $0xF7A  }
0x26: {  	[smem:$0x3F88] =	sst s1;
	(tag) =	ssettag s2;
	_ =	strace s9  }
0x27: {  	s1 =	sld [smem:$0x3F98]  }
0x28: {  	s2 =	sld [smem:$0x3F99]  }
0x29: {  	s4 =	sld [smem:$0x3F9B]  }
0x2a: {  	p0 =	seq.s32 s5, $0x0;
	s5 =	sld [smem:$0x3F9C]  }
0x2b: {  	s6 =	sld [smem:$0x3F9D]  }
0x2c: {  	s7 =	sld [smem:$0x3F9E]  }
0x2d: {  	s3 =	simm.s32 $0x108;
	s8 =	sld [smem:$0x3F9F]  }
0x2e: {  	s3 =	simm.s32 @!p0 $0x1082;
	s9 =	sld [smem:$0x3FA0]  }
0x2f: {  	lr =	sadd.s32 s0, s3;
	s0 =	sld [smem:$0x3F97]  }
0x30: {  	s3 =	sld [smem:$0x3F9A]  }
0x31: {  	[smem:$0x3FA3] =	sst s10  }
0x32: {  	s10 =	sld [smem:$0x3FA1];
	_ =	sdelay $0x3  }
0x33: {  	p0 =	seq.s32 s10, $0x1;
	s10 =	sld [smem:$0x3FA3];
	_ =	sdelay $0x3  }
0x34: {  	[smem:$0x3FA3] =	sst s10  }
0x35: {  	s10 =	sld [smem:$0x3FA2];
	_ =	sdelay $0x3  }
0x36: {  	p1 =	seq.s32 s10, $0x1;
	s10 =	sld [smem:$0x3FA3];
	_ =	sdelay $0x3  }
0x37: {  	[smem:$0x3FA3] =	sst s10  }
0x38: {  	s10 =	sld [smem:$0x3FA4]  }
0x39: {  	_ = 	snop;
	(pc) =	sbr.ind lr, $3  }
0x3a: {  	_ = 	snop  }
0x3b: {  	_ = 	snop  }
0x3c: {  	p2 =	seq.s32 s10, $0x1;
	s10 =	sld [smem:$0x3FA3]  }
0x3d: {  	_ =	shalt  }
0x3e: {  	_ =	shalt  }
0x3f: {  	_ =	shalt  }
0x40: {  	_ =	shalt  }
0x41: {  	_ =	shalt  }
0x42: {  	_ =	shalt  }
0x43: {  	_ =	shalt  }
0x44: {  	_ =	shalt  }
0x45: {  	_ =	shalt  }
0x46: {  	_ =	shalt  }
0x47: {  	_ =	shalt  }
0x48: {  	_ =	shalt  }
0x49: {  	_ =	shalt  }
0x4a: {  	_ =	shalt  }
0x4b: {  	_ =	shalt  }
0x4c: {  	_ =	shalt  }
0x4d: {  	_ =	shalt  }
0x4e: {  	_ =	shalt  }
0x4f: {  	_ =	shalt  }
0x50: {  	_ =	shalt  }
0x51: {  	_ =	shalt  }
0x52: {  	_ =	shalt  }
0x53: {  	_ =	shalt  }
0x54: {  	_ =	shalt  }
0x55: {  	_ =	shalt  }
0x56: {  	_ =	shalt  }
0x57: {  	_ =	shalt  }
0x58: {  	_ =	shalt  }
0x59: {  	_ =	shalt  }
0x5a: {  	_ =	shalt  }
0x5b: {  	_ =	shalt  }
0x5c: {  	_ =	shalt  }
0x5d: {  	_ =	shalt  }
0x5e: {  	_ =	shalt  }
0x5f: {  	_ =	shalt  }
0x60: {  	_ =	shalt  }
0x61: {  	_ =	shalt  }
0x62: {  	_ =	shalt  }
0x63: {  	_ =	shalt  }
0x64: {  	_ =	shalt  }
0x65: {  	_ =	shalt  }
0x66: {  	_ =	shalt  }
0x67: {  	_ =	shalt  }
0x68: {  	_ =	shalt  }
0x69: {  	_ =	shalt  }
0x6a: {  	_ =	shalt  }
0x6b: {  	_ =	shalt  }
0x6c: {  	_ =	shalt  }
0x6d: {  	_ =	shalt  }
0x6e: {  	_ =	shalt  }
0x6f: {  	_ =	shalt  }
0x70: {  	_ =	shalt  }
0x71: {  	_ =	shalt  }
0x72: {  	_ =	shalt  }
0x73: {  	_ =	shalt  }
0x74: {  	_ =	shalt  }
0x75: {  	_ =	shalt  }
0x76: {  	_ =	shalt  }
0x77: {  	_ =	shalt  }
0x78: {  	_ =	shalt  }
0x79: {  	_ =	shalt  }
0x7a: {  	_ =	shalt  }
0x7b: {  	_ =	shalt  }
0x7c: {  	_ =	shalt  }
0x7d: {  	_ =	shalt  }
0x7e: {  	_ =	shalt  }
0x7f: {  	_ =	shalt  }
0x80: {  	_ =	shalt  }
0x81: {  	_ =	shalt  }
0x82: {  	_ =	shalt  }
0x83: {  	_ =	shalt  }
0x84: {  	_ =	shalt  }
0x85: {  	_ =	shalt  }
0x86: {  	_ =	shalt  }
0x87: {  	_ =	shalt  }
.Lfunc_end0:
.L_simem_size_0:
called_computation.2_lowered:
.L_overlay_start_0:
0x88: {  	s2 =	sld [smem:$0x3FD9]  }
0x89: {  	s3 =	sld [smem:$0x3FFE];
	_ =	sdelay $0x1  }
0x8a: {  	s1 =	srdreg.scid  }
0x8b: {  	s0 =	sand.u32 $0x1, s1  }
0x8c: {  	s17 =	sshll.u32 s0, $0xA;
	s2 =	sadd.s32 s3, s2  }
0x8d: {  	s2 =	sadd.s32 s2, s17  }
0x8e: {  	[smem:$0x3FAF] =	sst s2  }
0x8f: {  	_ = 	snop  }
0x90: {  	s2 =	sld [smem:$0x3FD0];
	(tm) =	ssettm $0x1  }
0x91: {  	s18 =	sld [smem:$0x3FFB];
	_ =	sdelay $0x3  }
0x92: {  	_ =	strace s18  }
0x93: {  	s3 =	sld [smem:$0x3FFC];
	_ =	sdelay $0x3  }
0x94: {  	_ =	strace s3  }
0x95: {  	s3 =	sld [smem:$0x3FFD];
	_ =	sdelay $0x3  }
0x96: {  	_ =	strace s3  }
0x97: {  	_ =	strace $0x8FFFFFFF  }
0x98: {  	s19 =	sld [smem:$0x3FDB];
	_ =	sdelay $0x1  }
0x99: {  	s4 =	simm.s32 $_scs_section_size  }
0x9a: {  	s5 =	simm.s32 $_size__tile_overlayer_lowered;
	s6 =	simm.s32 $_tile_overlayer_lowered  }
0x9b: {  	s22 =	simm.s32 $0x1BFF;
	s21 =	sshll.u32 s6, $0x1;
	s3 =	sadd.s32 s4, s19  }
0x9c: {  	s7 =	simm.s32 $0x0;
	s20 =	sshll.u32 s5, $0x1;
	s5 =	sadd.s32 s21, s3  }
0x9d: {  	[timem:s7], [sflag:s22] =	dma.local [hbm:s5], s20  }
0x9e: {  	_ =	swait.ge [sflag:s22], s20  }
0x9f: {  	s4 =	ssub.s32 $0x0, s20;
	[sflag:s22] =	ssyncset.done $0x0  }
0xa0: {  	[sflag:s22] =	ssyncadd.s32 s4;
	_ =	sdelay $0x1  }
0xa1: {  	s23 =	simm.s32 $0x1B8B  }
0xa2: {  	_ =	swait.ge [sflag:s23], $0x1  }
0xa3: {  	[sflag:s23] =	ssyncset.done $0x0  }
0xa4: {  	s25 =	simm.s32 $0x1B8E;
	s24 =	sld [smem:$0x3FFE];
	[sflag:s23] =	ssyncadd.s32 $0xFFFFFFFF  }
0xa5: {  	s26 =	simm.s32 $execute0_lowered;
	[smem:$0x3FD2] =	sst s25  }
0xa6: {  	s5 =	sshll.u32 s26, $0x1;
	_ =	strace $0x8000004C;
	[dreg:$0x1] =	wrdreg $0xFFFFFFFF  }
0xa7: {  	s28 =	simm.s32 $_size_execute0_lowered;
	s3 =	sadd.s32 s3, s5;
	[dreg:$0x0] =	wrdreg $0x0  }
0xa8: {  	s5 =	sshll.u32 s28, $0x1;
	[dreg:$0x2] =	wrdreg s3  }
0xa9: {  	[dreg:$0x3] =	wrdreg s5  }
0xaa: {  	[dreg:$0x4] =	wrdreg $0xC0  }
0xab: {  	_ =	task [dreg:s7], $0x5FFFF  }
0xac: {  	[dreg:$0x1] =	wrdreg $0xFFFFFFFF  }
0xad: {  	[dreg:$0x0] =	wrdreg $0x60  }
0xae: {  	[dreg:$0x2] =	wrdreg s24  }
0xaf: {  	[dreg:$0x3] =	wrdreg s2  }
0xb0: {  	[dreg:$0x4] =	wrdreg $0x61400  }
0xb1: {  	[dreg:$0x5] =	wrdreg $0x9  }
0xb2: {  	_ =	task.clear_ibuf [dreg:s7], $0x6FFFF;
	_ =	strace $0x9000004C  }
0xb3: {  	s29 =	simm.s32 $0x9;
	_ =	strace $0x8000004E  }
0xb4: {  	_ =	swait.ge [sflag:s29], $0x1  }
0xb5: {  	[sflag:s29] =	ssyncadd.s32 $0xFFFFFFFF  }
0xb6: {  	_ =	strace $0x9000004E  }
0xb7: {  	_ =	sfence  }
0xb8: {  	s30 =	sld [smem:$0x0];
	_ =	sdelay $0x2  }
0xb9: {  	s31 =	sshll.u32 s1, $0xD;
	s1 =	sshrl.u32 s1, $0x2  }
0xba: {  	s3 =	sand.u32 $0x4000, s31;
	s1 =	sadd.s32 s1, s30  }
0xbb: {  	s0 =	sor.u32 s3, s0;
	s1 =	sshll.u32 s1, $0x11  }
0xbc: {  	s0 =	sor.u32 s1, s0  }
0xbd: {  	s0 =	sadd.s32 $0x8F2B, s0  }
0xbe: {  	[sflag:s0] =	ssyncadd.remote.s32 $0x1  }
0xbf: {  	_ =	sfence.sel $0xFFFF  }
0xc0: {  	[dreg:$0x0] =	wrdreg $0xFFFFFFFF;
	(pc) =	sbr.abs _section_cstart, $3  }
0xc1: {  	[dreg:$0x1] =	wrdreg $0xFFFFFFFF  }
0xc2: {  	_ =	task.clear_ibuf [dreg:s7], $0x2FFFF;
	_ =	strace $0x9FFFFFFF  }
0xc3: {  	(tm) =	ssettm $0x7FFFFFFF  }
tec
execute0_lowered:
.L_overlay_start_1:
0x0: {  	(tag) =	ssettag $0x1  }
0x1: {  	s0 =	rddreg [dreg:$0x0]  }
0x2: {  	s2 =	rddreg [dreg:$0x2]  }
0x3: {  	s3 =	simm.s32 $0x0;
	s1 =	srdreg.scid;
	s12 =	stileid.u32  }
0x4: {  	[smem:$0x7FF] =	sst s3;
	s1 =	sand.u32 $0x1, s1;
	s5 =	sadd.s32 $0x3E000, s0  }
0x5: {  	s4 =	smul.u32 $0x16800, s12;
	s6 =	sadd.s32 $0x34200, s0;
	s7 =	sadd.s32 $0x3200, s0  }
0x6: {  	s8 =	sshll.u32 s12, $0x1;
	s9 =	sadd.s32 $0x2F200, s0;
	s30 =	smul.u32 $0x168000, s1  }
0x7: {  	s13 =	smul.u32 $0x5A000, s12;
	s10 =	ssub.s32 $0x2, s1;
	s1 =	sor.u32 s1, s8  }
0x8: {  	s11 =	sshrl.u32 s10, $0x1;
	s8 =	smul.u32 $0x2710, s1;
	s3 =	sadd.s32 s4, s30  }
0x9: {  	_ =	strace $0x8000004D;
	s31 =	ssub.s32 s10, s11;
	s3 =	sshrl.u32 s3, $0x3  }
0xa: {  	s10 =	sshrl.u32 s8, $0x3;
	s11 =	sadd.s32 $0x28, s8;
	s1 =	smax.u32 s31, $0x1  }
0xb: {  	s0 =	sadd.s32 s3, s0;
	s14 =	sadd.s32 s5, s10;
	[dreg:$0x9] =	wrdreg s1  }
0xc: {  	s3 =	sadd.s32 s6, s10;
	s15 =	sshrl.u32 s11, $0x3;
	[dreg:$0x4] =	wrdreg s14  }
0xd: {  	[dreg:$0x5] =	wrdreg s3;
	s10 =	sadd.s32 s5, s15  }
0xe: {  	s16 =	sshrl.u32 s13, $0x2;
	s3 =	sadd.s32 s6, s15;
	[dreg:$0x6] =	wrdreg s10  }
0xf: {  	s0 =	sadd.s32 $0x47E00, s0;
	s15 =	sadd.s32 s16, s2;
	[dreg:$0x7] =	wrdreg s3  }
0x10: {  	[dreg:$0x8] =	wrdreg s0;
	s18 =	sadd.s32 $0x1680, s15  }
0x11: {  	s19 =	sadd.s32 $0x2D00, s15;
	[dreg:$0xa] =	wrdreg s18  }
0x12: {  	s20 =	sadd.s32 $0x4380, s15;
	[dreg:$0xb] =	wrdreg s19  }
0x13: {  	s21 =	sadd.s32 $0x5A00, s15;
	[dreg:$0xc] =	wrdreg s20  }
0x14: {  	s22 =	sadd.s32 $0x7080, s15;
	[dreg:$0xd] =	wrdreg s21  }
0x15: {  	s12 =	simm.s32 $0x2;
	s23 =	sadd.s32 $0x8700, s15;
	[dreg:$0xe] =	wrdreg s22  }
0x16: {  	s17 =	sadd.s32 s4, s2;
	s24 =	sadd.s32 $0x9D80, s15;
	[dreg:$0xf] =	wrdreg s23  }
0x17: {  	s13 =	simm.s32 $0x28;
	s25 =	sadd.s32 $0xB400, s15;
	[dreg:$0x10] =	wrdreg s24  }
0x18: {  	s4 =	simm.s32 $0x3430;
	s0 =	sshrl.u32 s17, $0x3;
	[dreg:$0x11] =	wrdreg s25  }
0x19: {  	s14 =	simm.s32 $0xF0;
	s26 =	sadd.s32 $0xCA80, s15;
	[dreg:$0x12] =	wrdreg s0  }
0x1a: {  	s16 =	simm.s32 $0x2DF0;
	s28 =	sadd.s32 $0xE100, s15;
	[dreg:$0x13] =	wrdreg s26  }
0x1b: {  	s29 =	sadd.s32 $0xF780, s15;
	s30 =	sadd.s32 $0x10E00, s15;
	[dreg:$0x14] =	wrdreg s28  }
0x1c: {  	v3 =	vlaneseq.u32;
	s31 =	sadd.s32 $0x12480, s15;
	s1 =	sadd.s32 $0x15180, s15;
	[dreg:$0x15] =	wrdreg s29  }
0x1d: {  	v0 =	vimm.f32 $0.0e+00;
	v5 =	vimm.s32 $0x0;
	vm0 =	vcmask $0x300;
	s3 =	simm.s32 $0x4;
	s10 =	simm.s32 $0x6130;
	[dreg:$0x16] =	wrdreg s30  }
0x1e: {  	v1 =	vand.u32 $0x7, v3;
	v2 =	vor.u32 $0x8, v3;
	v3 =	vshrl.u32 v3, $0x3;
	s17 =	simm.s32 $0x1;
	[dreg:$0x17] =	wrdreg s31;
	s0 =	sadd.s32 $0x13B00, s15  }
0x1f: {  	v5 =	vsel vm0, $0x3, v5;
	vm0 =	vmmov $0xff;
	v4 =	vor.u32 $0x80, v1;
	s18 =	simm.s32 $0x3;
	s19 =	simm.s32 $0x32F0;
	s20 =	simm.s32 $0x0  }
.LBB2_1:
0x20: {  	s11 =	simm.s32 $0x0  }
0x21: {  	s11 =	smul.u32 $0xE38F, s11;
	_ =	sdelay $0x1  }
0x22: {  	s21 =	sshrl.u32 s11, $0x13  }
0x23: {  	s22 =	simm.s32 $0x0;
	s11 =	simm.s32 $0x1;
	s23 =	smul.u32 $0x9, s21  }
.LBB2_2:
0x24: {  	s24 =	smul.u32 $0xE38F, s11  }
0x25: {  	s25 =	smov.u32 s11;
	s21 =	smul.u32 $0x240, s21;
	p0 =	sne.s32 s11, $0x2CF  }
.Ltmp0:
0x26: {  	s22 =	ssub.s32 s22, s23;
	(pc) =	sbr.rel @p0 .LBB2_2-.Ltmp0, $4  }
0x27: {  	s11 =	sadd.s32 $0x1, s11;
	s22 =	sand.u32 $0xFFFF, s22  }
0x28: {  	s23 =	sshrl.u32 s21, $0x2;
	s26 =	sshll.u32 s22, $0x4;
	s22 =	smov.u32 s25  }
0x29: {  	s21 =	sshrl.u32 s24, $0x13;
	s24 =	sadd.s32 s26, s23  }
0x2a: {  	s23 =	smul.u32 $0x9, s21;
	[tilespmem:s24+$0x3430] =	vst v0  }
0x2b: {  	_ = 	snop  }
0x2c: {  	s21 =	smul.u32 $0x240, s21;
	s11 =	ssub.s32 s22, s23  }
0x2d: {  	s11 =	sand.u32 $0xFFFF, s11  }
0x2e: {  	s21 =	sshrl.u32 s21, $0x2;
	s11 =	sshll.u32 s11, $0x4  }
0x2f: {  	s11 =	sadd.s32 s11, s21  }
0x30: {  	[tilespmem:s11+$0x3430] =	vst v0  }
0x31: {  	[spmem:s15] =	stream.linear.scatter [tilespmem:s4], [sflag:$0x4], $0x1680, $0x38;
	[tilespmem:$0x1C940] =	vst v63  }
0x32: {  	_ =	swait.ge [sflag:s3], $0x1680  }
0x33: {  	[sflag:s3] =	ssyncset.done $0x0  }
0x34: {  	s21 =	rddreg [dreg:$0xa];
	[sflag:s3] =	ssyncadd.s32 $0xFFFFE980  }
0x35: {  	[spmem:s21] =	stream.linear.scatter [tilespmem:s4], [sflag:$0x4], $0x1680, $0x38;
	[tilespmem:$0x1C940] =	vst v63  }
0x36: {  	_ =	swait.ge [sflag:s3], $0x1680  }
0x37: {  	[sflag:s3] =	ssyncset.done $0x0  }
0x38: {  	s22 =	rddreg [dreg:$0xb];
	[sflag:s3] =	ssyncadd.s32 $0xFFFFE980  }
0x39: {  	[spmem:s22] =	stream.linear.scatter [tilespmem:s4], [sflag:$0x4], $0x1680, $0x38;
	[tilespmem:$0x1C940] =	vst v63  }
0x3a: {  	_ =	swait.ge [sflag:s3], $0x1680  }
0x3b: {  	[sflag:s3] =	ssyncset.done $0x0  }
0x3c: {  	s23 =	rddreg [dreg:$0xc];
	[sflag:s3] =	ssyncadd.s32 $0xFFFFE980  }
0x3d: {  	[spmem:s23] =	stream.linear.scatter [tilespmem:s4], [sflag:$0x4], $0x1680, $0x38;
	[tilespmem:$0x1C940] =	vst v63  }
0x3e: {  	_ =	swait.ge [sflag:s3], $0x1680  }
0x3f: {  	[sflag:s3] =	ssyncset.done $0x0  }
0x40: {  	s24 =	rddreg [dreg:$0xd];
	[sflag:s3] =	ssyncadd.s32 $0xFFFFE980  }
0x41: {  	[spmem:s24] =	stream.linear.scatter [tilespmem:s4], [sflag:$0x4], $0x1680, $0x38;
	[tilespmem:$0x1C940] =	vst v63  }
0x42: {  	_ =	swait.ge [sflag:s3], $0x1680  }
0x43: {  	[sflag:s3] =	ssyncset.done $0x0  }
0x44: {  	s25 =	rddreg [dreg:$0xe];
	[sflag:s3] =	ssyncadd.s32 $0xFFFFE980  }
0x45: {  	[spmem:s25] =	stream.linear.scatter [tilespmem:s4], [sflag:$0x4], $0x1680, $0x38;
	[tilespmem:$0x1C940] =	vst v63  }
0x46: {  	_ =	swait.ge [sflag:s3], $0x1680  }
0x47: {  	[sflag:s3] =	ssyncset.done $0x0  }
0x48: {  	s26 =	rddreg [dreg:$0xf];
	[sflag:s3] =	ssyncadd.s32 $0xFFFFE980  }
0x49: {  	[spmem:s26] =	stream.linear.scatter [tilespmem:s4], [sflag:$0x4], $0x1680, $0x38;
	[tilespmem:$0x1C940] =	vst v63  }
0x4a: {  	_ =	swait.ge [sflag:s3], $0x1680  }
0x4b: {  	[sflag:s3] =	ssyncset.done $0x0  }
0x4c: {  	s28 =	rddreg [dreg:$0x10];
	[sflag:s3] =	ssyncadd.s32 $0xFFFFE980  }
0x4d: {  	[spmem:s28] =	stream.linear.scatter [tilespmem:s4], [sflag:$0x4], $0x1680, $0x38;
	[tilespmem:$0x1C940] =	vst v63  }
0x4e: {  	_ =	swait.ge [sflag:s3], $0x1680  }
0x4f: {  	[sflag:s3] =	ssyncset.done $0x0  }
0x50: {  	s29 =	rddreg [dreg:$0x11];
	[sflag:s3] =	ssyncadd.s32 $0xFFFFE980  }
0x51: {  	[spmem:s29] =	stream.linear.scatter [tilespmem:s4], [sflag:$0x4], $0x1680, $0x38;
	[tilespmem:$0x1C940] =	vst v63  }
0x52: {  	_ =	swait.ge [sflag:s3], $0x1680  }
0x53: {  	[sflag:s3] =	ssyncset.done $0x0  }
0x54: {  	s30 =	rddreg [dreg:$0x13];
	[sflag:s3] =	ssyncadd.s32 $0xFFFFE980  }
0x55: {  	[spmem:s30] =	stream.linear.scatter [tilespmem:s4], [sflag:$0x4], $0x1680, $0x38;
	[tilespmem:$0x1C940] =	vst v63  }
0x56: {  	_ =	swait.ge [sflag:s3], $0x1680  }
0x57: {  	[sflag:s3] =	ssyncset.done $0x0  }
0x58: {  	s31 =	rddreg [dreg:$0x14];
	[sflag:s3] =	ssyncadd.s32 $0xFFFFE980  }
0x59: {  	[spmem:s31] =	stream.linear.scatter [tilespmem:s4], [sflag:$0x4], $0x1680, $0x38;
	[tilespmem:$0x1C940] =	vst v63  }
0x5a: {  	_ =	swait.ge [sflag:s3], $0x1680  }
0x5b: {  	[sflag:s3] =	ssyncset.done $0x0  }
0x5c: {  	s21 =	rddreg [dreg:$0x15];
	[sflag:s3] =	ssyncadd.s32 $0xFFFFE980  }
0x5d: {  	[spmem:s21] =	stream.linear.scatter [tilespmem:s4], [sflag:$0x4], $0x1680, $0x38;
	[tilespmem:$0x1C940] =	vst v63  }
0x5e: {  	_ =	swait.ge [sflag:s3], $0x1680  }
0x5f: {  	[sflag:s3] =	ssyncset.done $0x0  }
0x60: {  	s22 =	rddreg [dreg:$0x16];
	[sflag:s3] =	ssyncadd.s32 $0xFFFFE980  }
0x61: {  	[spmem:s22] =	stream.linear.scatter [tilespmem:s4], [sflag:$0x4], $0x1680, $0x38;
	[tilespmem:$0x1C940] =	vst v63  }
0x62: {  	_ =	swait.ge [sflag:s3], $0x1680  }
0x63: {  	[sflag:s3] =	ssyncset.done $0x0  }
0x64: {  	s23 =	rddreg [dreg:$0x17];
	[sflag:s3] =	ssyncadd.s32 $0xFFFFE980  }
0x65: {  	[spmem:s23] =	stream.linear.scatter [tilespmem:s4], [sflag:$0x4], $0x1680, $0x38;
	[tilespmem:$0x1C940] =	vst v63  }
0x66: {  	_ =	swait.ge [sflag:s3], $0x1680  }
0x67: {  	[sflag:s3] =	ssyncset.done $0x0  }
0x68: {  	[sflag:s3] =	ssyncadd.s32 $0xFFFFE980  }
0x69: {  	[spmem:s0] =	stream.linear.scatter [tilespmem:s4], [sflag:$0x4], $0x1680, $0x38;
	[tilespmem:$0x1C940] =	vst v63  }
0x6a: {  	_ =	swait.ge [sflag:s3], $0x1680  }
0x6b: {  	[sflag:s3] =	ssyncset.done $0x0  }
0x6c: {  	[sflag:s3] =	ssyncadd.s32 $0xFFFFE980  }
0x6d: {  	[spmem:s1] =	stream.linear.scatter [tilespmem:s4], [sflag:$0x4], $0x1680, $0x38;
	[tilespmem:$0x1C940] =	vst v63  }
0x6e: {  	_ =	swait.ge [sflag:s3], $0x1680  }
0x6f: {  	[sflag:s3] =	ssyncset.done $0x0  }
0x70: {  	[sflag:s3] =	ssyncadd.s32 $0xFFFFE980  }
0x71: {  	[bflag:$0x0] =	sbarrier.arrive $0xFFFF  }
0x72: {  	s23 =	simm.s32 $0x0;
	s24 =	rddreg [dreg:$0x1]  }
0x73: {  	[tilespmem:s10], [sflag:$0x4] =	stream.linear.gather [hbm4b:s24+s23], $0x10, $0x38;
	[tilespmem:$0x1C940] =	vst v63  }
0x74: {  	_ =	swait.ge [sflag:s3], $0x10  }
0x75: {  	[sflag:s3] =	ssyncset.done $0x0  }
0x76: {  	[sflag:s3] =	ssyncadd.s32 $0xFFFFFFF0  }
0x77: {  	s25 =	rddreg [dreg:$0x4];
	v6 =	vld.idx.msk [tilespmem:v1+s10+$0x0], $0xffff  }
0x78: {  	v7 =	vld.idx.msk [tilespmem:v2+s10+$0x0], $0xffff;
	[tilespmem:s23], [sflag:$0x2] =	stream.linear.gather [hbm4b:s25+s23], $0x28, $0x38  }
0x79: {  	s28 =	simm.s32 $0x78;
	s26 =	rddreg [dreg:$0x5]  }
0x7a: {  	[tilespmem:s28], [sflag:$0x2] =	stream.linear.gather [hbm4b:s26+s23], $0x28, $0x38;
	[tilespmem:$0x1C940] =	vst v63  }
0x7b: {  	_ =	swait.ge [sflag:s12], $0x28  }
0x7c: {  	[sflag:s12] =	ssyncset.done $0x0  }
0x7d: {  	[sflag:s12] =	ssyncadd.s32 $0xFFFFFFD8  }
0x7e: {  	_ =	swait.ge [sflag:s12], $0x28  }
0x7f: {  	[sflag:s12] =	ssyncset.done $0x0  }
0x80: {  	[sflag:s12] =	ssyncadd.s32 $0xFFFFFFD8  }
0x81: {  	[tilespmem:s14], [sflag:$0x1] =	stream.indirect.gather [hbm4b:s7+s13], $0x90, s23, s13, $0xb8;
	[tilespmem:$0x1C940] =	vst v63  }
0x82: {  	_ = 	snop  }
0x83: {  	v6 =	vadd.f32 v7, v6;
	[tilespmem:s16], [sflag:$0x1] =	stream.indirect.gather [hbm4b:s9+s13], $0x10, s28, s13, $0xb8;
	[tilespmem:$0x1C940] =	vst v63  }
0x84: {  	s29 =	rddreg [dreg:$0x6]  }
0x85: {  	v7 =	vmul.f32 $2.000000030e-01, v6;
	[tilespmem:s13], [sflag:$0x2] =	stream.linear.gather [hbm4b:s29+s23], $0x28, $0x38;
	[tilespmem:$0x1C940] =	vst v63  }
0x86: {  	p0 =	por $0x0, $0x0;
	s31 =	simm.s32 $0xA0;
	s30 =	rddreg [dreg:$0x7];
	vm1 =	vge.f32 v6, $0.0e+00  }
0x87: {  	v6 =	vsel vm1, v6, v7;
	[tilespmem:s31], [sflag:$0x2] =	stream.linear.gather [hbm4b:s30+s23], $0x28, $0x38;
	[tilespmem:$0x1C940] =	vst v63  }
.LBB2_4:
0x88: {  	s21 =	sadd.s32 $0x1, s23;
	p1 =	seq.s32 s23, $0xF9;
	_ =	swait.ge [sflag:s17], $0x1680  }
0x89: {  	s11 =	sand.u32 @!p1 $0xFF, s21;
	[sflag:s17] =	ssyncset.done $0x0  }
0x8a: {  	s11 =	smul.u32 @!p1 $0xAB, s11;
	[sflag:s17] =	ssyncadd.s32 $0xFFFFE980  }
0x8b: {  	_ =	swait.ge [sflag:s17], $0x280  }
0x8c: {  	s22 =	sand.u32 $0x1, s23;
	s11 =	sshrl.u32 @!p1 s11, $0x9;
	[sflag:s17] =	ssyncset.done $0x0  }
0x8d: {  	s24 =	simm.s32 @!p1 $0x2;
	s11 =	smul.u32 @!p1 $0x3, s11;
	[sflag:s17] =	ssyncadd.s32 $0xFFFFFD80  }
0x8e: {  	s25 =	sxor.u32 @!p1 $0x1, s22;
	_ =	swait.ge @!p1 [sflag:s24], $0x28  }
0x8f: {  	s26 =	smul.u32 @!p1 $0x5A00, s25;
	s11 =	ssub.s32 @!p1 s21, s11;
	[sflag:s24] =	ssyncset.done @!p1 $0x0  }
0x90: {  	s11 =	smul.u32 @!p1 $0x28, s11;
	[sflag:s24] =	ssyncadd.s32 @!p1 $0xFFFFFFD8  }
0x91: {  	_ =	swait.ge @!p1 [sflag:s24], $0x28  }
0x92: {  	s26 =	sshrl.u32 @!p1 s26, $0x2;
	s11 =	sand.u32 @!p1 $0xF8, s11;
	[sflag:s24] =	ssyncset.done @!p1 $0x0  }
0x93: {  	[sflag:s24] =	ssyncadd.s32 @!p1 $0xFFFFFFD8;
	s24 =	sadd.s32 @!p1 $0xF0, s26;
	s26 =	simm.s32 @!p1 $0x28  }
0x94: {  	[tilespmem:s24], [sflag:$0x1] =	stream.indirect.gather @!p1 [hbm4b:s7+s26], $0x90, s11, s26, $0xb8;
	[tilespmem:$0x1C940] =	vst v63  }
0x95: {  	p2 =	sgt.u32 @!p1 s23, $0xF7;
	s24 =	smul.u32 @!p1 $0xA00, s25  }
0x96: {  	p2 =	por p1, p2  }
0x97: {  	s25 =	sadd.s32 @!p2 $0x2, s23;
	s24 =	sshrl.u32 @!p1 s24, $0x2  }
0x98: {  	s11 =	sadd.s32 @!p1 $0x78, s11;
	s28 =	smul.u32 @!p2 $0xAB, s25;
	s24 =	sadd.s32 @!p1 $0x2DF0, s24  }
0x99: {  	[tilespmem:s24], [sflag:$0x1] =	stream.indirect.gather @!p1 [hbm4b:s9+s26], $0x10, s11, s26, $0xb8;
	[tilespmem:$0x1C940] =	vst v63  }
0x9a: {  	s11 =	sshrl.u32 @!p2 s28, $0x9  }
0x9b: {  	s11 =	sand.u32 @!p2 $0x7F, s11  }
0x9c: {  	s11 =	smul.u32 @!p2 $0x3, s11  }
0x9d: {  	s24 =	smul.u32 @!p2 $0x28, s25  }
0x9e: {  	s11 =	ssub.s32 @!p2 s25, s11  }
0x9f: {  	s24 =	sadd.s32 @!p2 s8, s24;
	s11 =	smul.u32 @!p2 $0x28, s11  }
0xa0: {  	s24 =	sshrl.u32 @!p2 s24, $0x3  }
0xa1: {  	s26 =	simm.s32 @!p2 $0x0;
	s25 =	sadd.s32 @!p2 s5, s24;
	s11 =	sand.u32 @!p2 $0xF8, s11  }
0xa2: {  	[tilespmem:s11], [sflag:$0x2] =	stream.linear.gather @!p2 [hbm4b:s25+s26], $0x28, $0x38;
	[tilespmem:$0x1C940] =	vst v63  }
0xa3: {  	s24 =	sadd.s32 @!p2 s6, s24;
	s11 =	sadd.s32 @!p2 $0x78, s11  }
0xa4: {  	[tilespmem:s11], [sflag:$0x2] =	stream.linear.gather @!p2 [hbm4b:s24+s26], $0x28, $0x38;
	[tilespmem:$0x1C940] =	vst v63  }
0xa5: {  	s11 =	simm.s32 $0x1  }
0xa6: {  	s11 =	simm.s32 @!p0 $0x0  }
0xa7: {  	s28 =	smul.u32 $0x28, s11;
	_ =	sdelay $0x1  }
0xa8: {  	v7 =	vor.u32 s28, v3  }
0xa9: {  	v8 =	vmul.u32 $0x90, v7;
	v7 =	vshll.u32 v7, $0x4  }
0xaa: {  	p1 =	slt.u32 @!p2 s23, $0x2;
	v7 =	vor.u32 v1, v7  }
0xab: {  	p1 =	por p2, !p1;
	v8 =	vadd.s32 v4, v8  }
0xac: {  	_ =	swait.ge @p1 [sflag:s18], $0x1680  }
0xad: {  	[sflag:s18] =	ssyncset.done @p1 $0x0  }
0xae: {  	[sflag:s18] =	ssyncadd.s32 @p1 $0xFFFFE980  }
0xaf: {  	v7 =	vld.idx.msk [tilespmem:v7+s16+$0x0], $0xffff  }
0xb0: {  	v8 =	vld.idx.msk [tilespmem:v8+s14+$0x0], $0xffff;
	_ =	sdelay $0x4  }
0xb1: {  	v7 =	vadd.f32 v7, v8;
	_ =	sdelay $0x1  }
0xb2: {  	v8 =	vmul.f32 $2.000000030e-01, v7  }
0xb3: {  	vm1 =	vge.f32 v7, $0.0e+00  }
0xb4: {  	v7 =	vsel vm1, v7, v8  }
0xb5: {  	v7 =	vsub.f32 v7, v6  }
0xb6: {  	s26 =	smul.u32 $0xAB, s23  }
0xb7: {  	v7 =	vmul.f32 $1.442695020e+00, v7  }
0xb8: {  	s24 =	sshrl.u32 s26, $0x9  }
0xb9: {  	s11 =	smul.u32 $0x5A00, s11;
	s24 =	sand.u32 $0x7F, s24;
	(erf) = vpow2.f32 v7  }
0xba: {  	s30 =	simm.s32 $0x80;
	s31 =	smul.u32 $0x3, s24  }
0xbb: {  	s29 =	simm.s32 $0x0;
	s26 =	simm.s32 $0x0;
	s11 =	sshrl.u32 s11, $0x2  }
0xbc: {  	s28 =	sadd.s32 $0x2, s28;
	s25 =	sadd.s32 $0x130, s11;
	s31 =	ssub.s32 s23, s31  }
0xbd: {  	s24 =	sadd.s32 $0x3470, s11;
	s11 =	simm.s32 $0x40;
	s23 =	sand.u32 $0xFF, s31;
	v7 =	vor.u32 s28, v3  }
.LBB2_5:
0xbe: {  	p1 =	sne.s32 s30, $0x4C0;
	v8 =	vmul.u32 $0x90, v7;
	v7 =	vshll.u32 v7, $0x4  }
0xbf: {  	v7 =	vor.u32 v1, v7  }
0xc0: {  	v8 =	vadd.s32 v4, v8;
	_ =	sdelay $0x1  }
0xc1: {  	s31 =	sshra.s32 s29, $0x2;
	s29 =	smov.u32 s11;
	s11 =	smov.u32 s30;
	v9 =	vpop (erf)  }
0xc2: {  	[tilespmem:s31+$0x32F0] =	vst v9  }
0xc3: {  	v7 =	vld.idx.msk [tilespmem:v7+s16+$0x0], $0xffff  }
0xc4: {  	v8 =	vld.idx.msk [tilespmem:v8+s14+$0x0], $0xffff;
	_ =	sdelay $0x5  }
0xc5: {  	v7 =	vadd.f32 v7, v8;
	_ =	sdelay $0x1  }
0xc6: {  	v8 =	vmul.f32 $2.000000030e-01, v7  }
0xc7: {  	vm1 =	vge.f32 v7, $0.0e+00  }
0xc8: {  	v7 =	vsel vm1, v7, v8  }
0xc9: {  	v7 =	vsub.f32 v7, v6;
	_ =	sdelay $0x1  }
0xca: {  	v7 =	vmul.f32 $1.442695020e+00, v7;
	_ =	sdelay $0x1  }
.Ltmp1:
0xcb: {  	(erf) = vpow2.f32 v7;
	(pc) =	sbr.rel @p1 .LBB2_5-.Ltmp1, $3  }
0xcc: {  	_ =	sdelay $0x1  }
0xcd: {  	s28 =	sadd.s32 $0x2, s28  }
0xce: {  	s30 =	sadd.s32 $0x40, s30;
	v7 =	vor.u32 s28, v3  }
0xcf: {  	v8 =	vmul.u32 $0x90, v7;
	v7 =	vshll.u32 v7, $0x4  }
0xd0: {  	v7 =	vor.u32 v1, v7  }
0xd1: {  	v8 =	vadd.s32 v4, v8;
	_ =	sdelay $0x1  }
0xd2: {  	s28 =	sshra.s32 s29, $0x2;
	v9 =	vpop (erf)  }
0xd3: {  	[tilespmem:s28+$0x32F0] =	vst v9  }
0xd4: {  	v7 =	vld.idx.msk [tilespmem:v7+s16+$0x0], $0xffff  }
0xd5: {  	v8 =	vld.idx.msk [tilespmem:v8+s14+$0x0], $0xffff;
	_ =	sdelay $0x4  }
0xd6: {  	v7 =	vadd.f32 v7, v8;
	_ =	sdelay $0x1  }
0xd7: {  	v8 =	vmul.f32 $2.000000030e-01, v7  }
0xd8: {  	vm1 =	vge.f32 v7, $0.0e+00  }
0xd9: {  	v7 =	vsel vm1, v7, v8  }
0xda: {  	v7 =	vsub.f32 v7, v6;
	_ =	sdelay $0x1  }
0xdb: {  	v7 =	vmul.f32 $1.442695020e+00, v7;
	_ =	sdelay $0x1  }
0xdc: {  	(erf) = vpow2.f32 v7;
	_ =	sdelay $0x5  }
0xdd: {  	v7 =	vmov s26;
	_ =	sdelay $0x2  }
0xde: {  	s11 =	sshra.s32 s11, $0x2;
	v8 =	vpop (erf)  }
0xdf: {  	[tilespmem:s11+$0x32F0] =	vst v8  }
0xe0: {  	v8 =	vshrl.u32 v7, $0x3;
	v7 =	vld.idx.msk [tilespmem:v7+s19+$0x0], $0xffff  }
0xe1: {  	v8 =	vshll.u32 v8, v5;
	v9 =	vld [tilespmem:s25+$0xFFFFFFC0]  }
0xe2: {  	v10 =	vadd.s32 $0x1, v8  }
0xe3: {  	v10 =	vbroadcast v10, $0x0;
	_ =	sdelay $0x2  }
0xe4: {  	v7 =	vmul.f32 v9, v7;
	_ =	sdelay $0x1  }
0xe5: {  	[tilespmem:s24+$0xFFFFFFC0] =	vst v7  }
0xe6: {  	v7 =	vld.idx.msk [tilespmem:v10+s19+$0x0], $0xffff  }
0xe7: {  	v9 =	vld [tilespmem:s25+$0xFFFFFFD0]  }
0xe8: {  	v10 =	vadd.s32 $0x2, v8  }
0xe9: {  	v10 =	vbroadcast v10, $0x0;
	_ =	sdelay $0x2  }
0xea: {  	v7 =	vmul.f32 v9, v7;
	_ =	sdelay $0x1  }
0xeb: {  	[tilespmem:s24+$0xFFFFFFD0] =	vst v7  }
0xec: {  	v7 =	vld.idx.msk [tilespmem:v10+s19+$0x0], $0xffff  }
0xed: {  	v9 =	vld [tilespmem:s25+$0xFFFFFFE0]  }
0xee: {  	v10 =	vadd.s32 $0x3, v8  }
0xef: {  	v10 =	vbroadcast v10, $0x0;
	_ =	sdelay $0x2  }
0xf0: {  	v7 =	vmul.f32 v9, v7;
	_ =	sdelay $0x1  }
0xf1: {  	[tilespmem:s24+$0xFFFFFFE0] =	vst v7  }
0xf2: {  	v7 =	vld.idx.msk [tilespmem:v10+s19+$0x0], $0xffff  }
0xf3: {  	v9 =	vld [tilespmem:s25+$0xFFFFFFF0]  }
0xf4: {  	v10 =	vadd.s32 $0x4, v8  }
0xf5: {  	v10 =	vbroadcast v10, $0x0;
	_ =	sdelay $0x2  }
0xf6: {  	v7 =	vmul.f32 v9, v7;
	_ =	sdelay $0x1  }
0xf7: {  	[tilespmem:s24+$0xFFFFFFF0] =	vst v7  }
0xf8: {  	v7 =	vld.idx.msk [tilespmem:v10+s19+$0x0], $0xffff  }
0xf9: {  	v9 =	vld [tilespmem:s25+$0x0]  }
0xfa: {  	v10 =	vadd.s32 $0x5, v8  }
0xfb: {  	v10 =	vbroadcast v10, $0x0;
	_ =	sdelay $0x2  }
0xfc: {  	v7 =	vmul.f32 v9, v7;
	_ =	sdelay $0x1  }
0xfd: {  	[tilespmem:s24+$0x0] =	vst v7  }
0xfe: {  	v7 =	vld.idx.msk [tilespmem:v10+s19+$0x0], $0xffff  }
0xff: {  	v9 =	vld [tilespmem:s25+$0x10]  }
0x100: {  	v10 =	vadd.s32 $0x6, v8  }
0x101: {  	v10 =	vbroadcast v10, $0x0;
	_ =	sdelay $0x2  }
0x102: {  	v7 =	vmul.f32 v9, v7;
	_ =	sdelay $0x1  }
0x103: {  	[tilespmem:s24+$0x10] =	vst v7  }
0x104: {  	v7 =	vld.idx.msk [tilespmem:v10+s19+$0x0], $0xffff  }
0x105: {  	v9 =	vld [tilespmem:s25+$0x20]  }
0x106: {  	v8 =	vadd.s32 $0x7, v8  }
0x107: {  	v8 =	vbroadcast v8, $0x0;
	_ =	sdelay $0x2  }
0x108: {  	v7 =	vmul.f32 v9, v7;
	_ =	sdelay $0x1  }
0x109: {  	[tilespmem:s24+$0x20] =	vst v7  }
0x10a: {  	v7 =	vld.idx.msk [tilespmem:v8+s19+$0x0], $0xffff  }
0x10b: {  	v8 =	vld [tilespmem:s25+$0x30];
	_ =	sdelay $0x2  }
0x10c: {  	v9 =	vor.u32 s26, v1;
	_ =	sdelay $0x1  }
0x10d: {  	v7 =	vmul.f32 v8, v7;
	_ =	sdelay $0x1  }
0x10e: {  	[tilespmem:s24+$0x30] =	vst v7  }
0x10f: {  	v11 =	vld.idx.msk [tilespmem:v9+s19+$0x0], $0xffff  }
0x110: {  	s26 =	simm.s32 $0x8  }
0x111: {  	v9 =	vmov s26  }
0x112: {  	v7 =	vshrl.u32 v9, $0x3  }
0x113: {  	v7 =	vshll.u32 v7, v5  }
0x114: {  	s29 =	simm.s32 $0x10;
	v10 =	vadd.s32 $0x1, v7;
	v8 =	vadd.s32 $0x2, v7;
	v11 =	vnsel vm0, $0x0, v11  }
.LBB2_7:
0x115: {  	s25 =	sadd.s32 $0x90, s25  }
0x116: {  	v12 =	vadd.s32 $0x3, v7;
	v13 =	vadd.s32 $0x4, v7;
	v14 =	vadd.s32 $0x5, v7;
	[tilespmem:s24+$0x40] =	vst v11;
	s24 =	sadd.s32 $0x90, s24;
	s11 =	smov.u32 s29;
	s28 =	sadd.s32 $0x8, s29  }
0x117: {  	p1 =	sne.s32 s29, $0x138;
	v11 =	vadd.s32 $0x6, v7;
	v7 =	vadd.s32 $0x7, v7;
	v9 =	vld.idx.msk [tilespmem:v9+s19+$0x0], $0xffff  }
0x118: {  	v15 =	vld [tilespmem:s25+$0xFFFFFFC0];
	_ =	sdelay $0x1  }
0x119: {  	v10 =	vbroadcast v10, $0x0;
	_ =	sdelay $0x2  }
0x11a: {  	v9 =	vmul.f32 v15, v9;
	_ =	sdelay $0x1  }
0x11b: {  	[tilespmem:s24+$0xFFFFFFC0] =	vst v9  }
0x11c: {  	v9 =	vld.idx.msk [tilespmem:v10+s19+$0x0], $0xffff  }
0x11d: {  	v10 =	vld [tilespmem:s25+$0xFFFFFFD0];
	_ =	sdelay $0x1  }
0x11e: {  	v8 =	vbroadcast v8, $0x0;
	_ =	sdelay $0x2  }
0x11f: {  	v9 =	vmul.f32 v10, v9;
	_ =	sdelay $0x1  }
0x120: {  	[tilespmem:s24+$0xFFFFFFD0] =	vst v9  }
0x121: {  	v8 =	vld.idx.msk [tilespmem:v8+s19+$0x0], $0xffff  }
0x122: {  	v9 =	vld [tilespmem:s25+$0xFFFFFFE0];
	_ =	sdelay $0x1  }
0x123: {  	v10 =	vbroadcast v12, $0x0;
	_ =	sdelay $0x2  }
0x124: {  	v8 =	vmul.f32 v9, v8;
	_ =	sdelay $0x1  }
0x125: {  	[tilespmem:s24+$0xFFFFFFE0] =	vst v8  }
0x126: {  	v8 =	vld.idx.msk [tilespmem:v10+s19+$0x0], $0xffff  }
0x127: {  	v9 =	vld [tilespmem:s25+$0xFFFFFFF0];
	_ =	sdelay $0x1  }
0x128: {  	v10 =	vbroadcast v13, $0x0;
	_ =	sdelay $0x2  }
0x129: {  	v8 =	vmul.f32 v9, v8;
	_ =	sdelay $0x1  }
0x12a: {  	[tilespmem:s24+$0xFFFFFFF0] =	vst v8  }
0x12b: {  	v8 =	vld.idx.msk [tilespmem:v10+s19+$0x0], $0xffff  }
0x12c: {  	v9 =	vld [tilespmem:s25+$0x0];
	_ =	sdelay $0x1  }
0x12d: {  	v10 =	vbroadcast v14, $0x0;
	_ =	sdelay $0x2  }
0x12e: {  	v8 =	vmul.f32 v9, v8;
	_ =	sdelay $0x1  }
0x12f: {  	[tilespmem:s24+$0x0] =	vst v8  }
0x130: {  	v8 =	vld.idx.msk [tilespmem:v10+s19+$0x0], $0xffff  }
0x131: {  	v9 =	vld [tilespmem:s25+$0x10];
	_ =	sdelay $0x1  }
0x132: {  	v10 =	vbroadcast v11, $0x0;
	_ =	sdelay $0x2  }
0x133: {  	v8 =	vmul.f32 v9, v8;
	_ =	sdelay $0x1  }
0x134: {  	[tilespmem:s24+$0x10] =	vst v8  }
0x135: {  	v8 =	vld.idx.msk [tilespmem:v10+s19+$0x0], $0xffff  }
0x136: {  	v9 =	vld [tilespmem:s25+$0x20];
	_ =	sdelay $0x1  }
0x137: {  	v7 =	vbroadcast v7, $0x0;
	_ =	sdelay $0x2  }
0x138: {  	v8 =	vmul.f32 v9, v8;
	_ =	sdelay $0x1  }
0x139: {  	[tilespmem:s24+$0x20] =	vst v8  }
0x13a: {  	v7 =	vld.idx.msk [tilespmem:v7+s19+$0x0], $0xffff  }
0x13b: {  	v8 =	vld [tilespmem:s25+$0x30];
	_ =	sdelay $0x2  }
0x13c: {  	v9 =	vor.u32 s26, v1;
	s26 =	smov.u32 s11;
	_ =	sdelay $0x1  }
0x13d: {  	v7 =	vmul.f32 v8, v7;
	_ =	sdelay $0x1  }
0x13e: {  	[tilespmem:s24+$0x30] =	vst v7  }
0x13f: {  	v11 =	vld.idx.msk [tilespmem:v9+s19+$0x0], $0xffff;
	_ =	sdelay $0x1  }
.Ltmp2:
0x140: {  	(pc) =	sbr.rel @p1 .LBB2_7-.Ltmp2, $4  }
0x141: {  	v9 =	vmov s26  }
0x142: {  	v7 =	vshrl.u32 v9, $0x3  }
0x143: {  	v7 =	vshll.u32 v7, v5  }
0x144: {  	s29 =	smov.u32 s28;
	v10 =	vadd.s32 $0x1, v7;
	v8 =	vadd.s32 $0x2, v7;
	v11 =	vnsel vm0, $0x0, v11  }
0x145: {  	_ =	sdelay $0x2  }
0x146: {  	[tilespmem:s24+$0x40] =	vst v11  }
0x147: {  	s11 =	sadd.s32 $0x90, s25;
	v9 =	vld.idx.msk [tilespmem:v9+s19+$0x0], $0xffff  }
0x148: {  	v11 =	vld [tilespmem:s11+$0xFFFFFFC0];
	_ =	sdelay $0x1  }
0x149: {  	v10 =	vbroadcast v10, $0x0;
	_ =	sdelay $0x2  }
0x14a: {  	v9 =	vmul.f32 v11, v9  }
0x14b: {  	s29 =	sadd.s32 $0x90, s24  }
0x14c: {  	[tilespmem:s29+$0xFFFFFFC0] =	vst v9  }
0x14d: {  	v9 =	vld.idx.msk [tilespmem:v10+s19+$0x0], $0xffff  }
0x14e: {  	v54 =	vld [tilespmem:s11+$0xFFFFFFD0];
	_ =	sdelay $0x1  }
0x14f: {  	v8 =	vbroadcast v8, $0x0;
	_ =	sdelay $0x2  }
0x150: {  	v9 =	vmul.f32 v54, v9;
	_ =	sdelay $0x1  }
0x151: {  	[tilespmem:s29+$0xFFFFFFD0] =	vst v9  }
0x152: {  	v8 =	vld.idx.msk [tilespmem:v8+s19+$0x0], $0xffff  }
0x153: {  	v9 =	vld [tilespmem:s11+$0xFFFFFFE0]  }
0x154: {  	v55 =	vadd.s32 $0x3, v7  }
0x155: {  	v10 =	vbroadcast v55, $0x0;
	_ =	sdelay $0x2  }
0x156: {  	v8 =	vmul.f32 v9, v8;
	_ =	sdelay $0x1  }
0x157: {  	[tilespmem:s29+$0xFFFFFFE0] =	vst v8  }
0x158: {  	v8 =	vld.idx.msk [tilespmem:v10+s19+$0x0], $0xffff  }
0x159: {  	v56 =	vld [tilespmem:s11+$0xFFFFFFF0]  }
0x15a: {  	v57 =	vadd.s32 $0x4, v7  }
0x15b: {  	v10 =	vbroadcast v57, $0x0;
	_ =	sdelay $0x2  }
0x15c: {  	v8 =	vmul.f32 v56, v8;
	_ =	sdelay $0x1  }
0x15d: {  	[tilespmem:s29+$0xFFFFFFF0] =	vst v8  }
0x15e: {  	v8 =	vld.idx.msk [tilespmem:v10+s19+$0x0], $0xffff  }
0x15f: {  	v58 =	vld [tilespmem:s11+$0x0]  }
0x160: {  	v59 =	vadd.s32 $0x5, v7  }
0x161: {  	v10 =	vbroadcast v59, $0x0;
	_ =	sdelay $0x2  }
0x162: {  	v8 =	vmul.f32 v58, v8;
	_ =	sdelay $0x1  }
0x163: {  	[tilespmem:s29+$0x0] =	vst v8  }
0x164: {  	v8 =	vld.idx.msk [tilespmem:v10+s19+$0x0], $0xffff  }
0x165: {  	v60 =	vld [tilespmem:s11+$0x10]  }
0x166: {  	v61 =	vadd.s32 $0x6, v7  }
0x167: {  	v10 =	vbroadcast v61, $0x0;
	_ =	sdelay $0x2  }
0x168: {  	v8 =	vmul.f32 v60, v8;
	_ =	sdelay $0x1  }
0x169: {  	[tilespmem:s29+$0x10] =	vst v8  }
0x16a: {  	v8 =	vld.idx.msk [tilespmem:v10+s19+$0x0], $0xffff  }
0x16b: {  	v62 =	vld [tilespmem:s11+$0x20]  }
0x16c: {  	v7 =	vadd.s32 $0x7, v7  }
0x16d: {  	v7 =	vbroadcast v7, $0x0;
	_ =	sdelay $0x2  }
0x16e: {  	v8 =	vmul.f32 v62, v8;
	_ =	sdelay $0x1  }
0x16f: {  	[tilespmem:s29+$0x20] =	vst v8  }
0x170: {  	v7 =	vld.idx.msk [tilespmem:v7+s19+$0x0], $0xffff  }
0x171: {  	v8 =	vld [tilespmem:s11+$0x30];
	_ =	sdelay $0x2  }
0x172: {  	v63 =	vor.u32 s26, v1;
	_ =	sdelay $0x1  }
0x173: {  	v7 =	vmul.f32 v8, v7;
	_ =	sdelay $0x1  }
0x174: {  	[tilespmem:s29+$0x30] =	vst v7  }
0x175: {  	v7 =	vld.idx.msk [tilespmem:v63+s19+$0x0], $0xffff  }
0x176: {  	s30 =	smul.u32 $0x5A00, s22  }
0x177: {  	s31 =	smul.u32 $0xA0, s23;
	p1 =	sne.s32 s21, $0xFA  }
.Ltmp3:
0x178: {  	_ = 	snop;
	(pc) =	sbr.rel @p1 .LBB2_4-.Ltmp3, $4  }
0x179: {  	_ = 	snop  }
0x17a: {  	p0 =	por !p0, !p0;
	s22 =	sshrl.u32 s31, $0x2;
	s11 =	sshrl.u32 s30, $0x2;
	v7 =	vnsel vm0, $0x0, v7  }
0x17b: {  	s23 =	smov.u32 s21;
	s22 =	sadd.s32 $0x78, s22;
	s11 =	sadd.s32 $0x3430, s11;
	[tilespmem:s29+$0x40] =	vst v7  }
0x17c: {  	[spmem:s2] =	stream.indirect.scatter.add.f32 [tilespmem:s11], [sflag:$0x3], $0x90, s22, s13, $0xb8;
	[tilespmem:$0x1C940] =	vst v63  }
0x17d: {  	_ =	swait.ge [sflag:s18], $0x1680  }
0x17e: {  	[sflag:s18] =	ssyncset.done $0x0  }
0x17f: {  	[sflag:s18] =	ssyncadd.s32 $0xFFFFE980  }
0x180: {  	_ =	swait.ge [sflag:s18], $0x1680  }
0x181: {  	[sflag:s18] =	ssyncset.done $0x0  }
0x182: {  	[sflag:s18] =	ssyncadd.s32 $0xFFFFE980  }
0x183: {  	s11 =	stileid.u32;
	[bflag:$0x0] =	sbarrier.arrive $0xFFFF  }
0x184: {  	s11 =	sshll.u32 s11, $0x6;
	s21 =	rddreg [dreg:$0x8]  }
0x185: {  	s11 =	sor.u32 $0x1C04, s11;
	s22 =	rddreg [dreg:$0x12]  }
0x186: {  	[hbm:s21], [sflag:s11] =	dma.local [spmem:s22], $0x2D00  }
0x187: {  	_ =	swait.ge [sflag:s3], $0x2D00  }
0x188: {  	s20 =	sadd.s32 $0x1, s20;
	s31 =	rddreg [dreg:$0x9]  }
0x189: {  	p0 =	sne.s32 s20, s31  }
.Ltmp4:
0x18a: {  	_ = 	snop;
	(pc) =	sbr.rel @p0 .LBB2_1-.Ltmp4, $3  }
0x18b: {  	_ =	sdelay $0x1  }
0x18c: {  	[sflag:s3] =	ssyncset.done $0x0  }
0x18d: {  	[sflag:s3] =	ssyncadd.s32 $0xFFFFD300  }
0x18e: {  	_ =	sfence.sel $0x180000  }
0x18f: {  	[bflag:$0x0] =	sbarrier.arrive $0xFFFF  }
0x190: {  	_ =	strace $0x9000004D  }
0x191: {  	s0 =	stileid.u32;
	[bflag:$0x2] =	sbarrier.arrive $0xFFFF  }
0x192: {  	p0 =	sne.s32 s0, $0x0;
	s0 =	rddreg [dreg:$0x3]  }
0x193: {  	s0 =	sadd.s32 @!p0 $0x100000, s0  }
0x194: {  	[sflag:s0] =	ssyncadd.tile.s32 @!p0 $0x1;
	_ =	shalt  }
.Lfunc_end2:
_tile_overlayer_lowered:
.L_overlay_start_2:
0x195: {  	(tag) =	ssettag $0x2  }
0x196: {  	s0 =	rddreg [dreg:$0x0];
	s2 =	stileid.u32  }
0x197: {  	s1 =	rddreg [dreg:$0x1];
	p0 =	sne.s32 s2, $0x0  }
0x198: {  	s3 =	rddreg [dreg:$0x2];
	[bflag:$0x3] =	sbarrier.arrive $0xFFFF;
	s2 =	simm.s32 @!p0 $0x1C04  }
0x199: {  	[timem:s3], [sflag:s2] =	dma.local @!p0 [hbm:s0], s1  }
0x19a: {  	s0 =	simm.s32 @!p0 $0x4  }
0x19b: {  	_ =	swait.ge @!p0 [sflag:s0], s1  }
0x19c: {  	s1 =	ssub.s32 @!p0 $0x0, s1;
	[sflag:s0] =	ssyncset.done @!p0 $0x0  }
0x19d: {  	[sflag:s0] =	ssyncadd.s32 @!p0 s1  }
0x19e: {  	[bflag:$0x3] =	sbarrier.arrive $0xFFFF  }
0x19f: {  	_ =	shalt  }

// kernel: kernel.20.cloned.1.call-start
scs
__scs_entry_jumppad:
0x0: {  	(pc) =	sbr.rel $0x88, $3  }
0x1: {  	(tag) =	ssettag $0x0;
	lr =	simm.s32 $0x1  }
0x2: {  	[smem:$0x3F88] =	sst lr;
	_ =	strace $0xD0000000  }
0x3: {  	_ = 	snop  }
0x4: {  	_ = 	snop  }
0x5: {  	_ = 	snop  }
0x6: {  	_ = 	snop  }
0x7: {  	_ = 	snop  }
__scs_overlays_trampoline_lowered:
0x8: {  	[smem:$0x3F97] =	sst s0  }
0x9: {  	[smem:$0x3F98] =	sst s1  }
0xa: {  	[smem:$0x3F99] =	sst s2  }
0xb: {  	[smem:$0x3F9A] =	sst s3  }
0xc: {  	[smem:$0x3F9B] =	sst s4  }
0xd: {  	[smem:$0x3F9C] =	sst s5  }
0xe: {  	[smem:$0x3F9D] =	sst s6  }
0xf: {  	[smem:$0x3F9E] =	sst s7  }
0x10: {  	[smem:$0x3F9F] =	sst s8  }
0x11: {  	[smem:$0x3FA0] =	sst s9;
	s0 =	simm.s32 @!p0 $0x0  }
0x12: {  	s1 =	sld [smem:$0x3F86];
	s0 =	simm.s32 @p0 $0x1  }
0x13: {  	[smem:$0x3FA1] =	sst s0;
	s0 =	simm.s32 @!p1 $0x0  }
0x14: {  	s2 =	sld [smem:$0x3F85];
	s0 =	simm.s32 @p1 $0x1  }
0x15: {  	[smem:$0x3FA2] =	sst s0;
	s0 =	simm.s32 @!p2 $0x0  }
0x16: {  	s3 =	sld [smem:$0x3FDB];
	s0 =	simm.s32 @p2 $0x1  }
0x17: {  	s4 =	simm.s32 $0x1BF5;
	[smem:$0x3FA4] =	sst s0  }
0x18: {  	s0 =	sld [smem:$0x3F87];
	_ =	swait.ge [sflag:s4], $0x0  }
0x19: {  	s7 =	sld [smem:$0x3F88]  }
0x1a: {  	s8 =	sadd.s32 $0xFFFFE003, lr  }
0x1b: {  	s9 =	sadd.s32 $0xFFFFFEF7, lr;
	s5 =	simm.s32 $0xFFFFFFFF;
	p2 =	slt.u32 s8, $0xFFFFF086  }
0x1c: {  	p1 =	slt.u32 s9, $0xF7A;
	s5 =	simm.s32 @!p2 $0x0  }
0x1d: {  	s5 =	simm.s32 @p1 $0x1;
	p0 =	seq.s32 s7, s2  }
0x1e: {  	s7 =	smul.u32 @!p0 $0xF7A, s2;
	p2 =	seq.s32 @!p0 s5, $0x0  }
0x1f: {  	s9 =	smul.u32 $0xF7A, s1;
	s8 =	simm.s32 @!p0 $0x1BF5;
	p2 =	por !p2, p0  }
0x20: {  	[sflag:s8] =	ssyncset.s32 @!p0 $0xFFFFF086;
	s6 =	sadd.s32 @!p0 s3, s7;
	s7 =	simm.s32 @!p0 $0x108  }
0x21: {  	s3 =	sadd.s32 s3, s9;
	s6 =	sadd.s32 @!p0 $0x88, s6;
	s7 =	simm.s32 @p2 $0x1082  }
0x22: {  	[simem:s7], [sflag:s8] =	dma.local @!p0 [hbm:s6], $0xF7A  }
0x23: {  	s9 =	sor.u32 $0xD0000000, s2;
	s6 =	simm.s32 $0x108;
	_ =	swait.ge @!p0 [sflag:s8], $0x0  }
0x24: {  	s3 =	sadd.s32 $0x88, s3;
	s6 =	simm.s32 @!p1 $0x1082;
	[sflag:s4] =	ssyncset.s32 $0xFFFFF086  }
0x25: {  	[simem:s6], [sflag:s4] =	dma.local [hbm:s3], $0xF7A  }
0x26: {  	[smem:$0x3F88] =	sst s1;
	(tag) =	ssettag s2;
	_ =	strace s9  }
0x27: {  	s1 =	sld [smem:$0x3F98]  }
0x28: {  	s2 =	sld [smem:$0x3F99]  }
0x29: {  	s4 =	sld [smem:$0x3F9B]  }
0x2a: {  	p0 =	seq.s32 s5, $0x0;
	s5 =	sld [smem:$0x3F9C]  }
0x2b: {  	s6 =	sld [smem:$0x3F9D]  }
0x2c: {  	s7 =	sld [smem:$0x3F9E]  }
0x2d: {  	s3 =	simm.s32 $0x108;
	s8 =	sld [smem:$0x3F9F]  }
0x2e: {  	s3 =	simm.s32 @!p0 $0x1082;
	s9 =	sld [smem:$0x3FA0]  }
0x2f: {  	lr =	sadd.s32 s0, s3;
	s0 =	sld [smem:$0x3F97]  }
0x30: {  	s3 =	sld [smem:$0x3F9A]  }
0x31: {  	[smem:$0x3FA3] =	sst s10  }
0x32: {  	s10 =	sld [smem:$0x3FA1];
	_ =	sdelay $0x3  }
0x33: {  	p0 =	seq.s32 s10, $0x1;
	s10 =	sld [smem:$0x3FA3];
	_ =	sdelay $0x3  }
0x34: {  	[smem:$0x3FA3] =	sst s10  }
0x35: {  	s10 =	sld [smem:$0x3FA2];
	_ =	sdelay $0x3  }
0x36: {  	p1 =	seq.s32 s10, $0x1;
	s10 =	sld [smem:$0x3FA3];
	_ =	sdelay $0x3  }
0x37: {  	[smem:$0x3FA3] =	sst s10  }
0x38: {  	s10 =	sld [smem:$0x3FA4]  }
0x39: {  	_ = 	snop;
	(pc) =	sbr.ind lr, $3  }
0x3a: {  	_ = 	snop  }
0x3b: {  	_ = 	snop  }
0x3c: {  	p2 =	seq.s32 s10, $0x1;
	s10 =	sld [smem:$0x3FA3]  }
0x3d: {  	_ =	shalt  }
0x3e: {  	_ =	shalt  }
0x3f: {  	_ =	shalt  }
0x40: {  	_ =	shalt  }
0x41: {  	_ =	shalt  }
0x42: {  	_ =	shalt  }
0x43: {  	_ =	shalt  }
0x44: {  	_ =	shalt  }
0x45: {  	_ =	shalt  }
0x46: {  	_ =	shalt  }
0x47: {  	_ =	shalt  }
0x48: {  	_ =	shalt  }
0x49: {  	_ =	shalt  }
0x4a: {  	_ =	shalt  }
0x4b: {  	_ =	shalt  }
0x4c: {  	_ =	shalt  }
0x4d: {  	_ =	shalt  }
0x4e: {  	_ =	shalt  }
0x4f: {  	_ =	shalt  }
0x50: {  	_ =	shalt  }
0x51: {  	_ =	shalt  }
0x52: {  	_ =	shalt  }
0x53: {  	_ =	shalt  }
0x54: {  	_ =	shalt  }
0x55: {  	_ =	shalt  }
0x56: {  	_ =	shalt  }
0x57: {  	_ =	shalt  }
0x58: {  	_ =	shalt  }
0x59: {  	_ =	shalt  }
0x5a: {  	_ =	shalt  }
0x5b: {  	_ =	shalt  }
0x5c: {  	_ =	shalt  }
0x5d: {  	_ =	shalt  }
0x5e: {  	_ =	shalt  }
0x5f: {  	_ =	shalt  }
0x60: {  	_ =	shalt  }
0x61: {  	_ =	shalt  }
0x62: {  	_ =	shalt  }
0x63: {  	_ =	shalt  }
0x64: {  	_ =	shalt  }
0x65: {  	_ =	shalt  }
0x66: {  	_ =	shalt  }
0x67: {  	_ =	shalt  }
0x68: {  	_ =	shalt  }
0x69: {  	_ =	shalt  }
0x6a: {  	_ =	shalt  }
0x6b: {  	_ =	shalt  }
0x6c: {  	_ =	shalt  }
0x6d: {  	_ =	shalt  }
0x6e: {  	_ =	shalt  }
0x6f: {  	_ =	shalt  }
0x70: {  	_ =	shalt  }
0x71: {  	_ =	shalt  }
0x72: {  	_ =	shalt  }
0x73: {  	_ =	shalt  }
0x74: {  	_ =	shalt  }
0x75: {  	_ =	shalt  }
0x76: {  	_ =	shalt  }
0x77: {  	_ =	shalt  }
0x78: {  	_ =	shalt  }
0x79: {  	_ =	shalt  }
0x7a: {  	_ =	shalt  }
0x7b: {  	_ =	shalt  }
0x7c: {  	_ =	shalt  }
0x7d: {  	_ =	shalt  }
0x7e: {  	_ =	shalt  }
0x7f: {  	_ =	shalt  }
0x80: {  	_ =	shalt  }
0x81: {  	_ =	shalt  }
0x82: {  	_ =	shalt  }
0x83: {  	_ =	shalt  }
0x84: {  	_ =	shalt  }
0x85: {  	_ =	shalt  }
0x86: {  	_ =	shalt  }
0x87: {  	_ =	shalt  }
.Lfunc_end0:
.L_simem_size_0:
called_computation.3_lowered:
.L_overlay_start_0:
0x88: {  	s2 =	sld [smem:$0x3FD9]  }
0x89: {  	s3 =	sld [smem:$0x3FFE];
	_ =	sdelay $0x1  }
0x8a: {  	s1 =	srdreg.scid  }
0x8b: {  	s0 =	sand.u32 $0x1, s1  }
0x8c: {  	s17 =	sshll.u32 s0, $0xA;
	s2 =	sadd.s32 s3, s2  }
0x8d: {  	s2 =	sadd.s32 s2, s17  }
0x8e: {  	[smem:$0x3FAF] =	sst s2  }
0x8f: {  	_ = 	snop  }
0x90: {  	s2 =	sld [smem:$0x3FD0];
	(tm) =	ssettm $0x1  }
0x91: {  	s18 =	sld [smem:$0x3FFB];
	_ =	sdelay $0x3  }
0x92: {  	_ =	strace s18  }
0x93: {  	s3 =	sld [smem:$0x3FFC];
	_ =	sdelay $0x3  }
0x94: {  	_ =	strace s3  }
0x95: {  	s3 =	sld [smem:$0x3FFD];
	_ =	sdelay $0x3  }
0x96: {  	_ =	strace s3  }
0x97: {  	_ =	strace $0x8FFFFFFF  }
0x98: {  	s19 =	sld [smem:$0x3FDB];
	_ =	sdelay $0x1  }
0x99: {  	s4 =	simm.s32 $_scs_section_size  }
0x9a: {  	s5 =	simm.s32 $_size__tile_overlayer_lowered;
	s6 =	simm.s32 $_tile_overlayer_lowered  }
0x9b: {  	s22 =	simm.s32 $0x1BFF;
	s21 =	sshll.u32 s6, $0x1;
	s3 =	sadd.s32 s4, s19  }
0x9c: {  	s7 =	simm.s32 $0x0;
	s20 =	sshll.u32 s5, $0x1;
	s5 =	sadd.s32 s21, s3  }
0x9d: {  	[timem:s7], [sflag:s22] =	dma.local [hbm:s5], s20  }
0x9e: {  	_ =	swait.ge [sflag:s22], s20  }
0x9f: {  	s4 =	ssub.s32 $0x0, s20;
	[sflag:s22] =	ssyncset.done $0x0  }
0xa0: {  	[sflag:s22] =	ssyncadd.s32 s4;
	_ =	sdelay $0x1  }
0xa1: {  	s23 =	simm.s32 $0x1B8B  }
0xa2: {  	_ =	swait.ge [sflag:s23], $0x1  }
0xa3: {  	[sflag:s23] =	ssyncset.done $0x0  }
0xa4: {  	s25 =	simm.s32 $0x1B8E;
	s24 =	sld [smem:$0x3FFE];
	[sflag:s23] =	ssyncadd.s32 $0xFFFFFFFF  }
0xa5: {  	s26 =	simm.s32 $execute0_lowered;
	[smem:$0x3FD2] =	sst s25  }
0xa6: {  	s5 =	sshll.u32 s26, $0x1;
	_ =	strace $0x8000004F;
	[dreg:$0x1] =	wrdreg $0xFFFFFFFF  }
0xa7: {  	s28 =	simm.s32 $_size_execute0_lowered;
	s3 =	sadd.s32 s3, s5;
	[dreg:$0x0] =	wrdreg $0x0  }
0xa8: {  	s5 =	sshll.u32 s28, $0x1;
	[dreg:$0x2] =	wrdreg s3  }
0xa9: {  	[dreg:$0x3] =	wrdreg s5  }
0xaa: {  	[dreg:$0x4] =	wrdreg $0xC0  }
0xab: {  	_ =	task [dreg:s7], $0x5FFFF  }
0xac: {  	[dreg:$0x1] =	wrdreg $0xFFFFFFFF  }
0xad: {  	[dreg:$0x0] =	wrdreg $0x60  }
0xae: {  	[dreg:$0x2] =	wrdreg s24  }
0xaf: {  	[dreg:$0x3] =	wrdreg s2  }
0xb0: {  	[dreg:$0x4] =	wrdreg $0x61400  }
0xb1: {  	[dreg:$0x5] =	wrdreg $0x9  }
0xb2: {  	_ =	task.clear_ibuf [dreg:s7], $0x6FFFF;
	_ =	strace $0x9000004F  }
0xb3: {  	s29 =	simm.s32 $0x9;
	_ =	strace $0x80000051  }
0xb4: {  	_ =	swait.ge [sflag:s29], $0x1  }
0xb5: {  	[sflag:s29] =	ssyncadd.s32 $0xFFFFFFFF  }
0xb6: {  	_ =	strace $0x90000051  }
0xb7: {  	_ =	sfence  }
0xb8: {  	s30 =	sld [smem:$0x0];
	_ =	sdelay $0x2  }
0xb9: {  	s31 =	sshll.u32 s1, $0xD;
	s1 =	sshrl.u32 s1, $0x2  }
0xba: {  	s3 =	sand.u32 $0x4000, s31;
	s1 =	sadd.s32 s1, s30  }
0xbb: {  	s0 =	sor.u32 s3, s0;
	s1 =	sshll.u32 s1, $0x11  }
0xbc: {  	s0 =	sor.u32 s1, s0  }
0xbd: {  	s0 =	sadd.s32 $0x8F2B, s0  }
0xbe: {  	[sflag:s0] =	ssyncadd.remote.s32 $0x1  }
0xbf: {  	_ =	sfence.sel $0xFFFF  }
0xc0: {  	[dreg:$0x0] =	wrdreg $0xFFFFFFFF;
	(pc) =	sbr.abs _section_cstart, $3  }
0xc1: {  	[dreg:$0x1] =	wrdreg $0xFFFFFFFF  }
0xc2: {  	_ =	task.clear_ibuf [dreg:s7], $0x2FFFF;
	_ =	strace $0x9FFFFFFF  }
0xc3: {  	(tm) =	ssettm $0x7FFFFFFF  }
tec
execute0_lowered:
.L_overlay_start_1:
0x0: {  	(tag) =	ssettag $0x1  }
0x1: {  	s0 =	rddreg [dreg:$0x0]  }
0x2: {  	s2 =	rddreg [dreg:$0x2]  }
0x3: {  	s3 =	simm.s32 $0x0;
	s1 =	srdreg.scid;
	s12 =	stileid.u32  }
0x4: {  	[smem:$0x7FF] =	sst s3;
	s1 =	sand.u32 $0x1, s1;
	s5 =	sadd.s32 $0x3E000, s0  }
0x5: {  	s4 =	smul.u32 $0x16800, s12;
	s6 =	sadd.s32 $0x34200, s0;
	s7 =	sadd.s32 $0x3200, s0  }
0x6: {  	s8 =	sshll.u32 s12, $0x1;
	s9 =	sadd.s32 $0x2F200, s0;
	s30 =	smul.u32 $0x168000, s1  }
0x7: {  	s13 =	smul.u32 $0x5A000, s12;
	s10 =	ssub.s32 $0x2, s1;
	s1 =	sor.u32 s1, s8  }
0x8: {  	s11 =	sshrl.u32 s10, $0x1;
	s8 =	smul.u32 $0x2710, s1;
	s3 =	sadd.s32 s4, s30  }
0x9: {  	_ =	strace $0x80000050;
	s31 =	ssub.s32 s10, s11;
	s3 =	sshrl.u32 s3, $0x3  }
0xa: {  	s10 =	sshrl.u32 s8, $0x3;
	s11 =	sadd.s32 $0x28, s8;
	s1 =	smax.u32 s31, $0x1  }
0xb: {  	s0 =	sadd.s32 s3, s0;
	s14 =	sadd.s32 s5, s10;
	[dreg:$0x9] =	wrdreg s1  }
0xc: {  	s3 =	sadd.s32 s6, s10;
	s15 =	sshrl.u32 s11, $0x3;
	[dreg:$0x4] =	wrdreg s14  }
0xd: {  	[dreg:$0x5] =	wrdreg s3;
	s10 =	sadd.s32 s5, s15  }
0xe: {  	s16 =	sshrl.u32 s13, $0x2;
	s3 =	sadd.s32 s6, s15;
	[dreg:$0x6] =	wrdreg s10  }
0xf: {  	s0 =	sadd.s32 $0x47E00, s0;
	s15 =	sadd.s32 s16, s2;
	[dreg:$0x7] =	wrdreg s3  }
0x10: {  	[dreg:$0x8] =	wrdreg s0;
	s18 =	sadd.s32 $0x1680, s15  }
0x11: {  	s19 =	sadd.s32 $0x2D00, s15;
	[dreg:$0xa] =	wrdreg s18  }
0x12: {  	s20 =	sadd.s32 $0x4380, s15;
	[dreg:$0xb] =	wrdreg s19  }
0x13: {  	s21 =	sadd.s32 $0x5A00, s15;
	[dreg:$0xc] =	wrdreg s20  }
0x14: {  	s22 =	sadd.s32 $0x7080, s15;
	[dreg:$0xd] =	wrdreg s21  }
0x15: {  	s12 =	simm.s32 $0x2;
	s23 =	sadd.s32 $0x8700, s15;
	[dreg:$0xe] =	wrdreg s22  }
0x16: {  	s17 =	sadd.s32 s4, s2;
	s24 =	sadd.s32 $0x9D80, s15;
	[dreg:$0xf] =	wrdreg s23  }
0x17: {  	s13 =	simm.s32 $0x28;
	s25 =	sadd.s32 $0xB400, s15;
	[dreg:$0x10] =	wrdreg s24  }
0x18: {  	s4 =	simm.s32 $0x3430;
	s0 =	sshrl.u32 s17, $0x3;
	[dreg:$0x11] =	wrdreg s25  }
0x19: {  	s14 =	simm.s32 $0xF0;
	s26 =	sadd.s32 $0xCA80, s15;
	[dreg:$0x12] =	wrdreg s0  }
0x1a: {  	s16 =	simm.s32 $0x2DF0;
	s28 =	sadd.s32 $0xE100, s15;
	[dreg:$0x13] =	wrdreg s26  }
0x1b: {  	s29 =	sadd.s32 $0xF780, s15;
	s30 =	sadd.s32 $0x10E00, s15;
	[dreg:$0x14] =	wrdreg s28  }
0x1c: {  	s31 =	sadd.s32 $0x12480, s15;
	s1 =	sadd.s32 $0x15180, s15;
	[dreg:$0x15] =	wrdreg s29  }
0x1d: {  	v3 =	vlaneseq.u32;
	s3 =	simm.s32 $0x4;
	s10 =	simm.s32 $0x6130;
	[dreg:$0x16] =	wrdreg s30  }
0x1e: {  	v0 =	vimm.f32 $0.0e+00;
	vm0 =	vmmov $0xff;
	v1 =	vand.u32 $0x7, v3;
	s17 =	simm.s32 $0x1;
	[dreg:$0x17] =	wrdreg s31;
	s0 =	sadd.s32 $0x13B00, s15  }
0x1f: {  	v2 =	vor.u32 $0x8, v3;
	v3 =	vshrl.u32 v3, $0x3;
	v4 =	vor.u32 $0x80, v1;
	s18 =	simm.s32 $0x3;
	s19 =	simm.s32 $0x32F0;
	s20 =	simm.s32 $0x0  }
.LBB2_1:
0x20: {  	s11 =	simm.s32 $0x0  }
0x21: {  	s11 =	smul.u32 $0xE38F, s11;
	_ =	sdelay $0x1  }
0x22: {  	s21 =	sshrl.u32 s11, $0x13  }
0x23: {  	s22 =	simm.s32 $0x0;
	s11 =	simm.s32 $0x1;
	s23 =	smul.u32 $0x9, s21  }
.LBB2_2:
0x24: {  	s24 =	smul.u32 $0xE38F, s11  }
0x25: {  	s25 =	smov.u32 s11;
	s21 =	smul.u32 $0x240, s21;
	p0 =	sne.s32 s11, $0x2CF  }
.Ltmp0:
0x26: {  	s22 =	ssub.s32 s22, s23;
	(pc) =	sbr.rel @p0 .LBB2_2-.Ltmp0, $4  }
0x27: {  	s11 =	sadd.s32 $0x1, s11;
	s22 =	sand.u32 $0xFFFF, s22  }
0x28: {  	s23 =	sshrl.u32 s21, $0x2;
	s26 =	sshll.u32 s22, $0x4;
	s22 =	smov.u32 s25  }
0x29: {  	s21 =	sshrl.u32 s24, $0x13;
	s24 =	sadd.s32 s26, s23  }
0x2a: {  	s23 =	smul.u32 $0x9, s21;
	[tilespmem:s24+$0x3430] =	vst v0  }
0x2b: {  	_ = 	snop  }
0x2c: {  	s21 =	smul.u32 $0x240, s21;
	s11 =	ssub.s32 s22, s23  }
0x2d: {  	s11 =	sand.u32 $0xFFFF, s11  }
0x2e: {  	s21 =	sshrl.u32 s21, $0x2;
	s11 =	sshll.u32 s11, $0x4  }
0x2f: {  	s11 =	sadd.s32 s11, s21  }
0x30: {  	[tilespmem:s11+$0x3430] =	vst v0  }
0x31: {  	[spmem:s15] =	stream.linear.scatter [tilespmem:s4], [sflag:$0x4], $0x1680, $0x38;
	[tilespmem:$0x1C940] =	vst v63  }
0x32: {  	_ =	swait.ge [sflag:s3], $0x1680  }
0x33: {  	[sflag:s3] =	ssyncset.done $0x0  }
0x34: {  	s21 =	rddreg [dreg:$0xa];
	[sflag:s3] =	ssyncadd.s32 $0xFFFFE980  }
0x35: {  	[spmem:s21] =	stream.linear.scatter [tilespmem:s4], [sflag:$0x4], $0x1680, $0x38;
	[tilespmem:$0x1C940] =	vst v63  }
0x36: {  	_ =	swait.ge [sflag:s3], $0x1680  }
0x37: {  	[sflag:s3] =	ssyncset.done $0x0  }
0x38: {  	s22 =	rddreg [dreg:$0xb];
	[sflag:s3] =	ssyncadd.s32 $0xFFFFE980  }
0x39: {  	[spmem:s22] =	stream.linear.scatter [tilespmem:s4], [sflag:$0x4], $0x1680, $0x38;
	[tilespmem:$0x1C940] =	vst v63  }
0x3a: {  	_ =	swait.ge [sflag:s3], $0x1680  }
0x3b: {  	[sflag:s3] =	ssyncset.done $0x0  }
0x3c: {  	s23 =	rddreg [dreg:$0xc];
	[sflag:s3] =	ssyncadd.s32 $0xFFFFE980  }
0x3d: {  	[spmem:s23] =	stream.linear.scatter [tilespmem:s4], [sflag:$0x4], $0x1680, $0x38;
	[tilespmem:$0x1C940] =	vst v63  }
0x3e: {  	_ =	swait.ge [sflag:s3], $0x1680  }
0x3f: {  	[sflag:s3] =	ssyncset.done $0x0  }
0x40: {  	s24 =	rddreg [dreg:$0xd];
	[sflag:s3] =	ssyncadd.s32 $0xFFFFE980  }
0x41: {  	[spmem:s24] =	stream.linear.scatter [tilespmem:s4], [sflag:$0x4], $0x1680, $0x38;
	[tilespmem:$0x1C940] =	vst v63  }
0x42: {  	_ =	swait.ge [sflag:s3], $0x1680  }
0x43: {  	[sflag:s3] =	ssyncset.done $0x0  }
0x44: {  	s25 =	rddreg [dreg:$0xe];
	[sflag:s3] =	ssyncadd.s32 $0xFFFFE980  }
0x45: {  	[spmem:s25] =	stream.linear.scatter [tilespmem:s4], [sflag:$0x4], $0x1680, $0x38;
	[tilespmem:$0x1C940] =	vst v63  }
0x46: {  	_ =	swait.ge [sflag:s3], $0x1680  }
0x47: {  	[sflag:s3] =	ssyncset.done $0x0  }
0x48: {  	s26 =	rddreg [dreg:$0xf];
	[sflag:s3] =	ssyncadd.s32 $0xFFFFE980  }
0x49: {  	[spmem:s26] =	stream.linear.scatter [tilespmem:s4], [sflag:$0x4], $0x1680, $0x38;
	[tilespmem:$0x1C940] =	vst v63  }
0x4a: {  	_ =	swait.ge [sflag:s3], $0x1680  }
0x4b: {  	[sflag:s3] =	ssyncset.done $0x0  }
0x4c: {  	s28 =	rddreg [dreg:$0x10];
	[sflag:s3] =	ssyncadd.s32 $0xFFFFE980  }
0x4d: {  	[spmem:s28] =	stream.linear.scatter [tilespmem:s4], [sflag:$0x4], $0x1680, $0x38;
	[tilespmem:$0x1C940] =	vst v63  }
0x4e: {  	_ =	swait.ge [sflag:s3], $0x1680  }
0x4f: {  	[sflag:s3] =	ssyncset.done $0x0  }
0x50: {  	s29 =	rddreg [dreg:$0x11];
	[sflag:s3] =	ssyncadd.s32 $0xFFFFE980  }
0x51: {  	[spmem:s29] =	stream.linear.scatter [tilespmem:s4], [sflag:$0x4], $0x1680, $0x38;
	[tilespmem:$0x1C940] =	vst v63  }
0x52: {  	_ =	swait.ge [sflag:s3], $0x1680  }
0x53: {  	[sflag:s3] =	ssyncset.done $0x0  }
0x54: {  	s30 =	rddreg [dreg:$0x13];
	[sflag:s3] =	ssyncadd.s32 $0xFFFFE980  }
0x55: {  	[spmem:s30] =	stream.linear.scatter [tilespmem:s4], [sflag:$0x4], $0x1680, $0x38;
	[tilespmem:$0x1C940] =	vst v63  }
0x56: {  	_ =	swait.ge [sflag:s3], $0x1680  }
0x57: {  	[sflag:s3] =	ssyncset.done $0x0  }
0x58: {  	s31 =	rddreg [dreg:$0x14];
	[sflag:s3] =	ssyncadd.s32 $0xFFFFE980  }
0x59: {  	[spmem:s31] =	stream.linear.scatter [tilespmem:s4], [sflag:$0x4], $0x1680, $0x38;
	[tilespmem:$0x1C940] =	vst v63  }
0x5a: {  	_ =	swait.ge [sflag:s3], $0x1680  }
0x5b: {  	[sflag:s3] =	ssyncset.done $0x0  }
0x5c: {  	s21 =	rddreg [dreg:$0x15];
	[sflag:s3] =	ssyncadd.s32 $0xFFFFE980  }
0x5d: {  	[spmem:s21] =	stream.linear.scatter [tilespmem:s4], [sflag:$0x4], $0x1680, $0x38;
	[tilespmem:$0x1C940] =	vst v63  }
0x5e: {  	_ =	swait.ge [sflag:s3], $0x1680  }
0x5f: {  	[sflag:s3] =	ssyncset.done $0x0  }
0x60: {  	s22 =	rddreg [dreg:$0x16];
	[sflag:s3] =	ssyncadd.s32 $0xFFFFE980  }
0x61: {  	[spmem:s22] =	stream.linear.scatter [tilespmem:s4], [sflag:$0x4], $0x1680, $0x38;
	[tilespmem:$0x1C940] =	vst v63  }
0x62: {  	_ =	swait.ge [sflag:s3], $0x1680  }
0x63: {  	[sflag:s3] =	ssyncset.done $0x0  }
0x64: {  	s23 =	rddreg [dreg:$0x17];
	[sflag:s3] =	ssyncadd.s32 $0xFFFFE980  }
0x65: {  	[spmem:s23] =	stream.linear.scatter [tilespmem:s4], [sflag:$0x4], $0x1680, $0x38;
	[tilespmem:$0x1C940] =	vst v63  }
0x66: {  	_ =	swait.ge [sflag:s3], $0x1680  }
0x67: {  	[sflag:s3] =	ssyncset.done $0x0  }
0x68: {  	[sflag:s3] =	ssyncadd.s32 $0xFFFFE980  }
0x69: {  	[spmem:s0] =	stream.linear.scatter [tilespmem:s4], [sflag:$0x4], $0x1680, $0x38;
	[tilespmem:$0x1C940] =	vst v63  }
0x6a: {  	_ =	swait.ge [sflag:s3], $0x1680  }
0x6b: {  	[sflag:s3] =	ssyncset.done $0x0  }
0x6c: {  	[sflag:s3] =	ssyncadd.s32 $0xFFFFE980  }
0x6d: {  	[spmem:s1] =	stream.linear.scatter [tilespmem:s4], [sflag:$0x4], $0x1680, $0x38;
	[tilespmem:$0x1C940] =	vst v63  }
0x6e: {  	_ =	swait.ge [sflag:s3], $0x1680  }
0x6f: {  	[sflag:s3] =	ssyncset.done $0x0  }
0x70: {  	[sflag:s3] =	ssyncadd.s32 $0xFFFFE980  }
0x71: {  	[bflag:$0x0] =	sbarrier.arrive $0xFFFF  }
0x72: {  	s23 =	simm.s32 $0x0;
	s24 =	rddreg [dreg:$0x1]  }
0x73: {  	[tilespmem:s10], [sflag:$0x4] =	stream.linear.gather [hbm4b:s24+s23], $0x10, $0x38;
	[tilespmem:$0x1C940] =	vst v63  }
0x74: {  	_ =	swait.ge [sflag:s3], $0x10  }
0x75: {  	[sflag:s3] =	ssyncset.done $0x0  }
0x76: {  	[sflag:s3] =	ssyncadd.s32 $0xFFFFFFF0  }
0x77: {  	s25 =	rddreg [dreg:$0x4];
	v5 =	vld.idx.msk [tilespmem:v1+s10+$0x0], $0xffff  }
0x78: {  	v6 =	vld.idx.msk [tilespmem:v2+s10+$0x0], $0xffff;
	[tilespmem:s23], [sflag:$0x2] =	stream.linear.gather [hbm4b:s25+s23], $0x28, $0x38  }
0x79: {  	s28 =	simm.s32 $0x78;
	s26 =	rddreg [dreg:$0x5]  }
0x7a: {  	[tilespmem:s28], [sflag:$0x2] =	stream.linear.gather [hbm4b:s26+s23], $0x28, $0x38;
	[tilespmem:$0x1C940] =	vst v63  }
0x7b: {  	_ =	swait.ge [sflag:s12], $0x28  }
0x7c: {  	[sflag:s12] =	ssyncset.done $0x0  }
0x7d: {  	[sflag:s12] =	ssyncadd.s32 $0xFFFFFFD8  }
0x7e: {  	_ =	swait.ge [sflag:s12], $0x28  }
0x7f: {  	[sflag:s12] =	ssyncset.done $0x0  }
0x80: {  	[sflag:s12] =	ssyncadd.s32 $0xFFFFFFD8  }
0x81: {  	[tilespmem:s14], [sflag:$0x1] =	stream.indirect.gather [hbm4b:s7+s13], $0x90, s23, s13, $0xb8;
	[tilespmem:$0x1C940] =	vst v63  }
0x82: {  	_ = 	snop  }
0x83: {  	v5 =	vadd.f32 v6, v5;
	[tilespmem:s16], [sflag:$0x1] =	stream.indirect.gather [hbm4b:s9+s13], $0x10, s28, s13, $0xb8;
	[tilespmem:$0x1C940] =	vst v63  }
0x84: {  	s29 =	rddreg [dreg:$0x6]  }
0x85: {  	v6 =	vmul.f32 $2.000000030e-01, v5;
	[tilespmem:s13], [sflag:$0x2] =	stream.linear.gather [hbm4b:s29+s23], $0x28, $0x38;
	[tilespmem:$0x1C940] =	vst v63  }
0x86: {  	p0 =	por $0x0, $0x0;
	s31 =	simm.s32 $0xA0;
	s30 =	rddreg [dreg:$0x7];
	vm1 =	vge.f32 v5, $0.0e+00  }
0x87: {  	v5 =	vsel vm1, v5, v6;
	[tilespmem:s31], [sflag:$0x2] =	stream.linear.gather [hbm4b:s30+s23], $0x28, $0x38;
	[tilespmem:$0x1C940] =	vst v63  }
.LBB2_4:
0x88: {  	s21 =	sadd.s32 $0x1, s23;
	p1 =	seq.s32 s23, $0xF9;
	_ =	swait.ge [sflag:s17], $0x1680  }
0x89: {  	s11 =	sand.u32 @!p1 $0xFF, s21;
	[sflag:s17] =	ssyncset.done $0x0  }
0x8a: {  	s11 =	smul.u32 @!p1 $0xAB, s11;
	[sflag:s17] =	ssyncadd.s32 $0xFFFFE980  }
0x8b: {  	_ =	swait.ge [sflag:s17], $0x280  }
0x8c: {  	s22 =	sand.u32 $0x1, s23;
	s11 =	sshrl.u32 @!p1 s11, $0x9;
	[sflag:s17] =	ssyncset.done $0x0  }
0x8d: {  	s24 =	simm.s32 @!p1 $0x2;
	s11 =	smul.u32 @!p1 $0x3, s11;
	[sflag:s17] =	ssyncadd.s32 $0xFFFFFD80  }
0x8e: {  	s25 =	sxor.u32 @!p1 $0x1, s22;
	_ =	swait.ge @!p1 [sflag:s24], $0x28  }
0x8f: {  	s26 =	smul.u32 @!p1 $0x5A00, s25;
	s11 =	ssub.s32 @!p1 s21, s11;
	[sflag:s24] =	ssyncset.done @!p1 $0x0  }
0x90: {  	s11 =	smul.u32 @!p1 $0x28, s11;
	[sflag:s24] =	ssyncadd.s32 @!p1 $0xFFFFFFD8  }
0x91: {  	_ =	swait.ge @!p1 [sflag:s24], $0x28  }
0x92: {  	s26 =	sshrl.u32 @!p1 s26, $0x2;
	s11 =	sand.u32 @!p1 $0xF8, s11;
	[sflag:s24] =	ssyncset.done @!p1 $0x0  }
0x93: {  	[sflag:s24] =	ssyncadd.s32 @!p1 $0xFFFFFFD8;
	s24 =	sadd.s32 @!p1 $0xF0, s26;
	s26 =	simm.s32 @!p1 $0x28  }
0x94: {  	[tilespmem:s24], [sflag:$0x1] =	stream.indirect.gather @!p1 [hbm4b:s7+s26], $0x90, s11, s26, $0xb8;
	[tilespmem:$0x1C940] =	vst v63  }
0x95: {  	p2 =	sgt.u32 @!p1 s23, $0xF7;
	s24 =	smul.u32 @!p1 $0xA00, s25  }
0x96: {  	p2 =	por p1, p2  }
0x97: {  	s25 =	sadd.s32 @!p2 $0x2, s23;
	s24 =	sshrl.u32 @!p1 s24, $0x2  }
0x98: {  	s11 =	sadd.s32 @!p1 $0x78, s11;
	s28 =	smul.u32 @!p2 $0xAB, s25;
	s24 =	sadd.s32 @!p1 $0x2DF0, s24  }
0x99: {  	[tilespmem:s24], [sflag:$0x1] =	stream.indirect.gather @!p1 [hbm4b:s9+s26], $0x10, s11, s26, $0xb8;
	[tilespmem:$0x1C940] =	vst v63  }
0x9a: {  	s11 =	sshrl.u32 @!p2 s28, $0x9  }
0x9b: {  	s11 =	sand.u32 @!p2 $0x7F, s11  }
0x9c: {  	s11 =	smul.u32 @!p2 $0x3, s11  }
0x9d: {  	s24 =	smul.u32 @!p2 $0x28, s25  }
0x9e: {  	s11 =	ssub.s32 @!p2 s25, s11  }
0x9f: {  	s24 =	sadd.s32 @!p2 s8, s24;
	s11 =	smul.u32 @!p2 $0x28, s11  }
0xa0: {  	s24 =	sshrl.u32 @!p2 s24, $0x3  }
0xa1: {  	s26 =	simm.s32 @!p2 $0x0;
	s25 =	sadd.s32 @!p2 s5, s24;
	s11 =	sand.u32 @!p2 $0xF8, s11  }
0xa2: {  	[tilespmem:s11], [sflag:$0x2] =	stream.linear.gather @!p2 [hbm4b:s25+s26], $0x28, $0x38;
	[tilespmem:$0x1C940] =	vst v63  }
0xa3: {  	s24 =	sadd.s32 @!p2 s6, s24;
	s11 =	sadd.s32 @!p2 $0x78, s11  }
0xa4: {  	[tilespmem:s11], [sflag:$0x2] =	stream.linear.gather @!p2 [hbm4b:s24+s26], $0x28, $0x38;
	[tilespmem:$0x1C940] =	vst v63  }
0xa5: {  	s11 =	simm.s32 $0x1  }
0xa6: {  	s11 =	simm.s32 @!p0 $0x0  }
0xa7: {  	s28 =	smul.u32 $0x28, s11;
	_ =	sdelay $0x1  }
0xa8: {  	v6 =	vor.u32 s28, v3  }
0xa9: {  	v7 =	vmul.u32 $0x90, v6;
	v6 =	vshll.u32 v6, $0x4  }
0xaa: {  	p1 =	slt.u32 @!p2 s23, $0x2;
	v6 =	vor.u32 v1, v6  }
0xab: {  	p1 =	por p2, !p1;
	v7 =	vadd.s32 v4, v7  }
0xac: {  	_ =	swait.ge @p1 [sflag:s18], $0x1680  }
0xad: {  	[sflag:s18] =	ssyncset.done @p1 $0x0  }
0xae: {  	[sflag:s18] =	ssyncadd.s32 @p1 $0xFFFFE980  }
0xaf: {  	v6 =	vld.idx.msk [tilespmem:v6+s16+$0x0], $0xffff  }
0xb0: {  	v7 =	vld.idx.msk [tilespmem:v7+s14+$0x0], $0xffff;
	_ =	sdelay $0x4  }
0xb1: {  	v6 =	vadd.f32 v6, v7;
	_ =	sdelay $0x1  }
0xb2: {  	v7 =	vmul.f32 $2.000000030e-01, v6  }
0xb3: {  	vm1 =	vge.f32 v6, $0.0e+00  }
0xb4: {  	v6 =	vsel vm1, v6, v7  }
0xb5: {  	v6 =	vsub.f32 v6, v5  }
0xb6: {  	s26 =	smul.u32 $0xAB, s23  }
0xb7: {  	v6 =	vmul.f32 $1.442695020e+00, v6  }
0xb8: {  	s24 =	sshrl.u32 s26, $0x9  }
0xb9: {  	s11 =	smul.u32 $0x5A00, s11;
	s24 =	sand.u32 $0x7F, s24;
	(erf) = vpow2.f32 v6  }
0xba: {  	s30 =	simm.s32 $0x80;
	s31 =	smul.u32 $0x3, s24  }
0xbb: {  	s29 =	simm.s32 $0x0;
	s26 =	simm.s32 $0x0;
	s11 =	sshrl.u32 s11, $0x2  }
0xbc: {  	s28 =	sadd.s32 $0x2, s28;
	s25 =	sadd.s32 $0x130, s11;
	s31 =	ssub.s32 s23, s31  }
0xbd: {  	s24 =	sadd.s32 $0x3470, s11;
	s11 =	simm.s32 $0x40;
	s23 =	sand.u32 $0xFF, s31;
	v6 =	vor.u32 s28, v3  }
.LBB2_5:
0xbe: {  	p1 =	sne.s32 s30, $0x4C0;
	v7 =	vmul.u32 $0x90, v6;
	v6 =	vshll.u32 v6, $0x4  }
0xbf: {  	v6 =	vor.u32 v1, v6  }
0xc0: {  	v7 =	vadd.s32 v4, v7;
	_ =	sdelay $0x1  }
0xc1: {  	s31 =	sshra.s32 s29, $0x2;
	s29 =	smov.u32 s11;
	s11 =	smov.u32 s30;
	v8 =	vpop (erf)  }
0xc2: {  	[tilespmem:s31+$0x32F0] =	vst v8  }
0xc3: {  	v6 =	vld.idx.msk [tilespmem:v6+s16+$0x0], $0xffff  }
0xc4: {  	v7 =	vld.idx.msk [tilespmem:v7+s14+$0x0], $0xffff;
	_ =	sdelay $0x5  }
0xc5: {  	v6 =	vadd.f32 v6, v7;
	_ =	sdelay $0x1  }
0xc6: {  	v7 =	vmul.f32 $2.000000030e-01, v6  }
0xc7: {  	vm1 =	vge.f32 v6, $0.0e+00  }
0xc8: {  	v6 =	vsel vm1, v6, v7  }
0xc9: {  	v6 =	vsub.f32 v6, v5;
	_ =	sdelay $0x1  }
0xca: {  	v6 =	vmul.f32 $1.442695020e+00, v6;
	_ =	sdelay $0x1  }
.Ltmp1:
0xcb: {  	(erf) = vpow2.f32 v6;
	(pc) =	sbr.rel @p1 .LBB2_5-.Ltmp1, $3  }
0xcc: {  	_ =	sdelay $0x1  }
0xcd: {  	s28 =	sadd.s32 $0x2, s28  }
0xce: {  	s30 =	sadd.s32 $0x40, s30;
	v6 =	vor.u32 s28, v3  }
0xcf: {  	v7 =	vmul.u32 $0x90, v6;
	v6 =	vshll.u32 v6, $0x4  }
0xd0: {  	v6 =	vor.u32 v1, v6  }
0xd1: {  	v7 =	vadd.s32 v4, v7;
	_ =	sdelay $0x1  }
0xd2: {  	s28 =	sshra.s32 s29, $0x2;
	v8 =	vpop (erf)  }
0xd3: {  	[tilespmem:s28+$0x32F0] =	vst v8  }
0xd4: {  	v6 =	vld.idx.msk [tilespmem:v6+s16+$0x0], $0xffff  }
0xd5: {  	v7 =	vld.idx.msk [tilespmem:v7+s14+$0x0], $0xffff;
	_ =	sdelay $0x4  }
0xd6: {  	v6 =	vadd.f32 v6, v7;
	_ =	sdelay $0x1  }
0xd7: {  	v7 =	vmul.f32 $2.000000030e-01, v6  }
0xd8: {  	vm1 =	vge.f32 v6, $0.0e+00  }
0xd9: {  	v6 =	vsel vm1, v6, v7  }
0xda: {  	v6 =	vsub.f32 v6, v5;
	_ =	sdelay $0x1  }
0xdb: {  	v6 =	vmul.f32 $1.442695020e+00, v6;
	_ =	sdelay $0x1  }
0xdc: {  	(erf) = vpow2.f32 v6;
	_ =	sdelay $0x5  }
0xdd: {  	v6 =	vmov s26;
	_ =	sdelay $0x2  }
0xde: {  	s11 =	sshra.s32 s11, $0x2;
	v7 =	vpop (erf)  }
0xdf: {  	[tilespmem:s11+$0x32F0] =	vst v7  }
0xe0: {  	v7 =	vld.idx.msk [tilespmem:v6+s19+$0x0], $0xffff  }
0xe1: {  	v8 =	vld [tilespmem:s25+$0xFFFFFFC0];
	_ =	sdelay $0x4  }
0xe2: {  	v7 =	vmul.f32 v8, v7;
	_ =	sdelay $0x1  }
0xe3: {  	[tilespmem:s24+$0xFFFFFFC0] =	vst v7  }
0xe4: {  	v7 =	vld.idx.msk [tilespmem:v6+s19+$0x0], $0xffff  }
0xe5: {  	v8 =	vld [tilespmem:s25+$0xFFFFFFD0];
	_ =	sdelay $0x4  }
0xe6: {  	v7 =	vmul.f32 v8, v7;
	_ =	sdelay $0x1  }
0xe7: {  	[tilespmem:s24+$0xFFFFFFD0] =	vst v7  }
0xe8: {  	v7 =	vld.idx.msk [tilespmem:v6+s19+$0x0], $0xffff  }
0xe9: {  	v8 =	vld [tilespmem:s25+$0xFFFFFFE0];
	_ =	sdelay $0x4  }
0xea: {  	v7 =	vmul.f32 v8, v7;
	_ =	sdelay $0x1  }
0xeb: {  	[tilespmem:s24+$0xFFFFFFE0] =	vst v7  }
0xec: {  	v7 =	vld.idx.msk [tilespmem:v6+s19+$0x0], $0xffff  }
0xed: {  	v8 =	vld [tilespmem:s25+$0xFFFFFFF0];
	_ =	sdelay $0x4  }
0xee: {  	v7 =	vmul.f32 v8, v7;
	_ =	sdelay $0x1  }
0xef: {  	[tilespmem:s24+$0xFFFFFFF0] =	vst v7  }
0xf0: {  	v7 =	vld.idx.msk [tilespmem:v6+s19+$0x0], $0xffff  }
0xf1: {  	v8 =	vld [tilespmem:s25+$0x0];
	_ =	sdelay $0x4  }
0xf2: {  	v7 =	vmul.f32 v8, v7;
	_ =	sdelay $0x1  }
0xf3: {  	[tilespmem:s24+$0x0] =	vst v7  }
0xf4: {  	v7 =	vld.idx.msk [tilespmem:v6+s19+$0x0], $0xffff  }
0xf5: {  	v8 =	vld [tilespmem:s25+$0x10];
	_ =	sdelay $0x4  }
0xf6: {  	v7 =	vmul.f32 v8, v7;
	_ =	sdelay $0x1  }
0xf7: {  	[tilespmem:s24+$0x10] =	vst v7  }
0xf8: {  	v7 =	vld.idx.msk [tilespmem:v6+s19+$0x0], $0xffff  }
0xf9: {  	v8 =	vld [tilespmem:s25+$0x20];
	_ =	sdelay $0x4  }
0xfa: {  	v7 =	vmul.f32 v8, v7;
	_ =	sdelay $0x1  }
0xfb: {  	[tilespmem:s24+$0x20] =	vst v7  }
0xfc: {  	v6 =	vld.idx.msk [tilespmem:v6+s19+$0x0], $0xffff  }
0xfd: {  	v7 =	vld [tilespmem:s25+$0x30];
	_ =	sdelay $0x2  }
0xfe: {  	v8 =	vor.u32 s26, v1;
	_ =	sdelay $0x1  }
0xff: {  	v6 =	vmul.f32 v7, v6;
	_ =	sdelay $0x1  }
0x100: {  	[tilespmem:s24+$0x30] =	vst v6  }
0x101: {  	v7 =	vld.idx.msk [tilespmem:v8+s19+$0x0], $0xffff;
	_ =	sdelay $0x1  }
0x102: {  	s26 =	simm.s32 $0x8  }
0x103: {  	v6 =	vmov s26;
	_ =	sdelay $0x1  }
0x104: {  	s29 =	simm.s32 $0x10;
	v7 =	vnsel vm0, $0x0, v7  }
.LBB2_7:
0x105: {  	s25 =	sadd.s32 $0x90, s25  }
0x106: {  	[tilespmem:s24+$0x40] =	vst v7;
	s24 =	sadd.s32 $0x90, s24;
	s11 =	smov.u32 s29;
	s28 =	sadd.s32 $0x8, s29  }
0x107: {  	p1 =	sne.s32 s29, $0x138;
	v7 =	vld.idx.msk [tilespmem:v6+s19+$0x0], $0xffff  }
0x108: {  	v8 =	vld [tilespmem:s25+$0xFFFFFFC0];
	_ =	sdelay $0x4  }
0x109: {  	v7 =	vmul.f32 v8, v7;
	_ =	sdelay $0x1  }
0x10a: {  	[tilespmem:s24+$0xFFFFFFC0] =	vst v7  }
0x10b: {  	v7 =	vld.idx.msk [tilespmem:v6+s19+$0x0], $0xffff  }
0x10c: {  	v8 =	vld [tilespmem:s25+$0xFFFFFFD0];
	_ =	sdelay $0x4  }
0x10d: {  	v7 =	vmul.f32 v8, v7;
	_ =	sdelay $0x1  }
0x10e: {  	[tilespmem:s24+$0xFFFFFFD0] =	vst v7  }
0x10f: {  	v7 =	vld.idx.msk [tilespmem:v6+s19+$0x0], $0xffff  }
0x110: {  	v8 =	vld [tilespmem:s25+$0xFFFFFFE0];
	_ =	sdelay $0x4  }
0x111: {  	v7 =	vmul.f32 v8, v7;
	_ =	sdelay $0x1  }
0x112: {  	[tilespmem:s24+$0xFFFFFFE0] =	vst v7  }
0x113: {  	v7 =	vld.idx.msk [tilespmem:v6+s19+$0x0], $0xffff  }
0x114: {  	v8 =	vld [tilespmem:s25+$0xFFFFFFF0];
	_ =	sdelay $0x4  }
0x115: {  	v7 =	vmul.f32 v8, v7;
	_ =	sdelay $0x1  }
0x116: {  	[tilespmem:s24+$0xFFFFFFF0] =	vst v7  }
0x117: {  	v7 =	vld.idx.msk [tilespmem:v6+s19+$0x0], $0xffff  }
0x118: {  	v8 =	vld [tilespmem:s25+$0x0];
	_ =	sdelay $0x4  }
0x119: {  	v7 =	vmul.f32 v8, v7;
	_ =	sdelay $0x1  }
0x11a: {  	[tilespmem:s24+$0x0] =	vst v7  }
0x11b: {  	v7 =	vld.idx.msk [tilespmem:v6+s19+$0x0], $0xffff  }
0x11c: {  	v8 =	vld [tilespmem:s25+$0x10];
	_ =	sdelay $0x4  }
0x11d: {  	v7 =	vmul.f32 v8, v7;
	_ =	sdelay $0x1  }
0x11e: {  	[tilespmem:s24+$0x10] =	vst v7  }
0x11f: {  	v7 =	vld.idx.msk [tilespmem:v6+s19+$0x0], $0xffff  }
0x120: {  	v8 =	vld [tilespmem:s25+$0x20];
	_ =	sdelay $0x4  }
0x121: {  	v7 =	vmul.f32 v8, v7;
	_ =	sdelay $0x1  }
0x122: {  	[tilespmem:s24+$0x20] =	vst v7  }
0x123: {  	v6 =	vld.idx.msk [tilespmem:v6+s19+$0x0], $0xffff  }
0x124: {  	v7 =	vld [tilespmem:s25+$0x30];
	_ =	sdelay $0x2  }
0x125: {  	v8 =	vor.u32 s26, v1;
	s26 =	smov.u32 s11;
	_ =	sdelay $0x1  }
0x126: {  	v6 =	vmul.f32 v7, v6;
	_ =	sdelay $0x1  }
0x127: {  	[tilespmem:s24+$0x30] =	vst v6  }
0x128: {  	v7 =	vld.idx.msk [tilespmem:v8+s19+$0x0], $0xffff;
	_ =	sdelay $0x1  }
.Ltmp2:
0x129: {  	(pc) =	sbr.rel @p1 .LBB2_7-.Ltmp2, $2  }
0x12a: {  	v6 =	vmov s26;
	_ =	sdelay $0x2  }
0x12b: {  	s29 =	smov.u32 s28;
	v7 =	vnsel vm0, $0x0, v7  }
0x12c: {  	_ =	sdelay $0x2  }
0x12d: {  	[tilespmem:s24+$0x40] =	vst v7  }
0x12e: {  	s11 =	sadd.s32 $0x90, s25;
	v7 =	vld.idx.msk [tilespmem:v6+s19+$0x0], $0xffff  }
0x12f: {  	v8 =	vld [tilespmem:s11+$0xFFFFFFC0];
	_ =	sdelay $0x4  }
0x130: {  	v7 =	vmul.f32 v8, v7  }
0x131: {  	s29 =	sadd.s32 $0x90, s24  }
0x132: {  	[tilespmem:s29+$0xFFFFFFC0] =	vst v7  }
0x133: {  	v7 =	vld.idx.msk [tilespmem:v6+s19+$0x0], $0xffff  }
0x134: {  	v57 =	vld [tilespmem:s11+$0xFFFFFFD0];
	_ =	sdelay $0x4  }
0x135: {  	v7 =	vmul.f32 v57, v7;
	_ =	sdelay $0x1  }
0x136: {  	[tilespmem:s29+$0xFFFFFFD0] =	vst v7  }
0x137: {  	v7 =	vld.idx.msk [tilespmem:v6+s19+$0x0], $0xffff  }
0x138: {  	v58 =	vld [tilespmem:s11+$0xFFFFFFE0];
	_ =	sdelay $0x4  }
0x139: {  	v7 =	vmul.f32 v58, v7;
	_ =	sdelay $0x1  }
0x13a: {  	[tilespmem:s29+$0xFFFFFFE0] =	vst v7  }
0x13b: {  	v7 =	vld.idx.msk [tilespmem:v6+s19+$0x0], $0xffff  }
0x13c: {  	v59 =	vld [tilespmem:s11+$0xFFFFFFF0];
	_ =	sdelay $0x4  }
0x13d: {  	v7 =	vmul.f32 v59, v7;
	_ =	sdelay $0x1  }
0x13e: {  	[tilespmem:s29+$0xFFFFFFF0] =	vst v7  }
0x13f: {  	v7 =	vld.idx.msk [tilespmem:v6+s19+$0x0], $0xffff  }
0x140: {  	v60 =	vld [tilespmem:s11+$0x0];
	_ =	sdelay $0x4  }
0x141: {  	v7 =	vmul.f32 v60, v7;
	_ =	sdelay $0x1  }
0x142: {  	[tilespmem:s29+$0x0] =	vst v7  }
0x143: {  	v7 =	vld.idx.msk [tilespmem:v6+s19+$0x0], $0xffff  }
0x144: {  	v61 =	vld [tilespmem:s11+$0x10];
	_ =	sdelay $0x4  }
0x145: {  	v7 =	vmul.f32 v61, v7;
	_ =	sdelay $0x1  }
0x146: {  	[tilespmem:s29+$0x10] =	vst v7  }
0x147: {  	v7 =	vld.idx.msk [tilespmem:v6+s19+$0x0], $0xffff  }
0x148: {  	v62 =	vld [tilespmem:s11+$0x20];
	_ =	sdelay $0x4  }
0x149: {  	v7 =	vmul.f32 v62, v7;
	_ =	sdelay $0x1  }
0x14a: {  	[tilespmem:s29+$0x20] =	vst v7  }
0x14b: {  	v6 =	vld.idx.msk [tilespmem:v6+s19+$0x0], $0xffff  }
0x14c: {  	v7 =	vld [tilespmem:s11+$0x30];
	_ =	sdelay $0x2  }
0x14d: {  	v63 =	vor.u32 s26, v1;
	_ =	sdelay $0x1  }
0x14e: {  	v6 =	vmul.f32 v7, v6;
	_ =	sdelay $0x1  }
0x14f: {  	[tilespmem:s29+$0x30] =	vst v6  }
0x150: {  	v6 =	vld.idx.msk [tilespmem:v63+s19+$0x0], $0xffff  }
0x151: {  	s30 =	smul.u32 $0x5A00, s22  }
0x152: {  	s31 =	smul.u32 $0xA0, s23;
	p1 =	sne.s32 s21, $0xFA  }
.Ltmp3:
0x153: {  	_ = 	snop;
	(pc) =	sbr.rel @p1 .LBB2_4-.Ltmp3, $4  }
0x154: {  	_ = 	snop  }
0x155: {  	p0 =	por !p0, !p0;
	s22 =	sshrl.u32 s31, $0x2;
	s11 =	sshrl.u32 s30, $0x2;
	v6 =	vnsel vm0, $0x0, v6  }
0x156: {  	s23 =	smov.u32 s21;
	s22 =	sadd.s32 $0x78, s22;
	s11 =	sadd.s32 $0x3430, s11;
	[tilespmem:s29+$0x40] =	vst v6  }
0x157: {  	[spmem:s2] =	stream.indirect.scatter.add.f32 [tilespmem:s11], [sflag:$0x3], $0x90, s22, s13, $0xb8;
	[tilespmem:$0x1C940] =	vst v63  }
0x158: {  	_ =	swait.ge [sflag:s18], $0x1680  }
0x159: {  	[sflag:s18] =	ssyncset.done $0x0  }
0x15a: {  	[sflag:s18] =	ssyncadd.s32 $0xFFFFE980  }
0x15b: {  	_ =	swait.ge [sflag:s18], $0x1680  }
0x15c: {  	[sflag:s18] =	ssyncset.done $0x0  }
0x15d: {  	[sflag:s18] =	ssyncadd.s32 $0xFFFFE980  }
0x15e: {  	s11 =	stileid.u32;
	[bflag:$0x0] =	sbarrier.arrive $0xFFFF  }
0x15f: {  	s11 =	sshll.u32 s11, $0x6;
	s21 =	rddreg [dreg:$0x8]  }
0x160: {  	s11 =	sor.u32 $0x1C04, s11;
	s22 =	rddreg [dreg:$0x12]  }
0x161: {  	[hbm:s21], [sflag:s11] =	dma.local [spmem:s22], $0x2D00  }
0x162: {  	_ =	swait.ge [sflag:s3], $0x2D00  }
0x163: {  	s20 =	sadd.s32 $0x1, s20;
	s31 =	rddreg [dreg:$0x9]  }
0x164: {  	p0 =	sne.s32 s20, s31  }
.Ltmp4:
0x165: {  	_ = 	snop;
	(pc) =	sbr.rel @p0 .LBB2_1-.Ltmp4, $3  }
0x166: {  	_ =	sdelay $0x1  }
0x167: {  	[sflag:s3] =	ssyncset.done $0x0  }
0x168: {  	[sflag:s3] =	ssyncadd.s32 $0xFFFFD300  }
0x169: {  	_ =	sfence.sel $0x180000  }
0x16a: {  	[bflag:$0x0] =	sbarrier.arrive $0xFFFF  }
0x16b: {  	_ =	strace $0x90000050  }
0x16c: {  	s0 =	stileid.u32;
	[bflag:$0x2] =	sbarrier.arrive $0xFFFF  }
0x16d: {  	p0 =	sne.s32 s0, $0x0;
	s0 =	rddreg [dreg:$0x3]  }
0x16e: {  	s0 =	sadd.s32 @!p0 $0x100000, s0  }
0x16f: {  	[sflag:s0] =	ssyncadd.tile.s32 @!p0 $0x1;
	_ =	shalt  }
.Lfunc_end2:
_tile_overlayer_lowered:
.L_overlay_start_2:
0x170: {  	(tag) =	ssettag $0x2  }
0x171: {  	s0 =	rddreg [dreg:$0x0];
	s2 =	stileid.u32  }
0x172: {  	s1 =	rddreg [dreg:$0x1];
	p0 =	sne.s32 s2, $0x0  }
0x173: {  	s3 =	rddreg [dreg:$0x2];
	[bflag:$0x3] =	sbarrier.arrive $0xFFFF;
	s2 =	simm.s32 @!p0 $0x1C04  }
0x174: {  	[timem:s3], [sflag:s2] =	dma.local @!p0 [hbm:s0], s1  }
0x175: {  	s0 =	simm.s32 @!p0 $0x4  }
0x176: {  	_ =	swait.ge @!p0 [sflag:s0], s1  }
0x177: {  	s1 =	ssub.s32 @!p0 $0x0, s1;
	[sflag:s0] =	ssyncset.done @!p0 $0x0  }
0x178: {  	[sflag:s0] =	ssyncadd.s32 @!p0 s1  }
0x179: {  	[bflag:$0x3] =	sbarrier.arrive $0xFFFF  }
0x17a: {  	_ =	shalt  }

</sc_bundles>
